<compile_context>
chip_gen: v7x
topology: tpu7x:2x2x1
jax: 0.10.2.dev20260603
libtpu: 0.0.44.dev20260713+nightly
codegen_flags: <defaults>
</compile_context>

<pallas_src>
import functools

import jax
import jax.numpy as jnp
from jax import lax
from jax.experimental import pallas as pl
from jax.experimental.pallas import tpu as pltpu
from jax.experimental.pallas import tpu_sc as plsc

N = 10000
EDGES = 320000
F = 200
FP = 208
G = 16
E = 256
W = E + 8
NB = EDGES // E
RB = 1000
NFB = N // RB
NEG = -1e30

_SEQ = pltpu.CompilerParams(dimension_semantics=("arbitrary",))


def _sc_gather(table, idx):
    mesh = plsc.VectorSubcoreMesh(core_axis_name="c", subcore_axis_name="s")
    nw = mesh.num_cores * mesh.num_subcores
    bpw = EDGES // nw
    C = 80
    iters = bpw // C

    @functools.partial(
        pl.kernel,
        out_type=jax.ShapeDtypeStruct((EDGES, FP), jnp.float32),
        mesh=mesh,
        scratch_types=[
            pltpu.VMEM((C,), jnp.int32),
            pltpu.VMEM((C, FP), jnp.float32),
            pltpu.SemaphoreType.DMA,
        ],
        compiler_params=pltpu.CompilerParams(use_tc_tiling_on_sc=False),
    )
    def gk(table_hbm, idx_hbm, out_hbm, idx_v, rows_v, sem):
        wid = lax.axis_index("s") * mesh.num_cores + lax.axis_index("c")
        base = wid * bpw

        def body(i, carry):
            off = base + i * C
            pltpu.sync_copy(idx_hbm.at[pl.ds(off, C)], idx_v)
            pltpu.async_copy(table_hbm.at[idx_v], rows_v, sem).wait()
            pltpu.sync_copy(rows_v, out_hbm.at[pl.ds(off, C)])
            return carry

        lax.fori_loop(0, iters, body, 0)

    return gk(table, idx)



def _xdot(oh, a):
    hi = a.astype(jnp.bfloat16).astype(jnp.float32)
    lo = a - hi
    return (jnp.dot(oh, hi, preferred_element_type=jnp.float32)
            + jnp.dot(oh, lo, preferred_element_type=jnp.float32))


def _xdotg(oh, a, dn):
    hi = a.astype(jnp.bfloat16).astype(jnp.float32)
    lo = a - hi
    return (lax.dot_general(oh, hi, dn, preferred_element_type=jnp.float32)
            + lax.dot_general(oh, lo, dn, preferred_element_type=jnp.float32))


def _window(dst_ref):
    lo = dst_ref[0, 0, 0]
    lo_al = jnp.minimum((lo // 8) * 8, N - W)
    lo_al = pl.multiple_of(lo_al, 8)
    seg = dst_ref[0] - lo_al
    oh = (seg == lax.broadcasted_iota(jnp.int32, (E, W), 1)).astype(jnp.float32)
    return lo_al, seg, oh


def _conv_a_body(dst_ref, xj_ref, x_ref, g_ref, cnt_ref):
    @pl.when(pl.program_id(0) == 0)
    def _init():
        g_ref[...] = jnp.full(g_ref.shape, NEG, jnp.float32)
        cnt_ref[...] = jnp.zeros(cnt_ref.shape, jnp.float32)

    lo_al, seg, oh = _window(dst_ref)
    xw = x_ref[pl.ds(lo_al, W), :F]
    xi = _xdot(oh, xw)
    nb = (xi + xj_ref[:, :F]) * 0.5

    m = nb
    o = 1
    while o < E:
        same = seg[o:] == seg[:-o]
        m = jnp.concatenate(
            [m[:o], jnp.where(same, jnp.maximum(m[o:], m[:-o]), m[o:])], axis=0)
        o *= 2
    seg_next = jnp.concatenate([seg[1:], seg[-1:] + 1], axis=0)
    is_last = (seg_next != seg).astype(jnp.float32)
    ohl = oh * is_last
    sel = jnp.where(is_last > 0.0, m, 0.0)
    dn = (((0,), (0,)), ((), ()))
    contrib = _xdotg(ohl, sel, dn)
    ones = jnp.ones((E, 1), jnp.float32)
    present = lax.dot_general(ohl, ones, dn, preferred_element_type=jnp.float32)
    upd = jnp.where(present > 0.0, contrib, NEG)
    g_ref[pl.ds(lo_al, W), :] = jnp.maximum(g_ref[pl.ds(lo_al, W), :], upd)
    c = lax.dot_general(oh, ones, dn, preferred_element_type=jnp.float32)
    cnt_ref[pl.ds(lo_al, W), :] = cnt_ref[pl.ds(lo_al, W), :] + c


def _conv_a(dst3, xj, xpad):
    return pl.pallas_call(
        _conv_a_body,
        grid=(NB,),
        in_specs=[
            pl.BlockSpec((1, E, 1), lambda i: (i, 0, 0)),
            pl.BlockSpec((E, FP), lambda i: (i, 0)),
            pl.BlockSpec((N, FP), lambda i: (0, 0)),
        ],
        out_specs=[
            pl.BlockSpec((N, F), lambda i: (0, 0)),
            pl.BlockSpec((N, 1), lambda i: (0, 0)),
        ],
        out_shape=[
            jax.ShapeDtypeStruct((N, F), jnp.float32),
            jax.ShapeDtypeStruct((N, 1), jnp.float32),
        ],
        compiler_params=_SEQ,
    )(dst3, xj, xpad)


def _conv_b_body(dst_ref, xj_ref, x_ref, g_ref,
                 v1a_ref, v1b_ref, c1_ref, v2_ref, c2_ref, v3_ref, c3_ref,
                 w1a_ref, w1b_ref, w1e_ref, b1_ref, w2_ref, b2_ref,
                 w3_ref, b3_ref, s_ref):
    @pl.when(pl.program_id(0) == 0)
    def _init():
        s_ref[...] = jnp.zeros(s_ref.shape, jnp.float32)

    lo_al, seg, oh = _window(dst_ref)
    xw = x_ref[pl.ds(lo_al, W), :F]
    xi = _xdot(oh, xw)
    xj = xj_ref[:, :F]
    nb = (xi + xj) * 0.5
    gat = _xdot(oh, g_ref[pl.ds(lo_al, W), :])

    f32 = jnp.float32
    h = (jnp.dot(nb, v1a_ref[...], preferred_element_type=f32)
         + jnp.dot(gat, v1b_ref[...], preferred_element_type=f32)
         + c1_ref[...])
    h = jnp.maximum(h, 0.0)
    h = jnp.dot(h, v2_ref[...], preferred_element_type=f32) + c2_ref[...]
    h = jnp.maximum(h, 0.0)
    ef = jnp.dot(h, v3_ref[...], preferred_element_type=f32) + c3_ref[...]

    bf = lambda a: a.astype(jnp.bfloat16).astype(f32)
    z = (jnp.dot(xi, w1a_ref[...], preferred_element_type=f32)
         + jnp.dot(xj, w1b_ref[...], preferred_element_type=f32)
         + bf(ef) * bf(w1e_ref[...])
         + b1_ref[...])
    z = jnp.maximum(z, 0.0)
    z = jnp.dot(z, w2_ref[...], preferred_element_type=f32) + b2_ref[...]
    z = jnp.maximum(z, 0.0)
    msg = jnp.dot(z, w3_ref[...], preferred_element_type=f32) + b3_ref[...]

    dn = (((0,), (0,)), ((), ()))
    add = _xdotg(oh, msg, dn)
    s_ref[pl.ds(lo_al, W), :] = s_ref[pl.ds(lo_al, W), :] + add


def _conv_b(dst3, xj, xpad, g, cw):
    (v1, c1), (v2, c2), (v3, c3) = cw['enet']
    (w1, b1), (w2, b2), (w3, b3) = cw['snet']
    full = lambda a: pl.BlockSpec(a.shape, lambda i: tuple(0 for _ in a.shape))
    row = lambda b: b.reshape(1, -1)
    ws = [v1[:F], v1[F:], row(c1), v2, row(c2), v3, row(c3),
          w1[:F], w1[F:2 * F], w1[2 * F:], row(b1), w2, row(b2), w3, row(b3)]
    return pl.pallas_call(
        _conv_b_body,
        grid=(NB,),
        in_specs=[
            pl.BlockSpec((1, E, 1), lambda i: (i, 0, 0)),
            pl.BlockSpec((E, FP), lambda i: (i, 0)),
            pl.BlockSpec((N, FP), lambda i: (0, 0)),
            pl.BlockSpec((N, F), lambda i: (0, 0)),
        ] + [full(a) for a in ws],
        out_specs=pl.BlockSpec((N, F), lambda i: (0, 0)),
        out_shape=jax.ShapeDtypeStruct((N, F), jnp.float32),
        compiler_params=_SEQ,
    )(dst3, xj, xpad, g, *ws)


def _fin_body(bidx_ref, x_ref, s_ref, cnt_ref, xn_ref, pool_ref, gcnt_ref):
    @pl.when(pl.program_id(0) == 0)
    def _init():
        pool_ref[...] = jnp.zeros(pool_ref.shape, jnp.float32)
        gcnt_ref[...] = jnp.zeros(gcnt_ref.shape, jnp.float32)

    xn = x_ref[:, :F] + s_ref[...] / jnp.maximum(cnt_ref[...], 1.0)
    xn_ref[:, :F] = xn
    xn_ref[:, F:] = jnp.zeros((RB, FP - F), jnp.float32)
    ohb = (bidx_ref[0] == lax.broadcasted_iota(jnp.int32, (RB, G), 1)
           ).astype(jnp.float32)
    dn = (((0,), (0,)), ((), ()))
    pool_ref[...] = pool_ref[...] + _xdotg(ohb, xn, dn)
    gcnt_ref[...] = gcnt_ref[...] + lax.dot_general(
        ohb, jnp.ones((RB, 1), jnp.float32), dn,
        preferred_element_type=jnp.float32)


def _fin(bidx3, xpad, s, cnt):
    return pl.pallas_call(
        _fin_body,
        grid=(NFB,),
        in_specs=[
            pl.BlockSpec((1, RB, 1), lambda i: (i, 0, 0)),
            pl.BlockSpec((RB, FP), lambda i: (i, 0)),
            pl.BlockSpec((RB, F), lambda i: (i, 0)),
            pl.BlockSpec((RB, 1), lambda i: (i, 0)),
        ],
        out_specs=[
            pl.BlockSpec((RB, FP), lambda i: (i, 0)),
            pl.BlockSpec((G, F), lambda i: (0, 0)),
            pl.BlockSpec((G, 1), lambda i: (0, 0)),
        ],
        out_shape=[
            jax.ShapeDtypeStruct((N, FP), jnp.float32),
            jax.ShapeDtypeStruct((G, F), jnp.float32),
            jax.ShapeDtypeStruct((G, 1), jnp.float32),
        ],
        compiler_params=_SEQ,
    )(bidx3, xpad, s, cnt)


def _tail_body(wc_ref, bc_ref, p1_ref, p2_ref, gc_ref,
               d1w_ref, d1b_ref, d2a_ref, d2x_ref, d2b_ref,
               d3a_ref, d3x_ref, d3b_ref, d4h_ref, d4x_ref, d4b_ref,
               d5w_ref, d5b_ref, out_ref):
    f32 = jnp.float32
    gc = jnp.maximum(gc_ref[...], 1.0)
    x1gp = p1_ref[...] / gc
    x2gp = p2_ref[...] / gc
    zcol = jnp.zeros((G, 1), f32)
    xp = jnp.concatenate([zcol, x2gp, zcol], axis=1)

    acc1 = jnp.zeros((G, 512), f32)
    bf = lambda a: a.astype(jnp.bfloat16).astype(f32)
    hs = []
    for k in range(64):
        hk = bf(xp[:, 0:F]) * bf(wc_ref[0, k])
        hk = hk + bf(xp[:, 1:F + 1]) * bf(wc_ref[1, k])
        hk = hk + bf(xp[:, 2:F + 2]) * bf(wc_ref[2, k])
        hk = jnp.maximum(hk + bc_ref[0, k], 0.0)
        hs.append(hk)
        acc1 = acc1 + jnp.dot(hk, d1w_ref[k], preferred_element_type=f32)
    h = jnp.maximum(acc1 + d1b_ref[...], 0.0)
    h = jnp.maximum(jnp.dot(h, d2a_ref[...], preferred_element_type=f32)
                    + jnp.dot(x1gp, d2x_ref[...], preferred_element_type=f32)
                    + d2b_ref[...], 0.0)
    h = jnp.maximum(jnp.dot(h, d3a_ref[...], preferred_element_type=f32)
                    + jnp.dot(x2gp, d3x_ref[...], preferred_element_type=f32)
                    + d3b_ref[...], 0.0)
    acc4 = jnp.dot(h, d4h_ref[...], preferred_element_type=f32)
    for k in range(64):
        acc4 = acc4 + jnp.dot(hs[k], d4x_ref[k], preferred_element_type=f32)
    h = jnp.maximum(acc4 + d4b_ref[...], 0.0)
    out_ref[...] = (jnp.dot(h, d5w_ref[...], preferred_element_type=f32)
                    + d5b_ref[...])


def _tail(pool1, pool2, gcnt, params):
    row = lambda b: b.reshape(1, -1)
    wc = params['conv1d']['W'].reshape(3, 64)
    bc = row(params['conv1d']['b'])
    d1w, d1b = params['dense1']
    d2w, d2b = params['dense2']
    d3w, d3b = params['dense3']
    d4w, d4b = params['dense4']
    d5w, d5b = params['dense5']
    d1wr = d1w.reshape(F, 64, 512).transpose(1, 0, 2)
    d4xr = d4w[1024:].reshape(F, 64, 256).transpose(1, 0, 2)
    args = [pool1, pool2, gcnt,
            d1wr, row(d1b), d2w[:512], d2w[512:], row(d2b),
            d3w[:1024], d3w[1024:], row(d3b),
            d4w[:1024], d4xr, row(d4b), d5w, row(d5b)]
    full = lambda a: pl.BlockSpec(a.shape, lambda: tuple(0 for _ in a.shape))
    smem = lambda a: pl.BlockSpec(a.shape, lambda: tuple(0 for _ in a.shape),
                                  memory_space=pltpu.SMEM)
    return pl.pallas_call(
        _tail_body,
        in_specs=[smem(wc), smem(bc)] + [full(a) for a in args],
        out_specs=pl.BlockSpec((G, 1), lambda: (0, 0)),
        out_shape=jax.ShapeDtypeStruct((G, 1), jnp.float32),
    )(wc, bc, *args)


def _conv(xpad, dst3, src, cw, bidx3, cnt):
    xj = _sc_gather(xpad, src)
    g, cnt_a = _conv_a(dst3, xj, xpad)
    if cnt is None:
        cnt = cnt_a
    s = _conv_b(dst3, xj, xpad, g, cw)
    xnpad, pool, gcnt = _fin(bidx3, xpad, s, cnt)
    return xnpad, pool, gcnt, cnt


def kernel(x, edge_index, e, batch_idx, params):
    del e
    dst = edge_index[0].astype(jnp.int32)
    src = edge_index[1].astype(jnp.int32)
    dst3 = dst.reshape(NB, E, 1)
    bidx3 = batch_idx.astype(jnp.int32).reshape(NFB, RB, 1)
    xpad = jnp.pad(x, ((0, 0), (0, FP - F)))

    x1pad, pool1, gcnt, cnt = _conv(xpad, dst3, src, params['conv1'], bidx3, None)
    _x2pad, pool2, _gcnt2, _ = _conv(x1pad, dst3, src, params['conv2'], bidx3, cnt)
    return _tail(pool1, pool2, gcnt, params)

# --- scband reference (transcript-rebuilt; emitter-appended) ---
"""Pipeline reference for scband-net-32555852104136 (READ-ONLY COPY).

The authoritative reference and input builder live on the scoring server;
editing this copy changes nothing except your own understanding.
"""

import jax, jax.numpy as jnp
import numpy as np

N_NODES = 10000
N_EDGES = 320000
D_FEAT = 200
D_EDGE = 16
N_GRAPHS = 16


def _linear(key, fin, fout):
    W = jax.random.normal(key, (fin, fout), dtype=jnp.float32) * (1.0 / np.sqrt(fin))
    b = jnp.zeros((fout,), dtype=jnp.float32)
    return (W, b)


def _mlp_params(key, sizes):
    ks = jax.random.split(key, len(sizes) - 1)
    return [_linear(ks[i], sizes[i], sizes[i + 1]) for i in range(len(sizes) - 1)]


def setup_inputs(seed: int = 0):
    key = jax.random.key(seed)
    ks = jax.random.split(key, 16)
    x = jax.random.normal(ks[0], (N_NODES, D_FEAT), dtype=jnp.float32)
    extra = jax.random.randint(ks[1], (N_EDGES - N_NODES,), 0, N_NODES)
    dst = jnp.sort(jnp.concatenate([jnp.arange(N_NODES, dtype=extra.dtype), extra]))
    src = jax.random.randint(ks[2], (N_EDGES,), 0, N_NODES)
    edge_index = jnp.stack([dst, src])
    e = jax.random.normal(ks[3], (N_EDGES, D_EDGE), dtype=jnp.float32)
    bextra = jax.random.randint(ks[4], (N_NODES - N_GRAPHS,), 0, N_GRAPHS)
    batch_idx = jnp.sort(jnp.concatenate([jnp.arange(N_GRAPHS, dtype=bextra.dtype), bextra]))
    flat_dim = 200 * 64
    params = {
        'conv1': {'enet': _mlp_params(ks[5], [2 * D_FEAT, 256, 128, 1]),
                  'snet': _mlp_params(ks[6], [2 * D_FEAT + 1, 256, 128, D_FEAT])},
        'conv2': {'enet': _mlp_params(ks[7], [2 * D_FEAT, 256, 128, 1]),
                  'snet': _mlp_params(ks[8], [2 * D_FEAT + 1, 256, 128, D_FEAT])},
        'conv1d': {'W': jax.random.normal(ks[9], (3, 1, 64), dtype=jnp.float32) * 0.5,
                   'b': jnp.zeros((64,), dtype=jnp.float32)},
        'dense1': _linear(ks[10], flat_dim, 512),
        'dense2': _linear(ks[11], 512 + D_FEAT, 1024),
        'dense3': _linear(ks[12], 1024 + D_FEAT, 1024),
        'dense4': _linear(ks[13], 1024 + flat_dim, 256),
        'dense5': _linear(ks[14], 256, 1),
    }
    return {'x': x, 'edge_index': edge_index, 'e': e, 'batch_idx': batch_idx, 'params': params}


def _mlp(ps, h):
    n = len(ps)
    for i, (W, b) in enumerate(ps):
        h = h @ W + b
        if i < n - 1:
            h = jax.nn.relu(h)
    return h


def _crystal_conv(x, dst, src, cp):
    x_i = x[dst]
    x_j = x[src]
    neighbors = (x_i + x_j) / 2.0
    g_max = jax.ops.segment_max(neighbors, dst, num_segments=N_NODES)
    # tf.repeat(global_attr, counts) with sorted dst covering all nodes == gather by dst
    gat = g_max[dst]
    E_feat = _mlp(cp['enet'], jnp.concatenate([neighbors, gat], axis=-1))
    z = jnp.concatenate([x_i, x_j, E_feat], axis=-1)
    msg = _mlp(cp['snet'], z)
    s = jax.ops.segment_sum(msg, dst, num_segments=N_NODES)
    cnt = jax.ops.segment_sum(jnp.ones((msg.shape[0], 1), jnp.float32), dst, num_segments=N_NODES)
    agg = s / jnp.maximum(cnt, 1.0)
    return x + agg


def _global_avg_pool(h, seg):
    s = jax.ops.segment_sum(h, seg, num_segments=N_GRAPHS)
    c = jax.ops.segment_sum(jnp.ones((h.shape[0], 1), jnp.float32), seg, num_segments=N_GRAPHS)
    return s / jnp.maximum(c, 1.0)


def _forward(x, e, params, dst, src, batch_idx):
    # e (edge features) is accepted but unused, matching the original message()
    x1 = _crystal_conv(x, dst, src, params['conv1'])
    x2 = _crystal_conv(x1, dst, src, params['conv2'])
    x1_gp = _global_avg_pool(x1, batch_idx)
    x2_gp = _global_avg_pool(x2, batch_idx)
    h = x2_gp[:, :, None]
    h = jax.lax.conv_general_dilated(h, params['conv1d']['W'], (1,), 'SAME',
                                     dimension_numbers=('NWC', 'WIO', 'NWC')) + params['conv1d']['b']
    h = jax.nn.relu(h)
    x3 = h.reshape(h.shape[0], -1)
    h = jax.nn.relu(x3 @ params['dense1'][0] + params['dense1'][1])
    h = jax.nn.relu(jnp.concatenate([h, x1_gp], axis=-1) @ params['dense2'][0] + params['dense2'][1])
    h = jax.nn.relu(jnp.concatenate([h, x2_gp], axis=-1) @ params['dense3'][0] + params['dense3'][1])
    h = jax.nn.relu(jnp.concatenate([h, x3], axis=-1) @ params['dense4'][0] + params['dense4'][1])
    out = h @ params['dense5'][0] + params['dense5'][1]
    return out


def reference(x, edge_index, e, batch_idx, params):
    dst = edge_index[0]
    src = edge_index[1]
    return _forward(x, e, params, dst, src, batch_idx)

if __name__ == "__main__":
    import jax
    _d = setup_inputs()
    print(jax.jit(kernel)(*tuple(_d.values())))

</pallas_src>

<mosaic_0001>
#map = affine_map<(d0, d1) -> (0, 0)>
#map1 = affine_map<(d0, d1) -> (0)>
module attributes {stable_mosaic.version = 14 : i64} {
  func.func @gk(%arg0: i32, %arg1: i32, %arg2: memref<10000x208xf32, #tpu.memory_space<hbm>>, %arg3: memref<320000xi32, #tpu.memory_space<hbm>>, %arg4: memref<320000x208xf32, #tpu.memory_space<hbm>>, %arg5: memref<80xi32, #tpu.memory_space<vmem>>, %arg6: memref<80x208xf32, #tpu.memory_space<vmem>>, %arg7: memref<!tpu.dma_semaphore, #tpu.memory_space<semaphore_mem>>) attributes {dimension_semantics = [#tpu.dimension_semantics<core_parallel>, #tpu.dimension_semantics<subcore_parallel>], iteration_bounds = array<i64: 2, 16>, scalar_prefetch = 0 : i64, scratch_operands = 3 : i64, tpu.core_type = #tpu.core_type<sc_vector_subcore>, window_params = [{transform_indices = #map}, {transform_indices = #map1}, {transform_indices = #map}]} {
    %mul3A = arith.constant 2 : i32
    %mul3A_0 = arith.muli %arg1, %mul3A : i32
    %add3A = arith.addi %mul3A_0, %arg0 : i32
    %mul3A_1 = arith.constant 10000 : i32
    %mul3A_2 = arith.muli %add3A, %mul3A_1 : i32
    %scan3A = arith.constant 0 : i32
    %scan3A_3 = arith.constant 0 : i32
    %scan3A_4 = arith.constant 125 : i32
    %scan3A_5 = arith.addi %scan3A_3, %scan3A_4 : i32
    %scan3A_6 = arith.constant 1 : i32
    scf.for %scan3A_8 = %scan3A_3 to %scan3A_5 step %scan3A_6  : i32 {
      %mul3A_9 = arith.constant 80 : i32
      %mul3A_10 = arith.muli %scan3A_8, %mul3A_9 : i32
      %add3A_11 = arith.addi %mul3A_2, %mul3A_10 : i32
      "tpu.region"() ({
        %run_scoped3A = tpu.sem_alloc : memref<!tpu.dma_semaphore, #tpu.memory_space<semaphore_mem>>
        %dma_start3A_16 = tpu.memref_slice %arg3[%add3A_11] : memref<320000xi32, #tpu.memory_space<hbm>> -> memref<80xi32, #tpu.memory_space<hbm>>
        %dma_start3A_17 = tpu.memref_slice %arg3[%add3A_11] : memref<320000xi32, #tpu.memory_space<hbm>> -> memref<80xi32, #tpu.memory_space<hbm>>
        tpu.enqueue_dma source(%dma_start3A_17 : memref<80xi32, #tpu.memory_space<hbm>>) target(%arg5 : memref<80xi32, #tpu.memory_space<vmem>>) target_semaphore(%run_scoped3A : memref<!tpu.dma_semaphore, #tpu.memory_space<semaphore_mem>>)
        %dma_wait3A_18 = tpu.memref_slice %arg3[%add3A_11] : memref<320000xi32, #tpu.memory_space<hbm>> -> memref<80xi32, #tpu.memory_space<hbm>>
        %dma_wait3A_19 = tpu.memref_slice %arg3[%add3A_11] : memref<320000xi32, #tpu.memory_space<hbm>> -> memref<80xi32, #tpu.memory_space<hbm>>
        tpu.wait_dma2 semaphore(%run_scoped3A : memref<!tpu.dma_semaphore, #tpu.memory_space<semaphore_mem>>) src(%dma_wait3A_19 : memref<80xi32, #tpu.memory_space<hbm>>) dst(%arg5 : memref<80xi32, #tpu.memory_space<vmem>>)
        tpu.yield
      }) : () -> ()
      %dma_start3A = arith.constant 0 : i32
      %dma_start3A_12 = arith.constant 0 : i32
      %dma_start3A_13 = tpu.memref_slice %arg2[%dma_start3A, %dma_start3A_12] : memref<10000x208xf32, #tpu.memory_space<hbm>> -> memref<10000x208xf32, #tpu.memory_space<hbm>>
      tpu.enqueue_indirect_dma source(%dma_start3A_13 : memref<10000x208xf32, #tpu.memory_space<hbm>>) target(%arg6 : memref<80x208xf32, #tpu.memory_space<vmem>>) offsets(%arg5 : memref<80xi32, #tpu.memory_space<vmem>>) semaphore(%arg7 : memref<!tpu.dma_semaphore, #tpu.memory_space<semaphore_mem>>)
      %dma_wait3A = arith.constant 0 : i32
      %dma_wait3A_14 = arith.constant 0 : i32
      %dma_wait3A_15 = tpu.memref_slice %arg2[%dma_wait3A, %dma_wait3A_14] : memref<10000x208xf32, #tpu.memory_space<hbm>> -> memref<10000x208xf32, #tpu.memory_space<hbm>>
      tpu.wait_indirect_dma semaphore(%arg7 : memref<!tpu.dma_semaphore, #tpu.memory_space<semaphore_mem>>) src(%dma_wait3A_15 : memref<10000x208xf32, #tpu.memory_space<hbm>>) dst(%arg6 : memref<80x208xf32, #tpu.memory_space<vmem>>)
      "tpu.region"() ({
        %run_scoped3A = tpu.sem_alloc : memref<!tpu.dma_semaphore, #tpu.memory_space<semaphore_mem>>
        %dma_start3A_16 = arith.constant 0 : i32
        %dma_start3A_17 = tpu.memref_slice %arg4[%add3A_11, %dma_start3A_16] : memref<320000x208xf32, #tpu.memory_space<hbm>> -> memref<80x208xf32, #tpu.memory_space<hbm>>
        %dma_start3A_18 = arith.constant 0 : i32
        %dma_start3A_19 = tpu.memref_slice %arg4[%add3A_11, %dma_start3A_18] : memref<320000x208xf32, #tpu.memory_space<hbm>> -> memref<80x208xf32, #tpu.memory_space<hbm>>
        tpu.enqueue_dma source(%arg6 : memref<80x208xf32, #tpu.memory_space<vmem>>) target(%dma_start3A_19 : memref<80x208xf32, #tpu.memory_space<hbm>>) target_semaphore(%run_scoped3A : memref<!tpu.dma_semaphore, #tpu.memory_space<semaphore_mem>>)
        %dma_wait3A_20 = arith.constant 0 : i32
        %dma_wait3A_21 = tpu.memref_slice %arg4[%add3A_11, %dma_wait3A_20] : memref<320000x208xf32, #tpu.memory_space<hbm>> -> memref<80x208xf32, #tpu.memory_space<hbm>>
        %dma_wait3A_22 = arith.constant 0 : i32
        %dma_wait3A_23 = tpu.memref_slice %arg4[%add3A_11, %dma_wait3A_22] : memref<320000x208xf32, #tpu.memory_space<hbm>> -> memref<80x208xf32, #tpu.memory_space<hbm>>
        tpu.wait_dma2 semaphore(%run_scoped3A : memref<!tpu.dma_semaphore, #tpu.memory_space<semaphore_mem>>) src(%arg6 : memref<80x208xf32, #tpu.memory_space<vmem>>) dst(%dma_wait3A_23 : memref<80x208xf32, #tpu.memory_space<hbm>>)
        tpu.yield
      }) : () -> ()
    }
    %scan3A_7 = arith.constant 125 : i32
    return
  }
}

#map = affine_map<(d0, d1) -> (0, 0)>
#map1 = affine_map<(d0, d1) -> (0)>
module attributes {stable_mosaic.version = 14 : i64} {
  func.func @gk(%arg0: i32, %arg1: i32, %arg2: memref<10000x208xf32, #tpu.memory_space<hbm>>, %arg3: memref<320000xi32, #tpu.memory_space<hbm>>, %arg4: memref<320000x208xf32, #tpu.memory_space<hbm>>, %arg5: memref<80xi32, #tpu.memory_space<vmem>>, %arg6: memref<80x208xf32, #tpu.memory_space<vmem>>, %arg7: memref<!tpu.dma_semaphore, #tpu.memory_space<semaphore_mem>>) attributes {dimension_semantics = [#tpu.dimension_semantics<core_parallel>, #tpu.dimension_semantics<subcore_parallel>], iteration_bounds = array<i64: 2, 16>, scalar_prefetch = 0 : i64, scratch_operands = 3 : i64, tpu.core_type = #tpu.core_type<sc_vector_subcore>, window_params = [{transform_indices = #map}, {transform_indices = #map1}, {transform_indices = #map}]} {
    %mul3A = arith.constant 2 : i32
    %mul3A_0 = arith.muli %arg1, %mul3A : i32
    %add3A = arith.addi %mul3A_0, %arg0 : i32
    %mul3A_1 = arith.constant 10000 : i32
    %mul3A_2 = arith.muli %add3A, %mul3A_1 : i32
    %scan3A = arith.constant 0 : i32
    %scan3A_3 = arith.constant 0 : i32
    %scan3A_4 = arith.constant 125 : i32
    %scan3A_5 = arith.addi %scan3A_3, %scan3A_4 : i32
    %scan3A_6 = arith.constant 1 : i32
    scf.for %scan3A_8 = %scan3A_3 to %scan3A_5 step %scan3A_6  : i32 {
      %mul3A_9 = arith.constant 80 : i32
      %mul3A_10 = arith.muli %scan3A_8, %mul3A_9 : i32
      %add3A_11 = arith.addi %mul3A_2, %mul3A_10 : i32
      "tpu.region"() ({
        %run_scoped3A = tpu.sem_alloc : memref<!tpu.dma_semaphore, #tpu.memory_space<semaphore_mem>>
        %dma_start3A_16 = tpu.memref_slice %arg3[%add3A_11] : memref<320000xi32, #tpu.memory_space<hbm>> -> memref<80xi32, #tpu.memory_space<hbm>>
        %dma_start3A_17 = tpu.memref_slice %arg3[%add3A_11] : memref<320000xi32, #tpu.memory_space<hbm>> -> memref<80xi32, #tpu.memory_space<hbm>>
        tpu.enqueue_dma source(%dma_start3A_17 : memref<80xi32, #tpu.memory_space<hbm>>) target(%arg5 : memref<80xi32, #tpu.memory_space<vmem>>) target_semaphore(%run_scoped3A : memref<!tpu.dma_semaphore, #tpu.memory_space<semaphore_mem>>)
        %dma_wait3A_18 = tpu.memref_slice %arg3[%add3A_11] : memref<320000xi32, #tpu.memory_space<hbm>> -> memref<80xi32, #tpu.memory_space<hbm>>
        %dma_wait3A_19 = tpu.memref_slice %arg3[%add3A_11] : memref<320000xi32, #tpu.memory_space<hbm>> -> memref<80xi32, #tpu.memory_space<hbm>>
        tpu.wait_dma2 semaphore(%run_scoped3A : memref<!tpu.dma_semaphore, #tpu.memory_space<semaphore_mem>>) src(%dma_wait3A_19 : memref<80xi32, #tpu.memory_space<hbm>>) dst(%arg5 : memref<80xi32, #tpu.memory_space<vmem>>)
        tpu.yield
      }) : () -> ()
      %dma_start3A = arith.constant 0 : i32
      %dma_start3A_12 = arith.constant 0 : i32
      %dma_start3A_13 = tpu.memref_slice %arg2[%dma_start3A, %dma_start3A_12] : memref<10000x208xf32, #tpu.memory_space<hbm>> -> memref<10000x208xf32, #tpu.memory_space<hbm>>
      tpu.enqueue_indirect_dma source(%dma_start3A_13 : memref<10000x208xf32, #tpu.memory_space<hbm>>) target(%arg6 : memref<80x208xf32, #tpu.memory_space<vmem>>) offsets(%arg5 : memref<80xi32, #tpu.memory_space<vmem>>) semaphore(%arg7 : memref<!tpu.dma_semaphore, #tpu.memory_space<semaphore_mem>>)
      %dma_wait3A = arith.constant 0 : i32
      %dma_wait3A_14 = arith.constant 0 : i32
      %dma_wait3A_15 = tpu.memref_slice %arg2[%dma_wait3A, %dma_wait3A_14] : memref<10000x208xf32, #tpu.memory_space<hbm>> -> memref<10000x208xf32, #tpu.memory_space<hbm>>
      tpu.wait_indirect_dma semaphore(%arg7 : memref<!tpu.dma_semaphore, #tpu.memory_space<semaphore_mem>>) src(%dma_wait3A_15 : memref<10000x208xf32, #tpu.memory_space<hbm>>) dst(%arg6 : memref<80x208xf32, #tpu.memory_space<vmem>>)
      "tpu.region"() ({
        %run_scoped3A = tpu.sem_alloc : memref<!tpu.dma_semaphore, #tpu.memory_space<semaphore_mem>>
        %dma_start3A_16 = arith.constant 0 : i32
        %dma_start3A_17 = tpu.memref_slice %arg4[%add3A_11, %dma_start3A_16] : memref<320000x208xf32, #tpu.memory_space<hbm>> -> memref<80x208xf32, #tpu.memory_space<hbm>>
        %dma_start3A_18 = arith.constant 0 : i32
        %dma_start3A_19 = tpu.memref_slice %arg4[%add3A_11, %dma_start3A_18] : memref<320000x208xf32, #tpu.memory_space<hbm>> -> memref<80x208xf32, #tpu.memory_space<hbm>>
        tpu.enqueue_dma source(%arg6 : memref<80x208xf32, #tpu.memory_space<vmem>>) target(%dma_start3A_19 : memref<80x208xf32, #tpu.memory_space<hbm>>) target_semaphore(%run_scoped3A : memref<!tpu.dma_semaphore, #tpu.memory_space<semaphore_mem>>)
        %dma_wait3A_20 = arith.constant 0 : i32
        %dma_wait3A_21 = tpu.memref_slice %arg4[%add3A_11, %dma_wait3A_20] : memref<320000x208xf32, #tpu.memory_space<hbm>> -> memref<80x208xf32, #tpu.memory_space<hbm>>
        %dma_wait3A_22 = arith.constant 0 : i32
        %dma_wait3A_23 = tpu.memref_slice %arg4[%add3A_11, %dma_wait3A_22] : memref<320000x208xf32, #tpu.memory_space<hbm>> -> memref<80x208xf32, #tpu.memory_space<hbm>>
        tpu.wait_dma2 semaphore(%run_scoped3A : memref<!tpu.dma_semaphore, #tpu.memory_space<semaphore_mem>>) src(%arg6 : memref<80x208xf32, #tpu.memory_space<vmem>>) dst(%dma_wait3A_23 : memref<80x208xf32, #tpu.memory_space<hbm>>)
        tpu.yield
      }) : () -> ()
    }
    %scan3A_7 = arith.constant 125 : i32
    return
  }
}

module attributes {stable_mosaic.version = 14 : i64} {
  func.func @_conv_a_body(%arg0: i32, %arg1: memref<1x256x1xi32, #tpu.memory_space<vmem>>, %arg2: memref<256x208xf32, #tpu.memory_space<vmem>>, %arg3: memref<10000x208xf32, #tpu.memory_space<vmem>>, %arg4: memref<10000x200xf32, #tpu.memory_space<vmem>>, %arg5: memref<10000x1xf32, #tpu.memory_space<vmem>>) attributes {dimension_semantics = [#tpu.dimension_semantics<arbitrary>], iteration_bounds = array<i64: 1250>, scalar_prefetch = 0 : i64, scratch_operands = 0 : i64, tpu.core_type = #tpu.core_type<tc>, window_params = [{transform_indices = @transform_0, window_bounds = array<i64: 1, 256, 1>}, {transform_indices = @transform_1, window_bounds = array<i64: 256, 208>}, {pipeline_mode = #tpu.pipeline_mode<synchronous>, transform_indices = @transform_2, window_bounds = array<i64: 10000, 208>}, {pipeline_mode = #tpu.pipeline_mode<synchronous>, transform_indices = @transform_3, window_bounds = array<i64: 10000, 200>}, {pipeline_mode = #tpu.pipeline_mode<synchronous>, transform_indices = @transform_4, window_bounds = array<i64: 10000, 1>}]} {
    %eq3A = arith.constant 0 : i32
    %eq3A_0 = arith.cmpi eq, %arg0, %eq3A : i32
    %convert_element_type3A = arith.extui %eq3A_0 : i1 to i32
    %cond3A = arith.constant 0 : i32
    %cond3A_1 = arith.cmpi ne, %convert_element_type3A, %cond3A : i32
    scf.if %cond3A_1 {
      %broadcast_in_dim3A_196 = arith.constant -1.000000e+30 : f32
      %broadcast_in_dim3A_197 = vector.broadcast %broadcast_in_dim3A_196 : f32 to vector<10000x200xf32>
      %swap3A_198 = arith.constant 0 : index
      %swap3A_199 = arith.constant 0 : index
      %swap3A_200 = vector.load %arg4[%swap3A_198, %swap3A_199] : memref<10000x200xf32, #tpu.memory_space<vmem>>, vector<10000x200xf32>
      tpu.vector_store %arg4[%swap3A_198, %swap3A_199], %broadcast_in_dim3A_197 {strides = array<i32>} : memref<10000x200xf32, #tpu.memory_space<vmem>>, vector<10000x200xf32>,
      %broadcast_in_dim3A_201 = arith.constant 0.000000e+00 : f32
      %broadcast_in_dim3A_202 = vector.broadcast %broadcast_in_dim3A_201 : f32 to vector<10000x1xf32>
      %swap3A_203 = arith.constant 0 : index
      %swap3A_204 = arith.constant 0 : index
      %swap3A_205 = vector.load %arg5[%swap3A_203, %swap3A_204] : memref<10000x1xf32, #tpu.memory_space<vmem>>, vector<10000x1xf32>
      tpu.vector_store %arg5[%swap3A_203, %swap3A_204], %broadcast_in_dim3A_202 {strides = array<i32>} : memref<10000x1xf32, #tpu.memory_space<vmem>>, vector<10000x1xf32>,
    } else {
    }
    %get3A = arith.constant 0 : index
    %get3A_2 = arith.constant 0 : index
    %get3A_3 = arith.constant 0 : index
    %get3A_4 = vector.load %arg1[%get3A, %get3A_2, %get3A_3] : memref<1x256x1xi32, #tpu.memory_space<vmem>>, vector<1x1x1xi32>
    %get3A_5 = vector.extract %get3A_4[0, 0, 0] : i32 from vector<1x1x1xi32>
    %jit3A = arith.constant 8 : i32
    %div3A = arith.divsi %get3A_5, %jit3A : i32
    %sign3A = arith.constant 0 : i32
    %sign3A_6 = arith.cmpi sgt, %get3A_5, %sign3A : i32
    %sign3A_7 = arith.extui %sign3A_6 : i1 to i32
    %sign3A_8 = arith.constant 0 : i32
    %sign3A_9 = arith.cmpi slt, %get3A_5, %sign3A_8 : i32
    %sign3A_10 = arith.extui %sign3A_9 : i1 to i32
    %sign3A_11 = arith.subi %sign3A_7, %sign3A_10 : i32
    %sign3A_12 = arith.constant 0 : i32
    %sign3A_13 = arith.cmpi sgt, %jit3A, %sign3A_12 : i32
    %sign3A_14 = arith.extui %sign3A_13 : i1 to i32
    %sign3A_15 = arith.constant 0 : i32
    %sign3A_16 = arith.cmpi slt, %jit3A, %sign3A_15 : i32
    %sign3A_17 = arith.extui %sign3A_16 : i1 to i32
    %sign3A_18 = arith.subi %sign3A_14, %sign3A_17 : i32
    %ne3A = arith.cmpi ne, %sign3A_11, %sign3A_18 : i32
    %rem3A = arith.remsi %get3A_5, %jit3A : i32
    %ne3A_19 = arith.constant 0 : i32
    %ne3A_20 = arith.cmpi ne, %rem3A, %ne3A_19 : i32
    %and3A = arith.andi %ne3A, %ne3A_20 : i1
    %sub3A = arith.constant 1 : i32
    %sub3A_21 = arith.subi %div3A, %sub3A : i32
    %select_n3A = arith.select %and3A, %sub3A_21, %div3A : i32
    %mul3A = arith.constant 8 : i32
    %mul3A_22 = arith.muli %select_n3A, %mul3A : i32
    %min3A = arith.constant 9736 : i32
    %min3A_23 = arith.minsi %mul3A_22, %min3A : i32
    %multiple_of3A = tpu.assume_multiple %min3A_23, 8 : i32
    %get3A_24 = arith.constant 0 : index
    %get3A_25 = arith.constant 0 : index
    %get3A_26 = arith.constant 0 : index
    %get3A_27 = vector.load %arg1[%get3A_24, %get3A_25, %get3A_26] : memref<1x256x1xi32, #tpu.memory_space<vmem>>, vector<1x256x1xi32>
    %get3A_28 = vector.shape_cast %get3A_27 : vector<1x256x1xi32> to vector<256x1xi32>
    %sub3A_29 = vector.broadcast %multiple_of3A : i32 to vector<256x1xi32>
    %sub3A_30 = arith.subi %get3A_28, %sub3A_29 : vector<256x1xi32>
    %iota3A = tpu.iota {dimensions = array<i32: 1>} : vector<256x264xi32>
    %eq3A_31 = vector.broadcast %sub3A_30 : vector<256x1xi32> to vector<256x264xi32>
    %eq3A_32 = arith.cmpi eq, %eq3A_31, %iota3A : vector<256x264xi32>
    %convert_element_type3A_33 = arith.extui %eq3A_32 : vector<256x264xi1> to vector<256x264xi32>
    %convert_element_type3A_34 = arith.sitofp %convert_element_type3A_33 : vector<256x264xi32> to vector<256x264xf32>
    %get3A_35 = arith.index_cast %multiple_of3A : i32 to index
    %get3A_36 = arith.constant 0 : index
    %get3A_37 = vector.load %arg3[%get3A_35, %get3A_36] : memref<10000x208xf32, #tpu.memory_space<vmem>>, vector<264x200xf32>
    %convert_element_type3A_38 = arith.truncf %get3A_37 : vector<264x200xf32> to vector<264x200xbf16>
    %convert_element_type3A_39 = arith.extf %convert_element_type3A_38 : vector<264x200xbf16> to vector<264x200xf32>
    %sub3A_40 = arith.subf %get3A_37, %convert_element_type3A_39 : vector<264x200xf32>
    %dot_general3A = arith.constant dense<0.000000e+00> : vector<256x200xf32>
    %dot_general3A_41 = tpu.matmul %convert_element_type3A_34, %convert_element_type3A_39, %dot_general3A {dimension_numbers = #tpu.dot_dimension_numbers<[1], [0], [0], [1], [0, 0, 1, 1], [], []>, transpose_lhs_hint = false} : vector<256x264xf32>, vector<264x200xf32>, vector<256x200xf32> -> vector<256x200xf32>
    %dot_general3A_42 = arith.constant dense<0.000000e+00> : vector<256x200xf32>
    %dot_general3A_43 = tpu.matmul %convert_element_type3A_34, %sub3A_40, %dot_general3A_42 {dimension_numbers = #tpu.dot_dimension_numbers<[1], [0], [0], [1], [0, 0, 1, 1], [], []>, transpose_lhs_hint = false} : vector<256x264xf32>, vector<264x200xf32>, vector<256x200xf32> -> vector<256x200xf32>
    %add3A = arith.addf %dot_general3A_41, %dot_general3A_43 : vector<256x200xf32>
    %get3A_44 = arith.constant 0 : index
    %get3A_45 = arith.constant 0 : index
    %get3A_46 = vector.load %arg2[%get3A_44, %get3A_45] : memref<256x208xf32, #tpu.memory_space<vmem>>, vector<256x200xf32>
    %add3A_47 = arith.addf %add3A, %get3A_46 : vector<256x200xf32>
    %mul3A_48 = arith.constant 5.000000e-01 : f32
    %mul3A_49 = vector.broadcast %mul3A_48 : f32 to vector<256x200xf32>
    %mul3A_50 = arith.mulf %add3A_47, %mul3A_49 : vector<256x200xf32>
    %slice3A = vector.extract_strided_slice %sub3A_30 {offsets = [1, 0], sizes = [255, 1], strides = [1, 1]} : vector<256x1xi32> to vector<255x1xi32>
    %slice3A_51 = vector.extract_strided_slice %sub3A_30 {offsets = [0, 0], sizes = [255, 1], strides = [1, 1]} : vector<256x1xi32> to vector<255x1xi32>
    %eq3A_52 = arith.cmpi eq, %slice3A, %slice3A_51 : vector<255x1xi32>
    %slice3A_53 = vector.extract_strided_slice %mul3A_50 {offsets = [0, 0], sizes = [1, 200], strides = [1, 1]} : vector<256x200xf32> to vector<1x200xf32>
    %slice3A_54 = vector.extract_strided_slice %mul3A_50 {offsets = [1, 0], sizes = [255, 200], strides = [1, 1]} : vector<256x200xf32> to vector<255x200xf32>
    %slice3A_55 = vector.extract_strided_slice %mul3A_50 {offsets = [0, 0], sizes = [255, 200], strides = [1, 1]} : vector<256x200xf32> to vector<255x200xf32>
    %max3A = arith.maximumf %slice3A_54, %slice3A_55 : vector<255x200xf32>
    %slice3A_56 = vector.extract_strided_slice %mul3A_50 {offsets = [1, 0], sizes = [255, 200], strides = [1, 1]} : vector<256x200xf32> to vector<255x200xf32>
    %broadcast_in_dim3A = vector.shape_cast %eq3A_52 : vector<255x1xi1> to vector<255x1xi1>
    %broadcast_in_dim3A_57 = vector.broadcast %broadcast_in_dim3A : vector<255x1xi1> to vector<255x200xi1>
    %select_n3A_58 = arith.select %broadcast_in_dim3A_57, %max3A, %slice3A_56 : vector<255x200xi1>, vector<255x200xf32>
    %concatenate3A = tpu.concatenate %slice3A_53, %select_n3A_58 in 0 : vector<1x200xf32>, vector<255x200xf32> -> vector<256x200xf32>
    %slice3A_59 = vector.extract_strided_slice %sub3A_30 {offsets = [2, 0], sizes = [254, 1], strides = [1, 1]} : vector<256x1xi32> to vector<254x1xi32>
    %slice3A_60 = vector.extract_strided_slice %sub3A_30 {offsets = [0, 0], sizes = [254, 1], strides = [1, 1]} : vector<256x1xi32> to vector<254x1xi32>
    %eq3A_61 = arith.cmpi eq, %slice3A_59, %slice3A_60 : vector<254x1xi32>
    %slice3A_62 = vector.extract_strided_slice %concatenate3A {offsets = [0, 0], sizes = [2, 200], strides = [1, 1]} : vector<256x200xf32> to vector<2x200xf32>
    %slice3A_63 = vector.extract_strided_slice %concatenate3A {offsets = [2, 0], sizes = [254, 200], strides = [1, 1]} : vector<256x200xf32> to vector<254x200xf32>
    %slice3A_64 = vector.extract_strided_slice %concatenate3A {offsets = [0, 0], sizes = [254, 200], strides = [1, 1]} : vector<256x200xf32> to vector<254x200xf32>
    %max3A_65 = arith.maximumf %slice3A_63, %slice3A_64 : vector<254x200xf32>
    %slice3A_66 = vector.extract_strided_slice %concatenate3A {offsets = [2, 0], sizes = [254, 200], strides = [1, 1]} : vector<256x200xf32> to vector<254x200xf32>
    %broadcast_in_dim3A_67 = vector.shape_cast %eq3A_61 : vector<254x1xi1> to vector<254x1xi1>
    %broadcast_in_dim3A_68 = vector.broadcast %broadcast_in_dim3A_67 : vector<254x1xi1> to vector<254x200xi1>
    %select_n3A_69 = arith.select %broadcast_in_dim3A_68, %max3A_65, %slice3A_66 : vector<254x200xi1>, vector<254x200xf32>
    %concatenate3A_70 = tpu.concatenate %slice3A_62, %select_n3A_69 in 0 : vector<2x200xf32>, vector<254x200xf32> -> vector<256x200xf32>
    %slice3A_71 = vector.extract_strided_slice %sub3A_30 {offsets = [4, 0], sizes = [252, 1], strides = [1, 1]} : vector<256x1xi32> to vector<252x1xi32>
    %slice3A_72 = vector.extract_strided_slice %sub3A_30 {offsets = [0, 0], sizes = [252, 1], strides = [1, 1]} : vector<256x1xi32> to vector<252x1xi32>
    %eq3A_73 = arith.cmpi eq, %slice3A_71, %slice3A_72 : vector<252x1xi32>
    %slice3A_74 = vector.extract_strided_slice %concatenate3A_70 {offsets = [0, 0], sizes = [4, 200], strides = [1, 1]} : vector<256x200xf32> to vector<4x200xf32>
    %slice3A_75 = vector.extract_strided_slice %concatenate3A_70 {offsets = [4, 0], sizes = [252, 200], strides = [1, 1]} : vector<256x200xf32> to vector<252x200xf32>
    %slice3A_76 = vector.extract_strided_slice %concatenate3A_70 {offsets = [0, 0], sizes = [252, 200], strides = [1, 1]} : vector<256x200xf32> to vector<252x200xf32>
    %max3A_77 = arith.maximumf %slice3A_75, %slice3A_76 : vector<252x200xf32>
    %slice3A_78 = vector.extract_strided_slice %concatenate3A_70 {offsets = [4, 0], sizes = [252, 200], strides = [1, 1]} : vector<256x200xf32> to vector<252x200xf32>
    %broadcast_in_dim3A_79 = vector.shape_cast %eq3A_73 : vector<252x1xi1> to vector<252x1xi1>
    %broadcast_in_dim3A_80 = vector.broadcast %broadcast_in_dim3A_79 : vector<252x1xi1> to vector<252x200xi1>
    %select_n3A_81 = arith.select %broadcast_in_dim3A_80, %max3A_77, %slice3A_78 : vector<252x200xi1>, vector<252x200xf32>
    %concatenate3A_82 = tpu.concatenate %slice3A_74, %select_n3A_81 in 0 : vector<4x200xf32>, vector<252x200xf32> -> vector<256x200xf32>
    %slice3A_83 = vector.extract_strided_slice %sub3A_30 {offsets = [8, 0], sizes = [248, 1], strides = [1, 1]} : vector<256x1xi32> to vector<248x1xi32>
    %slice3A_84 = vector.extract_strided_slice %sub3A_30 {offsets = [0, 0], sizes = [248, 1], strides = [1, 1]} : vector<256x1xi32> to vector<248x1xi32>
    %eq3A_85 = arith.cmpi eq, %slice3A_83, %slice3A_84 : vector<248x1xi32>
    %slice3A_86 = vector.extract_strided_slice %concatenate3A_82 {offsets = [0, 0], sizes = [8, 200], strides = [1, 1]} : vector<256x200xf32> to vector<8x200xf32>
    %slice3A_87 = vector.extract_strided_slice %concatenate3A_82 {offsets = [8, 0], sizes = [248, 200], strides = [1, 1]} : vector<256x200xf32> to vector<248x200xf32>
    %slice3A_88 = vector.extract_strided_slice %concatenate3A_82 {offsets = [0, 0], sizes = [248, 200], strides = [1, 1]} : vector<256x200xf32> to vector<248x200xf32>
    %max3A_89 = arith.maximumf %slice3A_87, %slice3A_88 : vector<248x200xf32>
    %slice3A_90 = vector.extract_strided_slice %concatenate3A_82 {offsets = [8, 0], sizes = [248, 200], strides = [1, 1]} : vector<256x200xf32> to vector<248x200xf32>
    %broadcast_in_dim3A_91 = vector.shape_cast %eq3A_85 : vector<248x1xi1> to vector<248x1xi1>
    %broadcast_in_dim3A_92 = vector.broadcast %broadcast_in_dim3A_91 : vector<248x1xi1> to vector<248x200xi1>
    %select_n3A_93 = arith.select %broadcast_in_dim3A_92, %max3A_89, %slice3A_90 : vector<248x200xi1>, vector<248x200xf32>
    %concatenate3A_94 = tpu.concatenate %slice3A_86, %select_n3A_93 in 0 : vector<8x200xf32>, vector<248x200xf32> -> vector<256x200xf32>
    %slice3A_95 = vector.extract_strided_slice %sub3A_30 {offsets = [16, 0], sizes = [240, 1], strides = [1, 1]} : vector<256x1xi32> to vector<240x1xi32>
    %slice3A_96 = vector.extract_strided_slice %sub3A_30 {offsets = [0, 0], sizes = [240, 1], strides = [1, 1]} : vector<256x1xi32> to vector<240x1xi32>
    %eq3A_97 = arith.cmpi eq, %slice3A_95, %slice3A_96 : vector<240x1xi32>
    %slice3A_98 = vector.extract_strided_slice %concatenate3A_94 {offsets = [0, 0], sizes = [16, 200], strides = [1, 1]} : vector<256x200xf32> to vector<16x200xf32>
    %slice3A_99 = vector.extract_strided_slice %concatenate3A_94 {offsets = [16, 0], sizes = [240, 200], strides = [1, 1]} : vector<256x200xf32> to vector<240x200xf32>
    %slice3A_100 = vector.extract_strided_slice %concatenate3A_94 {offsets = [0, 0], sizes = [240, 200], strides = [1, 1]} : vector<256x200xf32> to vector<240x200xf32>
    %max3A_101 = arith.maximumf %slice3A_99, %slice3A_100 : vector<240x200xf32>
    %slice3A_102 = vector.extract_strided_slice %concatenate3A_94 {offsets = [16, 0], sizes = [240, 200], strides = [1, 1]} : vector<256x200xf32> to vector<240x200xf32>
    %broadcast_in_dim3A_103 = vector.shape_cast %eq3A_97 : vector<240x1xi1> to vector<240x1xi1>
    %broadcast_in_dim3A_104 = vector.broadcast %broadcast_in_dim3A_103 : vector<240x1xi1> to vector<240x200xi1>
    %select_n3A_105 = arith.select %broadcast_in_dim3A_104, %max3A_101, %slice3A_102 : vector<240x200xi1>, vector<240x200xf32>
    %concatenate3A_106 = tpu.concatenate %slice3A_98, %select_n3A_105 in 0 : vector<16x200xf32>, vector<240x200xf32> -> vector<256x200xf32>
    %slice3A_107 = vector.extract_strided_slice %sub3A_30 {offsets = [32, 0], sizes = [224, 1], strides = [1, 1]} : vector<256x1xi32> to vector<224x1xi32>
    %slice3A_108 = vector.extract_strided_slice %sub3A_30 {offsets = [0, 0], sizes = [224, 1], strides = [1, 1]} : vector<256x1xi32> to vector<224x1xi32>
    %eq3A_109 = arith.cmpi eq, %slice3A_107, %slice3A_108 : vector<224x1xi32>
    %slice3A_110 = vector.extract_strided_slice %concatenate3A_106 {offsets = [0, 0], sizes = [32, 200], strides = [1, 1]} : vector<256x200xf32> to vector<32x200xf32>
    %slice3A_111 = vector.extract_strided_slice %concatenate3A_106 {offsets = [32, 0], sizes = [224, 200], strides = [1, 1]} : vector<256x200xf32> to vector<224x200xf32>
    %slice3A_112 = vector.extract_strided_slice %concatenate3A_106 {offsets = [0, 0], sizes = [224, 200], strides = [1, 1]} : vector<256x200xf32> to vector<224x200xf32>
    %max3A_113 = arith.maximumf %slice3A_111, %slice3A_112 : vector<224x200xf32>
    %slice3A_114 = vector.extract_strided_slice %concatenate3A_106 {offsets = [32, 0], sizes = [224, 200], strides = [1, 1]} : vector<256x200xf32> to vector<224x200xf32>
    %broadcast_in_dim3A_115 = vector.shape_cast %eq3A_109 : vector<224x1xi1> to vector<224x1xi1>
    %broadcast_in_dim3A_116 = vector.broadcast %broadcast_in_dim3A_115 : vector<224x1xi1> to vector<224x200xi1>
    %select_n3A_117 = arith.select %broadcast_in_dim3A_116, %max3A_113, %slice3A_114 : vector<224x200xi1>, vector<224x200xf32>
    %concatenate3A_118 = tpu.concatenate %slice3A_110, %select_n3A_117 in 0 : vector<32x200xf32>, vector<224x200xf32> -> vector<256x200xf32>
    %slice3A_119 = vector.extract_strided_slice %sub3A_30 {offsets = [64, 0], sizes = [192, 1], strides = [1, 1]} : vector<256x1xi32> to vector<192x1xi32>
    %slice3A_120 = vector.extract_strided_slice %sub3A_30 {offsets = [0, 0], sizes = [192, 1], strides = [1, 1]} : vector<256x1xi32> to vector<192x1xi32>
    %eq3A_121 = arith.cmpi eq, %slice3A_119, %slice3A_120 : vector<192x1xi32>
    %slice3A_122 = vector.extract_strided_slice %concatenate3A_118 {offsets = [0, 0], sizes = [64, 200], strides = [1, 1]} : vector<256x200xf32> to vector<64x200xf32>
    %slice3A_123 = vector.extract_strided_slice %concatenate3A_118 {offsets = [64, 0], sizes = [192, 200], strides = [1, 1]} : vector<256x200xf32> to vector<192x200xf32>
    %slice3A_124 = vector.extract_strided_slice %concatenate3A_118 {offsets = [0, 0], sizes = [192, 200], strides = [1, 1]} : vector<256x200xf32> to vector<192x200xf32>
    %max3A_125 = arith.maximumf %slice3A_123, %slice3A_124 : vector<192x200xf32>
    %slice3A_126 = vector.extract_strided_slice %concatenate3A_118 {offsets = [64, 0], sizes = [192, 200], strides = [1, 1]} : vector<256x200xf32> to vector<192x200xf32>
    %broadcast_in_dim3A_127 = vector.shape_cast %eq3A_121 : vector<192x1xi1> to vector<192x1xi1>
    %broadcast_in_dim3A_128 = vector.broadcast %broadcast_in_dim3A_127 : vector<192x1xi1> to vector<192x200xi1>
    %select_n3A_129 = arith.select %broadcast_in_dim3A_128, %max3A_125, %slice3A_126 : vector<192x200xi1>, vector<192x200xf32>
    %concatenate3A_130 = tpu.concatenate %slice3A_122, %select_n3A_129 in 0 : vector<64x200xf32>, vector<192x200xf32> -> vector<256x200xf32>
    %slice3A_131 = vector.extract_strided_slice %sub3A_30 {offsets = [128, 0], sizes = [128, 1], strides = [1, 1]} : vector<256x1xi32> to vector<128x1xi32>
    %slice3A_132 = vector.extract_strided_slice %sub3A_30 {offsets = [0, 0], sizes = [128, 1], strides = [1, 1]} : vector<256x1xi32> to vector<128x1xi32>
    %eq3A_133 = arith.cmpi eq, %slice3A_131, %slice3A_132 : vector<128x1xi32>
    %slice3A_134 = vector.extract_strided_slice %concatenate3A_130 {offsets = [0, 0], sizes = [128, 200], strides = [1, 1]} : vector<256x200xf32> to vector<128x200xf32>
    %slice3A_135 = vector.extract_strided_slice %concatenate3A_130 {offsets = [128, 0], sizes = [128, 200], strides = [1, 1]} : vector<256x200xf32> to vector<128x200xf32>
    %slice3A_136 = vector.extract_strided_slice %concatenate3A_130 {offsets = [0, 0], sizes = [128, 200], strides = [1, 1]} : vector<256x200xf32> to vector<128x200xf32>
    %max3A_137 = arith.maximumf %slice3A_135, %slice3A_136 : vector<128x200xf32>
    %slice3A_138 = vector.extract_strided_slice %concatenate3A_130 {offsets = [128, 0], sizes = [128, 200], strides = [1, 1]} : vector<256x200xf32> to vector<128x200xf32>
    %broadcast_in_dim3A_139 = vector.shape_cast %eq3A_133 : vector<128x1xi1> to vector<128x1xi1>
    %broadcast_in_dim3A_140 = vector.broadcast %broadcast_in_dim3A_139 : vector<128x1xi1> to vector<128x200xi1>
    %select_n3A_141 = arith.select %broadcast_in_dim3A_140, %max3A_137, %slice3A_138 : vector<128x200xi1>, vector<128x200xf32>
    %concatenate3A_142 = tpu.concatenate %slice3A_134, %select_n3A_141 in 0 : vector<128x200xf32>, vector<128x200xf32> -> vector<256x200xf32>
    %slice3A_143 = vector.extract_strided_slice %sub3A_30 {offsets = [1, 0], sizes = [255, 1], strides = [1, 1]} : vector<256x1xi32> to vector<255x1xi32>
    %slice3A_144 = vector.extract_strided_slice %sub3A_30 {offsets = [255, 0], sizes = [1, 1], strides = [1, 1]} : vector<256x1xi32> to vector<1x1xi32>
    %add3A_145 = arith.constant 1 : i32
    %add3A_146 = vector.broadcast %add3A_145 : i32 to vector<1x1xi32>
    %add3A_147 = arith.addi %slice3A_144, %add3A_146 : vector<1x1xi32>
    %concatenate3A_148 = tpu.concatenate %slice3A_143, %add3A_147 in 0 : vector<255x1xi32>, vector<1x1xi32> -> vector<256x1xi32>
    %ne3A_149 = arith.cmpi ne, %concatenate3A_148, %sub3A_30 : vector<256x1xi32>
    %convert_element_type3A_150 = arith.extui %ne3A_149 : vector<256x1xi1> to vector<256x1xi32>
    %convert_element_type3A_151 = arith.sitofp %convert_element_type3A_150 : vector<256x1xi32> to vector<256x1xf32>
    %mul3A_152 = vector.broadcast %convert_element_type3A_151 : vector<256x1xf32> to vector<256x264xf32>
    %mul3A_153 = arith.mulf %convert_element_type3A_34, %mul3A_152 : vector<256x264xf32>
    %gt3A = arith.constant 0.000000e+00 : f32
    %gt3A_154 = vector.broadcast %gt3A : f32 to vector<256x1xf32>
    %gt3A_155 = arith.cmpf ogt, %convert_element_type3A_151, %gt3A_154 : vector<256x1xf32>
    %jit3A_156 = arith.constant 0.000000e+00 : f32
    %broadcast_in_dim3A_157 = vector.shape_cast %gt3A_155 : vector<256x1xi1> to vector<256x1xi1>
    %broadcast_in_dim3A_158 = vector.broadcast %broadcast_in_dim3A_157 : vector<256x1xi1> to vector<256x200xi1>
    %broadcast_in_dim3A_159 = vector.broadcast %jit3A_156 : f32 to vector<256x200xf32>
    %select_n3A_160 = arith.select %broadcast_in_dim3A_158, %concatenate3A_142, %broadcast_in_dim3A_159 : vector<256x200xi1>, vector<256x200xf32>
    %convert_element_type3A_161 = arith.truncf %select_n3A_160 : vector<256x200xf32> to vector<256x200xbf16>
    %convert_element_type3A_162 = arith.extf %convert_element_type3A_161 : vector<256x200xbf16> to vector<256x200xf32>
    %sub3A_163 = arith.subf %select_n3A_160, %convert_element_type3A_162 : vector<256x200xf32>
    %dot_general3A_164 = arith.constant dense<0.000000e+00> : vector<264x200xf32>
    %dot_general3A_165 = tpu.matmul %mul3A_153, %convert_element_type3A_162, %dot_general3A_164 {dimension_numbers = #tpu.dot_dimension_numbers<[0], [0], [1], [1], [0, 1, 1, 1], [], []>, transpose_lhs_hint = false} : vector<256x264xf32>, vector<256x200xf32>, vector<264x200xf32> -> vector<264x200xf32>
    %dot_general3A_166 = arith.constant dense<0.000000e+00> : vector<264x200xf32>
    %dot_general3A_167 = tpu.matmul %mul3A_153, %sub3A_163, %dot_general3A_166 {dimension_numbers = #tpu.dot_dimension_numbers<[0], [0], [1], [1], [0, 1, 1, 1], [], []>, transpose_lhs_hint = false} : vector<256x264xf32>, vector<256x200xf32>, vector<264x200xf32> -> vector<264x200xf32>
    %add3A_168 = arith.addf %dot_general3A_165, %dot_general3A_167 : vector<264x200xf32>
    %broadcast_in_dim3A_169 = arith.constant 1.000000e+00 : f32
    %broadcast_in_dim3A_170 = vector.broadcast %broadcast_in_dim3A_169 : f32 to vector<256x1xf32>
    %dot_general3A_171 = arith.constant dense<0.000000e+00> : vector<264x1xf32>
    %dot_general3A_172 = tpu.matmul %mul3A_153, %broadcast_in_dim3A_170, %dot_general3A_171 {dimension_numbers = #tpu.dot_dimension_numbers<[0], [0], [1], [1], [0, 1, 1, 1], [], []>, transpose_lhs_hint = false} : vector<256x264xf32>, vector<256x1xf32>, vector<264x1xf32> -> vector<264x1xf32>
    %gt3A_173 = arith.constant 0.000000e+00 : f32
    %gt3A_174 = vector.broadcast %gt3A_173 : f32 to vector<264x1xf32>
    %gt3A_175 = arith.cmpf ogt, %dot_general3A_172, %gt3A_174 : vector<264x1xf32>
    %jit3A_176 = arith.constant -1.000000e+30 : f32
    %broadcast_in_dim3A_177 = vector.shape_cast %gt3A_175 : vector<264x1xi1> to vector<264x1xi1>
    %broadcast_in_dim3A_178 = vector.broadcast %broadcast_in_dim3A_177 : vector<264x1xi1> to vector<264x200xi1>
    %broadcast_in_dim3A_179 = vector.broadcast %jit3A_176 : f32 to vector<264x200xf32>
    %select_n3A_180 = arith.select %broadcast_in_dim3A_178, %add3A_168, %broadcast_in_dim3A_179 : vector<264x200xi1>, vector<264x200xf32>
    %get3A_181 = arith.index_cast %multiple_of3A : i32 to index
    %get3A_182 = arith.constant 0 : index
    %get3A_183 = vector.load %arg4[%get3A_181, %get3A_182] : memref<10000x200xf32, #tpu.memory_space<vmem>>, vector<264x200xf32>
    %max3A_184 = arith.maximumf %get3A_183, %select_n3A_180 : vector<264x200xf32>
    %swap3A = arith.index_cast %multiple_of3A : i32 to index
    %swap3A_185 = arith.constant 0 : index
    %swap3A_186 = vector.load %arg4[%swap3A, %swap3A_185] : memref<10000x200xf32, #tpu.memory_space<vmem>>, vector<264x200xf32>
    tpu.vector_store %arg4[%swap3A, %swap3A_185], %max3A_184 {strides = array<i32>} : memref<10000x200xf32, #tpu.memory_space<vmem>>, vector<264x200xf32>,
    %dot_general3A_187 = arith.constant dense<0.000000e+00> : vector<264x1xf32>
    %dot_general3A_188 = tpu.matmul %convert_element_type3A_34, %broadcast_in_dim3A_170, %dot_general3A_187 {dimension_numbers = #tpu.dot_dimension_numbers<[0], [0], [1], [1], [0, 1, 1, 1], [], []>, transpose_lhs_hint = false} : vector<256x264xf32>, vector<256x1xf32>, vector<264x1xf32> -> vector<264x1xf32>
    %get3A_189 = arith.index_cast %multiple_of3A : i32 to index
    %get3A_190 = arith.constant 0 : index
    %get3A_191 = vector.load %arg5[%get3A_189, %get3A_190] : memref<10000x1xf32, #tpu.memory_space<vmem>>, vector<264x1xf32>
    %add3A_192 = arith.addf %get3A_191, %dot_general3A_188 : vector<264x1xf32>
    %swap3A_193 = arith.index_cast %multiple_of3A : i32 to index
    %swap3A_194 = arith.constant 0 : index
    %swap3A_195 = vector.load %arg5[%swap3A_193, %swap3A_194] : memref<10000x1xf32, #tpu.memory_space<vmem>>, vector<264x1xf32>
    tpu.vector_store %arg5[%swap3A_193, %swap3A_194], %add3A_192 {strides = array<i32>} : memref<10000x1xf32, #tpu.memory_space<vmem>>, vector<264x1xf32>,
    return
  }
  func.func @transform_0(%arg0: i32) -> (i32, i32, i32) {
    %c0_i32 = arith.constant 0 : i32
    %c0_i32_0 = arith.constant 0 : i32
    %c0_i32_1 = arith.constant 0 : i32
    return %arg0, %c0_i32, %c0_i32_0 : i32, i32, i32
  }
  func.func @transform_1(%arg0: i32) -> (i32, i32) {
    %c0_i32 = arith.constant 0 : i32
    %c0_i32_0 = arith.constant 0 : i32
    return %arg0, %c0_i32 : i32, i32
  }
  func.func @transform_2(%arg0: i32) -> (i32, i32) {
    %c0_i32 = arith.constant 0 : i32
    %c0_i32_0 = arith.constant 0 : i32
    %c0_i32_1 = arith.constant 0 : i32
    return %c0_i32, %c0_i32_0 : i32, i32
  }
  func.func @transform_3(%arg0: i32) -> (i32, i32) {
    %c0_i32 = arith.constant 0 : i32
    %c0_i32_0 = arith.constant 0 : i32
    %c0_i32_1 = arith.constant 0 : i32
    return %c0_i32, %c0_i32_0 : i32, i32
  }
  func.func @transform_4(%arg0: i32) -> (i32, i32) {
    %c0_i32 = arith.constant 0 : i32
    %c0_i32_0 = arith.constant 0 : i32
    %c0_i32_1 = arith.constant 0 : i32
    return %c0_i32, %c0_i32_0 : i32, i32
  }
}

module attributes {stable_mosaic.version = 14 : i64} {
  func.func @_conv_b_body(%arg0: i32, %arg1: memref<1x256x1xi32, #tpu.memory_space<vmem>>, %arg2: memref<256x208xf32, #tpu.memory_space<vmem>>, %arg3: memref<10000x208xf32, #tpu.memory_space<vmem>>, %arg4: memref<10000x200xf32, #tpu.memory_space<vmem>>, %arg5: memref<200x256xf32, #tpu.memory_space<vmem>>, %arg6: memref<200x256xf32, #tpu.memory_space<vmem>>, %arg7: memref<1x256xf32, #tpu.memory_space<vmem>>, %arg8: memref<256x128xf32, #tpu.memory_space<vmem>>, %arg9: memref<1x128xf32, #tpu.memory_space<vmem>>, %arg10: memref<128x1xf32, #tpu.memory_space<vmem>>, %arg11: memref<1x1xf32, #tpu.memory_space<vmem>>, %arg12: memref<200x256xf32, #tpu.memory_space<vmem>>, %arg13: memref<200x256xf32, #tpu.memory_space<vmem>>, %arg14: memref<1x256xf32, #tpu.memory_space<vmem>>, %arg15: memref<1x256xf32, #tpu.memory_space<vmem>>, %arg16: memref<256x128xf32, #tpu.memory_space<vmem>>, %arg17: memref<1x128xf32, #tpu.memory_space<vmem>>, %arg18: memref<128x200xf32, #tpu.memory_space<vmem>>, %arg19: memref<1x200xf32, #tpu.memory_space<vmem>>, %arg20: memref<10000x200xf32, #tpu.memory_space<vmem>>) attributes {dimension_semantics = [#tpu.dimension_semantics<arbitrary>], iteration_bounds = array<i64: 1250>, scalar_prefetch = 0 : i64, scratch_operands = 0 : i64, tpu.core_type = #tpu.core_type<tc>, window_params = [{transform_indices = @transform_0, window_bounds = array<i64: 1, 256, 1>}, {transform_indices = @transform_1, window_bounds = array<i64: 256, 208>}, {pipeline_mode = #tpu.pipeline_mode<synchronous>, transform_indices = @transform_2, window_bounds = array<i64: 10000, 208>}, {pipeline_mode = #tpu.pipeline_mode<synchronous>, transform_indices = @transform_3, window_bounds = array<i64: 10000, 200>}, {pipeline_mode = #tpu.pipeline_mode<synchronous>, transform_indices = @transform_4, window_bounds = array<i64: 200, 256>}, {pipeline_mode = #tpu.pipeline_mode<synchronous>, transform_indices = @transform_5, window_bounds = array<i64: 200, 256>}, {pipeline_mode = #tpu.pipeline_mode<synchronous>, transform_indices = @transform_6, window_bounds = array<i64: 1, 256>}, {pipeline_mode = #tpu.pipeline_mode<synchronous>, transform_indices = @transform_7, window_bounds = array<i64: 256, 128>}, {pipeline_mode = #tpu.pipeline_mode<synchronous>, transform_indices = @transform_8, window_bounds = array<i64: 1, 128>}, {pipeline_mode = #tpu.pipeline_mode<synchronous>, transform_indices = @transform_9, window_bounds = array<i64: 128, 1>}, {pipeline_mode = #tpu.pipeline_mode<synchronous>, transform_indices = @transform_10, window_bounds = array<i64: 1, 1>}, {pipeline_mode = #tpu.pipeline_mode<synchronous>, transform_indices = @transform_11, window_bounds = array<i64: 200, 256>}, {pipeline_mode = #tpu.pipeline_mode<synchronous>, transform_indices = @transform_12, window_bounds = array<i64: 200, 256>}, {pipeline_mode = #tpu.pipeline_mode<synchronous>, transform_indices = @transform_13, window_bounds = array<i64: 1, 256>}, {pipeline_mode = #tpu.pipeline_mode<synchronous>, transform_indices = @transform_14, window_bounds = array<i64: 1, 256>}, {pipeline_mode = #tpu.pipeline_mode<synchronous>, transform_indices = @transform_15, window_bounds = array<i64: 256, 128>}, {pipeline_mode = #tpu.pipeline_mode<synchronous>, transform_indices = @transform_16, window_bounds = array<i64: 1, 128>}, {pipeline_mode = #tpu.pipeline_mode<synchronous>, transform_indices = @transform_17, window_bounds = array<i64: 128, 200>}, {pipeline_mode = #tpu.pipeline_mode<synchronous>, transform_indices = @transform_18, window_bounds = array<i64: 1, 200>}, {pipeline_mode = #tpu.pipeline_mode<synchronous>, transform_indices = @transform_19, window_bounds = array<i64: 10000, 200>}]} {
    %eq3A = arith.constant 0 : i32
    %eq3A_0 = arith.cmpi eq, %arg0, %eq3A : i32
    %convert_element_type3A = arith.extui %eq3A_0 : i1 to i32
    %cond3A = arith.constant 0 : i32
    %cond3A_1 = arith.cmpi ne, %convert_element_type3A, %cond3A : i32
    scf.if %cond3A_1 {
      %broadcast_in_dim3A = arith.constant 0.000000e+00 : f32
      %broadcast_in_dim3A_170 = vector.broadcast %broadcast_in_dim3A : f32 to vector<10000x200xf32>
      %swap3A_171 = arith.constant 0 : index
      %swap3A_172 = arith.constant 0 : index
      %swap3A_173 = vector.load %arg20[%swap3A_171, %swap3A_172] : memref<10000x200xf32, #tpu.memory_space<vmem>>, vector<10000x200xf32>
      tpu.vector_store %arg20[%swap3A_171, %swap3A_172], %broadcast_in_dim3A_170 {strides = array<i32>} : memref<10000x200xf32, #tpu.memory_space<vmem>>, vector<10000x200xf32>,
    } else {
    }
    %get3A = arith.constant 0 : index
    %get3A_2 = arith.constant 0 : index
    %get3A_3 = arith.constant 0 : index
    %get3A_4 = vector.load %arg1[%get3A, %get3A_2, %get3A_3] : memref<1x256x1xi32, #tpu.memory_space<vmem>>, vector<1x1x1xi32>
    %get3A_5 = vector.extract %get3A_4[0, 0, 0] : i32 from vector<1x1x1xi32>
    %jit3A = arith.constant 8 : i32
    %div3A = arith.divsi %get3A_5, %jit3A : i32
    %sign3A = arith.constant 0 : i32
    %sign3A_6 = arith.cmpi sgt, %get3A_5, %sign3A : i32
    %sign3A_7 = arith.extui %sign3A_6 : i1 to i32
    %sign3A_8 = arith.constant 0 : i32
    %sign3A_9 = arith.cmpi slt, %get3A_5, %sign3A_8 : i32
    %sign3A_10 = arith.extui %sign3A_9 : i1 to i32
    %sign3A_11 = arith.subi %sign3A_7, %sign3A_10 : i32
    %sign3A_12 = arith.constant 0 : i32
    %sign3A_13 = arith.cmpi sgt, %jit3A, %sign3A_12 : i32
    %sign3A_14 = arith.extui %sign3A_13 : i1 to i32
    %sign3A_15 = arith.constant 0 : i32
    %sign3A_16 = arith.cmpi slt, %jit3A, %sign3A_15 : i32
    %sign3A_17 = arith.extui %sign3A_16 : i1 to i32
    %sign3A_18 = arith.subi %sign3A_14, %sign3A_17 : i32
    %ne3A = arith.cmpi ne, %sign3A_11, %sign3A_18 : i32
    %rem3A = arith.remsi %get3A_5, %jit3A : i32
    %ne3A_19 = arith.constant 0 : i32
    %ne3A_20 = arith.cmpi ne, %rem3A, %ne3A_19 : i32
    %and3A = arith.andi %ne3A, %ne3A_20 : i1
    %sub3A = arith.constant 1 : i32
    %sub3A_21 = arith.subi %div3A, %sub3A : i32
    %select_n3A = arith.select %and3A, %sub3A_21, %div3A : i32
    %mul3A = arith.constant 8 : i32
    %mul3A_22 = arith.muli %select_n3A, %mul3A : i32
    %min3A = arith.constant 9736 : i32
    %min3A_23 = arith.minsi %mul3A_22, %min3A : i32
    %multiple_of3A = tpu.assume_multiple %min3A_23, 8 : i32
    %get3A_24 = arith.constant 0 : index
    %get3A_25 = arith.constant 0 : index
    %get3A_26 = arith.constant 0 : index
    %get3A_27 = vector.load %arg1[%get3A_24, %get3A_25, %get3A_26] : memref<1x256x1xi32, #tpu.memory_space<vmem>>, vector<1x256x1xi32>
    %get3A_28 = vector.shape_cast %get3A_27 : vector<1x256x1xi32> to vector<256x1xi32>
    %sub3A_29 = vector.broadcast %multiple_of3A : i32 to vector<256x1xi32>
    %sub3A_30 = arith.subi %get3A_28, %sub3A_29 : vector<256x1xi32>
    %iota3A = tpu.iota {dimensions = array<i32: 1>} : vector<256x264xi32>
    %eq3A_31 = vector.broadcast %sub3A_30 : vector<256x1xi32> to vector<256x264xi32>
    %eq3A_32 = arith.cmpi eq, %eq3A_31, %iota3A : vector<256x264xi32>
    %convert_element_type3A_33 = arith.extui %eq3A_32 : vector<256x264xi1> to vector<256x264xi32>
    %convert_element_type3A_34 = arith.sitofp %convert_element_type3A_33 : vector<256x264xi32> to vector<256x264xf32>
    %get3A_35 = arith.index_cast %multiple_of3A : i32 to index
    %get3A_36 = arith.constant 0 : index
    %get3A_37 = vector.load %arg3[%get3A_35, %get3A_36] : memref<10000x208xf32, #tpu.memory_space<vmem>>, vector<264x200xf32>
    %convert_element_type3A_38 = arith.truncf %get3A_37 : vector<264x200xf32> to vector<264x200xbf16>
    %convert_element_type3A_39 = arith.extf %convert_element_type3A_38 : vector<264x200xbf16> to vector<264x200xf32>
    %sub3A_40 = arith.subf %get3A_37, %convert_element_type3A_39 : vector<264x200xf32>
    %dot_general3A = arith.constant dense<0.000000e+00> : vector<256x200xf32>
    %dot_general3A_41 = tpu.matmul %convert_element_type3A_34, %convert_element_type3A_39, %dot_general3A {dimension_numbers = #tpu.dot_dimension_numbers<[1], [0], [0], [1], [0, 0, 1, 1], [], []>, transpose_lhs_hint = false} : vector<256x264xf32>, vector<264x200xf32>, vector<256x200xf32> -> vector<256x200xf32>
    %dot_general3A_42 = arith.constant dense<0.000000e+00> : vector<256x200xf32>
    %dot_general3A_43 = tpu.matmul %convert_element_type3A_34, %sub3A_40, %dot_general3A_42 {dimension_numbers = #tpu.dot_dimension_numbers<[1], [0], [0], [1], [0, 0, 1, 1], [], []>, transpose_lhs_hint = false} : vector<256x264xf32>, vector<264x200xf32>, vector<256x200xf32> -> vector<256x200xf32>
    %add3A = arith.addf %dot_general3A_41, %dot_general3A_43 : vector<256x200xf32>
    %get3A_44 = arith.constant 0 : index
    %get3A_45 = arith.constant 0 : index
    %get3A_46 = vector.load %arg2[%get3A_44, %get3A_45] : memref<256x208xf32, #tpu.memory_space<vmem>>, vector<256x200xf32>
    %add3A_47 = arith.addf %add3A, %get3A_46 : vector<256x200xf32>
    %mul3A_48 = arith.constant 5.000000e-01 : f32
    %mul3A_49 = vector.broadcast %mul3A_48 : f32 to vector<256x200xf32>
    %mul3A_50 = arith.mulf %add3A_47, %mul3A_49 : vector<256x200xf32>
    %get3A_51 = arith.index_cast %multiple_of3A : i32 to index
    %get3A_52 = arith.constant 0 : index
    %get3A_53 = vector.load %arg4[%get3A_51, %get3A_52] : memref<10000x200xf32, #tpu.memory_space<vmem>>, vector<264x200xf32>
    %convert_element_type3A_54 = arith.truncf %get3A_53 : vector<264x200xf32> to vector<264x200xbf16>
    %convert_element_type3A_55 = arith.extf %convert_element_type3A_54 : vector<264x200xbf16> to vector<264x200xf32>
    %sub3A_56 = arith.subf %get3A_53, %convert_element_type3A_55 : vector<264x200xf32>
    %dot_general3A_57 = arith.constant dense<0.000000e+00> : vector<256x200xf32>
    %dot_general3A_58 = tpu.matmul %convert_element_type3A_34, %convert_element_type3A_55, %dot_general3A_57 {dimension_numbers = #tpu.dot_dimension_numbers<[1], [0], [0], [1], [0, 0, 1, 1], [], []>, transpose_lhs_hint = false} : vector<256x264xf32>, vector<264x200xf32>, vector<256x200xf32> -> vector<256x200xf32>
    %dot_general3A_59 = arith.constant dense<0.000000e+00> : vector<256x200xf32>
    %dot_general3A_60 = tpu.matmul %convert_element_type3A_34, %sub3A_56, %dot_general3A_59 {dimension_numbers = #tpu.dot_dimension_numbers<[1], [0], [0], [1], [0, 0, 1, 1], [], []>, transpose_lhs_hint = false} : vector<256x264xf32>, vector<264x200xf32>, vector<256x200xf32> -> vector<256x200xf32>
    %add3A_61 = arith.addf %dot_general3A_58, %dot_general3A_60 : vector<256x200xf32>
    %get3A_62 = arith.constant 0 : index
    %get3A_63 = arith.constant 0 : index
    %get3A_64 = vector.load %arg5[%get3A_62, %get3A_63] : memref<200x256xf32, #tpu.memory_space<vmem>>, vector<200x256xf32>
    %dot_general3A_65 = arith.constant dense<0.000000e+00> : vector<256x256xf32>
    %dot_general3A_66 = tpu.matmul %mul3A_50, %get3A_64, %dot_general3A_65 {dimension_numbers = #tpu.dot_dimension_numbers<[1], [0], [0], [1], [0, 0, 1, 1], [], []>, transpose_lhs_hint = false} : vector<256x200xf32>, vector<200x256xf32>, vector<256x256xf32> -> vector<256x256xf32>
    %get3A_67 = arith.constant 0 : index
    %get3A_68 = arith.constant 0 : index
    %get3A_69 = vector.load %arg6[%get3A_67, %get3A_68] : memref<200x256xf32, #tpu.memory_space<vmem>>, vector<200x256xf32>
    %dot_general3A_70 = arith.constant dense<0.000000e+00> : vector<256x256xf32>
    %dot_general3A_71 = tpu.matmul %add3A_61, %get3A_69, %dot_general3A_70 {dimension_numbers = #tpu.dot_dimension_numbers<[1], [0], [0], [1], [0, 0, 1, 1], [], []>, transpose_lhs_hint = false} : vector<256x200xf32>, vector<200x256xf32>, vector<256x256xf32> -> vector<256x256xf32>
    %add3A_72 = arith.addf %dot_general3A_66, %dot_general3A_71 : vector<256x256xf32>
    %get3A_73 = arith.constant 0 : index
    %get3A_74 = arith.constant 0 : index
    %get3A_75 = vector.load %arg7[%get3A_73, %get3A_74] : memref<1x256xf32, #tpu.memory_space<vmem>>, vector<1x256xf32>
    %add3A_76 = vector.broadcast %get3A_75 : vector<1x256xf32> to vector<256x256xf32>
    %add3A_77 = arith.addf %add3A_72, %add3A_76 : vector<256x256xf32>
    %max3A = arith.constant 0.000000e+00 : f32
    %max3A_78 = vector.broadcast %max3A : f32 to vector<256x256xf32>
    %max3A_79 = arith.maximumf %add3A_77, %max3A_78 : vector<256x256xf32>
    %get3A_80 = arith.constant 0 : index
    %get3A_81 = arith.constant 0 : index
    %get3A_82 = vector.load %arg8[%get3A_80, %get3A_81] : memref<256x128xf32, #tpu.memory_space<vmem>>, vector<256x128xf32>
    %dot_general3A_83 = arith.constant dense<0.000000e+00> : vector<256x128xf32>
    %dot_general3A_84 = tpu.matmul %max3A_79, %get3A_82, %dot_general3A_83 {dimension_numbers = #tpu.dot_dimension_numbers<[1], [0], [0], [1], [0, 0, 1, 1], [], []>, transpose_lhs_hint = false} : vector<256x256xf32>, vector<256x128xf32>, vector<256x128xf32> -> vector<256x128xf32>
    %get3A_85 = arith.constant 0 : index
    %get3A_86 = arith.constant 0 : index
    %get3A_87 = vector.load %arg9[%get3A_85, %get3A_86] : memref<1x128xf32, #tpu.memory_space<vmem>>, vector<1x128xf32>
    %add3A_88 = vector.broadcast %get3A_87 : vector<1x128xf32> to vector<256x128xf32>
    %add3A_89 = arith.addf %dot_general3A_84, %add3A_88 : vector<256x128xf32>
    %max3A_90 = arith.constant 0.000000e+00 : f32
    %max3A_91 = vector.broadcast %max3A_90 : f32 to vector<256x128xf32>
    %max3A_92 = arith.maximumf %add3A_89, %max3A_91 : vector<256x128xf32>
    %get3A_93 = arith.constant 0 : index
    %get3A_94 = arith.constant 0 : index
    %get3A_95 = vector.load %arg10[%get3A_93, %get3A_94] : memref<128x1xf32, #tpu.memory_space<vmem>>, vector<128x1xf32>
    %dot_general3A_96 = arith.constant dense<0.000000e+00> : vector<256x1xf32>
    %dot_general3A_97 = tpu.matmul %max3A_92, %get3A_95, %dot_general3A_96 {dimension_numbers = #tpu.dot_dimension_numbers<[1], [0], [0], [1], [0, 0, 1, 1], [], []>, transpose_lhs_hint = false} : vector<256x128xf32>, vector<128x1xf32>, vector<256x1xf32> -> vector<256x1xf32>
    %get3A_98 = arith.constant 0 : index
    %get3A_99 = arith.constant 0 : index
    %get3A_100 = vector.load %arg11[%get3A_98, %get3A_99] : memref<1x1xf32, #tpu.memory_space<vmem>>, vector<1x1xf32>
    %add3A_101 = vector.broadcast %get3A_100 : vector<1x1xf32> to vector<256x1xf32>
    %add3A_102 = arith.addf %dot_general3A_97, %add3A_101 : vector<256x1xf32>
    %get3A_103 = arith.constant 0 : index
    %get3A_104 = arith.constant 0 : index
    %get3A_105 = vector.load %arg12[%get3A_103, %get3A_104] : memref<200x256xf32, #tpu.memory_space<vmem>>, vector<200x256xf32>
    %dot_general3A_106 = arith.constant dense<0.000000e+00> : vector<256x256xf32>
    %dot_general3A_107 = tpu.matmul %add3A, %get3A_105, %dot_general3A_106 {dimension_numbers = #tpu.dot_dimension_numbers<[1], [0], [0], [1], [0, 0, 1, 1], [], []>, transpose_lhs_hint = false} : vector<256x200xf32>, vector<200x256xf32>, vector<256x256xf32> -> vector<256x256xf32>
    %get3A_108 = arith.constant 0 : index
    %get3A_109 = arith.constant 0 : index
    %get3A_110 = vector.load %arg13[%get3A_108, %get3A_109] : memref<200x256xf32, #tpu.memory_space<vmem>>, vector<200x256xf32>
    %dot_general3A_111 = arith.constant dense<0.000000e+00> : vector<256x256xf32>
    %dot_general3A_112 = tpu.matmul %get3A_46, %get3A_110, %dot_general3A_111 {dimension_numbers = #tpu.dot_dimension_numbers<[1], [0], [0], [1], [0, 0, 1, 1], [], []>, transpose_lhs_hint = false} : vector<256x200xf32>, vector<200x256xf32>, vector<256x256xf32> -> vector<256x256xf32>
    %add3A_113 = arith.addf %dot_general3A_107, %dot_general3A_112 : vector<256x256xf32>
    %convert_element_type3A_114 = arith.truncf %add3A_102 : vector<256x1xf32> to vector<256x1xbf16>
    %convert_element_type3A_115 = arith.extf %convert_element_type3A_114 : vector<256x1xbf16> to vector<256x1xf32>
    %get3A_116 = arith.constant 0 : index
    %get3A_117 = arith.constant 0 : index
    %get3A_118 = vector.load %arg14[%get3A_116, %get3A_117] : memref<1x256xf32, #tpu.memory_space<vmem>>, vector<1x256xf32>
    %convert_element_type3A_119 = arith.truncf %get3A_118 : vector<1x256xf32> to vector<1x256xbf16>
    %convert_element_type3A_120 = arith.extf %convert_element_type3A_119 : vector<1x256xbf16> to vector<1x256xf32>
    %mul3A_121 = vector.broadcast %convert_element_type3A_115 : vector<256x1xf32> to vector<256x256xf32>
    %mul3A_122 = vector.broadcast %convert_element_type3A_120 : vector<1x256xf32> to vector<256x256xf32>
    %mul3A_123 = arith.mulf %mul3A_121, %mul3A_122 : vector<256x256xf32>
    %add3A_124 = arith.addf %add3A_113, %mul3A_123 : vector<256x256xf32>
    %get3A_125 = arith.constant 0 : index
    %get3A_126 = arith.constant 0 : index
    %get3A_127 = vector.load %arg15[%get3A_125, %get3A_126] : memref<1x256xf32, #tpu.memory_space<vmem>>, vector<1x256xf32>
    %add3A_128 = vector.broadcast %get3A_127 : vector<1x256xf32> to vector<256x256xf32>
    %add3A_129 = arith.addf %add3A_124, %add3A_128 : vector<256x256xf32>
    %max3A_130 = arith.constant 0.000000e+00 : f32
    %max3A_131 = vector.broadcast %max3A_130 : f32 to vector<256x256xf32>
    %max3A_132 = arith.maximumf %add3A_129, %max3A_131 : vector<256x256xf32>
    %get3A_133 = arith.constant 0 : index
    %get3A_134 = arith.constant 0 : index
    %get3A_135 = vector.load %arg16[%get3A_133, %get3A_134] : memref<256x128xf32, #tpu.memory_space<vmem>>, vector<256x128xf32>
    %dot_general3A_136 = arith.constant dense<0.000000e+00> : vector<256x128xf32>
    %dot_general3A_137 = tpu.matmul %max3A_132, %get3A_135, %dot_general3A_136 {dimension_numbers = #tpu.dot_dimension_numbers<[1], [0], [0], [1], [0, 0, 1, 1], [], []>, transpose_lhs_hint = false} : vector<256x256xf32>, vector<256x128xf32>, vector<256x128xf32> -> vector<256x128xf32>
    %get3A_138 = arith.constant 0 : index
    %get3A_139 = arith.constant 0 : index
    %get3A_140 = vector.load %arg17[%get3A_138, %get3A_139] : memref<1x128xf32, #tpu.memory_space<vmem>>, vector<1x128xf32>
    %add3A_141 = vector.broadcast %get3A_140 : vector<1x128xf32> to vector<256x128xf32>
    %add3A_142 = arith.addf %dot_general3A_137, %add3A_141 : vector<256x128xf32>
    %max3A_143 = arith.constant 0.000000e+00 : f32
    %max3A_144 = vector.broadcast %max3A_143 : f32 to vector<256x128xf32>
    %max3A_145 = arith.maximumf %add3A_142, %max3A_144 : vector<256x128xf32>
    %get3A_146 = arith.constant 0 : index
    %get3A_147 = arith.constant 0 : index
    %get3A_148 = vector.load %arg18[%get3A_146, %get3A_147] : memref<128x200xf32, #tpu.memory_space<vmem>>, vector<128x200xf32>
    %dot_general3A_149 = arith.constant dense<0.000000e+00> : vector<256x200xf32>
    %dot_general3A_150 = tpu.matmul %max3A_145, %get3A_148, %dot_general3A_149 {dimension_numbers = #tpu.dot_dimension_numbers<[1], [0], [0], [1], [0, 0, 1, 1], [], []>, transpose_lhs_hint = false} : vector<256x128xf32>, vector<128x200xf32>, vector<256x200xf32> -> vector<256x200xf32>
    %get3A_151 = arith.constant 0 : index
    %get3A_152 = arith.constant 0 : index
    %get3A_153 = vector.load %arg19[%get3A_151, %get3A_152] : memref<1x200xf32, #tpu.memory_space<vmem>>, vector<1x200xf32>
    %add3A_154 = vector.broadcast %get3A_153 : vector<1x200xf32> to vector<256x200xf32>
    %add3A_155 = arith.addf %dot_general3A_150, %add3A_154 : vector<256x200xf32>
    %convert_element_type3A_156 = arith.truncf %add3A_155 : vector<256x200xf32> to vector<256x200xbf16>
    %convert_element_type3A_157 = arith.extf %convert_element_type3A_156 : vector<256x200xbf16> to vector<256x200xf32>
    %sub3A_158 = arith.subf %add3A_155, %convert_element_type3A_157 : vector<256x200xf32>
    %dot_general3A_159 = arith.constant dense<0.000000e+00> : vector<264x200xf32>
    %dot_general3A_160 = tpu.matmul %convert_element_type3A_34, %convert_element_type3A_157, %dot_general3A_159 {dimension_numbers = #tpu.dot_dimension_numbers<[0], [0], [1], [1], [0, 1, 1, 1], [], []>, transpose_lhs_hint = false} : vector<256x264xf32>, vector<256x200xf32>, vector<264x200xf32> -> vector<264x200xf32>
    %dot_general3A_161 = arith.constant dense<0.000000e+00> : vector<264x200xf32>
    %dot_general3A_162 = tpu.matmul %convert_element_type3A_34, %sub3A_158, %dot_general3A_161 {dimension_numbers = #tpu.dot_dimension_numbers<[0], [0], [1], [1], [0, 1, 1, 1], [], []>, transpose_lhs_hint = false} : vector<256x264xf32>, vector<256x200xf32>, vector<264x200xf32> -> vector<264x200xf32>
    %add3A_163 = arith.addf %dot_general3A_160, %dot_general3A_162 : vector<264x200xf32>
    %get3A_164 = arith.index_cast %multiple_of3A : i32 to index
    %get3A_165 = arith.constant 0 : index
    %get3A_166 = vector.load %arg20[%get3A_164, %get3A_165] : memref<10000x200xf32, #tpu.memory_space<vmem>>, vector<264x200xf32>
    %add3A_167 = arith.addf %get3A_166, %add3A_163 : vector<264x200xf32>
    %swap3A = arith.index_cast %multiple_of3A : i32 to index
    %swap3A_168 = arith.constant 0 : index
    %swap3A_169 = vector.load %arg20[%swap3A, %swap3A_168] : memref<10000x200xf32, #tpu.memory_space<vmem>>, vector<264x200xf32>
    tpu.vector_store %arg20[%swap3A, %swap3A_168], %add3A_167 {strides = array<i32>} : memref<10000x200xf32, #tpu.memory_space<vmem>>, vector<264x200xf32>,
    return
  }
  func.func @transform_0(%arg0: i32) -> (i32, i32, i32) {
    %c0_i32 = arith.constant 0 : i32
    %c0_i32_0 = arith.constant 0 : i32
    %c0_i32_1 = arith.constant 0 : i32
    return %arg0, %c0_i32, %c0_i32_0 : i32, i32, i32
  }
  func.func @transform_1(%arg0: i32) -> (i32, i32) {
    %c0_i32 = arith.constant 0 : i32
    %c0_i32_0 = arith.constant 0 : i32
    return %arg0, %c0_i32 : i32, i32
  }
  func.func @transform_2(%arg0: i32) -> (i32, i32) {
    %c0_i32 = arith.constant 0 : i32
    %c0_i32_0 = arith.constant 0 : i32
    %c0_i32_1 = arith.constant 0 : i32
    return %c0_i32, %c0_i32_0 : i32, i32
  }
  func.func @transform_3(%arg0: i32) -> (i32, i32) {
    %c0_i32 = arith.constant 0 : i32
    %c0_i32_0 = arith.constant 0 : i32
    %c0_i32_1 = arith.constant 0 : i32
    return %c0_i32, %c0_i32_0 : i32, i32
  }
  func.func @transform_4(%arg0: i32) -> (i32, i32) {
    %c0_i32 = arith.constant 0 : i32
    %c0_i32_0 = arith.constant 0 : i32
    %c0_i32_1 = arith.constant 0 : i32
    return %c0_i32, %c0_i32_0 : i32, i32
  }
  func.func @transform_5(%arg0: i32) -> (i32, i32) {
    %c0_i32 = arith.constant 0 : i32
    %c0_i32_0 = arith.constant 0 : i32
    %c0_i32_1 = arith.constant 0 : i32
    return %c0_i32, %c0_i32_0 : i32, i32
  }
  func.func @transform_6(%arg0: i32) -> (i32, i32) {
    %c0_i32 = arith.constant 0 : i32
    %c0_i32_0 = arith.constant 0 : i32
    %c0_i32_1 = arith.constant 0 : i32
    return %c0_i32, %c0_i32_0 : i32, i32
  }
  func.func @transform_7(%arg0: i32) -> (i32, i32) {
    %c0_i32 = arith.constant 0 : i32
    %c0_i32_0 = arith.constant 0 : i32
    %c0_i32_1 = arith.constant 0 : i32
    return %c0_i32, %c0_i32_0 : i32, i32
  }
  func.func @transform_8(%arg0: i32) -> (i32, i32) {
    %c0_i32 = arith.constant 0 : i32
    %c0_i32_0 = arith.constant 0 : i32
    %c0_i32_1 = arith.constant 0 : i32
    return %c0_i32, %c0_i32_0 : i32, i32
  }
  func.func @transform_9(%arg0: i32) -> (i32, i32) {
    %c0_i32 = arith.constant 0 : i32
    %c0_i32_0 = arith.constant 0 : i32
    %c0_i32_1 = arith.constant 0 : i32
    return %c0_i32, %c0_i32_0 : i32, i32
  }
  func.func @transform_10(%arg0: i32) -> (i32, i32) {
    %c0_i32 = arith.constant 0 : i32
    %c0_i32_0 = arith.constant 0 : i32
    %c0_i32_1 = arith.constant 0 : i32
    return %c0_i32, %c0_i32_0 : i32, i32
  }
  func.func @transform_11(%arg0: i32) -> (i32, i32) {
    %c0_i32 = arith.constant 0 : i32
    %c0_i32_0 = arith.constant 0 : i32
    %c0_i32_1 = arith.constant 0 : i32
    return %c0_i32, %c0_i32_0 : i32, i32
  }
  func.func @transform_12(%arg0: i32) -> (i32, i32) {
    %c0_i32 = arith.constant 0 : i32
    %c0_i32_0 = arith.constant 0 : i32
    %c0_i32_1 = arith.constant 0 : i32
    return %c0_i32, %c0_i32_0 : i32, i32
  }
  func.func @transform_13(%arg0: i32) -> (i32, i32) {
    %c0_i32 = arith.constant 0 : i32
    %c0_i32_0 = arith.constant 0 : i32
    %c0_i32_1 = arith.constant 0 : i32
    return %c0_i32, %c0_i32_0 : i32, i32
  }
  func.func @transform_14(%arg0: i32) -> (i32, i32) {
    %c0_i32 = arith.constant 0 : i32
    %c0_i32_0 = arith.constant 0 : i32
    %c0_i32_1 = arith.constant 0 : i32
    return %c0_i32, %c0_i32_0 : i32, i32
  }
  func.func @transform_15(%arg0: i32) -> (i32, i32) {
    %c0_i32 = arith.constant 0 : i32
    %c0_i32_0 = arith.constant 0 : i32
    %c0_i32_1 = arith.constant 0 : i32
    return %c0_i32, %c0_i32_0 : i32, i32
  }
  func.func @transform_16(%arg0: i32) -> (i32, i32) {
    %c0_i32 = arith.constant 0 : i32
    %c0_i32_0 = arith.constant 0 : i32
    %c0_i32_1 = arith.constant 0 : i32
    return %c0_i32, %c0_i32_0 : i32, i32
  }
  func.func @transform_17(%arg0: i32) -> (i32, i32) {
    %c0_i32 = arith.constant 0 : i32
    %c0_i32_0 = arith.constant 0 : i32
    %c0_i32_1 = arith.constant 0 : i32
    return %c0_i32, %c0_i32_0 : i32, i32
  }
  func.func @transform_18(%arg0: i32) -> (i32, i32) {
    %c0_i32 = arith.constant 0 : i32
    %c0_i32_0 = arith.constant 0 : i32
    %c0_i32_1 = arith.constant 0 : i32
    return %c0_i32, %c0_i32_0 : i32, i32
  }
  func.func @transform_19(%arg0: i32) -> (i32, i32) {
    %c0_i32 = arith.constant 0 : i32
    %c0_i32_0 = arith.constant 0 : i32
    %c0_i32_1 = arith.constant 0 : i32
    return %c0_i32, %c0_i32_0 : i32, i32
  }
}

module attributes {stable_mosaic.version = 14 : i64} {
  func.func @_fin_body(%arg0: i32, %arg1: memref<1x1000x1xi32, #tpu.memory_space<vmem>>, %arg2: memref<1000x208xf32, #tpu.memory_space<vmem>>, %arg3: memref<1000x200xf32, #tpu.memory_space<vmem>>, %arg4: memref<1000x1xf32, #tpu.memory_space<vmem>>, %arg5: memref<1000x208xf32, #tpu.memory_space<vmem>>, %arg6: memref<16x200xf32, #tpu.memory_space<vmem>>, %arg7: memref<16x1xf32, #tpu.memory_space<vmem>>) attributes {dimension_semantics = [#tpu.dimension_semantics<arbitrary>], iteration_bounds = array<i64: 10>, scalar_prefetch = 0 : i64, scratch_operands = 0 : i64, tpu.core_type = #tpu.core_type<tc>, window_params = [{transform_indices = @transform_0, window_bounds = array<i64: 1, 1000, 1>}, {transform_indices = @transform_1, window_bounds = array<i64: 1000, 208>}, {transform_indices = @transform_2, window_bounds = array<i64: 1000, 200>}, {transform_indices = @transform_3, window_bounds = array<i64: 1000, 1>}, {transform_indices = @transform_4, window_bounds = array<i64: 1000, 208>}, {pipeline_mode = #tpu.pipeline_mode<synchronous>, transform_indices = @transform_5, window_bounds = array<i64: 16, 200>}, {pipeline_mode = #tpu.pipeline_mode<synchronous>, transform_indices = @transform_6, window_bounds = array<i64: 16, 1>}]} {
    %eq3A = arith.constant 0 : i32
    %eq3A_0 = arith.cmpi eq, %arg0, %eq3A : i32
    %convert_element_type3A = arith.extui %eq3A_0 : i1 to i32
    %cond3A = arith.constant 0 : i32
    %cond3A_1 = arith.cmpi ne, %convert_element_type3A, %cond3A : i32
    scf.if %cond3A_1 {
      %broadcast_in_dim3A_52 = arith.constant 0.000000e+00 : f32
      %broadcast_in_dim3A_53 = vector.broadcast %broadcast_in_dim3A_52 : f32 to vector<16x200xf32>
      %swap3A_54 = arith.constant 0 : index
      %swap3A_55 = arith.constant 0 : index
      %swap3A_56 = vector.load %arg6[%swap3A_54, %swap3A_55] : memref<16x200xf32, #tpu.memory_space<vmem>>, vector<16x200xf32>
      tpu.vector_store %arg6[%swap3A_54, %swap3A_55], %broadcast_in_dim3A_53 {strides = array<i32>} : memref<16x200xf32, #tpu.memory_space<vmem>>, vector<16x200xf32>,
      %broadcast_in_dim3A_57 = arith.constant 0.000000e+00 : f32
      %broadcast_in_dim3A_58 = vector.broadcast %broadcast_in_dim3A_57 : f32 to vector<16x1xf32>
      %swap3A_59 = arith.constant 0 : index
      %swap3A_60 = arith.constant 0 : index
      %swap3A_61 = vector.load %arg7[%swap3A_59, %swap3A_60] : memref<16x1xf32, #tpu.memory_space<vmem>>, vector<16x1xf32>
      tpu.vector_store %arg7[%swap3A_59, %swap3A_60], %broadcast_in_dim3A_58 {strides = array<i32>} : memref<16x1xf32, #tpu.memory_space<vmem>>, vector<16x1xf32>,
    } else {
    }
    %get3A = arith.constant 0 : index
    %get3A_2 = arith.constant 0 : index
    %get3A_3 = vector.load %arg2[%get3A, %get3A_2] : memref<1000x208xf32, #tpu.memory_space<vmem>>, vector<1000x200xf32>
    %get3A_4 = arith.constant 0 : index
    %get3A_5 = arith.constant 0 : index
    %get3A_6 = vector.load %arg3[%get3A_4, %get3A_5] : memref<1000x200xf32, #tpu.memory_space<vmem>>, vector<1000x200xf32>
    %get3A_7 = arith.constant 0 : index
    %get3A_8 = arith.constant 0 : index
    %get3A_9 = vector.load %arg4[%get3A_7, %get3A_8] : memref<1000x1xf32, #tpu.memory_space<vmem>>, vector<1000x1xf32>
    %max3A = arith.constant 1.000000e+00 : f32
    %max3A_10 = vector.broadcast %max3A : f32 to vector<1000x1xf32>
    %max3A_11 = arith.maximumf %get3A_9, %max3A_10 : vector<1000x1xf32>
    %div3A = vector.broadcast %max3A_11 : vector<1000x1xf32> to vector<1000x200xf32>
    %div3A_12 = arith.divf %get3A_6, %div3A : vector<1000x200xf32>
    %add3A = arith.addf %get3A_3, %div3A_12 : vector<1000x200xf32>
    %swap3A = arith.constant 0 : index
    %swap3A_13 = arith.constant 0 : index
    %swap3A_14 = vector.load %arg5[%swap3A, %swap3A_13] : memref<1000x208xf32, #tpu.memory_space<vmem>>, vector<1000x200xf32>
    tpu.vector_store %arg5[%swap3A, %swap3A_13], %add3A {strides = array<i32>} : memref<1000x208xf32, #tpu.memory_space<vmem>>, vector<1000x200xf32>,
    %broadcast_in_dim3A = arith.constant 0.000000e+00 : f32
    %broadcast_in_dim3A_15 = vector.broadcast %broadcast_in_dim3A : f32 to vector<1000x8xf32>
    %swap3A_16 = arith.constant 0 : index
    %swap3A_17 = arith.constant 200 : index
    %swap3A_18 = vector.load %arg5[%swap3A_16, %swap3A_17] : memref<1000x208xf32, #tpu.memory_space<vmem>>, vector<1000x8xf32>
    tpu.vector_store %arg5[%swap3A_16, %swap3A_17], %broadcast_in_dim3A_15 {strides = array<i32>} : memref<1000x208xf32, #tpu.memory_space<vmem>>, vector<1000x8xf32>,
    %get3A_19 = arith.constant 0 : index
    %get3A_20 = arith.constant 0 : index
    %get3A_21 = arith.constant 0 : index
    %get3A_22 = vector.load %arg1[%get3A_19, %get3A_20, %get3A_21] : memref<1x1000x1xi32, #tpu.memory_space<vmem>>, vector<1x1000x1xi32>
    %get3A_23 = vector.shape_cast %get3A_22 : vector<1x1000x1xi32> to vector<1000x1xi32>
    %iota3A = tpu.iota {dimensions = array<i32: 1>} : vector<1000x16xi32>
    %eq3A_24 = vector.broadcast %get3A_23 : vector<1000x1xi32> to vector<1000x16xi32>
    %eq3A_25 = arith.cmpi eq, %eq3A_24, %iota3A : vector<1000x16xi32>
    %convert_element_type3A_26 = arith.extui %eq3A_25 : vector<1000x16xi1> to vector<1000x16xi32>
    %convert_element_type3A_27 = arith.sitofp %convert_element_type3A_26 : vector<1000x16xi32> to vector<1000x16xf32>
    %get3A_28 = arith.constant 0 : index
    %get3A_29 = arith.constant 0 : index
    %get3A_30 = vector.load %arg6[%get3A_28, %get3A_29] : memref<16x200xf32, #tpu.memory_space<vmem>>, vector<16x200xf32>
    %convert_element_type3A_31 = arith.truncf %add3A : vector<1000x200xf32> to vector<1000x200xbf16>
    %convert_element_type3A_32 = arith.extf %convert_element_type3A_31 : vector<1000x200xbf16> to vector<1000x200xf32>
    %sub3A = arith.subf %add3A, %convert_element_type3A_32 : vector<1000x200xf32>
    %dot_general3A = arith.constant dense<0.000000e+00> : vector<16x200xf32>
    %dot_general3A_33 = tpu.matmul %convert_element_type3A_27, %convert_element_type3A_32, %dot_general3A {dimension_numbers = #tpu.dot_dimension_numbers<[0], [0], [1], [1], [0, 1, 1, 1], [], []>, transpose_lhs_hint = false} : vector<1000x16xf32>, vector<1000x200xf32>, vector<16x200xf32> -> vector<16x200xf32>
    %dot_general3A_34 = arith.constant dense<0.000000e+00> : vector<16x200xf32>
    %dot_general3A_35 = tpu.matmul %convert_element_type3A_27, %sub3A, %dot_general3A_34 {dimension_numbers = #tpu.dot_dimension_numbers<[0], [0], [1], [1], [0, 1, 1, 1], [], []>, transpose_lhs_hint = false} : vector<1000x16xf32>, vector<1000x200xf32>, vector<16x200xf32> -> vector<16x200xf32>
    %add3A_36 = arith.addf %dot_general3A_33, %dot_general3A_35 : vector<16x200xf32>
    %add3A_37 = arith.addf %get3A_30, %add3A_36 : vector<16x200xf32>
    %swap3A_38 = arith.constant 0 : index
    %swap3A_39 = arith.constant 0 : index
    %swap3A_40 = vector.load %arg6[%swap3A_38, %swap3A_39] : memref<16x200xf32, #tpu.memory_space<vmem>>, vector<16x200xf32>
    tpu.vector_store %arg6[%swap3A_38, %swap3A_39], %add3A_37 {strides = array<i32>} : memref<16x200xf32, #tpu.memory_space<vmem>>, vector<16x200xf32>,
    %get3A_41 = arith.constant 0 : index
    %get3A_42 = arith.constant 0 : index
    %get3A_43 = vector.load %arg7[%get3A_41, %get3A_42] : memref<16x1xf32, #tpu.memory_space<vmem>>, vector<16x1xf32>
    %broadcast_in_dim3A_44 = arith.constant 1.000000e+00 : f32
    %broadcast_in_dim3A_45 = vector.broadcast %broadcast_in_dim3A_44 : f32 to vector<1000x1xf32>
    %dot_general3A_46 = arith.constant dense<0.000000e+00> : vector<16x1xf32>
    %dot_general3A_47 = tpu.matmul %convert_element_type3A_27, %broadcast_in_dim3A_45, %dot_general3A_46 {dimension_numbers = #tpu.dot_dimension_numbers<[0], [0], [1], [1], [0, 1, 1, 1], [], []>, transpose_lhs_hint = false} : vector<1000x16xf32>, vector<1000x1xf32>, vector<16x1xf32> -> vector<16x1xf32>
    %add3A_48 = arith.addf %get3A_43, %dot_general3A_47 : vector<16x1xf32>
    %swap3A_49 = arith.constant 0 : index
    %swap3A_50 = arith.constant 0 : index
    %swap3A_51 = vector.load %arg7[%swap3A_49, %swap3A_50] : memref<16x1xf32, #tpu.memory_space<vmem>>, vector<16x1xf32>
    tpu.vector_store %arg7[%swap3A_49, %swap3A_50], %add3A_48 {strides = array<i32>} : memref<16x1xf32, #tpu.memory_space<vmem>>, vector<16x1xf32>,
    return
  }
  func.func @transform_0(%arg0: i32) -> (i32, i32, i32) {
    %c0_i32 = arith.constant 0 : i32
    %c0_i32_0 = arith.constant 0 : i32
    %c0_i32_1 = arith.constant 0 : i32
    return %arg0, %c0_i32, %c0_i32_0 : i32, i32, i32
  }
  func.func @transform_1(%arg0: i32) -> (i32, i32) {
    %c0_i32 = arith.constant 0 : i32
    %c0_i32_0 = arith.constant 0 : i32
    return %arg0, %c0_i32 : i32, i32
  }
  func.func @transform_2(%arg0: i32) -> (i32, i32) {
    %c0_i32 = arith.constant 0 : i32
    %c0_i32_0 = arith.constant 0 : i32
    return %arg0, %c0_i32 : i32, i32
  }
  func.func @transform_3(%arg0: i32) -> (i32, i32) {
    %c0_i32 = arith.constant 0 : i32
    %c0_i32_0 = arith.constant 0 : i32
    return %arg0, %c0_i32 : i32, i32
  }
  func.func @transform_4(%arg0: i32) -> (i32, i32) {
    %c0_i32 = arith.constant 0 : i32
    %c0_i32_0 = arith.constant 0 : i32
    return %arg0, %c0_i32 : i32, i32
  }
  func.func @transform_5(%arg0: i32) -> (i32, i32) {
    %c0_i32 = arith.constant 0 : i32
    %c0_i32_0 = arith.constant 0 : i32
    %c0_i32_1 = arith.constant 0 : i32
    return %c0_i32, %c0_i32_0 : i32, i32
  }
  func.func @transform_6(%arg0: i32) -> (i32, i32) {
    %c0_i32 = arith.constant 0 : i32
    %c0_i32_0 = arith.constant 0 : i32
    %c0_i32_1 = arith.constant 0 : i32
    return %c0_i32, %c0_i32_0 : i32, i32
  }
}

module attributes {stable_mosaic.version = 14 : i64} {
  func.func @_conv_a_body(%arg0: i32, %arg1: memref<1x256x1xi32, #tpu.memory_space<vmem>>, %arg2: memref<256x208xf32, #tpu.memory_space<vmem>>, %arg3: memref<10000x208xf32, #tpu.memory_space<vmem>>, %arg4: memref<10000x200xf32, #tpu.memory_space<vmem>>, %arg5: memref<10000x1xf32, #tpu.memory_space<vmem>>) attributes {dimension_semantics = [#tpu.dimension_semantics<arbitrary>], iteration_bounds = array<i64: 1250>, scalar_prefetch = 0 : i64, scratch_operands = 0 : i64, tpu.core_type = #tpu.core_type<tc>, window_params = [{transform_indices = @transform_0, window_bounds = array<i64: 1, 256, 1>}, {transform_indices = @transform_1, window_bounds = array<i64: 256, 208>}, {pipeline_mode = #tpu.pipeline_mode<synchronous>, transform_indices = @transform_2, window_bounds = array<i64: 10000, 208>}, {pipeline_mode = #tpu.pipeline_mode<synchronous>, transform_indices = @transform_3, window_bounds = array<i64: 10000, 200>}, {pipeline_mode = #tpu.pipeline_mode<synchronous>, transform_indices = @transform_4, window_bounds = array<i64: 10000, 1>}]} {
    %eq3A = arith.constant 0 : i32
    %eq3A_0 = arith.cmpi eq, %arg0, %eq3A : i32
    %convert_element_type3A = arith.extui %eq3A_0 : i1 to i32
    %cond3A = arith.constant 0 : i32
    %cond3A_1 = arith.cmpi ne, %convert_element_type3A, %cond3A : i32
    scf.if %cond3A_1 {
      %broadcast_in_dim3A_196 = arith.constant -1.000000e+30 : f32
      %broadcast_in_dim3A_197 = vector.broadcast %broadcast_in_dim3A_196 : f32 to vector<10000x200xf32>
      %swap3A_198 = arith.constant 0 : index
      %swap3A_199 = arith.constant 0 : index
      %swap3A_200 = vector.load %arg4[%swap3A_198, %swap3A_199] : memref<10000x200xf32, #tpu.memory_space<vmem>>, vector<10000x200xf32>
      tpu.vector_store %arg4[%swap3A_198, %swap3A_199], %broadcast_in_dim3A_197 {strides = array<i32>} : memref<10000x200xf32, #tpu.memory_space<vmem>>, vector<10000x200xf32>,
      %broadcast_in_dim3A_201 = arith.constant 0.000000e+00 : f32
      %broadcast_in_dim3A_202 = vector.broadcast %broadcast_in_dim3A_201 : f32 to vector<10000x1xf32>
      %swap3A_203 = arith.constant 0 : index
      %swap3A_204 = arith.constant 0 : index
      %swap3A_205 = vector.load %arg5[%swap3A_203, %swap3A_204] : memref<10000x1xf32, #tpu.memory_space<vmem>>, vector<10000x1xf32>
      tpu.vector_store %arg5[%swap3A_203, %swap3A_204], %broadcast_in_dim3A_202 {strides = array<i32>} : memref<10000x1xf32, #tpu.memory_space<vmem>>, vector<10000x1xf32>,
    } else {
    }
    %get3A = arith.constant 0 : index
    %get3A_2 = arith.constant 0 : index
    %get3A_3 = arith.constant 0 : index
    %get3A_4 = vector.load %arg1[%get3A, %get3A_2, %get3A_3] : memref<1x256x1xi32, #tpu.memory_space<vmem>>, vector<1x1x1xi32>
    %get3A_5 = vector.extract %get3A_4[0, 0, 0] : i32 from vector<1x1x1xi32>
    %jit3A = arith.constant 8 : i32
    %div3A = arith.divsi %get3A_5, %jit3A : i32
    %sign3A = arith.constant 0 : i32
    %sign3A_6 = arith.cmpi sgt, %get3A_5, %sign3A : i32
    %sign3A_7 = arith.extui %sign3A_6 : i1 to i32
    %sign3A_8 = arith.constant 0 : i32
    %sign3A_9 = arith.cmpi slt, %get3A_5, %sign3A_8 : i32
    %sign3A_10 = arith.extui %sign3A_9 : i1 to i32
    %sign3A_11 = arith.subi %sign3A_7, %sign3A_10 : i32
    %sign3A_12 = arith.constant 0 : i32
    %sign3A_13 = arith.cmpi sgt, %jit3A, %sign3A_12 : i32
    %sign3A_14 = arith.extui %sign3A_13 : i1 to i32
    %sign3A_15 = arith.constant 0 : i32
    %sign3A_16 = arith.cmpi slt, %jit3A, %sign3A_15 : i32
    %sign3A_17 = arith.extui %sign3A_16 : i1 to i32
    %sign3A_18 = arith.subi %sign3A_14, %sign3A_17 : i32
    %ne3A = arith.cmpi ne, %sign3A_11, %sign3A_18 : i32
    %rem3A = arith.remsi %get3A_5, %jit3A : i32
    %ne3A_19 = arith.constant 0 : i32
    %ne3A_20 = arith.cmpi ne, %rem3A, %ne3A_19 : i32
    %and3A = arith.andi %ne3A, %ne3A_20 : i1
    %sub3A = arith.constant 1 : i32
    %sub3A_21 = arith.subi %div3A, %sub3A : i32
    %select_n3A = arith.select %and3A, %sub3A_21, %div3A : i32
    %mul3A = arith.constant 8 : i32
    %mul3A_22 = arith.muli %select_n3A, %mul3A : i32
    %min3A = arith.constant 9736 : i32
    %min3A_23 = arith.minsi %mul3A_22, %min3A : i32
    %multiple_of3A = tpu.assume_multiple %min3A_23, 8 : i32
    %get3A_24 = arith.constant 0 : index
    %get3A_25 = arith.constant 0 : index
    %get3A_26 = arith.constant 0 : index
    %get3A_27 = vector.load %arg1[%get3A_24, %get3A_25, %get3A_26] : memref<1x256x1xi32, #tpu.memory_space<vmem>>, vector<1x256x1xi32>
    %get3A_28 = vector.shape_cast %get3A_27 : vector<1x256x1xi32> to vector<256x1xi32>
    %sub3A_29 = vector.broadcast %multiple_of3A : i32 to vector<256x1xi32>
    %sub3A_30 = arith.subi %get3A_28, %sub3A_29 : vector<256x1xi32>
    %iota3A = tpu.iota {dimensions = array<i32: 1>} : vector<256x264xi32>
    %eq3A_31 = vector.broadcast %sub3A_30 : vector<256x1xi32> to vector<256x264xi32>
    %eq3A_32 = arith.cmpi eq, %eq3A_31, %iota3A : vector<256x264xi32>
    %convert_element_type3A_33 = arith.extui %eq3A_32 : vector<256x264xi1> to vector<256x264xi32>
    %convert_element_type3A_34 = arith.sitofp %convert_element_type3A_33 : vector<256x264xi32> to vector<256x264xf32>
    %get3A_35 = arith.index_cast %multiple_of3A : i32 to index
    %get3A_36 = arith.constant 0 : index
    %get3A_37 = vector.load %arg3[%get3A_35, %get3A_36] : memref<10000x208xf32, #tpu.memory_space<vmem>>, vector<264x200xf32>
    %convert_element_type3A_38 = arith.truncf %get3A_37 : vector<264x200xf32> to vector<264x200xbf16>
    %convert_element_type3A_39 = arith.extf %convert_element_type3A_38 : vector<264x200xbf16> to vector<264x200xf32>
    %sub3A_40 = arith.subf %get3A_37, %convert_element_type3A_39 : vector<264x200xf32>
    %dot_general3A = arith.constant dense<0.000000e+00> : vector<256x200xf32>
    %dot_general3A_41 = tpu.matmul %convert_element_type3A_34, %convert_element_type3A_39, %dot_general3A {dimension_numbers = #tpu.dot_dimension_numbers<[1], [0], [0], [1], [0, 0, 1, 1], [], []>, transpose_lhs_hint = false} : vector<256x264xf32>, vector<264x200xf32>, vector<256x200xf32> -> vector<256x200xf32>
    %dot_general3A_42 = arith.constant dense<0.000000e+00> : vector<256x200xf32>
    %dot_general3A_43 = tpu.matmul %convert_element_type3A_34, %sub3A_40, %dot_general3A_42 {dimension_numbers = #tpu.dot_dimension_numbers<[1], [0], [0], [1], [0, 0, 1, 1], [], []>, transpose_lhs_hint = false} : vector<256x264xf32>, vector<264x200xf32>, vector<256x200xf32> -> vector<256x200xf32>
    %add3A = arith.addf %dot_general3A_41, %dot_general3A_43 : vector<256x200xf32>
    %get3A_44 = arith.constant 0 : index
    %get3A_45 = arith.constant 0 : index
    %get3A_46 = vector.load %arg2[%get3A_44, %get3A_45] : memref<256x208xf32, #tpu.memory_space<vmem>>, vector<256x200xf32>
    %add3A_47 = arith.addf %add3A, %get3A_46 : vector<256x200xf32>
    %mul3A_48 = arith.constant 5.000000e-01 : f32
    %mul3A_49 = vector.broadcast %mul3A_48 : f32 to vector<256x200xf32>
    %mul3A_50 = arith.mulf %add3A_47, %mul3A_49 : vector<256x200xf32>
    %slice3A = vector.extract_strided_slice %sub3A_30 {offsets = [1, 0], sizes = [255, 1], strides = [1, 1]} : vector<256x1xi32> to vector<255x1xi32>
    %slice3A_51 = vector.extract_strided_slice %sub3A_30 {offsets = [0, 0], sizes = [255, 1], strides = [1, 1]} : vector<256x1xi32> to vector<255x1xi32>
    %eq3A_52 = arith.cmpi eq, %slice3A, %slice3A_51 : vector<255x1xi32>
    %slice3A_53 = vector.extract_strided_slice %mul3A_50 {offsets = [0, 0], sizes = [1, 200], strides = [1, 1]} : vector<256x200xf32> to vector<1x200xf32>
    %slice3A_54 = vector.extract_strided_slice %mul3A_50 {offsets = [1, 0], sizes = [255, 200], strides = [1, 1]} : vector<256x200xf32> to vector<255x200xf32>
    %slice3A_55 = vector.extract_strided_slice %mul3A_50 {offsets = [0, 0], sizes = [255, 200], strides = [1, 1]} : vector<256x200xf32> to vector<255x200xf32>
    %max3A = arith.maximumf %slice3A_54, %slice3A_55 : vector<255x200xf32>
    %slice3A_56 = vector.extract_strided_slice %mul3A_50 {offsets = [1, 0], sizes = [255, 200], strides = [1, 1]} : vector<256x200xf32> to vector<255x200xf32>
    %broadcast_in_dim3A = vector.shape_cast %eq3A_52 : vector<255x1xi1> to vector<255x1xi1>
    %broadcast_in_dim3A_57 = vector.broadcast %broadcast_in_dim3A : vector<255x1xi1> to vector<255x200xi1>
    %select_n3A_58 = arith.select %broadcast_in_dim3A_57, %max3A, %slice3A_56 : vector<255x200xi1>, vector<255x200xf32>
    %concatenate3A = tpu.concatenate %slice3A_53, %select_n3A_58 in 0 : vector<1x200xf32>, vector<255x200xf32> -> vector<256x200xf32>
    %slice3A_59 = vector.extract_strided_slice %sub3A_30 {offsets = [2, 0], sizes = [254, 1], strides = [1, 1]} : vector<256x1xi32> to vector<254x1xi32>
    %slice3A_60 = vector.extract_strided_slice %sub3A_30 {offsets = [0, 0], sizes = [254, 1], strides = [1, 1]} : vector<256x1xi32> to vector<254x1xi32>
    %eq3A_61 = arith.cmpi eq, %slice3A_59, %slice3A_60 : vector<254x1xi32>
    %slice3A_62 = vector.extract_strided_slice %concatenate3A {offsets = [0, 0], sizes = [2, 200], strides = [1, 1]} : vector<256x200xf32> to vector<2x200xf32>
    %slice3A_63 = vector.extract_strided_slice %concatenate3A {offsets = [2, 0], sizes = [254, 200], strides = [1, 1]} : vector<256x200xf32> to vector<254x200xf32>
    %slice3A_64 = vector.extract_strided_slice %concatenate3A {offsets = [0, 0], sizes = [254, 200], strides = [1, 1]} : vector<256x200xf32> to vector<254x200xf32>
    %max3A_65 = arith.maximumf %slice3A_63, %slice3A_64 : vector<254x200xf32>
    %slice3A_66 = vector.extract_strided_slice %concatenate3A {offsets = [2, 0], sizes = [254, 200], strides = [1, 1]} : vector<256x200xf32> to vector<254x200xf32>
    %broadcast_in_dim3A_67 = vector.shape_cast %eq3A_61 : vector<254x1xi1> to vector<254x1xi1>
    %broadcast_in_dim3A_68 = vector.broadcast %broadcast_in_dim3A_67 : vector<254x1xi1> to vector<254x200xi1>
    %select_n3A_69 = arith.select %broadcast_in_dim3A_68, %max3A_65, %slice3A_66 : vector<254x200xi1>, vector<254x200xf32>
    %concatenate3A_70 = tpu.concatenate %slice3A_62, %select_n3A_69 in 0 : vector<2x200xf32>, vector<254x200xf32> -> vector<256x200xf32>
    %slice3A_71 = vector.extract_strided_slice %sub3A_30 {offsets = [4, 0], sizes = [252, 1], strides = [1, 1]} : vector<256x1xi32> to vector<252x1xi32>
    %slice3A_72 = vector.extract_strided_slice %sub3A_30 {offsets = [0, 0], sizes = [252, 1], strides = [1, 1]} : vector<256x1xi32> to vector<252x1xi32>
    %eq3A_73 = arith.cmpi eq, %slice3A_71, %slice3A_72 : vector<252x1xi32>
    %slice3A_74 = vector.extract_strided_slice %concatenate3A_70 {offsets = [0, 0], sizes = [4, 200], strides = [1, 1]} : vector<256x200xf32> to vector<4x200xf32>
    %slice3A_75 = vector.extract_strided_slice %concatenate3A_70 {offsets = [4, 0], sizes = [252, 200], strides = [1, 1]} : vector<256x200xf32> to vector<252x200xf32>
    %slice3A_76 = vector.extract_strided_slice %concatenate3A_70 {offsets = [0, 0], sizes = [252, 200], strides = [1, 1]} : vector<256x200xf32> to vector<252x200xf32>
    %max3A_77 = arith.maximumf %slice3A_75, %slice3A_76 : vector<252x200xf32>
    %slice3A_78 = vector.extract_strided_slice %concatenate3A_70 {offsets = [4, 0], sizes = [252, 200], strides = [1, 1]} : vector<256x200xf32> to vector<252x200xf32>
    %broadcast_in_dim3A_79 = vector.shape_cast %eq3A_73 : vector<252x1xi1> to vector<252x1xi1>
    %broadcast_in_dim3A_80 = vector.broadcast %broadcast_in_dim3A_79 : vector<252x1xi1> to vector<252x200xi1>
    %select_n3A_81 = arith.select %broadcast_in_dim3A_80, %max3A_77, %slice3A_78 : vector<252x200xi1>, vector<252x200xf32>
    %concatenate3A_82 = tpu.concatenate %slice3A_74, %select_n3A_81 in 0 : vector<4x200xf32>, vector<252x200xf32> -> vector<256x200xf32>
    %slice3A_83 = vector.extract_strided_slice %sub3A_30 {offsets = [8, 0], sizes = [248, 1], strides = [1, 1]} : vector<256x1xi32> to vector<248x1xi32>
    %slice3A_84 = vector.extract_strided_slice %sub3A_30 {offsets = [0, 0], sizes = [248, 1], strides = [1, 1]} : vector<256x1xi32> to vector<248x1xi32>
    %eq3A_85 = arith.cmpi eq, %slice3A_83, %slice3A_84 : vector<248x1xi32>
    %slice3A_86 = vector.extract_strided_slice %concatenate3A_82 {offsets = [0, 0], sizes = [8, 200], strides = [1, 1]} : vector<256x200xf32> to vector<8x200xf32>
    %slice3A_87 = vector.extract_strided_slice %concatenate3A_82 {offsets = [8, 0], sizes = [248, 200], strides = [1, 1]} : vector<256x200xf32> to vector<248x200xf32>
    %slice3A_88 = vector.extract_strided_slice %concatenate3A_82 {offsets = [0, 0], sizes = [248, 200], strides = [1, 1]} : vector<256x200xf32> to vector<248x200xf32>
    %max3A_89 = arith.maximumf %slice3A_87, %slice3A_88 : vector<248x200xf32>
    %slice3A_90 = vector.extract_strided_slice %concatenate3A_82 {offsets = [8, 0], sizes = [248, 200], strides = [1, 1]} : vector<256x200xf32> to vector<248x200xf32>
    %broadcast_in_dim3A_91 = vector.shape_cast %eq3A_85 : vector<248x1xi1> to vector<248x1xi1>
    %broadcast_in_dim3A_92 = vector.broadcast %broadcast_in_dim3A_91 : vector<248x1xi1> to vector<248x200xi1>
    %select_n3A_93 = arith.select %broadcast_in_dim3A_92, %max3A_89, %slice3A_90 : vector<248x200xi1>, vector<248x200xf32>
    %concatenate3A_94 = tpu.concatenate %slice3A_86, %select_n3A_93 in 0 : vector<8x200xf32>, vector<248x200xf32> -> vector<256x200xf32>
    %slice3A_95 = vector.extract_strided_slice %sub3A_30 {offsets = [16, 0], sizes = [240, 1], strides = [1, 1]} : vector<256x1xi32> to vector<240x1xi32>
    %slice3A_96 = vector.extract_strided_slice %sub3A_30 {offsets = [0, 0], sizes = [240, 1], strides = [1, 1]} : vector<256x1xi32> to vector<240x1xi32>
    %eq3A_97 = arith.cmpi eq, %slice3A_95, %slice3A_96 : vector<240x1xi32>
    %slice3A_98 = vector.extract_strided_slice %concatenate3A_94 {offsets = [0, 0], sizes = [16, 200], strides = [1, 1]} : vector<256x200xf32> to vector<16x200xf32>
    %slice3A_99 = vector.extract_strided_slice %concatenate3A_94 {offsets = [16, 0], sizes = [240, 200], strides = [1, 1]} : vector<256x200xf32> to vector<240x200xf32>
    %slice3A_100 = vector.extract_strided_slice %concatenate3A_94 {offsets = [0, 0], sizes = [240, 200], strides = [1, 1]} : vector<256x200xf32> to vector<240x200xf32>
    %max3A_101 = arith.maximumf %slice3A_99, %slice3A_100 : vector<240x200xf32>
    %slice3A_102 = vector.extract_strided_slice %concatenate3A_94 {offsets = [16, 0], sizes = [240, 200], strides = [1, 1]} : vector<256x200xf32> to vector<240x200xf32>
    %broadcast_in_dim3A_103 = vector.shape_cast %eq3A_97 : vector<240x1xi1> to vector<240x1xi1>
    %broadcast_in_dim3A_104 = vector.broadcast %broadcast_in_dim3A_103 : vector<240x1xi1> to vector<240x200xi1>
    %select_n3A_105 = arith.select %broadcast_in_dim3A_104, %max3A_101, %slice3A_102 : vector<240x200xi1>, vector<240x200xf32>
    %concatenate3A_106 = tpu.concatenate %slice3A_98, %select_n3A_105 in 0 : vector<16x200xf32>, vector<240x200xf32> -> vector<256x200xf32>
    %slice3A_107 = vector.extract_strided_slice %sub3A_30 {offsets = [32, 0], sizes = [224, 1], strides = [1, 1]} : vector<256x1xi32> to vector<224x1xi32>
    %slice3A_108 = vector.extract_strided_slice %sub3A_30 {offsets = [0, 0], sizes = [224, 1], strides = [1, 1]} : vector<256x1xi32> to vector<224x1xi32>
    %eq3A_109 = arith.cmpi eq, %slice3A_107, %slice3A_108 : vector<224x1xi32>
    %slice3A_110 = vector.extract_strided_slice %concatenate3A_106 {offsets = [0, 0], sizes = [32, 200], strides = [1, 1]} : vector<256x200xf32> to vector<32x200xf32>
    %slice3A_111 = vector.extract_strided_slice %concatenate3A_106 {offsets = [32, 0], sizes = [224, 200], strides = [1, 1]} : vector<256x200xf32> to vector<224x200xf32>
    %slice3A_112 = vector.extract_strided_slice %concatenate3A_106 {offsets = [0, 0], sizes = [224, 200], strides = [1, 1]} : vector<256x200xf32> to vector<224x200xf32>
    %max3A_113 = arith.maximumf %slice3A_111, %slice3A_112 : vector<224x200xf32>
    %slice3A_114 = vector.extract_strided_slice %concatenate3A_106 {offsets = [32, 0], sizes = [224, 200], strides = [1, 1]} : vector<256x200xf32> to vector<224x200xf32>
    %broadcast_in_dim3A_115 = vector.shape_cast %eq3A_109 : vector<224x1xi1> to vector<224x1xi1>
    %broadcast_in_dim3A_116 = vector.broadcast %broadcast_in_dim3A_115 : vector<224x1xi1> to vector<224x200xi1>
    %select_n3A_117 = arith.select %broadcast_in_dim3A_116, %max3A_113, %slice3A_114 : vector<224x200xi1>, vector<224x200xf32>
    %concatenate3A_118 = tpu.concatenate %slice3A_110, %select_n3A_117 in 0 : vector<32x200xf32>, vector<224x200xf32> -> vector<256x200xf32>
    %slice3A_119 = vector.extract_strided_slice %sub3A_30 {offsets = [64, 0], sizes = [192, 1], strides = [1, 1]} : vector<256x1xi32> to vector<192x1xi32>
    %slice3A_120 = vector.extract_strided_slice %sub3A_30 {offsets = [0, 0], sizes = [192, 1], strides = [1, 1]} : vector<256x1xi32> to vector<192x1xi32>
    %eq3A_121 = arith.cmpi eq, %slice3A_119, %slice3A_120 : vector<192x1xi32>
    %slice3A_122 = vector.extract_strided_slice %concatenate3A_118 {offsets = [0, 0], sizes = [64, 200], strides = [1, 1]} : vector<256x200xf32> to vector<64x200xf32>
    %slice3A_123 = vector.extract_strided_slice %concatenate3A_118 {offsets = [64, 0], sizes = [192, 200], strides = [1, 1]} : vector<256x200xf32> to vector<192x200xf32>
    %slice3A_124 = vector.extract_strided_slice %concatenate3A_118 {offsets = [0, 0], sizes = [192, 200], strides = [1, 1]} : vector<256x200xf32> to vector<192x200xf32>
    %max3A_125 = arith.maximumf %slice3A_123, %slice3A_124 : vector<192x200xf32>
    %slice3A_126 = vector.extract_strided_slice %concatenate3A_118 {offsets = [64, 0], sizes = [192, 200], strides = [1, 1]} : vector<256x200xf32> to vector<192x200xf32>
    %broadcast_in_dim3A_127 = vector.shape_cast %eq3A_121 : vector<192x1xi1> to vector<192x1xi1>
    %broadcast_in_dim3A_128 = vector.broadcast %broadcast_in_dim3A_127 : vector<192x1xi1> to vector<192x200xi1>
    %select_n3A_129 = arith.select %broadcast_in_dim3A_128, %max3A_125, %slice3A_126 : vector<192x200xi1>, vector<192x200xf32>
    %concatenate3A_130 = tpu.concatenate %slice3A_122, %select_n3A_129 in 0 : vector<64x200xf32>, vector<192x200xf32> -> vector<256x200xf32>
    %slice3A_131 = vector.extract_strided_slice %sub3A_30 {offsets = [128, 0], sizes = [128, 1], strides = [1, 1]} : vector<256x1xi32> to vector<128x1xi32>
    %slice3A_132 = vector.extract_strided_slice %sub3A_30 {offsets = [0, 0], sizes = [128, 1], strides = [1, 1]} : vector<256x1xi32> to vector<128x1xi32>
    %eq3A_133 = arith.cmpi eq, %slice3A_131, %slice3A_132 : vector<128x1xi32>
    %slice3A_134 = vector.extract_strided_slice %concatenate3A_130 {offsets = [0, 0], sizes = [128, 200], strides = [1, 1]} : vector<256x200xf32> to vector<128x200xf32>
    %slice3A_135 = vector.extract_strided_slice %concatenate3A_130 {offsets = [128, 0], sizes = [128, 200], strides = [1, 1]} : vector<256x200xf32> to vector<128x200xf32>
    %slice3A_136 = vector.extract_strided_slice %concatenate3A_130 {offsets = [0, 0], sizes = [128, 200], strides = [1, 1]} : vector<256x200xf32> to vector<128x200xf32>
    %max3A_137 = arith.maximumf %slice3A_135, %slice3A_136 : vector<128x200xf32>
    %slice3A_138 = vector.extract_strided_slice %concatenate3A_130 {offsets = [128, 0], sizes = [128, 200], strides = [1, 1]} : vector<256x200xf32> to vector<128x200xf32>
    %broadcast_in_dim3A_139 = vector.shape_cast %eq3A_133 : vector<128x1xi1> to vector<128x1xi1>
    %broadcast_in_dim3A_140 = vector.broadcast %broadcast_in_dim3A_139 : vector<128x1xi1> to vector<128x200xi1>
    %select_n3A_141 = arith.select %broadcast_in_dim3A_140, %max3A_137, %slice3A_138 : vector<128x200xi1>, vector<128x200xf32>
    %concatenate3A_142 = tpu.concatenate %slice3A_134, %select_n3A_141 in 0 : vector<128x200xf32>, vector<128x200xf32> -> vector<256x200xf32>
    %slice3A_143 = vector.extract_strided_slice %sub3A_30 {offsets = [1, 0], sizes = [255, 1], strides = [1, 1]} : vector<256x1xi32> to vector<255x1xi32>
    %slice3A_144 = vector.extract_strided_slice %sub3A_30 {offsets = [255, 0], sizes = [1, 1], strides = [1, 1]} : vector<256x1xi32> to vector<1x1xi32>
    %add3A_145 = arith.constant 1 : i32
    %add3A_146 = vector.broadcast %add3A_145 : i32 to vector<1x1xi32>
    %add3A_147 = arith.addi %slice3A_144, %add3A_146 : vector<1x1xi32>
    %concatenate3A_148 = tpu.concatenate %slice3A_143, %add3A_147 in 0 : vector<255x1xi32>, vector<1x1xi32> -> vector<256x1xi32>
    %ne3A_149 = arith.cmpi ne, %concatenate3A_148, %sub3A_30 : vector<256x1xi32>
    %convert_element_type3A_150 = arith.extui %ne3A_149 : vector<256x1xi1> to vector<256x1xi32>
    %convert_element_type3A_151 = arith.sitofp %convert_element_type3A_150 : vector<256x1xi32> to vector<256x1xf32>
    %mul3A_152 = vector.broadcast %convert_element_type3A_151 : vector<256x1xf32> to vector<256x264xf32>
    %mul3A_153 = arith.mulf %convert_element_type3A_34, %mul3A_152 : vector<256x264xf32>
    %gt3A = arith.constant 0.000000e+00 : f32
    %gt3A_154 = vector.broadcast %gt3A : f32 to vector<256x1xf32>
    %gt3A_155 = arith.cmpf ogt, %convert_element_type3A_151, %gt3A_154 : vector<256x1xf32>
    %jit3A_156 = arith.constant 0.000000e+00 : f32
    %broadcast_in_dim3A_157 = vector.shape_cast %gt3A_155 : vector<256x1xi1> to vector<256x1xi1>
    %broadcast_in_dim3A_158 = vector.broadcast %broadcast_in_dim3A_157 : vector<256x1xi1> to vector<256x200xi1>
    %broadcast_in_dim3A_159 = vector.broadcast %jit3A_156 : f32 to vector<256x200xf32>
    %select_n3A_160 = arith.select %broadcast_in_dim3A_158, %concatenate3A_142, %broadcast_in_dim3A_159 : vector<256x200xi1>, vector<256x200xf32>
    %convert_element_type3A_161 = arith.truncf %select_n3A_160 : vector<256x200xf32> to vector<256x200xbf16>
    %convert_element_type3A_162 = arith.extf %convert_element_type3A_161 : vector<256x200xbf16> to vector<256x200xf32>
    %sub3A_163 = arith.subf %select_n3A_160, %convert_element_type3A_162 : vector<256x200xf32>
    %dot_general3A_164 = arith.constant dense<0.000000e+00> : vector<264x200xf32>
    %dot_general3A_165 = tpu.matmul %mul3A_153, %convert_element_type3A_162, %dot_general3A_164 {dimension_numbers = #tpu.dot_dimension_numbers<[0], [0], [1], [1], [0, 1, 1, 1], [], []>, transpose_lhs_hint = false} : vector<256x264xf32>, vector<256x200xf32>, vector<264x200xf32> -> vector<264x200xf32>
    %dot_general3A_166 = arith.constant dense<0.000000e+00> : vector<264x200xf32>
    %dot_general3A_167 = tpu.matmul %mul3A_153, %sub3A_163, %dot_general3A_166 {dimension_numbers = #tpu.dot_dimension_numbers<[0], [0], [1], [1], [0, 1, 1, 1], [], []>, transpose_lhs_hint = false} : vector<256x264xf32>, vector<256x200xf32>, vector<264x200xf32> -> vector<264x200xf32>
    %add3A_168 = arith.addf %dot_general3A_165, %dot_general3A_167 : vector<264x200xf32>
    %broadcast_in_dim3A_169 = arith.constant 1.000000e+00 : f32
    %broadcast_in_dim3A_170 = vector.broadcast %broadcast_in_dim3A_169 : f32 to vector<256x1xf32>
    %dot_general3A_171 = arith.constant dense<0.000000e+00> : vector<264x1xf32>
    %dot_general3A_172 = tpu.matmul %mul3A_153, %broadcast_in_dim3A_170, %dot_general3A_171 {dimension_numbers = #tpu.dot_dimension_numbers<[0], [0], [1], [1], [0, 1, 1, 1], [], []>, transpose_lhs_hint = false} : vector<256x264xf32>, vector<256x1xf32>, vector<264x1xf32> -> vector<264x1xf32>
    %gt3A_173 = arith.constant 0.000000e+00 : f32
    %gt3A_174 = vector.broadcast %gt3A_173 : f32 to vector<264x1xf32>
    %gt3A_175 = arith.cmpf ogt, %dot_general3A_172, %gt3A_174 : vector<264x1xf32>
    %jit3A_176 = arith.constant -1.000000e+30 : f32
    %broadcast_in_dim3A_177 = vector.shape_cast %gt3A_175 : vector<264x1xi1> to vector<264x1xi1>
    %broadcast_in_dim3A_178 = vector.broadcast %broadcast_in_dim3A_177 : vector<264x1xi1> to vector<264x200xi1>
    %broadcast_in_dim3A_179 = vector.broadcast %jit3A_176 : f32 to vector<264x200xf32>
    %select_n3A_180 = arith.select %broadcast_in_dim3A_178, %add3A_168, %broadcast_in_dim3A_179 : vector<264x200xi1>, vector<264x200xf32>
    %get3A_181 = arith.index_cast %multiple_of3A : i32 to index
    %get3A_182 = arith.constant 0 : index
    %get3A_183 = vector.load %arg4[%get3A_181, %get3A_182] : memref<10000x200xf32, #tpu.memory_space<vmem>>, vector<264x200xf32>
    %max3A_184 = arith.maximumf %get3A_183, %select_n3A_180 : vector<264x200xf32>
    %swap3A = arith.index_cast %multiple_of3A : i32 to index
    %swap3A_185 = arith.constant 0 : index
    %swap3A_186 = vector.load %arg4[%swap3A, %swap3A_185] : memref<10000x200xf32, #tpu.memory_space<vmem>>, vector<264x200xf32>
    tpu.vector_store %arg4[%swap3A, %swap3A_185], %max3A_184 {strides = array<i32>} : memref<10000x200xf32, #tpu.memory_space<vmem>>, vector<264x200xf32>,
    %dot_general3A_187 = arith.constant dense<0.000000e+00> : vector<264x1xf32>
    %dot_general3A_188 = tpu.matmul %convert_element_type3A_34, %broadcast_in_dim3A_170, %dot_general3A_187 {dimension_numbers = #tpu.dot_dimension_numbers<[0], [0], [1], [1], [0, 1, 1, 1], [], []>, transpose_lhs_hint = false} : vector<256x264xf32>, vector<256x1xf32>, vector<264x1xf32> -> vector<264x1xf32>
    %get3A_189 = arith.index_cast %multiple_of3A : i32 to index
    %get3A_190 = arith.constant 0 : index
    %get3A_191 = vector.load %arg5[%get3A_189, %get3A_190] : memref<10000x1xf32, #tpu.memory_space<vmem>>, vector<264x1xf32>
    %add3A_192 = arith.addf %get3A_191, %dot_general3A_188 : vector<264x1xf32>
    %swap3A_193 = arith.index_cast %multiple_of3A : i32 to index
    %swap3A_194 = arith.constant 0 : index
    %swap3A_195 = vector.load %arg5[%swap3A_193, %swap3A_194] : memref<10000x1xf32, #tpu.memory_space<vmem>>, vector<264x1xf32>
    tpu.vector_store %arg5[%swap3A_193, %swap3A_194], %add3A_192 {strides = array<i32>} : memref<10000x1xf32, #tpu.memory_space<vmem>>, vector<264x1xf32>,
    return
  }
  func.func @transform_0(%arg0: i32) -> (i32, i32, i32) {
    %c0_i32 = arith.constant 0 : i32
    %c0_i32_0 = arith.constant 0 : i32
    %c0_i32_1 = arith.constant 0 : i32
    return %arg0, %c0_i32, %c0_i32_0 : i32, i32, i32
  }
  func.func @transform_1(%arg0: i32) -> (i32, i32) {
    %c0_i32 = arith.constant 0 : i32
    %c0_i32_0 = arith.constant 0 : i32
    return %arg0, %c0_i32 : i32, i32
  }
  func.func @transform_2(%arg0: i32) -> (i32, i32) {
    %c0_i32 = arith.constant 0 : i32
    %c0_i32_0 = arith.constant 0 : i32
    %c0_i32_1 = arith.constant 0 : i32
    return %c0_i32, %c0_i32_0 : i32, i32
  }
  func.func @transform_3(%arg0: i32) -> (i32, i32) {
    %c0_i32 = arith.constant 0 : i32
    %c0_i32_0 = arith.constant 0 : i32
    %c0_i32_1 = arith.constant 0 : i32
    return %c0_i32, %c0_i32_0 : i32, i32
  }
  func.func @transform_4(%arg0: i32) -> (i32, i32) {
    %c0_i32 = arith.constant 0 : i32
    %c0_i32_0 = arith.constant 0 : i32
    %c0_i32_1 = arith.constant 0 : i32
    return %c0_i32, %c0_i32_0 : i32, i32
  }
}

module attributes {stable_mosaic.version = 14 : i64} {
  func.func @_fin_body(%arg0: i32, %arg1: memref<1x1000x1xi32, #tpu.memory_space<vmem>>, %arg2: memref<1000x208xf32, #tpu.memory_space<vmem>>, %arg3: memref<1000x200xf32, #tpu.memory_space<vmem>>, %arg4: memref<1000x1xf32, #tpu.memory_space<vmem>>, %arg5: memref<1000x208xf32, #tpu.memory_space<vmem>>, %arg6: memref<16x200xf32, #tpu.memory_space<vmem>>, %arg7: memref<16x1xf32, #tpu.memory_space<vmem>>) attributes {dimension_semantics = [#tpu.dimension_semantics<arbitrary>], iteration_bounds = array<i64: 10>, scalar_prefetch = 0 : i64, scratch_operands = 0 : i64, tpu.core_type = #tpu.core_type<tc>, window_params = [{transform_indices = @transform_0, window_bounds = array<i64: 1, 1000, 1>}, {transform_indices = @transform_1, window_bounds = array<i64: 1000, 208>}, {transform_indices = @transform_2, window_bounds = array<i64: 1000, 200>}, {transform_indices = @transform_3, window_bounds = array<i64: 1000, 1>}, {transform_indices = @transform_4, window_bounds = array<i64: 1000, 208>}, {pipeline_mode = #tpu.pipeline_mode<synchronous>, transform_indices = @transform_5, window_bounds = array<i64: 16, 200>}, {pipeline_mode = #tpu.pipeline_mode<synchronous>, transform_indices = @transform_6, window_bounds = array<i64: 16, 1>}]} {
    %eq3A = arith.constant 0 : i32
    %eq3A_0 = arith.cmpi eq, %arg0, %eq3A : i32
    %convert_element_type3A = arith.extui %eq3A_0 : i1 to i32
    %cond3A = arith.constant 0 : i32
    %cond3A_1 = arith.cmpi ne, %convert_element_type3A, %cond3A : i32
    scf.if %cond3A_1 {
      %broadcast_in_dim3A_52 = arith.constant 0.000000e+00 : f32
      %broadcast_in_dim3A_53 = vector.broadcast %broadcast_in_dim3A_52 : f32 to vector<16x200xf32>
      %swap3A_54 = arith.constant 0 : index
      %swap3A_55 = arith.constant 0 : index
      %swap3A_56 = vector.load %arg6[%swap3A_54, %swap3A_55] : memref<16x200xf32, #tpu.memory_space<vmem>>, vector<16x200xf32>
      tpu.vector_store %arg6[%swap3A_54, %swap3A_55], %broadcast_in_dim3A_53 {strides = array<i32>} : memref<16x200xf32, #tpu.memory_space<vmem>>, vector<16x200xf32>,
      %broadcast_in_dim3A_57 = arith.constant 0.000000e+00 : f32
      %broadcast_in_dim3A_58 = vector.broadcast %broadcast_in_dim3A_57 : f32 to vector<16x1xf32>
      %swap3A_59 = arith.constant 0 : index
      %swap3A_60 = arith.constant 0 : index
      %swap3A_61 = vector.load %arg7[%swap3A_59, %swap3A_60] : memref<16x1xf32, #tpu.memory_space<vmem>>, vector<16x1xf32>
      tpu.vector_store %arg7[%swap3A_59, %swap3A_60], %broadcast_in_dim3A_58 {strides = array<i32>} : memref<16x1xf32, #tpu.memory_space<vmem>>, vector<16x1xf32>,
    } else {
    }
    %get3A = arith.constant 0 : index
    %get3A_2 = arith.constant 0 : index
    %get3A_3 = vector.load %arg2[%get3A, %get3A_2] : memref<1000x208xf32, #tpu.memory_space<vmem>>, vector<1000x200xf32>
    %get3A_4 = arith.constant 0 : index
    %get3A_5 = arith.constant 0 : index
    %get3A_6 = vector.load %arg3[%get3A_4, %get3A_5] : memref<1000x200xf32, #tpu.memory_space<vmem>>, vector<1000x200xf32>
    %get3A_7 = arith.constant 0 : index
    %get3A_8 = arith.constant 0 : index
    %get3A_9 = vector.load %arg4[%get3A_7, %get3A_8] : memref<1000x1xf32, #tpu.memory_space<vmem>>, vector<1000x1xf32>
    %max3A = arith.constant 1.000000e+00 : f32
    %max3A_10 = vector.broadcast %max3A : f32 to vector<1000x1xf32>
    %max3A_11 = arith.maximumf %get3A_9, %max3A_10 : vector<1000x1xf32>
    %div3A = vector.broadcast %max3A_11 : vector<1000x1xf32> to vector<1000x200xf32>
    %div3A_12 = arith.divf %get3A_6, %div3A : vector<1000x200xf32>
    %add3A = arith.addf %get3A_3, %div3A_12 : vector<1000x200xf32>
    %swap3A = arith.constant 0 : index
    %swap3A_13 = arith.constant 0 : index
    %swap3A_14 = vector.load %arg5[%swap3A, %swap3A_13] : memref<1000x208xf32, #tpu.memory_space<vmem>>, vector<1000x200xf32>
    tpu.vector_store %arg5[%swap3A, %swap3A_13], %add3A {strides = array<i32>} : memref<1000x208xf32, #tpu.memory_space<vmem>>, vector<1000x200xf32>,
    %broadcast_in_dim3A = arith.constant 0.000000e+00 : f32
    %broadcast_in_dim3A_15 = vector.broadcast %broadcast_in_dim3A : f32 to vector<1000x8xf32>
    %swap3A_16 = arith.constant 0 : index
    %swap3A_17 = arith.constant 200 : index
    %swap3A_18 = vector.load %arg5[%swap3A_16, %swap3A_17] : memref<1000x208xf32, #tpu.memory_space<vmem>>, vector<1000x8xf32>
    tpu.vector_store %arg5[%swap3A_16, %swap3A_17], %broadcast_in_dim3A_15 {strides = array<i32>} : memref<1000x208xf32, #tpu.memory_space<vmem>>, vector<1000x8xf32>,
    %get3A_19 = arith.constant 0 : index
    %get3A_20 = arith.constant 0 : index
    %get3A_21 = arith.constant 0 : index
    %get3A_22 = vector.load %arg1[%get3A_19, %get3A_20, %get3A_21] : memref<1x1000x1xi32, #tpu.memory_space<vmem>>, vector<1x1000x1xi32>
    %get3A_23 = vector.shape_cast %get3A_22 : vector<1x1000x1xi32> to vector<1000x1xi32>
    %iota3A = tpu.iota {dimensions = array<i32: 1>} : vector<1000x16xi32>
    %eq3A_24 = vector.broadcast %get3A_23 : vector<1000x1xi32> to vector<1000x16xi32>
    %eq3A_25 = arith.cmpi eq, %eq3A_24, %iota3A : vector<1000x16xi32>
    %convert_element_type3A_26 = arith.extui %eq3A_25 : vector<1000x16xi1> to vector<1000x16xi32>
    %convert_element_type3A_27 = arith.sitofp %convert_element_type3A_26 : vector<1000x16xi32> to vector<1000x16xf32>
    %get3A_28 = arith.constant 0 : index
    %get3A_29 = arith.constant 0 : index
    %get3A_30 = vector.load %arg6[%get3A_28, %get3A_29] : memref<16x200xf32, #tpu.memory_space<vmem>>, vector<16x200xf32>
    %convert_element_type3A_31 = arith.truncf %add3A : vector<1000x200xf32> to vector<1000x200xbf16>
    %convert_element_type3A_32 = arith.extf %convert_element_type3A_31 : vector<1000x200xbf16> to vector<1000x200xf32>
    %sub3A = arith.subf %add3A, %convert_element_type3A_32 : vector<1000x200xf32>
    %dot_general3A = arith.constant dense<0.000000e+00> : vector<16x200xf32>
    %dot_general3A_33 = tpu.matmul %convert_element_type3A_27, %convert_element_type3A_32, %dot_general3A {dimension_numbers = #tpu.dot_dimension_numbers<[0], [0], [1], [1], [0, 1, 1, 1], [], []>, transpose_lhs_hint = false} : vector<1000x16xf32>, vector<1000x200xf32>, vector<16x200xf32> -> vector<16x200xf32>
    %dot_general3A_34 = arith.constant dense<0.000000e+00> : vector<16x200xf32>
    %dot_general3A_35 = tpu.matmul %convert_element_type3A_27, %sub3A, %dot_general3A_34 {dimension_numbers = #tpu.dot_dimension_numbers<[0], [0], [1], [1], [0, 1, 1, 1], [], []>, transpose_lhs_hint = false} : vector<1000x16xf32>, vector<1000x200xf32>, vector<16x200xf32> -> vector<16x200xf32>
    %add3A_36 = arith.addf %dot_general3A_33, %dot_general3A_35 : vector<16x200xf32>
    %add3A_37 = arith.addf %get3A_30, %add3A_36 : vector<16x200xf32>
    %swap3A_38 = arith.constant 0 : index
    %swap3A_39 = arith.constant 0 : index
    %swap3A_40 = vector.load %arg6[%swap3A_38, %swap3A_39] : memref<16x200xf32, #tpu.memory_space<vmem>>, vector<16x200xf32>
    tpu.vector_store %arg6[%swap3A_38, %swap3A_39], %add3A_37 {strides = array<i32>} : memref<16x200xf32, #tpu.memory_space<vmem>>, vector<16x200xf32>,
    %get3A_41 = arith.constant 0 : index
    %get3A_42 = arith.constant 0 : index
    %get3A_43 = vector.load %arg7[%get3A_41, %get3A_42] : memref<16x1xf32, #tpu.memory_space<vmem>>, vector<16x1xf32>
    %broadcast_in_dim3A_44 = arith.constant 1.000000e+00 : f32
    %broadcast_in_dim3A_45 = vector.broadcast %broadcast_in_dim3A_44 : f32 to vector<1000x1xf32>
    %dot_general3A_46 = arith.constant dense<0.000000e+00> : vector<16x1xf32>
    %dot_general3A_47 = tpu.matmul %convert_element_type3A_27, %broadcast_in_dim3A_45, %dot_general3A_46 {dimension_numbers = #tpu.dot_dimension_numbers<[0], [0], [1], [1], [0, 1, 1, 1], [], []>, transpose_lhs_hint = false} : vector<1000x16xf32>, vector<1000x1xf32>, vector<16x1xf32> -> vector<16x1xf32>
    %add3A_48 = arith.addf %get3A_43, %dot_general3A_47 : vector<16x1xf32>
    %swap3A_49 = arith.constant 0 : index
    %swap3A_50 = arith.constant 0 : index
    %swap3A_51 = vector.load %arg7[%swap3A_49, %swap3A_50] : memref<16x1xf32, #tpu.memory_space<vmem>>, vector<16x1xf32>
    tpu.vector_store %arg7[%swap3A_49, %swap3A_50], %add3A_48 {strides = array<i32>} : memref<16x1xf32, #tpu.memory_space<vmem>>, vector<16x1xf32>,
    return
  }
  func.func @transform_0(%arg0: i32) -> (i32, i32, i32) {
    %c0_i32 = arith.constant 0 : i32
    %c0_i32_0 = arith.constant 0 : i32
    %c0_i32_1 = arith.constant 0 : i32
    return %arg0, %c0_i32, %c0_i32_0 : i32, i32, i32
  }
  func.func @transform_1(%arg0: i32) -> (i32, i32) {
    %c0_i32 = arith.constant 0 : i32
    %c0_i32_0 = arith.constant 0 : i32
    return %arg0, %c0_i32 : i32, i32
  }
  func.func @transform_2(%arg0: i32) -> (i32, i32) {
    %c0_i32 = arith.constant 0 : i32
    %c0_i32_0 = arith.constant 0 : i32
    return %arg0, %c0_i32 : i32, i32
  }
  func.func @transform_3(%arg0: i32) -> (i32, i32) {
    %c0_i32 = arith.constant 0 : i32
    %c0_i32_0 = arith.constant 0 : i32
    return %arg0, %c0_i32 : i32, i32
  }
  func.func @transform_4(%arg0: i32) -> (i32, i32) {
    %c0_i32 = arith.constant 0 : i32
    %c0_i32_0 = arith.constant 0 : i32
    return %arg0, %c0_i32 : i32, i32
  }
  func.func @transform_5(%arg0: i32) -> (i32, i32) {
    %c0_i32 = arith.constant 0 : i32
    %c0_i32_0 = arith.constant 0 : i32
    %c0_i32_1 = arith.constant 0 : i32
    return %c0_i32, %c0_i32_0 : i32, i32
  }
  func.func @transform_6(%arg0: i32) -> (i32, i32) {
    %c0_i32 = arith.constant 0 : i32
    %c0_i32_0 = arith.constant 0 : i32
    %c0_i32_1 = arith.constant 0 : i32
    return %c0_i32, %c0_i32_0 : i32, i32
  }
}

module attributes {stable_mosaic.version = 14 : i64} {
  func.func @_tail_body(%arg0: memref<3x64xf32, #tpu.memory_space<smem>>, %arg1: memref<1x64xf32, #tpu.memory_space<smem>>, %arg2: memref<16x200xf32, #tpu.memory_space<vmem>>, %arg3: memref<16x200xf32, #tpu.memory_space<vmem>>, %arg4: memref<16x1xf32, #tpu.memory_space<vmem>>, %arg5: memref<64x200x512xf32, #tpu.memory_space<vmem>>, %arg6: memref<1x512xf32, #tpu.memory_space<vmem>>, %arg7: memref<512x1024xf32, #tpu.memory_space<vmem>>, %arg8: memref<200x1024xf32, #tpu.memory_space<vmem>>, %arg9: memref<1x1024xf32, #tpu.memory_space<vmem>>, %arg10: memref<1024x1024xf32, #tpu.memory_space<vmem>>, %arg11: memref<200x1024xf32, #tpu.memory_space<vmem>>, %arg12: memref<1x1024xf32, #tpu.memory_space<vmem>>, %arg13: memref<1024x256xf32, #tpu.memory_space<vmem>>, %arg14: memref<64x200x256xf32, #tpu.memory_space<vmem>>, %arg15: memref<1x256xf32, #tpu.memory_space<vmem>>, %arg16: memref<256x1xf32, #tpu.memory_space<vmem>>, %arg17: memref<1x1xf32, #tpu.memory_space<vmem>>, %arg18: memref<16x1xf32, #tpu.memory_space<vmem>>) attributes {dimension_semantics = [], scalar_prefetch = 0 : i64, scratch_operands = 0 : i64, tpu.core_type = #tpu.core_type<tc>} {
    %get3A = arith.constant 0 : index
    %get3A_0 = arith.constant 0 : index
    %get3A_1 = vector.load %arg4[%get3A, %get3A_0] : memref<16x1xf32, #tpu.memory_space<vmem>>, vector<16x1xf32>
    %max3A = arith.constant 1.000000e+00 : f32
    %max3A_2 = vector.broadcast %max3A : f32 to vector<16x1xf32>
    %max3A_3 = arith.maximumf %get3A_1, %max3A_2 : vector<16x1xf32>
    %get3A_4 = arith.constant 0 : index
    %get3A_5 = arith.constant 0 : index
    %get3A_6 = vector.load %arg2[%get3A_4, %get3A_5] : memref<16x200xf32, #tpu.memory_space<vmem>>, vector<16x200xf32>
    %div3A = vector.broadcast %max3A_3 : vector<16x1xf32> to vector<16x200xf32>
    %div3A_7 = arith.divf %get3A_6, %div3A : vector<16x200xf32>
    %get3A_8 = arith.constant 0 : index
    %get3A_9 = arith.constant 0 : index
    %get3A_10 = vector.load %arg3[%get3A_8, %get3A_9] : memref<16x200xf32, #tpu.memory_space<vmem>>, vector<16x200xf32>
    %div3A_11 = vector.broadcast %max3A_3 : vector<16x1xf32> to vector<16x200xf32>
    %div3A_12 = arith.divf %get3A_10, %div3A_11 : vector<16x200xf32>
    %broadcast_in_dim3A = arith.constant 0.000000e+00 : f32
    %broadcast_in_dim3A_13 = vector.broadcast %broadcast_in_dim3A : f32 to vector<16x1xf32>
    %concatenate3A = tpu.concatenate %broadcast_in_dim3A_13, %div3A_12, %broadcast_in_dim3A_13 in 1 : vector<16x1xf32>, vector<16x200xf32>, vector<16x1xf32> -> vector<16x202xf32>
    %broadcast_in_dim3A_14 = arith.constant 0.000000e+00 : f32
    %broadcast_in_dim3A_15 = vector.broadcast %broadcast_in_dim3A_14 : f32 to vector<16x512xf32>
    %slice3A = vector.extract_strided_slice %concatenate3A {offsets = [0, 0], sizes = [16, 200], strides = [1, 1]} : vector<16x202xf32> to vector<16x200xf32>
    %convert_element_type3A = arith.truncf %slice3A : vector<16x200xf32> to vector<16x200xbf16>
    %convert_element_type3A_16 = arith.extf %convert_element_type3A : vector<16x200xbf16> to vector<16x200xf32>
    %get3A_17 = arith.constant 0 : index
    %get3A_18 = arith.constant 0 : index
    %get3A_19 = memref.load %arg0[%get3A_17, %get3A_18] : memref<3x64xf32, #tpu.memory_space<smem>>
    %convert_element_type3A_20 = arith.truncf %get3A_19 : f32 to bf16
    %convert_element_type3A_21 = arith.extf %convert_element_type3A_20 : bf16 to f32
    %mul3A = vector.broadcast %convert_element_type3A_21 : f32 to vector<16x200xf32>
    %mul3A_22 = arith.mulf %convert_element_type3A_16, %mul3A : vector<16x200xf32>
    %slice3A_23 = vector.extract_strided_slice %concatenate3A {offsets = [0, 1], sizes = [16, 200], strides = [1, 1]} : vector<16x202xf32> to vector<16x200xf32>
    %convert_element_type3A_24 = arith.truncf %slice3A_23 : vector<16x200xf32> to vector<16x200xbf16>
    %convert_element_type3A_25 = arith.extf %convert_element_type3A_24 : vector<16x200xbf16> to vector<16x200xf32>
    %get3A_26 = arith.constant 1 : index
    %get3A_27 = arith.constant 0 : index
    %get3A_28 = memref.load %arg0[%get3A_26, %get3A_27] : memref<3x64xf32, #tpu.memory_space<smem>>
    %convert_element_type3A_29 = arith.truncf %get3A_28 : f32 to bf16
    %convert_element_type3A_30 = arith.extf %convert_element_type3A_29 : bf16 to f32
    %mul3A_31 = vector.broadcast %convert_element_type3A_30 : f32 to vector<16x200xf32>
    %mul3A_32 = arith.mulf %convert_element_type3A_25, %mul3A_31 : vector<16x200xf32>
    %add3A = arith.addf %mul3A_22, %mul3A_32 : vector<16x200xf32>
    %slice3A_33 = vector.extract_strided_slice %concatenate3A {offsets = [0, 2], sizes = [16, 200], strides = [1, 1]} : vector<16x202xf32> to vector<16x200xf32>
    %convert_element_type3A_34 = arith.truncf %slice3A_33 : vector<16x200xf32> to vector<16x200xbf16>
    %convert_element_type3A_35 = arith.extf %convert_element_type3A_34 : vector<16x200xbf16> to vector<16x200xf32>
    %get3A_36 = arith.constant 2 : index
    %get3A_37 = arith.constant 0 : index
    %get3A_38 = memref.load %arg0[%get3A_36, %get3A_37] : memref<3x64xf32, #tpu.memory_space<smem>>
    %convert_element_type3A_39 = arith.truncf %get3A_38 : f32 to bf16
    %convert_element_type3A_40 = arith.extf %convert_element_type3A_39 : bf16 to f32
    %mul3A_41 = vector.broadcast %convert_element_type3A_40 : f32 to vector<16x200xf32>
    %mul3A_42 = arith.mulf %convert_element_type3A_35, %mul3A_41 : vector<16x200xf32>
    %add3A_43 = arith.addf %add3A, %mul3A_42 : vector<16x200xf32>
    %get3A_44 = arith.constant 0 : index
    %get3A_45 = arith.constant 0 : index
    %get3A_46 = memref.load %arg1[%get3A_44, %get3A_45] : memref<1x64xf32, #tpu.memory_space<smem>>
    %add3A_47 = vector.broadcast %get3A_46 : f32 to vector<16x200xf32>
    %add3A_48 = arith.addf %add3A_43, %add3A_47 : vector<16x200xf32>
    %max3A_49 = arith.constant 0.000000e+00 : f32
    %max3A_50 = vector.broadcast %max3A_49 : f32 to vector<16x200xf32>
    %max3A_51 = arith.maximumf %add3A_48, %max3A_50 : vector<16x200xf32>
    %get3A_52 = arith.constant 0 : index
    %get3A_53 = arith.constant 0 : index
    %get3A_54 = arith.constant 0 : index
    %get3A_55 = vector.load %arg5[%get3A_52, %get3A_53, %get3A_54] : memref<64x200x512xf32, #tpu.memory_space<vmem>>, vector<1x200x512xf32>
    %get3A_56 = vector.shape_cast %get3A_55 : vector<1x200x512xf32> to vector<200x512xf32>
    %dot_general3A = arith.constant dense<0.000000e+00> : vector<16x512xf32>
    %dot_general3A_57 = tpu.matmul %max3A_51, %get3A_56, %dot_general3A {dimension_numbers = #tpu.dot_dimension_numbers<[1], [0], [0], [1], [0, 0, 1, 1], [], []>, transpose_lhs_hint = false} : vector<16x200xf32>, vector<200x512xf32>, vector<16x512xf32> -> vector<16x512xf32>
    %add3A_58 = arith.addf %broadcast_in_dim3A_15, %dot_general3A_57 : vector<16x512xf32>
    %slice3A_59 = vector.extract_strided_slice %concatenate3A {offsets = [0, 0], sizes = [16, 200], strides = [1, 1]} : vector<16x202xf32> to vector<16x200xf32>
    %convert_element_type3A_60 = arith.truncf %slice3A_59 : vector<16x200xf32> to vector<16x200xbf16>
    %convert_element_type3A_61 = arith.extf %convert_element_type3A_60 : vector<16x200xbf16> to vector<16x200xf32>
    %get3A_62 = arith.constant 0 : index
    %get3A_63 = arith.constant 1 : index
    %get3A_64 = memref.load %arg0[%get3A_62, %get3A_63] : memref<3x64xf32, #tpu.memory_space<smem>>
    %convert_element_type3A_65 = arith.truncf %get3A_64 : f32 to bf16
    %convert_element_type3A_66 = arith.extf %convert_element_type3A_65 : bf16 to f32
    %mul3A_67 = vector.broadcast %convert_element_type3A_66 : f32 to vector<16x200xf32>
    %mul3A_68 = arith.mulf %convert_element_type3A_61, %mul3A_67 : vector<16x200xf32>
    %slice3A_69 = vector.extract_strided_slice %concatenate3A {offsets = [0, 1], sizes = [16, 200], strides = [1, 1]} : vector<16x202xf32> to vector<16x200xf32>
    %convert_element_type3A_70 = arith.truncf %slice3A_69 : vector<16x200xf32> to vector<16x200xbf16>
    %convert_element_type3A_71 = arith.extf %convert_element_type3A_70 : vector<16x200xbf16> to vector<16x200xf32>
    %get3A_72 = arith.constant 1 : index
    %get3A_73 = arith.constant 1 : index
    %get3A_74 = memref.load %arg0[%get3A_72, %get3A_73] : memref<3x64xf32, #tpu.memory_space<smem>>
    %convert_element_type3A_75 = arith.truncf %get3A_74 : f32 to bf16
    %convert_element_type3A_76 = arith.extf %convert_element_type3A_75 : bf16 to f32
    %mul3A_77 = vector.broadcast %convert_element_type3A_76 : f32 to vector<16x200xf32>
    %mul3A_78 = arith.mulf %convert_element_type3A_71, %mul3A_77 : vector<16x200xf32>
    %add3A_79 = arith.addf %mul3A_68, %mul3A_78 : vector<16x200xf32>
    %slice3A_80 = vector.extract_strided_slice %concatenate3A {offsets = [0, 2], sizes = [16, 200], strides = [1, 1]} : vector<16x202xf32> to vector<16x200xf32>
    %convert_element_type3A_81 = arith.truncf %slice3A_80 : vector<16x200xf32> to vector<16x200xbf16>
    %convert_element_type3A_82 = arith.extf %convert_element_type3A_81 : vector<16x200xbf16> to vector<16x200xf32>
    %get3A_83 = arith.constant 2 : index
    %get3A_84 = arith.constant 1 : index
    %get3A_85 = memref.load %arg0[%get3A_83, %get3A_84] : memref<3x64xf32, #tpu.memory_space<smem>>
    %convert_element_type3A_86 = arith.truncf %get3A_85 : f32 to bf16
    %convert_element_type3A_87 = arith.extf %convert_element_type3A_86 : bf16 to f32
    %mul3A_88 = vector.broadcast %convert_element_type3A_87 : f32 to vector<16x200xf32>
    %mul3A_89 = arith.mulf %convert_element_type3A_82, %mul3A_88 : vector<16x200xf32>
    %add3A_90 = arith.addf %add3A_79, %mul3A_89 : vector<16x200xf32>
    %get3A_91 = arith.constant 0 : index
    %get3A_92 = arith.constant 1 : index
    %get3A_93 = memref.load %arg1[%get3A_91, %get3A_92] : memref<1x64xf32, #tpu.memory_space<smem>>
    %add3A_94 = vector.broadcast %get3A_93 : f32 to vector<16x200xf32>
    %add3A_95 = arith.addf %add3A_90, %add3A_94 : vector<16x200xf32>
    %max3A_96 = arith.constant 0.000000e+00 : f32
    %max3A_97 = vector.broadcast %max3A_96 : f32 to vector<16x200xf32>
    %max3A_98 = arith.maximumf %add3A_95, %max3A_97 : vector<16x200xf32>
    %get3A_99 = arith.constant 1 : index
    %get3A_100 = arith.constant 0 : index
    %get3A_101 = arith.constant 0 : index
    %get3A_102 = vector.load %arg5[%get3A_99, %get3A_100, %get3A_101] : memref<64x200x512xf32, #tpu.memory_space<vmem>>, vector<1x200x512xf32>
    %get3A_103 = vector.shape_cast %get3A_102 : vector<1x200x512xf32> to vector<200x512xf32>
    %dot_general3A_104 = arith.constant dense<0.000000e+00> : vector<16x512xf32>
    %dot_general3A_105 = tpu.matmul %max3A_98, %get3A_103, %dot_general3A_104 {dimension_numbers = #tpu.dot_dimension_numbers<[1], [0], [0], [1], [0, 0, 1, 1], [], []>, transpose_lhs_hint = false} : vector<16x200xf32>, vector<200x512xf32>, vector<16x512xf32> -> vector<16x512xf32>
    %add3A_106 = arith.addf %add3A_58, %dot_general3A_105 : vector<16x512xf32>
    %slice3A_107 = vector.extract_strided_slice %concatenate3A {offsets = [0, 0], sizes = [16, 200], strides = [1, 1]} : vector<16x202xf32> to vector<16x200xf32>
    %convert_element_type3A_108 = arith.truncf %slice3A_107 : vector<16x200xf32> to vector<16x200xbf16>
    %convert_element_type3A_109 = arith.extf %convert_element_type3A_108 : vector<16x200xbf16> to vector<16x200xf32>
    %get3A_110 = arith.constant 0 : index
    %get3A_111 = arith.constant 2 : index
    %get3A_112 = memref.load %arg0[%get3A_110, %get3A_111] : memref<3x64xf32, #tpu.memory_space<smem>>
    %convert_element_type3A_113 = arith.truncf %get3A_112 : f32 to bf16
    %convert_element_type3A_114 = arith.extf %convert_element_type3A_113 : bf16 to f32
    %mul3A_115 = vector.broadcast %convert_element_type3A_114 : f32 to vector<16x200xf32>
    %mul3A_116 = arith.mulf %convert_element_type3A_109, %mul3A_115 : vector<16x200xf32>
    %slice3A_117 = vector.extract_strided_slice %concatenate3A {offsets = [0, 1], sizes = [16, 200], strides = [1, 1]} : vector<16x202xf32> to vector<16x200xf32>
    %convert_element_type3A_118 = arith.truncf %slice3A_117 : vector<16x200xf32> to vector<16x200xbf16>
    %convert_element_type3A_119 = arith.extf %convert_element_type3A_118 : vector<16x200xbf16> to vector<16x200xf32>
    %get3A_120 = arith.constant 1 : index
    %get3A_121 = arith.constant 2 : index
    %get3A_122 = memref.load %arg0[%get3A_120, %get3A_121] : memref<3x64xf32, #tpu.memory_space<smem>>
    %convert_element_type3A_123 = arith.truncf %get3A_122 : f32 to bf16
    %convert_element_type3A_124 = arith.extf %convert_element_type3A_123 : bf16 to f32
    %mul3A_125 = vector.broadcast %convert_element_type3A_124 : f32 to vector<16x200xf32>
    %mul3A_126 = arith.mulf %convert_element_type3A_119, %mul3A_125 : vector<16x200xf32>
    %add3A_127 = arith.addf %mul3A_116, %mul3A_126 : vector<16x200xf32>
    %slice3A_128 = vector.extract_strided_slice %concatenate3A {offsets = [0, 2], sizes = [16, 200], strides = [1, 1]} : vector<16x202xf32> to vector<16x200xf32>
    %convert_element_type3A_129 = arith.truncf %slice3A_128 : vector<16x200xf32> to vector<16x200xbf16>
    %convert_element_type3A_130 = arith.extf %convert_element_type3A_129 : vector<16x200xbf16> to vector<16x200xf32>
    %get3A_131 = arith.constant 2 : index
    %get3A_132 = arith.constant 2 : index
    %get3A_133 = memref.load %arg0[%get3A_131, %get3A_132] : memref<3x64xf32, #tpu.memory_space<smem>>
    %convert_element_type3A_134 = arith.truncf %get3A_133 : f32 to bf16
    %convert_element_type3A_135 = arith.extf %convert_element_type3A_134 : bf16 to f32
    %mul3A_136 = vector.broadcast %convert_element_type3A_135 : f32 to vector<16x200xf32>
    %mul3A_137 = arith.mulf %convert_element_type3A_130, %mul3A_136 : vector<16x200xf32>
    %add3A_138 = arith.addf %add3A_127, %mul3A_137 : vector<16x200xf32>
    %get3A_139 = arith.constant 0 : index
    %get3A_140 = arith.constant 2 : index
    %get3A_141 = memref.load %arg1[%get3A_139, %get3A_140] : memref<1x64xf32, #tpu.memory_space<smem>>
    %add3A_142 = vector.broadcast %get3A_141 : f32 to vector<16x200xf32>
    %add3A_143 = arith.addf %add3A_138, %add3A_142 : vector<16x200xf32>
    %max3A_144 = arith.constant 0.000000e+00 : f32
    %max3A_145 = vector.broadcast %max3A_144 : f32 to vector<16x200xf32>
    %max3A_146 = arith.maximumf %add3A_143, %max3A_145 : vector<16x200xf32>
    %get3A_147 = arith.constant 2 : index
    %get3A_148 = arith.constant 0 : index
    %get3A_149 = arith.constant 0 : index
    %get3A_150 = vector.load %arg5[%get3A_147, %get3A_148, %get3A_149] : memref<64x200x512xf32, #tpu.memory_space<vmem>>, vector<1x200x512xf32>
    %get3A_151 = vector.shape_cast %get3A_150 : vector<1x200x512xf32> to vector<200x512xf32>
    %dot_general3A_152 = arith.constant dense<0.000000e+00> : vector<16x512xf32>
    %dot_general3A_153 = tpu.matmul %max3A_146, %get3A_151, %dot_general3A_152 {dimension_numbers = #tpu.dot_dimension_numbers<[1], [0], [0], [1], [0, 0, 1, 1], [], []>, transpose_lhs_hint = false} : vector<16x200xf32>, vector<200x512xf32>, vector<16x512xf32> -> vector<16x512xf32>
    %add3A_154 = arith.addf %add3A_106, %dot_general3A_153 : vector<16x512xf32>
    %slice3A_155 = vector.extract_strided_slice %concatenate3A {offsets = [0, 0], sizes = [16, 200], strides = [1, 1]} : vector<16x202xf32> to vector<16x200xf32>
    %convert_element_type3A_156 = arith.truncf %slice3A_155 : vector<16x200xf32> to vector<16x200xbf16>
    %convert_element_type3A_157 = arith.extf %convert_element_type3A_156 : vector<16x200xbf16> to vector<16x200xf32>
    %get3A_158 = arith.constant 0 : index
    %get3A_159 = arith.constant 3 : index
    %get3A_160 = memref.load %arg0[%get3A_158, %get3A_159] : memref<3x64xf32, #tpu.memory_space<smem>>
    %convert_element_type3A_161 = arith.truncf %get3A_160 : f32 to bf16
    %convert_element_type3A_162 = arith.extf %convert_element_type3A_161 : bf16 to f32
    %mul3A_163 = vector.broadcast %convert_element_type3A_162 : f32 to vector<16x200xf32>
    %mul3A_164 = arith.mulf %convert_element_type3A_157, %mul3A_163 : vector<16x200xf32>
    %slice3A_165 = vector.extract_strided_slice %concatenate3A {offsets = [0, 1], sizes = [16, 200], strides = [1, 1]} : vector<16x202xf32> to vector<16x200xf32>
    %convert_element_type3A_166 = arith.truncf %slice3A_165 : vector<16x200xf32> to vector<16x200xbf16>
    %convert_element_type3A_167 = arith.extf %convert_element_type3A_166 : vector<16x200xbf16> to vector<16x200xf32>
    %get3A_168 = arith.constant 1 : index
    %get3A_169 = arith.constant 3 : index
    %get3A_170 = memref.load %arg0[%get3A_168, %get3A_169] : memref<3x64xf32, #tpu.memory_space<smem>>
    %convert_element_type3A_171 = arith.truncf %get3A_170 : f32 to bf16
    %convert_element_type3A_172 = arith.extf %convert_element_type3A_171 : bf16 to f32
    %mul3A_173 = vector.broadcast %convert_element_type3A_172 : f32 to vector<16x200xf32>
    %mul3A_174 = arith.mulf %convert_element_type3A_167, %mul3A_173 : vector<16x200xf32>
    %add3A_175 = arith.addf %mul3A_164, %mul3A_174 : vector<16x200xf32>
    %slice3A_176 = vector.extract_strided_slice %concatenate3A {offsets = [0, 2], sizes = [16, 200], strides = [1, 1]} : vector<16x202xf32> to vector<16x200xf32>
    %convert_element_type3A_177 = arith.truncf %slice3A_176 : vector<16x200xf32> to vector<16x200xbf16>
    %convert_element_type3A_178 = arith.extf %convert_element_type3A_177 : vector<16x200xbf16> to vector<16x200xf32>
    %get3A_179 = arith.constant 2 : index
    %get3A_180 = arith.constant 3 : index
    %get3A_181 = memref.load %arg0[%get3A_179, %get3A_180] : memref<3x64xf32, #tpu.memory_space<smem>>
    %convert_element_type3A_182 = arith.truncf %get3A_181 : f32 to bf16
    %convert_element_type3A_183 = arith.extf %convert_element_type3A_182 : bf16 to f32
    %mul3A_184 = vector.broadcast %convert_element_type3A_183 : f32 to vector<16x200xf32>
    %mul3A_185 = arith.mulf %convert_element_type3A_178, %mul3A_184 : vector<16x200xf32>
    %add3A_186 = arith.addf %add3A_175, %mul3A_185 : vector<16x200xf32>
    %get3A_187 = arith.constant 0 : index
    %get3A_188 = arith.constant 3 : index
    %get3A_189 = memref.load %arg1[%get3A_187, %get3A_188] : memref<1x64xf32, #tpu.memory_space<smem>>
    %add3A_190 = vector.broadcast %get3A_189 : f32 to vector<16x200xf32>
    %add3A_191 = arith.addf %add3A_186, %add3A_190 : vector<16x200xf32>
    %max3A_192 = arith.constant 0.000000e+00 : f32
    %max3A_193 = vector.broadcast %max3A_192 : f32 to vector<16x200xf32>
    %max3A_194 = arith.maximumf %add3A_191, %max3A_193 : vector<16x200xf32>
    %get3A_195 = arith.constant 3 : index
    %get3A_196 = arith.constant 0 : index
    %get3A_197 = arith.constant 0 : index
    %get3A_198 = vector.load %arg5[%get3A_195, %get3A_196, %get3A_197] : memref<64x200x512xf32, #tpu.memory_space<vmem>>, vector<1x200x512xf32>
    %get3A_199 = vector.shape_cast %get3A_198 : vector<1x200x512xf32> to vector<200x512xf32>
    %dot_general3A_200 = arith.constant dense<0.000000e+00> : vector<16x512xf32>
    %dot_general3A_201 = tpu.matmul %max3A_194, %get3A_199, %dot_general3A_200 {dimension_numbers = #tpu.dot_dimension_numbers<[1], [0], [0], [1], [0, 0, 1, 1], [], []>, transpose_lhs_hint = false} : vector<16x200xf32>, vector<200x512xf32>, vector<16x512xf32> -> vector<16x512xf32>
    %add3A_202 = arith.addf %add3A_154, %dot_general3A_201 : vector<16x512xf32>
    %slice3A_203 = vector.extract_strided_slice %concatenate3A {offsets = [0, 0], sizes = [16, 200], strides = [1, 1]} : vector<16x202xf32> to vector<16x200xf32>
    %convert_element_type3A_204 = arith.truncf %slice3A_203 : vector<16x200xf32> to vector<16x200xbf16>
    %convert_element_type3A_205 = arith.extf %convert_element_type3A_204 : vector<16x200xbf16> to vector<16x200xf32>
    %get3A_206 = arith.constant 0 : index
    %get3A_207 = arith.constant 4 : index
    %get3A_208 = memref.load %arg0[%get3A_206, %get3A_207] : memref<3x64xf32, #tpu.memory_space<smem>>
    %convert_element_type3A_209 = arith.truncf %get3A_208 : f32 to bf16
    %convert_element_type3A_210 = arith.extf %convert_element_type3A_209 : bf16 to f32
    %mul3A_211 = vector.broadcast %convert_element_type3A_210 : f32 to vector<16x200xf32>
    %mul3A_212 = arith.mulf %convert_element_type3A_205, %mul3A_211 : vector<16x200xf32>
    %slice3A_213 = vector.extract_strided_slice %concatenate3A {offsets = [0, 1], sizes = [16, 200], strides = [1, 1]} : vector<16x202xf32> to vector<16x200xf32>
    %convert_element_type3A_214 = arith.truncf %slice3A_213 : vector<16x200xf32> to vector<16x200xbf16>
    %convert_element_type3A_215 = arith.extf %convert_element_type3A_214 : vector<16x200xbf16> to vector<16x200xf32>
    %get3A_216 = arith.constant 1 : index
    %get3A_217 = arith.constant 4 : index
    %get3A_218 = memref.load %arg0[%get3A_216, %get3A_217] : memref<3x64xf32, #tpu.memory_space<smem>>
    %convert_element_type3A_219 = arith.truncf %get3A_218 : f32 to bf16
    %convert_element_type3A_220 = arith.extf %convert_element_type3A_219 : bf16 to f32
    %mul3A_221 = vector.broadcast %convert_element_type3A_220 : f32 to vector<16x200xf32>
    %mul3A_222 = arith.mulf %convert_element_type3A_215, %mul3A_221 : vector<16x200xf32>
    %add3A_223 = arith.addf %mul3A_212, %mul3A_222 : vector<16x200xf32>
    %slice3A_224 = vector.extract_strided_slice %concatenate3A {offsets = [0, 2], sizes = [16, 200], strides = [1, 1]} : vector<16x202xf32> to vector<16x200xf32>
    %convert_element_type3A_225 = arith.truncf %slice3A_224 : vector<16x200xf32> to vector<16x200xbf16>
    %convert_element_type3A_226 = arith.extf %convert_element_type3A_225 : vector<16x200xbf16> to vector<16x200xf32>
    %get3A_227 = arith.constant 2 : index
    %get3A_228 = arith.constant 4 : index
    %get3A_229 = memref.load %arg0[%get3A_227, %get3A_228] : memref<3x64xf32, #tpu.memory_space<smem>>
    %convert_element_type3A_230 = arith.truncf %get3A_229 : f32 to bf16
    %convert_element_type3A_231 = arith.extf %convert_element_type3A_230 : bf16 to f32
    %mul3A_232 = vector.broadcast %convert_element_type3A_231 : f32 to vector<16x200xf32>
    %mul3A_233 = arith.mulf %convert_element_type3A_226, %mul3A_232 : vector<16x200xf32>
    %add3A_234 = arith.addf %add3A_223, %mul3A_233 : vector<16x200xf32>
    %get3A_235 = arith.constant 0 : index
    %get3A_236 = arith.constant 4 : index
    %get3A_237 = memref.load %arg1[%get3A_235, %get3A_236] : memref<1x64xf32, #tpu.memory_space<smem>>
    %add3A_238 = vector.broadcast %get3A_237 : f32 to vector<16x200xf32>
    %add3A_239 = arith.addf %add3A_234, %add3A_238 : vector<16x200xf32>
    %max3A_240 = arith.constant 0.000000e+00 : f32
    %max3A_241 = vector.broadcast %max3A_240 : f32 to vector<16x200xf32>
    %max3A_242 = arith.maximumf %add3A_239, %max3A_241 : vector<16x200xf32>
    %get3A_243 = arith.constant 4 : index
    %get3A_244 = arith.constant 0 : index
    %get3A_245 = arith.constant 0 : index
    %get3A_246 = vector.load %arg5[%get3A_243, %get3A_244, %get3A_245] : memref<64x200x512xf32, #tpu.memory_space<vmem>>, vector<1x200x512xf32>
    %get3A_247 = vector.shape_cast %get3A_246 : vector<1x200x512xf32> to vector<200x512xf32>
    %dot_general3A_248 = arith.constant dense<0.000000e+00> : vector<16x512xf32>
    %dot_general3A_249 = tpu.matmul %max3A_242, %get3A_247, %dot_general3A_248 {dimension_numbers = #tpu.dot_dimension_numbers<[1], [0], [0], [1], [0, 0, 1, 1], [], []>, transpose_lhs_hint = false} : vector<16x200xf32>, vector<200x512xf32>, vector<16x512xf32> -> vector<16x512xf32>
    %add3A_250 = arith.addf %add3A_202, %dot_general3A_249 : vector<16x512xf32>
    %slice3A_251 = vector.extract_strided_slice %concatenate3A {offsets = [0, 0], sizes = [16, 200], strides = [1, 1]} : vector<16x202xf32> to vector<16x200xf32>
    %convert_element_type3A_252 = arith.truncf %slice3A_251 : vector<16x200xf32> to vector<16x200xbf16>
    %convert_element_type3A_253 = arith.extf %convert_element_type3A_252 : vector<16x200xbf16> to vector<16x200xf32>
    %get3A_254 = arith.constant 0 : index
    %get3A_255 = arith.constant 5 : index
    %get3A_256 = memref.load %arg0[%get3A_254, %get3A_255] : memref<3x64xf32, #tpu.memory_space<smem>>
    %convert_element_type3A_257 = arith.truncf %get3A_256 : f32 to bf16
    %convert_element_type3A_258 = arith.extf %convert_element_type3A_257 : bf16 to f32
    %mul3A_259 = vector.broadcast %convert_element_type3A_258 : f32 to vector<16x200xf32>
    %mul3A_260 = arith.mulf %convert_element_type3A_253, %mul3A_259 : vector<16x200xf32>
    %slice3A_261 = vector.extract_strided_slice %concatenate3A {offsets = [0, 1], sizes = [16, 200], strides = [1, 1]} : vector<16x202xf32> to vector<16x200xf32>
    %convert_element_type3A_262 = arith.truncf %slice3A_261 : vector<16x200xf32> to vector<16x200xbf16>
    %convert_element_type3A_263 = arith.extf %convert_element_type3A_262 : vector<16x200xbf16> to vector<16x200xf32>
    %get3A_264 = arith.constant 1 : index
    %get3A_265 = arith.constant 5 : index
    %get3A_266 = memref.load %arg0[%get3A_264, %get3A_265] : memref<3x64xf32, #tpu.memory_space<smem>>
    %convert_element_type3A_267 = arith.truncf %get3A_266 : f32 to bf16
    %convert_element_type3A_268 = arith.extf %convert_element_type3A_267 : bf16 to f32
    %mul3A_269 = vector.broadcast %convert_element_type3A_268 : f32 to vector<16x200xf32>
    %mul3A_270 = arith.mulf %convert_element_type3A_263, %mul3A_269 : vector<16x200xf32>
    %add3A_271 = arith.addf %mul3A_260, %mul3A_270 : vector<16x200xf32>
    %slice3A_272 = vector.extract_strided_slice %concatenate3A {offsets = [0, 2], sizes = [16, 200], strides = [1, 1]} : vector<16x202xf32> to vector<16x200xf32>
    %convert_element_type3A_273 = arith.truncf %slice3A_272 : vector<16x200xf32> to vector<16x200xbf16>
    %convert_element_type3A_274 = arith.extf %convert_element_type3A_273 : vector<16x200xbf16> to vector<16x200xf32>
    %get3A_275 = arith.constant 2 : index
    %get3A_276 = arith.constant 5 : index
    %get3A_277 = memref.load %arg0[%get3A_275, %get3A_276] : memref<3x64xf32, #tpu.memory_space<smem>>
    %convert_element_type3A_278 = arith.truncf %get3A_277 : f32 to bf16
    %convert_element_type3A_279 = arith.extf %convert_element_type3A_278 : bf16 to f32
    %mul3A_280 = vector.broadcast %convert_element_type3A_279 : f32 to vector<16x200xf32>
    %mul3A_281 = arith.mulf %convert_element_type3A_274, %mul3A_280 : vector<16x200xf32>
    %add3A_282 = arith.addf %add3A_271, %mul3A_281 : vector<16x200xf32>
    %get3A_283 = arith.constant 0 : index
    %get3A_284 = arith.constant 5 : index
    %get3A_285 = memref.load %arg1[%get3A_283, %get3A_284] : memref<1x64xf32, #tpu.memory_space<smem>>
    %add3A_286 = vector.broadcast %get3A_285 : f32 to vector<16x200xf32>
    %add3A_287 = arith.addf %add3A_282, %add3A_286 : vector<16x200xf32>
    %max3A_288 = arith.constant 0.000000e+00 : f32
    %max3A_289 = vector.broadcast %max3A_288 : f32 to vector<16x200xf32>
    %max3A_290 = arith.maximumf %add3A_287, %max3A_289 : vector<16x200xf32>
    %get3A_291 = arith.constant 5 : index
    %get3A_292 = arith.constant 0 : index
    %get3A_293 = arith.constant 0 : index
    %get3A_294 = vector.load %arg5[%get3A_291, %get3A_292, %get3A_293] : memref<64x200x512xf32, #tpu.memory_space<vmem>>, vector<1x200x512xf32>
    %get3A_295 = vector.shape_cast %get3A_294 : vector<1x200x512xf32> to vector<200x512xf32>
    %dot_general3A_296 = arith.constant dense<0.000000e+00> : vector<16x512xf32>
    %dot_general3A_297 = tpu.matmul %max3A_290, %get3A_295, %dot_general3A_296 {dimension_numbers = #tpu.dot_dimension_numbers<[1], [0], [0], [1], [0, 0, 1, 1], [], []>, transpose_lhs_hint = false} : vector<16x200xf32>, vector<200x512xf32>, vector<16x512xf32> -> vector<16x512xf32>
    %add3A_298 = arith.addf %add3A_250, %dot_general3A_297 : vector<16x512xf32>
    %slice3A_299 = vector.extract_strided_slice %concatenate3A {offsets = [0, 0], sizes = [16, 200], strides = [1, 1]} : vector<16x202xf32> to vector<16x200xf32>
    %convert_element_type3A_300 = arith.truncf %slice3A_299 : vector<16x200xf32> to vector<16x200xbf16>
    %convert_element_type3A_301 = arith.extf %convert_element_type3A_300 : vector<16x200xbf16> to vector<16x200xf32>
    %get3A_302 = arith.constant 0 : index
    %get3A_303 = arith.constant 6 : index
    %get3A_304 = memref.load %arg0[%get3A_302, %get3A_303] : memref<3x64xf32, #tpu.memory_space<smem>>
    %convert_element_type3A_305 = arith.truncf %get3A_304 : f32 to bf16
    %convert_element_type3A_306 = arith.extf %convert_element_type3A_305 : bf16 to f32
    %mul3A_307 = vector.broadcast %convert_element_type3A_306 : f32 to vector<16x200xf32>
    %mul3A_308 = arith.mulf %convert_element_type3A_301, %mul3A_307 : vector<16x200xf32>
    %slice3A_309 = vector.extract_strided_slice %concatenate3A {offsets = [0, 1], sizes = [16, 200], strides = [1, 1]} : vector<16x202xf32> to vector<16x200xf32>
    %convert_element_type3A_310 = arith.truncf %slice3A_309 : vector<16x200xf32> to vector<16x200xbf16>
    %convert_element_type3A_311 = arith.extf %convert_element_type3A_310 : vector<16x200xbf16> to vector<16x200xf32>
    %get3A_312 = arith.constant 1 : index
    %get3A_313 = arith.constant 6 : index
    %get3A_314 = memref.load %arg0[%get3A_312, %get3A_313] : memref<3x64xf32, #tpu.memory_space<smem>>
    %convert_element_type3A_315 = arith.truncf %get3A_314 : f32 to bf16
    %convert_element_type3A_316 = arith.extf %convert_element_type3A_315 : bf16 to f32
    %mul3A_317 = vector.broadcast %convert_element_type3A_316 : f32 to vector<16x200xf32>
    %mul3A_318 = arith.mulf %convert_element_type3A_311, %mul3A_317 : vector<16x200xf32>
    %add3A_319 = arith.addf %mul3A_308, %mul3A_318 : vector<16x200xf32>
    %slice3A_320 = vector.extract_strided_slice %concatenate3A {offsets = [0, 2], sizes = [16, 200], strides = [1, 1]} : vector<16x202xf32> to vector<16x200xf32>
    %convert_element_type3A_321 = arith.truncf %slice3A_320 : vector<16x200xf32> to vector<16x200xbf16>
    %convert_element_type3A_322 = arith.extf %convert_element_type3A_321 : vector<16x200xbf16> to vector<16x200xf32>
    %get3A_323 = arith.constant 2 : index
    %get3A_324 = arith.constant 6 : index
    %get3A_325 = memref.load %arg0[%get3A_323, %get3A_324] : memref<3x64xf32, #tpu.memory_space<smem>>
    %convert_element_type3A_326 = arith.truncf %get3A_325 : f32 to bf16
    %convert_element_type3A_327 = arith.extf %convert_element_type3A_326 : bf16 to f32
    %mul3A_328 = vector.broadcast %convert_element_type3A_327 : f32 to vector<16x200xf32>
    %mul3A_329 = arith.mulf %convert_element_type3A_322, %mul3A_328 : vector<16x200xf32>
    %add3A_330 = arith.addf %add3A_319, %mul3A_329 : vector<16x200xf32>
    %get3A_331 = arith.constant 0 : index
    %get3A_332 = arith.constant 6 : index
    %get3A_333 = memref.load %arg1[%get3A_331, %get3A_332] : memref<1x64xf32, #tpu.memory_space<smem>>
    %add3A_334 = vector.broadcast %get3A_333 : f32 to vector<16x200xf32>
    %add3A_335 = arith.addf %add3A_330, %add3A_334 : vector<16x200xf32>
    %max3A_336 = arith.constant 0.000000e+00 : f32
    %max3A_337 = vector.broadcast %max3A_336 : f32 to vector<16x200xf32>
    %max3A_338 = arith.maximumf %add3A_335, %max3A_337 : vector<16x200xf32>
    %get3A_339 = arith.constant 6 : index
    %get3A_340 = arith.constant 0 : index
    %get3A_341 = arith.constant 0 : index
    %get3A_342 = vector.load %arg5[%get3A_339, %get3A_340, %get3A_341] : memref<64x200x512xf32, #tpu.memory_space<vmem>>, vector<1x200x512xf32>
    %get3A_343 = vector.shape_cast %get3A_342 : vector<1x200x512xf32> to vector<200x512xf32>
    %dot_general3A_344 = arith.constant dense<0.000000e+00> : vector<16x512xf32>
    %dot_general3A_345 = tpu.matmul %max3A_338, %get3A_343, %dot_general3A_344 {dimension_numbers = #tpu.dot_dimension_numbers<[1], [0], [0], [1], [0, 0, 1, 1], [], []>, transpose_lhs_hint = false} : vector<16x200xf32>, vector<200x512xf32>, vector<16x512xf32> -> vector<16x512xf32>
    %add3A_346 = arith.addf %add3A_298, %dot_general3A_345 : vector<16x512xf32>
    %slice3A_347 = vector.extract_strided_slice %concatenate3A {offsets = [0, 0], sizes = [16, 200], strides = [1, 1]} : vector<16x202xf32> to vector<16x200xf32>
    %convert_element_type3A_348 = arith.truncf %slice3A_347 : vector<16x200xf32> to vector<16x200xbf16>
    %convert_element_type3A_349 = arith.extf %convert_element_type3A_348 : vector<16x200xbf16> to vector<16x200xf32>
    %get3A_350 = arith.constant 0 : index
    %get3A_351 = arith.constant 7 : index
    %get3A_352 = memref.load %arg0[%get3A_350, %get3A_351] : memref<3x64xf32, #tpu.memory_space<smem>>
    %convert_element_type3A_353 = arith.truncf %get3A_352 : f32 to bf16
    %convert_element_type3A_354 = arith.extf %convert_element_type3A_353 : bf16 to f32
    %mul3A_355 = vector.broadcast %convert_element_type3A_354 : f32 to vector<16x200xf32>
    %mul3A_356 = arith.mulf %convert_element_type3A_349, %mul3A_355 : vector<16x200xf32>
    %slice3A_357 = vector.extract_strided_slice %concatenate3A {offsets = [0, 1], sizes = [16, 200], strides = [1, 1]} : vector<16x202xf32> to vector<16x200xf32>
    %convert_element_type3A_358 = arith.truncf %slice3A_357 : vector<16x200xf32> to vector<16x200xbf16>
    %convert_element_type3A_359 = arith.extf %convert_element_type3A_358 : vector<16x200xbf16> to vector<16x200xf32>
    %get3A_360 = arith.constant 1 : index
    %get3A_361 = arith.constant 7 : index
    %get3A_362 = memref.load %arg0[%get3A_360, %get3A_361] : memref<3x64xf32, #tpu.memory_space<smem>>
    %convert_element_type3A_363 = arith.truncf %get3A_362 : f32 to bf16
    %convert_element_type3A_364 = arith.extf %convert_element_type3A_363 : bf16 to f32
    %mul3A_365 = vector.broadcast %convert_element_type3A_364 : f32 to vector<16x200xf32>
    %mul3A_366 = arith.mulf %convert_element_type3A_359, %mul3A_365 : vector<16x200xf32>
    %add3A_367 = arith.addf %mul3A_356, %mul3A_366 : vector<16x200xf32>
    %slice3A_368 = vector.extract_strided_slice %concatenate3A {offsets = [0, 2], sizes = [16, 200], strides = [1, 1]} : vector<16x202xf32> to vector<16x200xf32>
    %convert_element_type3A_369 = arith.truncf %slice3A_368 : vector<16x200xf32> to vector<16x200xbf16>
    %convert_element_type3A_370 = arith.extf %convert_element_type3A_369 : vector<16x200xbf16> to vector<16x200xf32>
    %get3A_371 = arith.constant 2 : index
    %get3A_372 = arith.constant 7 : index
    %get3A_373 = memref.load %arg0[%get3A_371, %get3A_372] : memref<3x64xf32, #tpu.memory_space<smem>>
    %convert_element_type3A_374 = arith.truncf %get3A_373 : f32 to bf16
    %convert_element_type3A_375 = arith.extf %convert_element_type3A_374 : bf16 to f32
    %mul3A_376 = vector.broadcast %convert_element_type3A_375 : f32 to vector<16x200xf32>
    %mul3A_377 = arith.mulf %convert_element_type3A_370, %mul3A_376 : vector<16x200xf32>
    %add3A_378 = arith.addf %add3A_367, %mul3A_377 : vector<16x200xf32>
    %get3A_379 = arith.constant 0 : index
    %get3A_380 = arith.constant 7 : index
    %get3A_381 = memref.load %arg1[%get3A_379, %get3A_380] : memref<1x64xf32, #tpu.memory_space<smem>>
    %add3A_382 = vector.broadcast %get3A_381 : f32 to vector<16x200xf32>
    %add3A_383 = arith.addf %add3A_378, %add3A_382 : vector<16x200xf32>
    %max3A_384 = arith.constant 0.000000e+00 : f32
    %max3A_385 = vector.broadcast %max3A_384 : f32 to vector<16x200xf32>
    %max3A_386 = arith.maximumf %add3A_383, %max3A_385 : vector<16x200xf32>
    %get3A_387 = arith.constant 7 : index
    %get3A_388 = arith.constant 0 : index
    %get3A_389 = arith.constant 0 : index
    %get3A_390 = vector.load %arg5[%get3A_387, %get3A_388, %get3A_389] : memref<64x200x512xf32, #tpu.memory_space<vmem>>, vector<1x200x512xf32>
    %get3A_391 = vector.shape_cast %get3A_390 : vector<1x200x512xf32> to vector<200x512xf32>
    %dot_general3A_392 = arith.constant dense<0.000000e+00> : vector<16x512xf32>
    %dot_general3A_393 = tpu.matmul %max3A_386, %get3A_391, %dot_general3A_392 {dimension_numbers = #tpu.dot_dimension_numbers<[1], [0], [0], [1], [0, 0, 1, 1], [], []>, transpose_lhs_hint = false} : vector<16x200xf32>, vector<200x512xf32>, vector<16x512xf32> -> vector<16x512xf32>
    %add3A_394 = arith.addf %add3A_346, %dot_general3A_393 : vector<16x512xf32>
    %slice3A_395 = vector.extract_strided_slice %concatenate3A {offsets = [0, 0], sizes = [16, 200], strides = [1, 1]} : vector<16x202xf32> to vector<16x200xf32>
    %convert_element_type3A_396 = arith.truncf %slice3A_395 : vector<16x200xf32> to vector<16x200xbf16>
    %convert_element_type3A_397 = arith.extf %convert_element_type3A_396 : vector<16x200xbf16> to vector<16x200xf32>
    %get3A_398 = arith.constant 0 : index
    %get3A_399 = arith.constant 8 : index
    %get3A_400 = memref.load %arg0[%get3A_398, %get3A_399] : memref<3x64xf32, #tpu.memory_space<smem>>
    %convert_element_type3A_401 = arith.truncf %get3A_400 : f32 to bf16
    %convert_element_type3A_402 = arith.extf %convert_element_type3A_401 : bf16 to f32
    %mul3A_403 = vector.broadcast %convert_element_type3A_402 : f32 to vector<16x200xf32>
    %mul3A_404 = arith.mulf %convert_element_type3A_397, %mul3A_403 : vector<16x200xf32>
    %slice3A_405 = vector.extract_strided_slice %concatenate3A {offsets = [0, 1], sizes = [16, 200], strides = [1, 1]} : vector<16x202xf32> to vector<16x200xf32>
    %convert_element_type3A_406 = arith.truncf %slice3A_405 : vector<16x200xf32> to vector<16x200xbf16>
    %convert_element_type3A_407 = arith.extf %convert_element_type3A_406 : vector<16x200xbf16> to vector<16x200xf32>
    %get3A_408 = arith.constant 1 : index
    %get3A_409 = arith.constant 8 : index
    %get3A_410 = memref.load %arg0[%get3A_408, %get3A_409] : memref<3x64xf32, #tpu.memory_space<smem>>
    %convert_element_type3A_411 = arith.truncf %get3A_410 : f32 to bf16
    %convert_element_type3A_412 = arith.extf %convert_element_type3A_411 : bf16 to f32
    %mul3A_413 = vector.broadcast %convert_element_type3A_412 : f32 to vector<16x200xf32>
    %mul3A_414 = arith.mulf %convert_element_type3A_407, %mul3A_413 : vector<16x200xf32>
    %add3A_415 = arith.addf %mul3A_404, %mul3A_414 : vector<16x200xf32>
    %slice3A_416 = vector.extract_strided_slice %concatenate3A {offsets = [0, 2], sizes = [16, 200], strides = [1, 1]} : vector<16x202xf32> to vector<16x200xf32>
    %convert_element_type3A_417 = arith.truncf %slice3A_416 : vector<16x200xf32> to vector<16x200xbf16>
    %convert_element_type3A_418 = arith.extf %convert_element_type3A_417 : vector<16x200xbf16> to vector<16x200xf32>
    %get3A_419 = arith.constant 2 : index
    %get3A_420 = arith.constant 8 : index
    %get3A_421 = memref.load %arg0[%get3A_419, %get3A_420] : memref<3x64xf32, #tpu.memory_space<smem>>
    %convert_element_type3A_422 = arith.truncf %get3A_421 : f32 to bf16
    %convert_element_type3A_423 = arith.extf %convert_element_type3A_422 : bf16 to f32
    %mul3A_424 = vector.broadcast %convert_element_type3A_423 : f32 to vector<16x200xf32>
    %mul3A_425 = arith.mulf %convert_element_type3A_418, %mul3A_424 : vector<16x200xf32>
    %add3A_426 = arith.addf %add3A_415, %mul3A_425 : vector<16x200xf32>
    %get3A_427 = arith.constant 0 : index
    %get3A_428 = arith.constant 8 : index
    %get3A_429 = memref.load %arg1[%get3A_427, %get3A_428] : memref<1x64xf32, #tpu.memory_space<smem>>
    %add3A_430 = vector.broadcast %get3A_429 : f32 to vector<16x200xf32>
    %add3A_431 = arith.addf %add3A_426, %add3A_430 : vector<16x200xf32>
    %max3A_432 = arith.constant 0.000000e+00 : f32
    %max3A_433 = vector.broadcast %max3A_432 : f32 to vector<16x200xf32>
    %max3A_434 = arith.maximumf %add3A_431, %max3A_433 : vector<16x200xf32>
    %get3A_435 = arith.constant 8 : index
    %get3A_436 = arith.constant 0 : index
    %get3A_437 = arith.constant 0 : index
    %get3A_438 = vector.load %arg5[%get3A_435, %get3A_436, %get3A_437] : memref<64x200x512xf32, #tpu.memory_space<vmem>>, vector<1x200x512xf32>
    %get3A_439 = vector.shape_cast %get3A_438 : vector<1x200x512xf32> to vector<200x512xf32>
    %dot_general3A_440 = arith.constant dense<0.000000e+00> : vector<16x512xf32>
    %dot_general3A_441 = tpu.matmul %max3A_434, %get3A_439, %dot_general3A_440 {dimension_numbers = #tpu.dot_dimension_numbers<[1], [0], [0], [1], [0, 0, 1, 1], [], []>, transpose_lhs_hint = false} : vector<16x200xf32>, vector<200x512xf32>, vector<16x512xf32> -> vector<16x512xf32>
    %add3A_442 = arith.addf %add3A_394, %dot_general3A_441 : vector<16x512xf32>
    %slice3A_443 = vector.extract_strided_slice %concatenate3A {offsets = [0, 0], sizes = [16, 200], strides = [1, 1]} : vector<16x202xf32> to vector<16x200xf32>
    %convert_element_type3A_444 = arith.truncf %slice3A_443 : vector<16x200xf32> to vector<16x200xbf16>
    %convert_element_type3A_445 = arith.extf %convert_element_type3A_444 : vector<16x200xbf16> to vector<16x200xf32>
    %get3A_446 = arith.constant 0 : index
    %get3A_447 = arith.constant 9 : index
    %get3A_448 = memref.load %arg0[%get3A_446, %get3A_447] : memref<3x64xf32, #tpu.memory_space<smem>>
    %convert_element_type3A_449 = arith.truncf %get3A_448 : f32 to bf16
    %convert_element_type3A_450 = arith.extf %convert_element_type3A_449 : bf16 to f32
    %mul3A_451 = vector.broadcast %convert_element_type3A_450 : f32 to vector<16x200xf32>
    %mul3A_452 = arith.mulf %convert_element_type3A_445, %mul3A_451 : vector<16x200xf32>
    %slice3A_453 = vector.extract_strided_slice %concatenate3A {offsets = [0, 1], sizes = [16, 200], strides = [1, 1]} : vector<16x202xf32> to vector<16x200xf32>
    %convert_element_type3A_454 = arith.truncf %slice3A_453 : vector<16x200xf32> to vector<16x200xbf16>
    %convert_element_type3A_455 = arith.extf %convert_element_type3A_454 : vector<16x200xbf16> to vector<16x200xf32>
    %get3A_456 = arith.constant 1 : index
    %get3A_457 = arith.constant 9 : index
    %get3A_458 = memref.load %arg0[%get3A_456, %get3A_457] : memref<3x64xf32, #tpu.memory_space<smem>>
    %convert_element_type3A_459 = arith.truncf %get3A_458 : f32 to bf16
    %convert_element_type3A_460 = arith.extf %convert_element_type3A_459 : bf16 to f32
    %mul3A_461 = vector.broadcast %convert_element_type3A_460 : f32 to vector<16x200xf32>
    %mul3A_462 = arith.mulf %convert_element_type3A_455, %mul3A_461 : vector<16x200xf32>
    %add3A_463 = arith.addf %mul3A_452, %mul3A_462 : vector<16x200xf32>
    %slice3A_464 = vector.extract_strided_slice %concatenate3A {offsets = [0, 2], sizes = [16, 200], strides = [1, 1]} : vector<16x202xf32> to vector<16x200xf32>
    %convert_element_type3A_465 = arith.truncf %slice3A_464 : vector<16x200xf32> to vector<16x200xbf16>
    %convert_element_type3A_466 = arith.extf %convert_element_type3A_465 : vector<16x200xbf16> to vector<16x200xf32>
    %get3A_467 = arith.constant 2 : index
    %get3A_468 = arith.constant 9 : index
    %get3A_469 = memref.load %arg0[%get3A_467, %get3A_468] : memref<3x64xf32, #tpu.memory_space<smem>>
    %convert_element_type3A_470 = arith.truncf %get3A_469 : f32 to bf16
    %convert_element_type3A_471 = arith.extf %convert_element_type3A_470 : bf16 to f32
    %mul3A_472 = vector.broadcast %convert_element_type3A_471 : f32 to vector<16x200xf32>
    %mul3A_473 = arith.mulf %convert_element_type3A_466, %mul3A_472 : vector<16x200xf32>
    %add3A_474 = arith.addf %add3A_463, %mul3A_473 : vector<16x200xf32>
    %get3A_475 = arith.constant 0 : index
    %get3A_476 = arith.constant 9 : index
    %get3A_477 = memref.load %arg1[%get3A_475, %get3A_476] : memref<1x64xf32, #tpu.memory_space<smem>>
    %add3A_478 = vector.broadcast %get3A_477 : f32 to vector<16x200xf32>
    %add3A_479 = arith.addf %add3A_474, %add3A_478 : vector<16x200xf32>
    %max3A_480 = arith.constant 0.000000e+00 : f32
    %max3A_481 = vector.broadcast %max3A_480 : f32 to vector<16x200xf32>
    %max3A_482 = arith.maximumf %add3A_479, %max3A_481 : vector<16x200xf32>
    %get3A_483 = arith.constant 9 : index
    %get3A_484 = arith.constant 0 : index
    %get3A_485 = arith.constant 0 : index
    %get3A_486 = vector.load %arg5[%get3A_483, %get3A_484, %get3A_485] : memref<64x200x512xf32, #tpu.memory_space<vmem>>, vector<1x200x512xf32>
    %get3A_487 = vector.shape_cast %get3A_486 : vector<1x200x512xf32> to vector<200x512xf32>
    %dot_general3A_488 = arith.constant dense<0.000000e+00> : vector<16x512xf32>
    %dot_general3A_489 = tpu.matmul %max3A_482, %get3A_487, %dot_general3A_488 {dimension_numbers = #tpu.dot_dimension_numbers<[1], [0], [0], [1], [0, 0, 1, 1], [], []>, transpose_lhs_hint = false} : vector<16x200xf32>, vector<200x512xf32>, vector<16x512xf32> -> vector<16x512xf32>
    %add3A_490 = arith.addf %add3A_442, %dot_general3A_489 : vector<16x512xf32>
    %slice3A_491 = vector.extract_strided_slice %concatenate3A {offsets = [0, 0], sizes = [16, 200], strides = [1, 1]} : vector<16x202xf32> to vector<16x200xf32>
    %convert_element_type3A_492 = arith.truncf %slice3A_491 : vector<16x200xf32> to vector<16x200xbf16>
    %convert_element_type3A_493 = arith.extf %convert_element_type3A_492 : vector<16x200xbf16> to vector<16x200xf32>
    %get3A_494 = arith.constant 0 : index
    %get3A_495 = arith.constant 10 : index
    %get3A_496 = memref.load %arg0[%get3A_494, %get3A_495] : memref<3x64xf32, #tpu.memory_space<smem>>
    %convert_element_type3A_497 = arith.truncf %get3A_496 : f32 to bf16
    %convert_element_type3A_498 = arith.extf %convert_element_type3A_497 : bf16 to f32
    %mul3A_499 = vector.broadcast %convert_element_type3A_498 : f32 to vector<16x200xf32>
    %mul3A_500 = arith.mulf %convert_element_type3A_493, %mul3A_499 : vector<16x200xf32>
    %slice3A_501 = vector.extract_strided_slice %concatenate3A {offsets = [0, 1], sizes = [16, 200], strides = [1, 1]} : vector<16x202xf32> to vector<16x200xf32>
    %convert_element_type3A_502 = arith.truncf %slice3A_501 : vector<16x200xf32> to vector<16x200xbf16>
    %convert_element_type3A_503 = arith.extf %convert_element_type3A_502 : vector<16x200xbf16> to vector<16x200xf32>
    %get3A_504 = arith.constant 1 : index
    %get3A_505 = arith.constant 10 : index
    %get3A_506 = memref.load %arg0[%get3A_504, %get3A_505] : memref<3x64xf32, #tpu.memory_space<smem>>
    %convert_element_type3A_507 = arith.truncf %get3A_506 : f32 to bf16
    %convert_element_type3A_508 = arith.extf %convert_element_type3A_507 : bf16 to f32
    %mul3A_509 = vector.broadcast %convert_element_type3A_508 : f32 to vector<16x200xf32>
    %mul3A_510 = arith.mulf %convert_element_type3A_503, %mul3A_509 : vector<16x200xf32>
    %add3A_511 = arith.addf %mul3A_500, %mul3A_510 : vector<16x200xf32>
    %slice3A_512 = vector.extract_strided_slice %concatenate3A {offsets = [0, 2], sizes = [16, 200], strides = [1, 1]} : vector<16x202xf32> to vector<16x200xf32>
    %convert_element_type3A_513 = arith.truncf %slice3A_512 : vector<16x200xf32> to vector<16x200xbf16>
    %convert_element_type3A_514 = arith.extf %convert_element_type3A_513 : vector<16x200xbf16> to vector<16x200xf32>
    %get3A_515 = arith.constant 2 : index
    %get3A_516 = arith.constant 10 : index
    %get3A_517 = memref.load %arg0[%get3A_515, %get3A_516] : memref<3x64xf32, #tpu.memory_space<smem>>
    %convert_element_type3A_518 = arith.truncf %get3A_517 : f32 to bf16
    %convert_element_type3A_519 = arith.extf %convert_element_type3A_518 : bf16 to f32
    %mul3A_520 = vector.broadcast %convert_element_type3A_519 : f32 to vector<16x200xf32>
    %mul3A_521 = arith.mulf %convert_element_type3A_514, %mul3A_520 : vector<16x200xf32>
    %add3A_522 = arith.addf %add3A_511, %mul3A_521 : vector<16x200xf32>
    %get3A_523 = arith.constant 0 : index
    %get3A_524 = arith.constant 10 : index
    %get3A_525 = memref.load %arg1[%get3A_523, %get3A_524] : memref<1x64xf32, #tpu.memory_space<smem>>
    %add3A_526 = vector.broadcast %get3A_525 : f32 to vector<16x200xf32>
    %add3A_527 = arith.addf %add3A_522, %add3A_526 : vector<16x200xf32>
    %max3A_528 = arith.constant 0.000000e+00 : f32
    %max3A_529 = vector.broadcast %max3A_528 : f32 to vector<16x200xf32>
    %max3A_530 = arith.maximumf %add3A_527, %max3A_529 : vector<16x200xf32>
    %get3A_531 = arith.constant 10 : index
    %get3A_532 = arith.constant 0 : index
    %get3A_533 = arith.constant 0 : index
    %get3A_534 = vector.load %arg5[%get3A_531, %get3A_532, %get3A_533] : memref<64x200x512xf32, #tpu.memory_space<vmem>>, vector<1x200x512xf32>
    %get3A_535 = vector.shape_cast %get3A_534 : vector<1x200x512xf32> to vector<200x512xf32>
    %dot_general3A_536 = arith.constant dense<0.000000e+00> : vector<16x512xf32>
    %dot_general3A_537 = tpu.matmul %max3A_530, %get3A_535, %dot_general3A_536 {dimension_numbers = #tpu.dot_dimension_numbers<[1], [0], [0], [1], [0, 0, 1, 1], [], []>, transpose_lhs_hint = false} : vector<16x200xf32>, vector<200x512xf32>, vector<16x512xf32> -> vector<16x512xf32>
    %add3A_538 = arith.addf %add3A_490, %dot_general3A_537 : vector<16x512xf32>
    %slice3A_539 = vector.extract_strided_slice %concatenate3A {offsets = [0, 0], sizes = [16, 200], strides = [1, 1]} : vector<16x202xf32> to vector<16x200xf32>
    %convert_element_type3A_540 = arith.truncf %slice3A_539 : vector<16x200xf32> to vector<16x200xbf16>
    %convert_element_type3A_541 = arith.extf %convert_element_type3A_540 : vector<16x200xbf16> to vector<16x200xf32>
    %get3A_542 = arith.constant 0 : index
    %get3A_543 = arith.constant 11 : index
    %get3A_544 = memref.load %arg0[%get3A_542, %get3A_543] : memref<3x64xf32, #tpu.memory_space<smem>>
    %convert_element_type3A_545 = arith.truncf %get3A_544 : f32 to bf16
    %convert_element_type3A_546 = arith.extf %convert_element_type3A_545 : bf16 to f32
    %mul3A_547 = vector.broadcast %convert_element_type3A_546 : f32 to vector<16x200xf32>
    %mul3A_548 = arith.mulf %convert_element_type3A_541, %mul3A_547 : vector<16x200xf32>
    %slice3A_549 = vector.extract_strided_slice %concatenate3A {offsets = [0, 1], sizes = [16, 200], strides = [1, 1]} : vector<16x202xf32> to vector<16x200xf32>
    %convert_element_type3A_550 = arith.truncf %slice3A_549 : vector<16x200xf32> to vector<16x200xbf16>
    %convert_element_type3A_551 = arith.extf %convert_element_type3A_550 : vector<16x200xbf16> to vector<16x200xf32>
    %get3A_552 = arith.constant 1 : index
    %get3A_553 = arith.constant 11 : index
    %get3A_554 = memref.load %arg0[%get3A_552, %get3A_553] : memref<3x64xf32, #tpu.memory_space<smem>>
    %convert_element_type3A_555 = arith.truncf %get3A_554 : f32 to bf16
    %convert_element_type3A_556 = arith.extf %convert_element_type3A_555 : bf16 to f32
    %mul3A_557 = vector.broadcast %convert_element_type3A_556 : f32 to vector<16x200xf32>
    %mul3A_558 = arith.mulf %convert_element_type3A_551, %mul3A_557 : vector<16x200xf32>
    %add3A_559 = arith.addf %mul3A_548, %mul3A_558 : vector<16x200xf32>
    %slice3A_560 = vector.extract_strided_slice %concatenate3A {offsets = [0, 2], sizes = [16, 200], strides = [1, 1]} : vector<16x202xf32> to vector<16x200xf32>
    %convert_element_type3A_561 = arith.truncf %slice3A_560 : vector<16x200xf32> to vector<16x200xbf16>
    %convert_element_type3A_562 = arith.extf %convert_element_type3A_561 : vector<16x200xbf16> to vector<16x200xf32>
    %get3A_563 = arith.constant 2 : index
    %get3A_564 = arith.constant 11 : index
    %get3A_565 = memref.load %arg0[%get3A_563, %get3A_564] : memref<3x64xf32, #tpu.memory_space<smem>>
    %convert_element_type3A_566 = arith.truncf %get3A_565 : f32 to bf16
    %convert_element_type3A_567 = arith.extf %convert_element_type3A_566 : bf16 to f32
    %mul3A_568 = vector.broadcast %convert_element_type3A_567 : f32 to vector<16x200xf32>
    %mul3A_569 = arith.mulf %convert_element_type3A_562, %mul3A_568 : vector<16x200xf32>
    %add3A_570 = arith.addf %add3A_559, %mul3A_569 : vector<16x200xf32>
    %get3A_571 = arith.constant 0 : index
    %get3A_572 = arith.constant 11 : index
    %get3A_573 = memref.load %arg1[%get3A_571, %get3A_572] : memref<1x64xf32, #tpu.memory_space<smem>>
    %add3A_574 = vector.broadcast %get3A_573 : f32 to vector<16x200xf32>
    %add3A_575 = arith.addf %add3A_570, %add3A_574 : vector<16x200xf32>
    %max3A_576 = arith.constant 0.000000e+00 : f32
    %max3A_577 = vector.broadcast %max3A_576 : f32 to vector<16x200xf32>
    %max3A_578 = arith.maximumf %add3A_575, %max3A_577 : vector<16x200xf32>
    %get3A_579 = arith.constant 11 : index
    %get3A_580 = arith.constant 0 : index
    %get3A_581 = arith.constant 0 : index
    %get3A_582 = vector.load %arg5[%get3A_579, %get3A_580, %get3A_581] : memref<64x200x512xf32, #tpu.memory_space<vmem>>, vector<1x200x512xf32>
    %get3A_583 = vector.shape_cast %get3A_582 : vector<1x200x512xf32> to vector<200x512xf32>
    %dot_general3A_584 = arith.constant dense<0.000000e+00> : vector<16x512xf32>
    %dot_general3A_585 = tpu.matmul %max3A_578, %get3A_583, %dot_general3A_584 {dimension_numbers = #tpu.dot_dimension_numbers<[1], [0], [0], [1], [0, 0, 1, 1], [], []>, transpose_lhs_hint = false} : vector<16x200xf32>, vector<200x512xf32>, vector<16x512xf32> -> vector<16x512xf32>
    %add3A_586 = arith.addf %add3A_538, %dot_general3A_585 : vector<16x512xf32>
    %slice3A_587 = vector.extract_strided_slice %concatenate3A {offsets = [0, 0], sizes = [16, 200], strides = [1, 1]} : vector<16x202xf32> to vector<16x200xf32>
    %convert_element_type3A_588 = arith.truncf %slice3A_587 : vector<16x200xf32> to vector<16x200xbf16>
    %convert_element_type3A_589 = arith.extf %convert_element_type3A_588 : vector<16x200xbf16> to vector<16x200xf32>
    %get3A_590 = arith.constant 0 : index
    %get3A_591 = arith.constant 12 : index
    %get3A_592 = memref.load %arg0[%get3A_590, %get3A_591] : memref<3x64xf32, #tpu.memory_space<smem>>
    %convert_element_type3A_593 = arith.truncf %get3A_592 : f32 to bf16
    %convert_element_type3A_594 = arith.extf %convert_element_type3A_593 : bf16 to f32
    %mul3A_595 = vector.broadcast %convert_element_type3A_594 : f32 to vector<16x200xf32>
    %mul3A_596 = arith.mulf %convert_element_type3A_589, %mul3A_595 : vector<16x200xf32>
    %slice3A_597 = vector.extract_strided_slice %concatenate3A {offsets = [0, 1], sizes = [16, 200], strides = [1, 1]} : vector<16x202xf32> to vector<16x200xf32>
    %convert_element_type3A_598 = arith.truncf %slice3A_597 : vector<16x200xf32> to vector<16x200xbf16>
    %convert_element_type3A_599 = arith.extf %convert_element_type3A_598 : vector<16x200xbf16> to vector<16x200xf32>
    %get3A_600 = arith.constant 1 : index
    %get3A_601 = arith.constant 12 : index
    %get3A_602 = memref.load %arg0[%get3A_600, %get3A_601] : memref<3x64xf32, #tpu.memory_space<smem>>
    %convert_element_type3A_603 = arith.truncf %get3A_602 : f32 to bf16
    %convert_element_type3A_604 = arith.extf %convert_element_type3A_603 : bf16 to f32
    %mul3A_605 = vector.broadcast %convert_element_type3A_604 : f32 to vector<16x200xf32>
    %mul3A_606 = arith.mulf %convert_element_type3A_599, %mul3A_605 : vector<16x200xf32>
    %add3A_607 = arith.addf %mul3A_596, %mul3A_606 : vector<16x200xf32>
    %slice3A_608 = vector.extract_strided_slice %concatenate3A {offsets = [0, 2], sizes = [16, 200], strides = [1, 1]} : vector<16x202xf32> to vector<16x200xf32>
    %convert_element_type3A_609 = arith.truncf %slice3A_608 : vector<16x200xf32> to vector<16x200xbf16>
    %convert_element_type3A_610 = arith.extf %convert_element_type3A_609 : vector<16x200xbf16> to vector<16x200xf32>
    %get3A_611 = arith.constant 2 : index
    %get3A_612 = arith.constant 12 : index
    %get3A_613 = memref.load %arg0[%get3A_611, %get3A_612] : memref<3x64xf32, #tpu.memory_space<smem>>
    %convert_element_type3A_614 = arith.truncf %get3A_613 : f32 to bf16
    %convert_element_type3A_615 = arith.extf %convert_element_type3A_614 : bf16 to f32
    %mul3A_616 = vector.broadcast %convert_element_type3A_615 : f32 to vector<16x200xf32>
    %mul3A_617 = arith.mulf %convert_element_type3A_610, %mul3A_616 : vector<16x200xf32>
    %add3A_618 = arith.addf %add3A_607, %mul3A_617 : vector<16x200xf32>
    %get3A_619 = arith.constant 0 : index
    %get3A_620 = arith.constant 12 : index
    %get3A_621 = memref.load %arg1[%get3A_619, %get3A_620] : memref<1x64xf32, #tpu.memory_space<smem>>
    %add3A_622 = vector.broadcast %get3A_621 : f32 to vector<16x200xf32>
    %add3A_623 = arith.addf %add3A_618, %add3A_622 : vector<16x200xf32>
    %max3A_624 = arith.constant 0.000000e+00 : f32
    %max3A_625 = vector.broadcast %max3A_624 : f32 to vector<16x200xf32>
    %max3A_626 = arith.maximumf %add3A_623, %max3A_625 : vector<16x200xf32>
    %get3A_627 = arith.constant 12 : index
    %get3A_628 = arith.constant 0 : index
    %get3A_629 = arith.constant 0 : index
    %get3A_630 = vector.load %arg5[%get3A_627, %get3A_628, %get3A_629] : memref<64x200x512xf32, #tpu.memory_space<vmem>>, vector<1x200x512xf32>
    %get3A_631 = vector.shape_cast %get3A_630 : vector<1x200x512xf32> to vector<200x512xf32>
    %dot_general3A_632 = arith.constant dense<0.000000e+00> : vector<16x512xf32>
    %dot_general3A_633 = tpu.matmul %max3A_626, %get3A_631, %dot_general3A_632 {dimension_numbers = #tpu.dot_dimension_numbers<[1], [0], [0], [1], [0, 0, 1, 1], [], []>, transpose_lhs_hint = false} : vector<16x200xf32>, vector<200x512xf32>, vector<16x512xf32> -> vector<16x512xf32>
    %add3A_634 = arith.addf %add3A_586, %dot_general3A_633 : vector<16x512xf32>
    %slice3A_635 = vector.extract_strided_slice %concatenate3A {offsets = [0, 0], sizes = [16, 200], strides = [1, 1]} : vector<16x202xf32> to vector<16x200xf32>
    %convert_element_type3A_636 = arith.truncf %slice3A_635 : vector<16x200xf32> to vector<16x200xbf16>
    %convert_element_type3A_637 = arith.extf %convert_element_type3A_636 : vector<16x200xbf16> to vector<16x200xf32>
    %get3A_638 = arith.constant 0 : index
    %get3A_639 = arith.constant 13 : index
    %get3A_640 = memref.load %arg0[%get3A_638, %get3A_639] : memref<3x64xf32, #tpu.memory_space<smem>>
    %convert_element_type3A_641 = arith.truncf %get3A_640 : f32 to bf16
    %convert_element_type3A_642 = arith.extf %convert_element_type3A_641 : bf16 to f32
    %mul3A_643 = vector.broadcast %convert_element_type3A_642 : f32 to vector<16x200xf32>
    %mul3A_644 = arith.mulf %convert_element_type3A_637, %mul3A_643 : vector<16x200xf32>
    %slice3A_645 = vector.extract_strided_slice %concatenate3A {offsets = [0, 1], sizes = [16, 200], strides = [1, 1]} : vector<16x202xf32> to vector<16x200xf32>
    %convert_element_type3A_646 = arith.truncf %slice3A_645 : vector<16x200xf32> to vector<16x200xbf16>
    %convert_element_type3A_647 = arith.extf %convert_element_type3A_646 : vector<16x200xbf16> to vector<16x200xf32>
    %get3A_648 = arith.constant 1 : index
    %get3A_649 = arith.constant 13 : index
    %get3A_650 = memref.load %arg0[%get3A_648, %get3A_649] : memref<3x64xf32, #tpu.memory_space<smem>>
    %convert_element_type3A_651 = arith.truncf %get3A_650 : f32 to bf16
    %convert_element_type3A_652 = arith.extf %convert_element_type3A_651 : bf16 to f32
    %mul3A_653 = vector.broadcast %convert_element_type3A_652 : f32 to vector<16x200xf32>
    %mul3A_654 = arith.mulf %convert_element_type3A_647, %mul3A_653 : vector<16x200xf32>
    %add3A_655 = arith.addf %mul3A_644, %mul3A_654 : vector<16x200xf32>
    %slice3A_656 = vector.extract_strided_slice %concatenate3A {offsets = [0, 2], sizes = [16, 200], strides = [1, 1]} : vector<16x202xf32> to vector<16x200xf32>
    %convert_element_type3A_657 = arith.truncf %slice3A_656 : vector<16x200xf32> to vector<16x200xbf16>
    %convert_element_type3A_658 = arith.extf %convert_element_type3A_657 : vector<16x200xbf16> to vector<16x200xf32>
    %get3A_659 = arith.constant 2 : index
    %get3A_660 = arith.constant 13 : index
    %get3A_661 = memref.load %arg0[%get3A_659, %get3A_660] : memref<3x64xf32, #tpu.memory_space<smem>>
    %convert_element_type3A_662 = arith.truncf %get3A_661 : f32 to bf16
    %convert_element_type3A_663 = arith.extf %convert_element_type3A_662 : bf16 to f32
    %mul3A_664 = vector.broadcast %convert_element_type3A_663 : f32 to vector<16x200xf32>
    %mul3A_665 = arith.mulf %convert_element_type3A_658, %mul3A_664 : vector<16x200xf32>
    %add3A_666 = arith.addf %add3A_655, %mul3A_665 : vector<16x200xf32>
    %get3A_667 = arith.constant 0 : index
    %get3A_668 = arith.constant 13 : index
    %get3A_669 = memref.load %arg1[%get3A_667, %get3A_668] : memref<1x64xf32, #tpu.memory_space<smem>>
    %add3A_670 = vector.broadcast %get3A_669 : f32 to vector<16x200xf32>
    %add3A_671 = arith.addf %add3A_666, %add3A_670 : vector<16x200xf32>
    %max3A_672 = arith.constant 0.000000e+00 : f32
    %max3A_673 = vector.broadcast %max3A_672 : f32 to vector<16x200xf32>
    %max3A_674 = arith.maximumf %add3A_671, %max3A_673 : vector<16x200xf32>
    %get3A_675 = arith.constant 13 : index
    %get3A_676 = arith.constant 0 : index
    %get3A_677 = arith.constant 0 : index
    %get3A_678 = vector.load %arg5[%get3A_675, %get3A_676, %get3A_677] : memref<64x200x512xf32, #tpu.memory_space<vmem>>, vector<1x200x512xf32>
    %get3A_679 = vector.shape_cast %get3A_678 : vector<1x200x512xf32> to vector<200x512xf32>
    %dot_general3A_680 = arith.constant dense<0.000000e+00> : vector<16x512xf32>
    %dot_general3A_681 = tpu.matmul %max3A_674, %get3A_679, %dot_general3A_680 {dimension_numbers = #tpu.dot_dimension_numbers<[1], [0], [0], [1], [0, 0, 1, 1], [], []>, transpose_lhs_hint = false} : vector<16x200xf32>, vector<200x512xf32>, vector<16x512xf32> -> vector<16x512xf32>
    %add3A_682 = arith.addf %add3A_634, %dot_general3A_681 : vector<16x512xf32>
    %slice3A_683 = vector.extract_strided_slice %concatenate3A {offsets = [0, 0], sizes = [16, 200], strides = [1, 1]} : vector<16x202xf32> to vector<16x200xf32>
    %convert_element_type3A_684 = arith.truncf %slice3A_683 : vector<16x200xf32> to vector<16x200xbf16>
    %convert_element_type3A_685 = arith.extf %convert_element_type3A_684 : vector<16x200xbf16> to vector<16x200xf32>
    %get3A_686 = arith.constant 0 : index
    %get3A_687 = arith.constant 14 : index
    %get3A_688 = memref.load %arg0[%get3A_686, %get3A_687] : memref<3x64xf32, #tpu.memory_space<smem>>
    %convert_element_type3A_689 = arith.truncf %get3A_688 : f32 to bf16
    %convert_element_type3A_690 = arith.extf %convert_element_type3A_689 : bf16 to f32
    %mul3A_691 = vector.broadcast %convert_element_type3A_690 : f32 to vector<16x200xf32>
    %mul3A_692 = arith.mulf %convert_element_type3A_685, %mul3A_691 : vector<16x200xf32>
    %slice3A_693 = vector.extract_strided_slice %concatenate3A {offsets = [0, 1], sizes = [16, 200], strides = [1, 1]} : vector<16x202xf32> to vector<16x200xf32>
    %convert_element_type3A_694 = arith.truncf %slice3A_693 : vector<16x200xf32> to vector<16x200xbf16>
    %convert_element_type3A_695 = arith.extf %convert_element_type3A_694 : vector<16x200xbf16> to vector<16x200xf32>
    %get3A_696 = arith.constant 1 : index
    %get3A_697 = arith.constant 14 : index
    %get3A_698 = memref.load %arg0[%get3A_696, %get3A_697] : memref<3x64xf32, #tpu.memory_space<smem>>
    %convert_element_type3A_699 = arith.truncf %get3A_698 : f32 to bf16
    %convert_element_type3A_700 = arith.extf %convert_element_type3A_699 : bf16 to f32
    %mul3A_701 = vector.broadcast %convert_element_type3A_700 : f32 to vector<16x200xf32>
    %mul3A_702 = arith.mulf %convert_element_type3A_695, %mul3A_701 : vector<16x200xf32>
    %add3A_703 = arith.addf %mul3A_692, %mul3A_702 : vector<16x200xf32>
    %slice3A_704 = vector.extract_strided_slice %concatenate3A {offsets = [0, 2], sizes = [16, 200], strides = [1, 1]} : vector<16x202xf32> to vector<16x200xf32>
    %convert_element_type3A_705 = arith.truncf %slice3A_704 : vector<16x200xf32> to vector<16x200xbf16>
    %convert_element_type3A_706 = arith.extf %convert_element_type3A_705 : vector<16x200xbf16> to vector<16x200xf32>
    %get3A_707 = arith.constant 2 : index
    %get3A_708 = arith.constant 14 : index
    %get3A_709 = memref.load %arg0[%get3A_707, %get3A_708] : memref<3x64xf32, #tpu.memory_space<smem>>
    %convert_element_type3A_710 = arith.truncf %get3A_709 : f32 to bf16
    %convert_element_type3A_711 = arith.extf %convert_element_type3A_710 : bf16 to f32
    %mul3A_712 = vector.broadcast %convert_element_type3A_711 : f32 to vector<16x200xf32>
    %mul3A_713 = arith.mulf %convert_element_type3A_706, %mul3A_712 : vector<16x200xf32>
    %add3A_714 = arith.addf %add3A_703, %mul3A_713 : vector<16x200xf32>
    %get3A_715 = arith.constant 0 : index
    %get3A_716 = arith.constant 14 : index
    %get3A_717 = memref.load %arg1[%get3A_715, %get3A_716] : memref<1x64xf32, #tpu.memory_space<smem>>
    %add3A_718 = vector.broadcast %get3A_717 : f32 to vector<16x200xf32>
    %add3A_719 = arith.addf %add3A_714, %add3A_718 : vector<16x200xf32>
    %max3A_720 = arith.constant 0.000000e+00 : f32
    %max3A_721 = vector.broadcast %max3A_720 : f32 to vector<16x200xf32>
    %max3A_722 = arith.maximumf %add3A_719, %max3A_721 : vector<16x200xf32>
    %get3A_723 = arith.constant 14 : index
    %get3A_724 = arith.constant 0 : index
    %get3A_725 = arith.constant 0 : index
    %get3A_726 = vector.load %arg5[%get3A_723, %get3A_724, %get3A_725] : memref<64x200x512xf32, #tpu.memory_space<vmem>>, vector<1x200x512xf32>
    %get3A_727 = vector.shape_cast %get3A_726 : vector<1x200x512xf32> to vector<200x512xf32>
    %dot_general3A_728 = arith.constant dense<0.000000e+00> : vector<16x512xf32>
    %dot_general3A_729 = tpu.matmul %max3A_722, %get3A_727, %dot_general3A_728 {dimension_numbers = #tpu.dot_dimension_numbers<[1], [0], [0], [1], [0, 0, 1, 1], [], []>, transpose_lhs_hint = false} : vector<16x200xf32>, vector<200x512xf32>, vector<16x512xf32> -> vector<16x512xf32>
    %add3A_730 = arith.addf %add3A_682, %dot_general3A_729 : vector<16x512xf32>
    %slice3A_731 = vector.extract_strided_slice %concatenate3A {offsets = [0, 0], sizes = [16, 200], strides = [1, 1]} : vector<16x202xf32> to vector<16x200xf32>
    %convert_element_type3A_732 = arith.truncf %slice3A_731 : vector<16x200xf32> to vector<16x200xbf16>
    %convert_element_type3A_733 = arith.extf %convert_element_type3A_732 : vector<16x200xbf16> to vector<16x200xf32>
    %get3A_734 = arith.constant 0 : index
    %get3A_735 = arith.constant 15 : index
    %get3A_736 = memref.load %arg0[%get3A_734, %get3A_735] : memref<3x64xf32, #tpu.memory_space<smem>>
    %convert_element_type3A_737 = arith.truncf %get3A_736 : f32 to bf16
    %convert_element_type3A_738 = arith.extf %convert_element_type3A_737 : bf16 to f32
    %mul3A_739 = vector.broadcast %convert_element_type3A_738 : f32 to vector<16x200xf32>
    %mul3A_740 = arith.mulf %convert_element_type3A_733, %mul3A_739 : vector<16x200xf32>
    %slice3A_741 = vector.extract_strided_slice %concatenate3A {offsets = [0, 1], sizes = [16, 200], strides = [1, 1]} : vector<16x202xf32> to vector<16x200xf32>
    %convert_element_type3A_742 = arith.truncf %slice3A_741 : vector<16x200xf32> to vector<16x200xbf16>
    %convert_element_type3A_743 = arith.extf %convert_element_type3A_742 : vector<16x200xbf16> to vector<16x200xf32>
    %get3A_744 = arith.constant 1 : index
    %get3A_745 = arith.constant 15 : index
    %get3A_746 = memref.load %arg0[%get3A_744, %get3A_745] : memref<3x64xf32, #tpu.memory_space<smem>>
    %convert_element_type3A_747 = arith.truncf %get3A_746 : f32 to bf16
    %convert_element_type3A_748 = arith.extf %convert_element_type3A_747 : bf16 to f32
    %mul3A_749 = vector.broadcast %convert_element_type3A_748 : f32 to vector<16x200xf32>
    %mul3A_750 = arith.mulf %convert_element_type3A_743, %mul3A_749 : vector<16x200xf32>
    %add3A_751 = arith.addf %mul3A_740, %mul3A_750 : vector<16x200xf32>
    %slice3A_752 = vector.extract_strided_slice %concatenate3A {offsets = [0, 2], sizes = [16, 200], strides = [1, 1]} : vector<16x202xf32> to vector<16x200xf32>
    %convert_element_type3A_753 = arith.truncf %slice3A_752 : vector<16x200xf32> to vector<16x200xbf16>
    %convert_element_type3A_754 = arith.extf %convert_element_type3A_753 : vector<16x200xbf16> to vector<16x200xf32>
    %get3A_755 = arith.constant 2 : index
    %get3A_756 = arith.constant 15 : index
    %get3A_757 = memref.load %arg0[%get3A_755, %get3A_756] : memref<3x64xf32, #tpu.memory_space<smem>>
    %convert_element_type3A_758 = arith.truncf %get3A_757 : f32 to bf16
    %convert_element_type3A_759 = arith.extf %convert_element_type3A_758 : bf16 to f32
    %mul3A_760 = vector.broadcast %convert_element_type3A_759 : f32 to vector<16x200xf32>
    %mul3A_761 = arith.mulf %convert_element_type3A_754, %mul3A_760 : vector<16x200xf32>
    %add3A_762 = arith.addf %add3A_751, %mul3A_761 : vector<16x200xf32>
    %get3A_763 = arith.constant 0 : index
    %get3A_764 = arith.constant 15 : index
    %get3A_765 = memref.load %arg1[%get3A_763, %get3A_764] : memref<1x64xf32, #tpu.memory_space<smem>>
    %add3A_766 = vector.broadcast %get3A_765 : f32 to vector<16x200xf32>
    %add3A_767 = arith.addf %add3A_762, %add3A_766 : vector<16x200xf32>
    %max3A_768 = arith.constant 0.000000e+00 : f32
    %max3A_769 = vector.broadcast %max3A_768 : f32 to vector<16x200xf32>
    %max3A_770 = arith.maximumf %add3A_767, %max3A_769 : vector<16x200xf32>
    %get3A_771 = arith.constant 15 : index
    %get3A_772 = arith.constant 0 : index
    %get3A_773 = arith.constant 0 : index
    %get3A_774 = vector.load %arg5[%get3A_771, %get3A_772, %get3A_773] : memref<64x200x512xf32, #tpu.memory_space<vmem>>, vector<1x200x512xf32>
    %get3A_775 = vector.shape_cast %get3A_774 : vector<1x200x512xf32> to vector<200x512xf32>
    %dot_general3A_776 = arith.constant dense<0.000000e+00> : vector<16x512xf32>
    %dot_general3A_777 = tpu.matmul %max3A_770, %get3A_775, %dot_general3A_776 {dimension_numbers = #tpu.dot_dimension_numbers<[1], [0], [0], [1], [0, 0, 1, 1], [], []>, transpose_lhs_hint = false} : vector<16x200xf32>, vector<200x512xf32>, vector<16x512xf32> -> vector<16x512xf32>
    %add3A_778 = arith.addf %add3A_730, %dot_general3A_777 : vector<16x512xf32>
    %slice3A_779 = vector.extract_strided_slice %concatenate3A {offsets = [0, 0], sizes = [16, 200], strides = [1, 1]} : vector<16x202xf32> to vector<16x200xf32>
    %convert_element_type3A_780 = arith.truncf %slice3A_779 : vector<16x200xf32> to vector<16x200xbf16>
    %convert_element_type3A_781 = arith.extf %convert_element_type3A_780 : vector<16x200xbf16> to vector<16x200xf32>
    %get3A_782 = arith.constant 0 : index
    %get3A_783 = arith.constant 16 : index
    %get3A_784 = memref.load %arg0[%get3A_782, %get3A_783] : memref<3x64xf32, #tpu.memory_space<smem>>
    %convert_element_type3A_785 = arith.truncf %get3A_784 : f32 to bf16
    %convert_element_type3A_786 = arith.extf %convert_element_type3A_785 : bf16 to f32
    %mul3A_787 = vector.broadcast %convert_element_type3A_786 : f32 to vector<16x200xf32>
    %mul3A_788 = arith.mulf %convert_element_type3A_781, %mul3A_787 : vector<16x200xf32>
    %slice3A_789 = vector.extract_strided_slice %concatenate3A {offsets = [0, 1], sizes = [16, 200], strides = [1, 1]} : vector<16x202xf32> to vector<16x200xf32>
    %convert_element_type3A_790 = arith.truncf %slice3A_789 : vector<16x200xf32> to vector<16x200xbf16>
    %convert_element_type3A_791 = arith.extf %convert_element_type3A_790 : vector<16x200xbf16> to vector<16x200xf32>
    %get3A_792 = arith.constant 1 : index
    %get3A_793 = arith.constant 16 : index
    %get3A_794 = memref.load %arg0[%get3A_792, %get3A_793] : memref<3x64xf32, #tpu.memory_space<smem>>
    %convert_element_type3A_795 = arith.truncf %get3A_794 : f32 to bf16
    %convert_element_type3A_796 = arith.extf %convert_element_type3A_795 : bf16 to f32
    %mul3A_797 = vector.broadcast %convert_element_type3A_796 : f32 to vector<16x200xf32>
    %mul3A_798 = arith.mulf %convert_element_type3A_791, %mul3A_797 : vector<16x200xf32>
    %add3A_799 = arith.addf %mul3A_788, %mul3A_798 : vector<16x200xf32>
    %slice3A_800 = vector.extract_strided_slice %concatenate3A {offsets = [0, 2], sizes = [16, 200], strides = [1, 1]} : vector<16x202xf32> to vector<16x200xf32>
    %convert_element_type3A_801 = arith.truncf %slice3A_800 : vector<16x200xf32> to vector<16x200xbf16>
    %convert_element_type3A_802 = arith.extf %convert_element_type3A_801 : vector<16x200xbf16> to vector<16x200xf32>
    %get3A_803 = arith.constant 2 : index
    %get3A_804 = arith.constant 16 : index
    %get3A_805 = memref.load %arg0[%get3A_803, %get3A_804] : memref<3x64xf32, #tpu.memory_space<smem>>
    %convert_element_type3A_806 = arith.truncf %get3A_805 : f32 to bf16
    %convert_element_type3A_807 = arith.extf %convert_element_type3A_806 : bf16 to f32
    %mul3A_808 = vector.broadcast %convert_element_type3A_807 : f32 to vector<16x200xf32>
    %mul3A_809 = arith.mulf %convert_element_type3A_802, %mul3A_808 : vector<16x200xf32>
    %add3A_810 = arith.addf %add3A_799, %mul3A_809 : vector<16x200xf32>
    %get3A_811 = arith.constant 0 : index
    %get3A_812 = arith.constant 16 : index
    %get3A_813 = memref.load %arg1[%get3A_811, %get3A_812] : memref<1x64xf32, #tpu.memory_space<smem>>
    %add3A_814 = vector.broadcast %get3A_813 : f32 to vector<16x200xf32>
    %add3A_815 = arith.addf %add3A_810, %add3A_814 : vector<16x200xf32>
    %max3A_816 = arith.constant 0.000000e+00 : f32
    %max3A_817 = vector.broadcast %max3A_816 : f32 to vector<16x200xf32>
    %max3A_818 = arith.maximumf %add3A_815, %max3A_817 : vector<16x200xf32>
    %get3A_819 = arith.constant 16 : index
    %get3A_820 = arith.constant 0 : index
    %get3A_821 = arith.constant 0 : index
    %get3A_822 = vector.load %arg5[%get3A_819, %get3A_820, %get3A_821] : memref<64x200x512xf32, #tpu.memory_space<vmem>>, vector<1x200x512xf32>
    %get3A_823 = vector.shape_cast %get3A_822 : vector<1x200x512xf32> to vector<200x512xf32>
    %dot_general3A_824 = arith.constant dense<0.000000e+00> : vector<16x512xf32>
    %dot_general3A_825 = tpu.matmul %max3A_818, %get3A_823, %dot_general3A_824 {dimension_numbers = #tpu.dot_dimension_numbers<[1], [0], [0], [1], [0, 0, 1, 1], [], []>, transpose_lhs_hint = false} : vector<16x200xf32>, vector<200x512xf32>, vector<16x512xf32> -> vector<16x512xf32>
    %add3A_826 = arith.addf %add3A_778, %dot_general3A_825 : vector<16x512xf32>
    %slice3A_827 = vector.extract_strided_slice %concatenate3A {offsets = [0, 0], sizes = [16, 200], strides = [1, 1]} : vector<16x202xf32> to vector<16x200xf32>
    %convert_element_type3A_828 = arith.truncf %slice3A_827 : vector<16x200xf32> to vector<16x200xbf16>
    %convert_element_type3A_829 = arith.extf %convert_element_type3A_828 : vector<16x200xbf16> to vector<16x200xf32>
    %get3A_830 = arith.constant 0 : index
    %get3A_831 = arith.constant 17 : index
    %get3A_832 = memref.load %arg0[%get3A_830, %get3A_831] : memref<3x64xf32, #tpu.memory_space<smem>>
    %convert_element_type3A_833 = arith.truncf %get3A_832 : f32 to bf16
    %convert_element_type3A_834 = arith.extf %convert_element_type3A_833 : bf16 to f32
    %mul3A_835 = vector.broadcast %convert_element_type3A_834 : f32 to vector<16x200xf32>
    %mul3A_836 = arith.mulf %convert_element_type3A_829, %mul3A_835 : vector<16x200xf32>
    %slice3A_837 = vector.extract_strided_slice %concatenate3A {offsets = [0, 1], sizes = [16, 200], strides = [1, 1]} : vector<16x202xf32> to vector<16x200xf32>
    %convert_element_type3A_838 = arith.truncf %slice3A_837 : vector<16x200xf32> to vector<16x200xbf16>
    %convert_element_type3A_839 = arith.extf %convert_element_type3A_838 : vector<16x200xbf16> to vector<16x200xf32>
    %get3A_840 = arith.constant 1 : index
    %get3A_841 = arith.constant 17 : index
    %get3A_842 = memref.load %arg0[%get3A_840, %get3A_841] : memref<3x64xf32, #tpu.memory_space<smem>>
    %convert_element_type3A_843 = arith.truncf %get3A_842 : f32 to bf16
    %convert_element_type3A_844 = arith.extf %convert_element_type3A_843 : bf16 to f32
    %mul3A_845 = vector.broadcast %convert_element_type3A_844 : f32 to vector<16x200xf32>
    %mul3A_846 = arith.mulf %convert_element_type3A_839, %mul3A_845 : vector<16x200xf32>
    %add3A_847 = arith.addf %mul3A_836, %mul3A_846 : vector<16x200xf32>
    %slice3A_848 = vector.extract_strided_slice %concatenate3A {offsets = [0, 2], sizes = [16, 200], strides = [1, 1]} : vector<16x202xf32> to vector<16x200xf32>
    %convert_element_type3A_849 = arith.truncf %slice3A_848 : vector<16x200xf32> to vector<16x200xbf16>
    %convert_element_type3A_850 = arith.extf %convert_element_type3A_849 : vector<16x200xbf16> to vector<16x200xf32>
    %get3A_851 = arith.constant 2 : index
    %get3A_852 = arith.constant 17 : index
    %get3A_853 = memref.load %arg0[%get3A_851, %get3A_852] : memref<3x64xf32, #tpu.memory_space<smem>>
    %convert_element_type3A_854 = arith.truncf %get3A_853 : f32 to bf16
    %convert_element_type3A_855 = arith.extf %convert_element_type3A_854 : bf16 to f32
    %mul3A_856 = vector.broadcast %convert_element_type3A_855 : f32 to vector<16x200xf32>
    %mul3A_857 = arith.mulf %convert_element_type3A_850, %mul3A_856 : vector<16x200xf32>
    %add3A_858 = arith.addf %add3A_847, %mul3A_857 : vector<16x200xf32>
    %get3A_859 = arith.constant 0 : index
    %get3A_860 = arith.constant 17 : index
    %get3A_861 = memref.load %arg1[%get3A_859, %get3A_860] : memref<1x64xf32, #tpu.memory_space<smem>>
    %add3A_862 = vector.broadcast %get3A_861 : f32 to vector<16x200xf32>
    %add3A_863 = arith.addf %add3A_858, %add3A_862 : vector<16x200xf32>
    %max3A_864 = arith.constant 0.000000e+00 : f32
    %max3A_865 = vector.broadcast %max3A_864 : f32 to vector<16x200xf32>
    %max3A_866 = arith.maximumf %add3A_863, %max3A_865 : vector<16x200xf32>
    %get3A_867 = arith.constant 17 : index
    %get3A_868 = arith.constant 0 : index
    %get3A_869 = arith.constant 0 : index
    %get3A_870 = vector.load %arg5[%get3A_867, %get3A_868, %get3A_869] : memref<64x200x512xf32, #tpu.memory_space<vmem>>, vector<1x200x512xf32>
    %get3A_871 = vector.shape_cast %get3A_870 : vector<1x200x512xf32> to vector<200x512xf32>
    %dot_general3A_872 = arith.constant dense<0.000000e+00> : vector<16x512xf32>
    %dot_general3A_873 = tpu.matmul %max3A_866, %get3A_871, %dot_general3A_872 {dimension_numbers = #tpu.dot_dimension_numbers<[1], [0], [0], [1], [0, 0, 1, 1], [], []>, transpose_lhs_hint = false} : vector<16x200xf32>, vector<200x512xf32>, vector<16x512xf32> -> vector<16x512xf32>
    %add3A_874 = arith.addf %add3A_826, %dot_general3A_873 : vector<16x512xf32>
    %slice3A_875 = vector.extract_strided_slice %concatenate3A {offsets = [0, 0], sizes = [16, 200], strides = [1, 1]} : vector<16x202xf32> to vector<16x200xf32>
    %convert_element_type3A_876 = arith.truncf %slice3A_875 : vector<16x200xf32> to vector<16x200xbf16>
    %convert_element_type3A_877 = arith.extf %convert_element_type3A_876 : vector<16x200xbf16> to vector<16x200xf32>
    %get3A_878 = arith.constant 0 : index
    %get3A_879 = arith.constant 18 : index
    %get3A_880 = memref.load %arg0[%get3A_878, %get3A_879] : memref<3x64xf32, #tpu.memory_space<smem>>
    %convert_element_type3A_881 = arith.truncf %get3A_880 : f32 to bf16
    %convert_element_type3A_882 = arith.extf %convert_element_type3A_881 : bf16 to f32
    %mul3A_883 = vector.broadcast %convert_element_type3A_882 : f32 to vector<16x200xf32>
    %mul3A_884 = arith.mulf %convert_element_type3A_877, %mul3A_883 : vector<16x200xf32>
    %slice3A_885 = vector.extract_strided_slice %concatenate3A {offsets = [0, 1], sizes = [16, 200], strides = [1, 1]} : vector<16x202xf32> to vector<16x200xf32>
    %convert_element_type3A_886 = arith.truncf %slice3A_885 : vector<16x200xf32> to vector<16x200xbf16>
    %convert_element_type3A_887 = arith.extf %convert_element_type3A_886 : vector<16x200xbf16> to vector<16x200xf32>
    %get3A_888 = arith.constant 1 : index
    %get3A_889 = arith.constant 18 : index
    %get3A_890 = memref.load %arg0[%get3A_888, %get3A_889] : memref<3x64xf32, #tpu.memory_space<smem>>
    %convert_element_type3A_891 = arith.truncf %get3A_890 : f32 to bf16
    %convert_element_type3A_892 = arith.extf %convert_element_type3A_891 : bf16 to f32
    %mul3A_893 = vector.broadcast %convert_element_type3A_892 : f32 to vector<16x200xf32>
    %mul3A_894 = arith.mulf %convert_element_type3A_887, %mul3A_893 : vector<16x200xf32>
    %add3A_895 = arith.addf %mul3A_884, %mul3A_894 : vector<16x200xf32>
    %slice3A_896 = vector.extract_strided_slice %concatenate3A {offsets = [0, 2], sizes = [16, 200], strides = [1, 1]} : vector<16x202xf32> to vector<16x200xf32>
    %convert_element_type3A_897 = arith.truncf %slice3A_896 : vector<16x200xf32> to vector<16x200xbf16>
    %convert_element_type3A_898 = arith.extf %convert_element_type3A_897 : vector<16x200xbf16> to vector<16x200xf32>
    %get3A_899 = arith.constant 2 : index
    %get3A_900 = arith.constant 18 : index
    %get3A_901 = memref.load %arg0[%get3A_899, %get3A_900] : memref<3x64xf32, #tpu.memory_space<smem>>
    %convert_element_type3A_902 = arith.truncf %get3A_901 : f32 to bf16
    %convert_element_type3A_903 = arith.extf %convert_element_type3A_902 : bf16 to f32
    %mul3A_904 = vector.broadcast %convert_element_type3A_903 : f32 to vector<16x200xf32>
    %mul3A_905 = arith.mulf %convert_element_type3A_898, %mul3A_904 : vector<16x200xf32>
    %add3A_906 = arith.addf %add3A_895, %mul3A_905 : vector<16x200xf32>
    %get3A_907 = arith.constant 0 : index
    %get3A_908 = arith.constant 18 : index
    %get3A_909 = memref.load %arg1[%get3A_907, %get3A_908] : memref<1x64xf32, #tpu.memory_space<smem>>
    %add3A_910 = vector.broadcast %get3A_909 : f32 to vector<16x200xf32>
    %add3A_911 = arith.addf %add3A_906, %add3A_910 : vector<16x200xf32>
    %max3A_912 = arith.constant 0.000000e+00 : f32
    %max3A_913 = vector.broadcast %max3A_912 : f32 to vector<16x200xf32>
    %max3A_914 = arith.maximumf %add3A_911, %max3A_913 : vector<16x200xf32>
    %get3A_915 = arith.constant 18 : index
    %get3A_916 = arith.constant 0 : index
    %get3A_917 = arith.constant 0 : index
    %get3A_918 = vector.load %arg5[%get3A_915, %get3A_916, %get3A_917] : memref<64x200x512xf32, #tpu.memory_space<vmem>>, vector<1x200x512xf32>
    %get3A_919 = vector.shape_cast %get3A_918 : vector<1x200x512xf32> to vector<200x512xf32>
    %dot_general3A_920 = arith.constant dense<0.000000e+00> : vector<16x512xf32>
    %dot_general3A_921 = tpu.matmul %max3A_914, %get3A_919, %dot_general3A_920 {dimension_numbers = #tpu.dot_dimension_numbers<[1], [0], [0], [1], [0, 0, 1, 1], [], []>, transpose_lhs_hint = false} : vector<16x200xf32>, vector<200x512xf32>, vector<16x512xf32> -> vector<16x512xf32>
    %add3A_922 = arith.addf %add3A_874, %dot_general3A_921 : vector<16x512xf32>
    %slice3A_923 = vector.extract_strided_slice %concatenate3A {offsets = [0, 0], sizes = [16, 200], strides = [1, 1]} : vector<16x202xf32> to vector<16x200xf32>
    %convert_element_type3A_924 = arith.truncf %slice3A_923 : vector<16x200xf32> to vector<16x200xbf16>
    %convert_element_type3A_925 = arith.extf %convert_element_type3A_924 : vector<16x200xbf16> to vector<16x200xf32>
    %get3A_926 = arith.constant 0 : index
    %get3A_927 = arith.constant 19 : index
    %get3A_928 = memref.load %arg0[%get3A_926, %get3A_927] : memref<3x64xf32, #tpu.memory_space<smem>>
    %convert_element_type3A_929 = arith.truncf %get3A_928 : f32 to bf16
    %convert_element_type3A_930 = arith.extf %convert_element_type3A_929 : bf16 to f32
    %mul3A_931 = vector.broadcast %convert_element_type3A_930 : f32 to vector<16x200xf32>
    %mul3A_932 = arith.mulf %convert_element_type3A_925, %mul3A_931 : vector<16x200xf32>
    %slice3A_933 = vector.extract_strided_slice %concatenate3A {offsets = [0, 1], sizes = [16, 200], strides = [1, 1]} : vector<16x202xf32> to vector<16x200xf32>
    %convert_element_type3A_934 = arith.truncf %slice3A_933 : vector<16x200xf32> to vector<16x200xbf16>
    %convert_element_type3A_935 = arith.extf %convert_element_type3A_934 : vector<16x200xbf16> to vector<16x200xf32>
    %get3A_936 = arith.constant 1 : index
    %get3A_937 = arith.constant 19 : index
    %get3A_938 = memref.load %arg0[%get3A_936, %get3A_937] : memref<3x64xf32, #tpu.memory_space<smem>>
    %convert_element_type3A_939 = arith.truncf %get3A_938 : f32 to bf16
    %convert_element_type3A_940 = arith.extf %convert_element_type3A_939 : bf16 to f32
    %mul3A_941 = vector.broadcast %convert_element_type3A_940 : f32 to vector<16x200xf32>
    %mul3A_942 = arith.mulf %convert_element_type3A_935, %mul3A_941 : vector<16x200xf32>
    %add3A_943 = arith.addf %mul3A_932, %mul3A_942 : vector<16x200xf32>
    %slice3A_944 = vector.extract_strided_slice %concatenate3A {offsets = [0, 2], sizes = [16, 200], strides = [1, 1]} : vector<16x202xf32> to vector<16x200xf32>
    %convert_element_type3A_945 = arith.truncf %slice3A_944 : vector<16x200xf32> to vector<16x200xbf16>
    %convert_element_type3A_946 = arith.extf %convert_element_type3A_945 : vector<16x200xbf16> to vector<16x200xf32>
    %get3A_947 = arith.constant 2 : index
    %get3A_948 = arith.constant 19 : index
    %get3A_949 = memref.load %arg0[%get3A_947, %get3A_948] : memref<3x64xf32, #tpu.memory_space<smem>>
    %convert_element_type3A_950 = arith.truncf %get3A_949 : f32 to bf16
    %convert_element_type3A_951 = arith.extf %convert_element_type3A_950 : bf16 to f32
    %mul3A_952 = vector.broadcast %convert_element_type3A_951 : f32 to vector<16x200xf32>
    %mul3A_953 = arith.mulf %convert_element_type3A_946, %mul3A_952 : vector<16x200xf32>
    %add3A_954 = arith.addf %add3A_943, %mul3A_953 : vector<16x200xf32>
    %get3A_955 = arith.constant 0 : index
    %get3A_956 = arith.constant 19 : index
    %get3A_957 = memref.load %arg1[%get3A_955, %get3A_956] : memref<1x64xf32, #tpu.memory_space<smem>>
    %add3A_958 = vector.broadcast %get3A_957 : f32 to vector<16x200xf32>
    %add3A_959 = arith.addf %add3A_954, %add3A_958 : vector<16x200xf32>
    %max3A_960 = arith.constant 0.000000e+00 : f32
    %max3A_961 = vector.broadcast %max3A_960 : f32 to vector<16x200xf32>
    %max3A_962 = arith.maximumf %add3A_959, %max3A_961 : vector<16x200xf32>
    %get3A_963 = arith.constant 19 : index
    %get3A_964 = arith.constant 0 : index
    %get3A_965 = arith.constant 0 : index
    %get3A_966 = vector.load %arg5[%get3A_963, %get3A_964, %get3A_965] : memref<64x200x512xf32, #tpu.memory_space<vmem>>, vector<1x200x512xf32>
    %get3A_967 = vector.shape_cast %get3A_966 : vector<1x200x512xf32> to vector<200x512xf32>
    %dot_general3A_968 = arith.constant dense<0.000000e+00> : vector<16x512xf32>
    %dot_general3A_969 = tpu.matmul %max3A_962, %get3A_967, %dot_general3A_968 {dimension_numbers = #tpu.dot_dimension_numbers<[1], [0], [0], [1], [0, 0, 1, 1], [], []>, transpose_lhs_hint = false} : vector<16x200xf32>, vector<200x512xf32>, vector<16x512xf32> -> vector<16x512xf32>
    %add3A_970 = arith.addf %add3A_922, %dot_general3A_969 : vector<16x512xf32>
    %slice3A_971 = vector.extract_strided_slice %concatenate3A {offsets = [0, 0], sizes = [16, 200], strides = [1, 1]} : vector<16x202xf32> to vector<16x200xf32>
    %convert_element_type3A_972 = arith.truncf %slice3A_971 : vector<16x200xf32> to vector<16x200xbf16>
    %convert_element_type3A_973 = arith.extf %convert_element_type3A_972 : vector<16x200xbf16> to vector<16x200xf32>
    %get3A_974 = arith.constant 0 : index
    %get3A_975 = arith.constant 20 : index
    %get3A_976 = memref.load %arg0[%get3A_974, %get3A_975] : memref<3x64xf32, #tpu.memory_space<smem>>
    %convert_element_type3A_977 = arith.truncf %get3A_976 : f32 to bf16
    %convert_element_type3A_978 = arith.extf %convert_element_type3A_977 : bf16 to f32
    %mul3A_979 = vector.broadcast %convert_element_type3A_978 : f32 to vector<16x200xf32>
    %mul3A_980 = arith.mulf %convert_element_type3A_973, %mul3A_979 : vector<16x200xf32>
    %slice3A_981 = vector.extract_strided_slice %concatenate3A {offsets = [0, 1], sizes = [16, 200], strides = [1, 1]} : vector<16x202xf32> to vector<16x200xf32>
    %convert_element_type3A_982 = arith.truncf %slice3A_981 : vector<16x200xf32> to vector<16x200xbf16>
    %convert_element_type3A_983 = arith.extf %convert_element_type3A_982 : vector<16x200xbf16> to vector<16x200xf32>
    %get3A_984 = arith.constant 1 : index
    %get3A_985 = arith.constant 20 : index
    %get3A_986 = memref.load %arg0[%get3A_984, %get3A_985] : memref<3x64xf32, #tpu.memory_space<smem>>
    %convert_element_type3A_987 = arith.truncf %get3A_986 : f32 to bf16
    %convert_element_type3A_988 = arith.extf %convert_element_type3A_987 : bf16 to f32
    %mul3A_989 = vector.broadcast %convert_element_type3A_988 : f32 to vector<16x200xf32>
    %mul3A_990 = arith.mulf %convert_element_type3A_983, %mul3A_989 : vector<16x200xf32>
    %add3A_991 = arith.addf %mul3A_980, %mul3A_990 : vector<16x200xf32>
    %slice3A_992 = vector.extract_strided_slice %concatenate3A {offsets = [0, 2], sizes = [16, 200], strides = [1, 1]} : vector<16x202xf32> to vector<16x200xf32>
    %convert_element_type3A_993 = arith.truncf %slice3A_992 : vector<16x200xf32> to vector<16x200xbf16>
    %convert_element_type3A_994 = arith.extf %convert_element_type3A_993 : vector<16x200xbf16> to vector<16x200xf32>
    %get3A_995 = arith.constant 2 : index
    %get3A_996 = arith.constant 20 : index
    %get3A_997 = memref.load %arg0[%get3A_995, %get3A_996] : memref<3x64xf32, #tpu.memory_space<smem>>
    %convert_element_type3A_998 = arith.truncf %get3A_997 : f32 to bf16
    %convert_element_type3A_999 = arith.extf %convert_element_type3A_998 : bf16 to f32
    %mul3A_1000 = vector.broadcast %convert_element_type3A_999 : f32 to vector<16x200xf32>
    %mul3A_1001 = arith.mulf %convert_element_type3A_994, %mul3A_1000 : vector<16x200xf32>
    %add3A_1002 = arith.addf %add3A_991, %mul3A_1001 : vector<16x200xf32>
    %get3A_1003 = arith.constant 0 : index
    %get3A_1004 = arith.constant 20 : index
    %get3A_1005 = memref.load %arg1[%get3A_1003, %get3A_1004] : memref<1x64xf32, #tpu.memory_space<smem>>
    %add3A_1006 = vector.broadcast %get3A_1005 : f32 to vector<16x200xf32>
    %add3A_1007 = arith.addf %add3A_1002, %add3A_1006 : vector<16x200xf32>
    %max3A_1008 = arith.constant 0.000000e+00 : f32
    %max3A_1009 = vector.broadcast %max3A_1008 : f32 to vector<16x200xf32>
    %max3A_1010 = arith.maximumf %add3A_1007, %max3A_1009 : vector<16x200xf32>
    %get3A_1011 = arith.constant 20 : index
    %get3A_1012 = arith.constant 0 : index
    %get3A_1013 = arith.constant 0 : index
    %get3A_1014 = vector.load %arg5[%get3A_1011, %get3A_1012, %get3A_1013] : memref<64x200x512xf32, #tpu.memory_space<vmem>>, vector<1x200x512xf32>
    %get3A_1015 = vector.shape_cast %get3A_1014 : vector<1x200x512xf32> to vector<200x512xf32>
    %dot_general3A_1016 = arith.constant dense<0.000000e+00> : vector<16x512xf32>
    %dot_general3A_1017 = tpu.matmul %max3A_1010, %get3A_1015, %dot_general3A_1016 {dimension_numbers = #tpu.dot_dimension_numbers<[1], [0], [0], [1], [0, 0, 1, 1], [], []>, transpose_lhs_hint = false} : vector<16x200xf32>, vector<200x512xf32>, vector<16x512xf32> -> vector<16x512xf32>
    %add3A_1018 = arith.addf %add3A_970, %dot_general3A_1017 : vector<16x512xf32>
    %slice3A_1019 = vector.extract_strided_slice %concatenate3A {offsets = [0, 0], sizes = [16, 200], strides = [1, 1]} : vector<16x202xf32> to vector<16x200xf32>
    %convert_element_type3A_1020 = arith.truncf %slice3A_1019 : vector<16x200xf32> to vector<16x200xbf16>
    %convert_element_type3A_1021 = arith.extf %convert_element_type3A_1020 : vector<16x200xbf16> to vector<16x200xf32>
    %get3A_1022 = arith.constant 0 : index
    %get3A_1023 = arith.constant 21 : index
    %get3A_1024 = memref.load %arg0[%get3A_1022, %get3A_1023] : memref<3x64xf32, #tpu.memory_space<smem>>
    %convert_element_type3A_1025 = arith.truncf %get3A_1024 : f32 to bf16
    %convert_element_type3A_1026 = arith.extf %convert_element_type3A_1025 : bf16 to f32
    %mul3A_1027 = vector.broadcast %convert_element_type3A_1026 : f32 to vector<16x200xf32>
    %mul3A_1028 = arith.mulf %convert_element_type3A_1021, %mul3A_1027 : vector<16x200xf32>
    %slice3A_1029 = vector.extract_strided_slice %concatenate3A {offsets = [0, 1], sizes = [16, 200], strides = [1, 1]} : vector<16x202xf32> to vector<16x200xf32>
    %convert_element_type3A_1030 = arith.truncf %slice3A_1029 : vector<16x200xf32> to vector<16x200xbf16>
    %convert_element_type3A_1031 = arith.extf %convert_element_type3A_1030 : vector<16x200xbf16> to vector<16x200xf32>
    %get3A_1032 = arith.constant 1 : index
    %get3A_1033 = arith.constant 21 : index
    %get3A_1034 = memref.load %arg0[%get3A_1032, %get3A_1033] : memref<3x64xf32, #tpu.memory_space<smem>>
    %convert_element_type3A_1035 = arith.truncf %get3A_1034 : f32 to bf16
    %convert_element_type3A_1036 = arith.extf %convert_element_type3A_1035 : bf16 to f32
    %mul3A_1037 = vector.broadcast %convert_element_type3A_1036 : f32 to vector<16x200xf32>
    %mul3A_1038 = arith.mulf %convert_element_type3A_1031, %mul3A_1037 : vector<16x200xf32>
    %add3A_1039 = arith.addf %mul3A_1028, %mul3A_1038 : vector<16x200xf32>
    %slice3A_1040 = vector.extract_strided_slice %concatenate3A {offsets = [0, 2], sizes = [16, 200], strides = [1, 1]} : vector<16x202xf32> to vector<16x200xf32>
    %convert_element_type3A_1041 = arith.truncf %slice3A_1040 : vector<16x200xf32> to vector<16x200xbf16>
    %convert_element_type3A_1042 = arith.extf %convert_element_type3A_1041 : vector<16x200xbf16> to vector<16x200xf32>
    %get3A_1043 = arith.constant 2 : index
    %get3A_1044 = arith.constant 21 : index
    %get3A_1045 = memref.load %arg0[%get3A_1043, %get3A_1044] : memref<3x64xf32, #tpu.memory_space<smem>>
    %convert_element_type3A_1046 = arith.truncf %get3A_1045 : f32 to bf16
    %convert_element_type3A_1047 = arith.extf %convert_element_type3A_1046 : bf16 to f32
    %mul3A_1048 = vector.broadcast %convert_element_type3A_1047 : f32 to vector<16x200xf32>
    %mul3A_1049 = arith.mulf %convert_element_type3A_1042, %mul3A_1048 : vector<16x200xf32>
    %add3A_1050 = arith.addf %add3A_1039, %mul3A_1049 : vector<16x200xf32>
    %get3A_1051 = arith.constant 0 : index
    %get3A_1052 = arith.constant 21 : index
    %get3A_1053 = memref.load %arg1[%get3A_1051, %get3A_1052] : memref<1x64xf32, #tpu.memory_space<smem>>
    %add3A_1054 = vector.broadcast %get3A_1053 : f32 to vector<16x200xf32>
    %add3A_1055 = arith.addf %add3A_1050, %add3A_1054 : vector<16x200xf32>
    %max3A_1056 = arith.constant 0.000000e+00 : f32
    %max3A_1057 = vector.broadcast %max3A_1056 : f32 to vector<16x200xf32>
    %max3A_1058 = arith.maximumf %add3A_1055, %max3A_1057 : vector<16x200xf32>
    %get3A_1059 = arith.constant 21 : index
    %get3A_1060 = arith.constant 0 : index
    %get3A_1061 = arith.constant 0 : index
    %get3A_1062 = vector.load %arg5[%get3A_1059, %get3A_1060, %get3A_1061] : memref<64x200x512xf32, #tpu.memory_space<vmem>>, vector<1x200x512xf32>
    %get3A_1063 = vector.shape_cast %get3A_1062 : vector<1x200x512xf32> to vector<200x512xf32>
    %dot_general3A_1064 = arith.constant dense<0.000000e+00> : vector<16x512xf32>
    %dot_general3A_1065 = tpu.matmul %max3A_1058, %get3A_1063, %dot_general3A_1064 {dimension_numbers = #tpu.dot_dimension_numbers<[1], [0], [0], [1], [0, 0, 1, 1], [], []>, transpose_lhs_hint = false} : vector<16x200xf32>, vector<200x512xf32>, vector<16x512xf32> -> vector<16x512xf32>
    %add3A_1066 = arith.addf %add3A_1018, %dot_general3A_1065 : vector<16x512xf32>
    %slice3A_1067 = vector.extract_strided_slice %concatenate3A {offsets = [0, 0], sizes = [16, 200], strides = [1, 1]} : vector<16x202xf32> to vector<16x200xf32>
    %convert_element_type3A_1068 = arith.truncf %slice3A_1067 : vector<16x200xf32> to vector<16x200xbf16>
    %convert_element_type3A_1069 = arith.extf %convert_element_type3A_1068 : vector<16x200xbf16> to vector<16x200xf32>
    %get3A_1070 = arith.constant 0 : index
    %get3A_1071 = arith.constant 22 : index
    %get3A_1072 = memref.load %arg0[%get3A_1070, %get3A_1071] : memref<3x64xf32, #tpu.memory_space<smem>>
    %convert_element_type3A_1073 = arith.truncf %get3A_1072 : f32 to bf16
    %convert_element_type3A_1074 = arith.extf %convert_element_type3A_1073 : bf16 to f32
    %mul3A_1075 = vector.broadcast %convert_element_type3A_1074 : f32 to vector<16x200xf32>
    %mul3A_1076 = arith.mulf %convert_element_type3A_1069, %mul3A_1075 : vector<16x200xf32>
    %slice3A_1077 = vector.extract_strided_slice %concatenate3A {offsets = [0, 1], sizes = [16, 200], strides = [1, 1]} : vector<16x202xf32> to vector<16x200xf32>
    %convert_element_type3A_1078 = arith.truncf %slice3A_1077 : vector<16x200xf32> to vector<16x200xbf16>
    %convert_element_type3A_1079 = arith.extf %convert_element_type3A_1078 : vector<16x200xbf16> to vector<16x200xf32>
    %get3A_1080 = arith.constant 1 : index
    %get3A_1081 = arith.constant 22 : index
    %get3A_1082 = memref.load %arg0[%get3A_1080, %get3A_1081] : memref<3x64xf32, #tpu.memory_space<smem>>
    %convert_element_type3A_1083 = arith.truncf %get3A_1082 : f32 to bf16
    %convert_element_type3A_1084 = arith.extf %convert_element_type3A_1083 : bf16 to f32
    %mul3A_1085 = vector.broadcast %convert_element_type3A_1084 : f32 to vector<16x200xf32>
    %mul3A_1086 = arith.mulf %convert_element_type3A_1079, %mul3A_1085 : vector<16x200xf32>
    %add3A_1087 = arith.addf %mul3A_1076, %mul3A_1086 : vector<16x200xf32>
    %slice3A_1088 = vector.extract_strided_slice %concatenate3A {offsets = [0, 2], sizes = [16, 200], strides = [1, 1]} : vector<16x202xf32> to vector<16x200xf32>
    %convert_element_type3A_1089 = arith.truncf %slice3A_1088 : vector<16x200xf32> to vector<16x200xbf16>
    %convert_element_type3A_1090 = arith.extf %convert_element_type3A_1089 : vector<16x200xbf16> to vector<16x200xf32>
    %get3A_1091 = arith.constant 2 : index
    %get3A_1092 = arith.constant 22 : index
    %get3A_1093 = memref.load %arg0[%get3A_1091, %get3A_1092] : memref<3x64xf32, #tpu.memory_space<smem>>
    %convert_element_type3A_1094 = arith.truncf %get3A_1093 : f32 to bf16
    %convert_element_type3A_1095 = arith.extf %convert_element_type3A_1094 : bf16 to f32
    %mul3A_1096 = vector.broadcast %convert_element_type3A_1095 : f32 to vector<16x200xf32>
    %mul3A_1097 = arith.mulf %convert_element_type3A_1090, %mul3A_1096 : vector<16x200xf32>
    %add3A_1098 = arith.addf %add3A_1087, %mul3A_1097 : vector<16x200xf32>
    %get3A_1099 = arith.constant 0 : index
    %get3A_1100 = arith.constant 22 : index
    %get3A_1101 = memref.load %arg1[%get3A_1099, %get3A_1100] : memref<1x64xf32, #tpu.memory_space<smem>>
    %add3A_1102 = vector.broadcast %get3A_1101 : f32 to vector<16x200xf32>
    %add3A_1103 = arith.addf %add3A_1098, %add3A_1102 : vector<16x200xf32>
    %max3A_1104 = arith.constant 0.000000e+00 : f32
    %max3A_1105 = vector.broadcast %max3A_1104 : f32 to vector<16x200xf32>
    %max3A_1106 = arith.maximumf %add3A_1103, %max3A_1105 : vector<16x200xf32>
    %get3A_1107 = arith.constant 22 : index
    %get3A_1108 = arith.constant 0 : index
    %get3A_1109 = arith.constant 0 : index
    %get3A_1110 = vector.load %arg5[%get3A_1107, %get3A_1108, %get3A_1109] : memref<64x200x512xf32, #tpu.memory_space<vmem>>, vector<1x200x512xf32>
    %get3A_1111 = vector.shape_cast %get3A_1110 : vector<1x200x512xf32> to vector<200x512xf32>
    %dot_general3A_1112 = arith.constant dense<0.000000e+00> : vector<16x512xf32>
    %dot_general3A_1113 = tpu.matmul %max3A_1106, %get3A_1111, %dot_general3A_1112 {dimension_numbers = #tpu.dot_dimension_numbers<[1], [0], [0], [1], [0, 0, 1, 1], [], []>, transpose_lhs_hint = false} : vector<16x200xf32>, vector<200x512xf32>, vector<16x512xf32> -> vector<16x512xf32>
    %add3A_1114 = arith.addf %add3A_1066, %dot_general3A_1113 : vector<16x512xf32>
    %slice3A_1115 = vector.extract_strided_slice %concatenate3A {offsets = [0, 0], sizes = [16, 200], strides = [1, 1]} : vector<16x202xf32> to vector<16x200xf32>
    %convert_element_type3A_1116 = arith.truncf %slice3A_1115 : vector<16x200xf32> to vector<16x200xbf16>
    %convert_element_type3A_1117 = arith.extf %convert_element_type3A_1116 : vector<16x200xbf16> to vector<16x200xf32>
    %get3A_1118 = arith.constant 0 : index
    %get3A_1119 = arith.constant 23 : index
    %get3A_1120 = memref.load %arg0[%get3A_1118, %get3A_1119] : memref<3x64xf32, #tpu.memory_space<smem>>
    %convert_element_type3A_1121 = arith.truncf %get3A_1120 : f32 to bf16
    %convert_element_type3A_1122 = arith.extf %convert_element_type3A_1121 : bf16 to f32
    %mul3A_1123 = vector.broadcast %convert_element_type3A_1122 : f32 to vector<16x200xf32>
    %mul3A_1124 = arith.mulf %convert_element_type3A_1117, %mul3A_1123 : vector<16x200xf32>
    %slice3A_1125 = vector.extract_strided_slice %concatenate3A {offsets = [0, 1], sizes = [16, 200], strides = [1, 1]} : vector<16x202xf32> to vector<16x200xf32>
    %convert_element_type3A_1126 = arith.truncf %slice3A_1125 : vector<16x200xf32> to vector<16x200xbf16>
    %convert_element_type3A_1127 = arith.extf %convert_element_type3A_1126 : vector<16x200xbf16> to vector<16x200xf32>
    %get3A_1128 = arith.constant 1 : index
    %get3A_1129 = arith.constant 23 : index
    %get3A_1130 = memref.load %arg0[%get3A_1128, %get3A_1129] : memref<3x64xf32, #tpu.memory_space<smem>>
    %convert_element_type3A_1131 = arith.truncf %get3A_1130 : f32 to bf16
    %convert_element_type3A_1132 = arith.extf %convert_element_type3A_1131 : bf16 to f32
    %mul3A_1133 = vector.broadcast %convert_element_type3A_1132 : f32 to vector<16x200xf32>
    %mul3A_1134 = arith.mulf %convert_element_type3A_1127, %mul3A_1133 : vector<16x200xf32>
    %add3A_1135 = arith.addf %mul3A_1124, %mul3A_1134 : vector<16x200xf32>
    %slice3A_1136 = vector.extract_strided_slice %concatenate3A {offsets = [0, 2], sizes = [16, 200], strides = [1, 1]} : vector<16x202xf32> to vector<16x200xf32>
    %convert_element_type3A_1137 = arith.truncf %slice3A_1136 : vector<16x200xf32> to vector<16x200xbf16>
    %convert_element_type3A_1138 = arith.extf %convert_element_type3A_1137 : vector<16x200xbf16> to vector<16x200xf32>
    %get3A_1139 = arith.constant 2 : index
    %get3A_1140 = arith.constant 23 : index
    %get3A_1141 = memref.load %arg0[%get3A_1139, %get3A_1140] : memref<3x64xf32, #tpu.memory_space<smem>>
    %convert_element_type3A_1142 = arith.truncf %get3A_1141 : f32 to bf16
    %convert_element_type3A_1143 = arith.extf %convert_element_type3A_1142 : bf16 to f32
    %mul3A_1144 = vector.broadcast %convert_element_type3A_1143 : f32 to vector<16x200xf32>
    %mul3A_1145 = arith.mulf %convert_element_type3A_1138, %mul3A_1144 : vector<16x200xf32>
    %add3A_1146 = arith.addf %add3A_1135, %mul3A_1145 : vector<16x200xf32>
    %get3A_1147 = arith.constant 0 : index
    %get3A_1148 = arith.constant 23 : index
    %get3A_1149 = memref.load %arg1[%get3A_1147, %get3A_1148] : memref<1x64xf32, #tpu.memory_space<smem>>
    %add3A_1150 = vector.broadcast %get3A_1149 : f32 to vector<16x200xf32>
    %add3A_1151 = arith.addf %add3A_1146, %add3A_1150 : vector<16x200xf32>
    %max3A_1152 = arith.constant 0.000000e+00 : f32
    %max3A_1153 = vector.broadcast %max3A_1152 : f32 to vector<16x200xf32>
    %max3A_1154 = arith.maximumf %add3A_1151, %max3A_1153 : vector<16x200xf32>
    %get3A_1155 = arith.constant 23 : index
    %get3A_1156 = arith.constant 0 : index
    %get3A_1157 = arith.constant 0 : index
    %get3A_1158 = vector.load %arg5[%get3A_1155, %get3A_1156, %get3A_1157] : memref<64x200x512xf32, #tpu.memory_space<vmem>>, vector<1x200x512xf32>
    %get3A_1159 = vector.shape_cast %get3A_1158 : vector<1x200x512xf32> to vector<200x512xf32>
    %dot_general3A_1160 = arith.constant dense<0.000000e+00> : vector<16x512xf32>
    %dot_general3A_1161 = tpu.matmul %max3A_1154, %get3A_1159, %dot_general3A_1160 {dimension_numbers = #tpu.dot_dimension_numbers<[1], [0], [0], [1], [0, 0, 1, 1], [], []>, transpose_lhs_hint = false} : vector<16x200xf32>, vector<200x512xf32>, vector<16x512xf32> -> vector<16x512xf32>
    %add3A_1162 = arith.addf %add3A_1114, %dot_general3A_1161 : vector<16x512xf32>
    %slice3A_1163 = vector.extract_strided_slice %concatenate3A {offsets = [0, 0], sizes = [16, 200], strides = [1, 1]} : vector<16x202xf32> to vector<16x200xf32>
    %convert_element_type3A_1164 = arith.truncf %slice3A_1163 : vector<16x200xf32> to vector<16x200xbf16>
    %convert_element_type3A_1165 = arith.extf %convert_element_type3A_1164 : vector<16x200xbf16> to vector<16x200xf32>
    %get3A_1166 = arith.constant 0 : index
    %get3A_1167 = arith.constant 24 : index
    %get3A_1168 = memref.load %arg0[%get3A_1166, %get3A_1167] : memref<3x64xf32, #tpu.memory_space<smem>>
    %convert_element_type3A_1169 = arith.truncf %get3A_1168 : f32 to bf16
    %convert_element_type3A_1170 = arith.extf %convert_element_type3A_1169 : bf16 to f32
    %mul3A_1171 = vector.broadcast %convert_element_type3A_1170 : f32 to vector<16x200xf32>
    %mul3A_1172 = arith.mulf %convert_element_type3A_1165, %mul3A_1171 : vector<16x200xf32>
    %slice3A_1173 = vector.extract_strided_slice %concatenate3A {offsets = [0, 1], sizes = [16, 200], strides = [1, 1]} : vector<16x202xf32> to vector<16x200xf32>
    %convert_element_type3A_1174 = arith.truncf %slice3A_1173 : vector<16x200xf32> to vector<16x200xbf16>
    %convert_element_type3A_1175 = arith.extf %convert_element_type3A_1174 : vector<16x200xbf16> to vector<16x200xf32>
    %get3A_1176 = arith.constant 1 : index
    %get3A_1177 = arith.constant 24 : index
    %get3A_1178 = memref.load %arg0[%get3A_1176, %get3A_1177] : memref<3x64xf32, #tpu.memory_space<smem>>
    %convert_element_type3A_1179 = arith.truncf %get3A_1178 : f32 to bf16
    %convert_element_type3A_1180 = arith.extf %convert_element_type3A_1179 : bf16 to f32
    %mul3A_1181 = vector.broadcast %convert_element_type3A_1180 : f32 to vector<16x200xf32>
    %mul3A_1182 = arith.mulf %convert_element_type3A_1175, %mul3A_1181 : vector<16x200xf32>
    %add3A_1183 = arith.addf %mul3A_1172, %mul3A_1182 : vector<16x200xf32>
    %slice3A_1184 = vector.extract_strided_slice %concatenate3A {offsets = [0, 2], sizes = [16, 200], strides = [1, 1]} : vector<16x202xf32> to vector<16x200xf32>
    %convert_element_type3A_1185 = arith.truncf %slice3A_1184 : vector<16x200xf32> to vector<16x200xbf16>
    %convert_element_type3A_1186 = arith.extf %convert_element_type3A_1185 : vector<16x200xbf16> to vector<16x200xf32>
    %get3A_1187 = arith.constant 2 : index
    %get3A_1188 = arith.constant 24 : index
    %get3A_1189 = memref.load %arg0[%get3A_1187, %get3A_1188] : memref<3x64xf32, #tpu.memory_space<smem>>
    %convert_element_type3A_1190 = arith.truncf %get3A_1189 : f32 to bf16
    %convert_element_type3A_1191 = arith.extf %convert_element_type3A_1190 : bf16 to f32
    %mul3A_1192 = vector.broadcast %convert_element_type3A_1191 : f32 to vector<16x200xf32>
    %mul3A_1193 = arith.mulf %convert_element_type3A_1186, %mul3A_1192 : vector<16x200xf32>
    %add3A_1194 = arith.addf %add3A_1183, %mul3A_1193 : vector<16x200xf32>
    %get3A_1195 = arith.constant 0 : index
    %get3A_1196 = arith.constant 24 : index
    %get3A_1197 = memref.load %arg1[%get3A_1195, %get3A_1196] : memref<1x64xf32, #tpu.memory_space<smem>>
    %add3A_1198 = vector.broadcast %get3A_1197 : f32 to vector<16x200xf32>
    %add3A_1199 = arith.addf %add3A_1194, %add3A_1198 : vector<16x200xf32>
    %max3A_1200 = arith.constant 0.000000e+00 : f32
    %max3A_1201 = vector.broadcast %max3A_1200 : f32 to vector<16x200xf32>
    %max3A_1202 = arith.maximumf %add3A_1199, %max3A_1201 : vector<16x200xf32>
    %get3A_1203 = arith.constant 24 : index
    %get3A_1204 = arith.constant 0 : index
    %get3A_1205 = arith.constant 0 : index
    %get3A_1206 = vector.load %arg5[%get3A_1203, %get3A_1204, %get3A_1205] : memref<64x200x512xf32, #tpu.memory_space<vmem>>, vector<1x200x512xf32>
    %get3A_1207 = vector.shape_cast %get3A_1206 : vector<1x200x512xf32> to vector<200x512xf32>
    %dot_general3A_1208 = arith.constant dense<0.000000e+00> : vector<16x512xf32>
    %dot_general3A_1209 = tpu.matmul %max3A_1202, %get3A_1207, %dot_general3A_1208 {dimension_numbers = #tpu.dot_dimension_numbers<[1], [0], [0], [1], [0, 0, 1, 1], [], []>, transpose_lhs_hint = false} : vector<16x200xf32>, vector<200x512xf32>, vector<16x512xf32> -> vector<16x512xf32>
    %add3A_1210 = arith.addf %add3A_1162, %dot_general3A_1209 : vector<16x512xf32>
    %slice3A_1211 = vector.extract_strided_slice %concatenate3A {offsets = [0, 0], sizes = [16, 200], strides = [1, 1]} : vector<16x202xf32> to vector<16x200xf32>
    %convert_element_type3A_1212 = arith.truncf %slice3A_1211 : vector<16x200xf32> to vector<16x200xbf16>
    %convert_element_type3A_1213 = arith.extf %convert_element_type3A_1212 : vector<16x200xbf16> to vector<16x200xf32>
    %get3A_1214 = arith.constant 0 : index
    %get3A_1215 = arith.constant 25 : index
    %get3A_1216 = memref.load %arg0[%get3A_1214, %get3A_1215] : memref<3x64xf32, #tpu.memory_space<smem>>
    %convert_element_type3A_1217 = arith.truncf %get3A_1216 : f32 to bf16
    %convert_element_type3A_1218 = arith.extf %convert_element_type3A_1217 : bf16 to f32
    %mul3A_1219 = vector.broadcast %convert_element_type3A_1218 : f32 to vector<16x200xf32>
    %mul3A_1220 = arith.mulf %convert_element_type3A_1213, %mul3A_1219 : vector<16x200xf32>
    %slice3A_1221 = vector.extract_strided_slice %concatenate3A {offsets = [0, 1], sizes = [16, 200], strides = [1, 1]} : vector<16x202xf32> to vector<16x200xf32>
    %convert_element_type3A_1222 = arith.truncf %slice3A_1221 : vector<16x200xf32> to vector<16x200xbf16>
    %convert_element_type3A_1223 = arith.extf %convert_element_type3A_1222 : vector<16x200xbf16> to vector<16x200xf32>
    %get3A_1224 = arith.constant 1 : index
    %get3A_1225 = arith.constant 25 : index
    %get3A_1226 = memref.load %arg0[%get3A_1224, %get3A_1225] : memref<3x64xf32, #tpu.memory_space<smem>>
    %convert_element_type3A_1227 = arith.truncf %get3A_1226 : f32 to bf16
    %convert_element_type3A_1228 = arith.extf %convert_element_type3A_1227 : bf16 to f32
    %mul3A_1229 = vector.broadcast %convert_element_type3A_1228 : f32 to vector<16x200xf32>
    %mul3A_1230 = arith.mulf %convert_element_type3A_1223, %mul3A_1229 : vector<16x200xf32>
    %add3A_1231 = arith.addf %mul3A_1220, %mul3A_1230 : vector<16x200xf32>
    %slice3A_1232 = vector.extract_strided_slice %concatenate3A {offsets = [0, 2], sizes = [16, 200], strides = [1, 1]} : vector<16x202xf32> to vector<16x200xf32>
    %convert_element_type3A_1233 = arith.truncf %slice3A_1232 : vector<16x200xf32> to vector<16x200xbf16>
    %convert_element_type3A_1234 = arith.extf %convert_element_type3A_1233 : vector<16x200xbf16> to vector<16x200xf32>
    %get3A_1235 = arith.constant 2 : index
    %get3A_1236 = arith.constant 25 : index
    %get3A_1237 = memref.load %arg0[%get3A_1235, %get3A_1236] : memref<3x64xf32, #tpu.memory_space<smem>>
    %convert_element_type3A_1238 = arith.truncf %get3A_1237 : f32 to bf16
    %convert_element_type3A_1239 = arith.extf %convert_element_type3A_1238 : bf16 to f32
    %mul3A_1240 = vector.broadcast %convert_element_type3A_1239 : f32 to vector<16x200xf32>
    %mul3A_1241 = arith.mulf %convert_element_type3A_1234, %mul3A_1240 : vector<16x200xf32>
    %add3A_1242 = arith.addf %add3A_1231, %mul3A_1241 : vector<16x200xf32>
    %get3A_1243 = arith.constant 0 : index
    %get3A_1244 = arith.constant 25 : index
    %get3A_1245 = memref.load %arg1[%get3A_1243, %get3A_1244] : memref<1x64xf32, #tpu.memory_space<smem>>
    %add3A_1246 = vector.broadcast %get3A_1245 : f32 to vector<16x200xf32>
    %add3A_1247 = arith.addf %add3A_1242, %add3A_1246 : vector<16x200xf32>
    %max3A_1248 = arith.constant 0.000000e+00 : f32
    %max3A_1249 = vector.broadcast %max3A_1248 : f32 to vector<16x200xf32>
    %max3A_1250 = arith.maximumf %add3A_1247, %max3A_1249 : vector<16x200xf32>
    %get3A_1251 = arith.constant 25 : index
    %get3A_1252 = arith.constant 0 : index
    %get3A_1253 = arith.constant 0 : index
    %get3A_1254 = vector.load %arg5[%get3A_1251, %get3A_1252, %get3A_1253] : memref<64x200x512xf32, #tpu.memory_space<vmem>>, vector<1x200x512xf32>
    %get3A_1255 = vector.shape_cast %get3A_1254 : vector<1x200x512xf32> to vector<200x512xf32>
    %dot_general3A_1256 = arith.constant dense<0.000000e+00> : vector<16x512xf32>
    %dot_general3A_1257 = tpu.matmul %max3A_1250, %get3A_1255, %dot_general3A_1256 {dimension_numbers = #tpu.dot_dimension_numbers<[1], [0], [0], [1], [0, 0, 1, 1], [], []>, transpose_lhs_hint = false} : vector<16x200xf32>, vector<200x512xf32>, vector<16x512xf32> -> vector<16x512xf32>
    %add3A_1258 = arith.addf %add3A_1210, %dot_general3A_1257 : vector<16x512xf32>
    %slice3A_1259 = vector.extract_strided_slice %concatenate3A {offsets = [0, 0], sizes = [16, 200], strides = [1, 1]} : vector<16x202xf32> to vector<16x200xf32>
    %convert_element_type3A_1260 = arith.truncf %slice3A_1259 : vector<16x200xf32> to vector<16x200xbf16>
    %convert_element_type3A_1261 = arith.extf %convert_element_type3A_1260 : vector<16x200xbf16> to vector<16x200xf32>
    %get3A_1262 = arith.constant 0 : index
    %get3A_1263 = arith.constant 26 : index
    %get3A_1264 = memref.load %arg0[%get3A_1262, %get3A_1263] : memref<3x64xf32, #tpu.memory_space<smem>>
    %convert_element_type3A_1265 = arith.truncf %get3A_1264 : f32 to bf16
    %convert_element_type3A_1266 = arith.extf %convert_element_type3A_1265 : bf16 to f32
    %mul3A_1267 = vector.broadcast %convert_element_type3A_1266 : f32 to vector<16x200xf32>
    %mul3A_1268 = arith.mulf %convert_element_type3A_1261, %mul3A_1267 : vector<16x200xf32>
    %slice3A_1269 = vector.extract_strided_slice %concatenate3A {offsets = [0, 1], sizes = [16, 200], strides = [1, 1]} : vector<16x202xf32> to vector<16x200xf32>
    %convert_element_type3A_1270 = arith.truncf %slice3A_1269 : vector<16x200xf32> to vector<16x200xbf16>
    %convert_element_type3A_1271 = arith.extf %convert_element_type3A_1270 : vector<16x200xbf16> to vector<16x200xf32>
    %get3A_1272 = arith.constant 1 : index
    %get3A_1273 = arith.constant 26 : index
    %get3A_1274 = memref.load %arg0[%get3A_1272, %get3A_1273] : memref<3x64xf32, #tpu.memory_space<smem>>
    %convert_element_type3A_1275 = arith.truncf %get3A_1274 : f32 to bf16
    %convert_element_type3A_1276 = arith.extf %convert_element_type3A_1275 : bf16 to f32
    %mul3A_1277 = vector.broadcast %convert_element_type3A_1276 : f32 to vector<16x200xf32>
    %mul3A_1278 = arith.mulf %convert_element_type3A_1271, %mul3A_1277 : vector<16x200xf32>
    %add3A_1279 = arith.addf %mul3A_1268, %mul3A_1278 : vector<16x200xf32>
    %slice3A_1280 = vector.extract_strided_slice %concatenate3A {offsets = [0, 2], sizes = [16, 200], strides = [1, 1]} : vector<16x202xf32> to vector<16x200xf32>
    %convert_element_type3A_1281 = arith.truncf %slice3A_1280 : vector<16x200xf32> to vector<16x200xbf16>
    %convert_element_type3A_1282 = arith.extf %convert_element_type3A_1281 : vector<16x200xbf16> to vector<16x200xf32>
    %get3A_1283 = arith.constant 2 : index
    %get3A_1284 = arith.constant 26 : index
    %get3A_1285 = memref.load %arg0[%get3A_1283, %get3A_1284] : memref<3x64xf32, #tpu.memory_space<smem>>
    %convert_element_type3A_1286 = arith.truncf %get3A_1285 : f32 to bf16
    %convert_element_type3A_1287 = arith.extf %convert_element_type3A_1286 : bf16 to f32
    %mul3A_1288 = vector.broadcast %convert_element_type3A_1287 : f32 to vector<16x200xf32>
    %mul3A_1289 = arith.mulf %convert_element_type3A_1282, %mul3A_1288 : vector<16x200xf32>
    %add3A_1290 = arith.addf %add3A_1279, %mul3A_1289 : vector<16x200xf32>
    %get3A_1291 = arith.constant 0 : index
    %get3A_1292 = arith.constant 26 : index
    %get3A_1293 = memref.load %arg1[%get3A_1291, %get3A_1292] : memref<1x64xf32, #tpu.memory_space<smem>>
    %add3A_1294 = vector.broadcast %get3A_1293 : f32 to vector<16x200xf32>
    %add3A_1295 = arith.addf %add3A_1290, %add3A_1294 : vector<16x200xf32>
    %max3A_1296 = arith.constant 0.000000e+00 : f32
    %max3A_1297 = vector.broadcast %max3A_1296 : f32 to vector<16x200xf32>
    %max3A_1298 = arith.maximumf %add3A_1295, %max3A_1297 : vector<16x200xf32>
    %get3A_1299 = arith.constant 26 : index
    %get3A_1300 = arith.constant 0 : index
    %get3A_1301 = arith.constant 0 : index
    %get3A_1302 = vector.load %arg5[%get3A_1299, %get3A_1300, %get3A_1301] : memref<64x200x512xf32, #tpu.memory_space<vmem>>, vector<1x200x512xf32>
    %get3A_1303 = vector.shape_cast %get3A_1302 : vector<1x200x512xf32> to vector<200x512xf32>
    %dot_general3A_1304 = arith.constant dense<0.000000e+00> : vector<16x512xf32>
    %dot_general3A_1305 = tpu.matmul %max3A_1298, %get3A_1303, %dot_general3A_1304 {dimension_numbers = #tpu.dot_dimension_numbers<[1], [0], [0], [1], [0, 0, 1, 1], [], []>, transpose_lhs_hint = false} : vector<16x200xf32>, vector<200x512xf32>, vector<16x512xf32> -> vector<16x512xf32>
    %add3A_1306 = arith.addf %add3A_1258, %dot_general3A_1305 : vector<16x512xf32>
    %slice3A_1307 = vector.extract_strided_slice %concatenate3A {offsets = [0, 0], sizes = [16, 200], strides = [1, 1]} : vector<16x202xf32> to vector<16x200xf32>
    %convert_element_type3A_1308 = arith.truncf %slice3A_1307 : vector<16x200xf32> to vector<16x200xbf16>
    %convert_element_type3A_1309 = arith.extf %convert_element_type3A_1308 : vector<16x200xbf16> to vector<16x200xf32>
    %get3A_1310 = arith.constant 0 : index
    %get3A_1311 = arith.constant 27 : index
    %get3A_1312 = memref.load %arg0[%get3A_1310, %get3A_1311] : memref<3x64xf32, #tpu.memory_space<smem>>
    %convert_element_type3A_1313 = arith.truncf %get3A_1312 : f32 to bf16
    %convert_element_type3A_1314 = arith.extf %convert_element_type3A_1313 : bf16 to f32
    %mul3A_1315 = vector.broadcast %convert_element_type3A_1314 : f32 to vector<16x200xf32>
    %mul3A_1316 = arith.mulf %convert_element_type3A_1309, %mul3A_1315 : vector<16x200xf32>
    %slice3A_1317 = vector.extract_strided_slice %concatenate3A {offsets = [0, 1], sizes = [16, 200], strides = [1, 1]} : vector<16x202xf32> to vector<16x200xf32>
    %convert_element_type3A_1318 = arith.truncf %slice3A_1317 : vector<16x200xf32> to vector<16x200xbf16>
    %convert_element_type3A_1319 = arith.extf %convert_element_type3A_1318 : vector<16x200xbf16> to vector<16x200xf32>
    %get3A_1320 = arith.constant 1 : index
    %get3A_1321 = arith.constant 27 : index
    %get3A_1322 = memref.load %arg0[%get3A_1320, %get3A_1321] : memref<3x64xf32, #tpu.memory_space<smem>>
    %convert_element_type3A_1323 = arith.truncf %get3A_1322 : f32 to bf16
    %convert_element_type3A_1324 = arith.extf %convert_element_type3A_1323 : bf16 to f32
    %mul3A_1325 = vector.broadcast %convert_element_type3A_1324 : f32 to vector<16x200xf32>
    %mul3A_1326 = arith.mulf %convert_element_type3A_1319, %mul3A_1325 : vector<16x200xf32>
    %add3A_1327 = arith.addf %mul3A_1316, %mul3A_1326 : vector<16x200xf32>
    %slice3A_1328 = vector.extract_strided_slice %concatenate3A {offsets = [0, 2], sizes = [16, 200], strides = [1, 1]} : vector<16x202xf32> to vector<16x200xf32>
    %convert_element_type3A_1329 = arith.truncf %slice3A_1328 : vector<16x200xf32> to vector<16x200xbf16>
    %convert_element_type3A_1330 = arith.extf %convert_element_type3A_1329 : vector<16x200xbf16> to vector<16x200xf32>
    %get3A_1331 = arith.constant 2 : index
    %get3A_1332 = arith.constant 27 : index
    %get3A_1333 = memref.load %arg0[%get3A_1331, %get3A_1332] : memref<3x64xf32, #tpu.memory_space<smem>>
    %convert_element_type3A_1334 = arith.truncf %get3A_1333 : f32 to bf16
    %convert_element_type3A_1335 = arith.extf %convert_element_type3A_1334 : bf16 to f32
    %mul3A_1336 = vector.broadcast %convert_element_type3A_1335 : f32 to vector<16x200xf32>
    %mul3A_1337 = arith.mulf %convert_element_type3A_1330, %mul3A_1336 : vector<16x200xf32>
    %add3A_1338 = arith.addf %add3A_1327, %mul3A_1337 : vector<16x200xf32>
    %get3A_1339 = arith.constant 0 : index
    %get3A_1340 = arith.constant 27 : index
    %get3A_1341 = memref.load %arg1[%get3A_1339, %get3A_1340] : memref<1x64xf32, #tpu.memory_space<smem>>
    %add3A_1342 = vector.broadcast %get3A_1341 : f32 to vector<16x200xf32>
    %add3A_1343 = arith.addf %add3A_1338, %add3A_1342 : vector<16x200xf32>
    %max3A_1344 = arith.constant 0.000000e+00 : f32
    %max3A_1345 = vector.broadcast %max3A_1344 : f32 to vector<16x200xf32>
    %max3A_1346 = arith.maximumf %add3A_1343, %max3A_1345 : vector<16x200xf32>
    %get3A_1347 = arith.constant 27 : index
    %get3A_1348 = arith.constant 0 : index
    %get3A_1349 = arith.constant 0 : index
    %get3A_1350 = vector.load %arg5[%get3A_1347, %get3A_1348, %get3A_1349] : memref<64x200x512xf32, #tpu.memory_space<vmem>>, vector<1x200x512xf32>
    %get3A_1351 = vector.shape_cast %get3A_1350 : vector<1x200x512xf32> to vector<200x512xf32>
    %dot_general3A_1352 = arith.constant dense<0.000000e+00> : vector<16x512xf32>
    %dot_general3A_1353 = tpu.matmul %max3A_1346, %get3A_1351, %dot_general3A_1352 {dimension_numbers = #tpu.dot_dimension_numbers<[1], [0], [0], [1], [0, 0, 1, 1], [], []>, transpose_lhs_hint = false} : vector<16x200xf32>, vector<200x512xf32>, vector<16x512xf32> -> vector<16x512xf32>
    %add3A_1354 = arith.addf %add3A_1306, %dot_general3A_1353 : vector<16x512xf32>
    %slice3A_1355 = vector.extract_strided_slice %concatenate3A {offsets = [0, 0], sizes = [16, 200], strides = [1, 1]} : vector<16x202xf32> to vector<16x200xf32>
    %convert_element_type3A_1356 = arith.truncf %slice3A_1355 : vector<16x200xf32> to vector<16x200xbf16>
    %convert_element_type3A_1357 = arith.extf %convert_element_type3A_1356 : vector<16x200xbf16> to vector<16x200xf32>
    %get3A_1358 = arith.constant 0 : index
    %get3A_1359 = arith.constant 28 : index
    %get3A_1360 = memref.load %arg0[%get3A_1358, %get3A_1359] : memref<3x64xf32, #tpu.memory_space<smem>>
    %convert_element_type3A_1361 = arith.truncf %get3A_1360 : f32 to bf16
    %convert_element_type3A_1362 = arith.extf %convert_element_type3A_1361 : bf16 to f32
    %mul3A_1363 = vector.broadcast %convert_element_type3A_1362 : f32 to vector<16x200xf32>
    %mul3A_1364 = arith.mulf %convert_element_type3A_1357, %mul3A_1363 : vector<16x200xf32>
    %slice3A_1365 = vector.extract_strided_slice %concatenate3A {offsets = [0, 1], sizes = [16, 200], strides = [1, 1]} : vector<16x202xf32> to vector<16x200xf32>
    %convert_element_type3A_1366 = arith.truncf %slice3A_1365 : vector<16x200xf32> to vector<16x200xbf16>
    %convert_element_type3A_1367 = arith.extf %convert_element_type3A_1366 : vector<16x200xbf16> to vector<16x200xf32>
    %get3A_1368 = arith.constant 1 : index
    %get3A_1369 = arith.constant 28 : index
    %get3A_1370 = memref.load %arg0[%get3A_1368, %get3A_1369] : memref<3x64xf32, #tpu.memory_space<smem>>
    %convert_element_type3A_1371 = arith.truncf %get3A_1370 : f32 to bf16
    %convert_element_type3A_1372 = arith.extf %convert_element_type3A_1371 : bf16 to f32
    %mul3A_1373 = vector.broadcast %convert_element_type3A_1372 : f32 to vector<16x200xf32>
    %mul3A_1374 = arith.mulf %convert_element_type3A_1367, %mul3A_1373 : vector<16x200xf32>
    %add3A_1375 = arith.addf %mul3A_1364, %mul3A_1374 : vector<16x200xf32>
    %slice3A_1376 = vector.extract_strided_slice %concatenate3A {offsets = [0, 2], sizes = [16, 200], strides = [1, 1]} : vector<16x202xf32> to vector<16x200xf32>
    %convert_element_type3A_1377 = arith.truncf %slice3A_1376 : vector<16x200xf32> to vector<16x200xbf16>
    %convert_element_type3A_1378 = arith.extf %convert_element_type3A_1377 : vector<16x200xbf16> to vector<16x200xf32>
    %get3A_1379 = arith.constant 2 : index
    %get3A_1380 = arith.constant 28 : index
    %get3A_1381 = memref.load %arg0[%get3A_1379, %get3A_1380] : memref<3x64xf32, #tpu.memory_space<smem>>
    %convert_element_type3A_1382 = arith.truncf %get3A_1381 : f32 to bf16
    %convert_element_type3A_1383 = arith.extf %convert_element_type3A_1382 : bf16 to f32
    %mul3A_1384 = vector.broadcast %convert_element_type3A_1383 : f32 to vector<16x200xf32>
    %mul3A_1385 = arith.mulf %convert_element_type3A_1378, %mul3A_1384 : vector<16x200xf32>
    %add3A_1386 = arith.addf %add3A_1375, %mul3A_1385 : vector<16x200xf32>
    %get3A_1387 = arith.constant 0 : index
    %get3A_1388 = arith.constant 28 : index
    %get3A_1389 = memref.load %arg1[%get3A_1387, %get3A_1388] : memref<1x64xf32, #tpu.memory_space<smem>>
    %add3A_1390 = vector.broadcast %get3A_1389 : f32 to vector<16x200xf32>
    %add3A_1391 = arith.addf %add3A_1386, %add3A_1390 : vector<16x200xf32>
    %max3A_1392 = arith.constant 0.000000e+00 : f32
    %max3A_1393 = vector.broadcast %max3A_1392 : f32 to vector<16x200xf32>
    %max3A_1394 = arith.maximumf %add3A_1391, %max3A_1393 : vector<16x200xf32>
    %get3A_1395 = arith.constant 28 : index
    %get3A_1396 = arith.constant 0 : index
    %get3A_1397 = arith.constant 0 : index
    %get3A_1398 = vector.load %arg5[%get3A_1395, %get3A_1396, %get3A_1397] : memref<64x200x512xf32, #tpu.memory_space<vmem>>, vector<1x200x512xf32>
    %get3A_1399 = vector.shape_cast %get3A_1398 : vector<1x200x512xf32> to vector<200x512xf32>
    %dot_general3A_1400 = arith.constant dense<0.000000e+00> : vector<16x512xf32>
    %dot_general3A_1401 = tpu.matmul %max3A_1394, %get3A_1399, %dot_general3A_1400 {dimension_numbers = #tpu.dot_dimension_numbers<[1], [0], [0], [1], [0, 0, 1, 1], [], []>, transpose_lhs_hint = false} : vector<16x200xf32>, vector<200x512xf32>, vector<16x512xf32> -> vector<16x512xf32>
    %add3A_1402 = arith.addf %add3A_1354, %dot_general3A_1401 : vector<16x512xf32>
    %slice3A_1403 = vector.extract_strided_slice %concatenate3A {offsets = [0, 0], sizes = [16, 200], strides = [1, 1]} : vector<16x202xf32> to vector<16x200xf32>
    %convert_element_type3A_1404 = arith.truncf %slice3A_1403 : vector<16x200xf32> to vector<16x200xbf16>
    %convert_element_type3A_1405 = arith.extf %convert_element_type3A_1404 : vector<16x200xbf16> to vector<16x200xf32>
    %get3A_1406 = arith.constant 0 : index
    %get3A_1407 = arith.constant 29 : index
    %get3A_1408 = memref.load %arg0[%get3A_1406, %get3A_1407] : memref<3x64xf32, #tpu.memory_space<smem>>
    %convert_element_type3A_1409 = arith.truncf %get3A_1408 : f32 to bf16
    %convert_element_type3A_1410 = arith.extf %convert_element_type3A_1409 : bf16 to f32
    %mul3A_1411 = vector.broadcast %convert_element_type3A_1410 : f32 to vector<16x200xf32>
    %mul3A_1412 = arith.mulf %convert_element_type3A_1405, %mul3A_1411 : vector<16x200xf32>
    %slice3A_1413 = vector.extract_strided_slice %concatenate3A {offsets = [0, 1], sizes = [16, 200], strides = [1, 1]} : vector<16x202xf32> to vector<16x200xf32>
    %convert_element_type3A_1414 = arith.truncf %slice3A_1413 : vector<16x200xf32> to vector<16x200xbf16>
    %convert_element_type3A_1415 = arith.extf %convert_element_type3A_1414 : vector<16x200xbf16> to vector<16x200xf32>
    %get3A_1416 = arith.constant 1 : index
    %get3A_1417 = arith.constant 29 : index
    %get3A_1418 = memref.load %arg0[%get3A_1416, %get3A_1417] : memref<3x64xf32, #tpu.memory_space<smem>>
    %convert_element_type3A_1419 = arith.truncf %get3A_1418 : f32 to bf16
    %convert_element_type3A_1420 = arith.extf %convert_element_type3A_1419 : bf16 to f32
    %mul3A_1421 = vector.broadcast %convert_element_type3A_1420 : f32 to vector<16x200xf32>
    %mul3A_1422 = arith.mulf %convert_element_type3A_1415, %mul3A_1421 : vector<16x200xf32>
    %add3A_1423 = arith.addf %mul3A_1412, %mul3A_1422 : vector<16x200xf32>
    %slice3A_1424 = vector.extract_strided_slice %concatenate3A {offsets = [0, 2], sizes = [16, 200], strides = [1, 1]} : vector<16x202xf32> to vector<16x200xf32>
    %convert_element_type3A_1425 = arith.truncf %slice3A_1424 : vector<16x200xf32> to vector<16x200xbf16>
    %convert_element_type3A_1426 = arith.extf %convert_element_type3A_1425 : vector<16x200xbf16> to vector<16x200xf32>
    %get3A_1427 = arith.constant 2 : index
    %get3A_1428 = arith.constant 29 : index
    %get3A_1429 = memref.load %arg0[%get3A_1427, %get3A_1428] : memref<3x64xf32, #tpu.memory_space<smem>>
    %convert_element_type3A_1430 = arith.truncf %get3A_1429 : f32 to bf16
    %convert_element_type3A_1431 = arith.extf %convert_element_type3A_1430 : bf16 to f32
    %mul3A_1432 = vector.broadcast %convert_element_type3A_1431 : f32 to vector<16x200xf32>
    %mul3A_1433 = arith.mulf %convert_element_type3A_1426, %mul3A_1432 : vector<16x200xf32>
    %add3A_1434 = arith.addf %add3A_1423, %mul3A_1433 : vector<16x200xf32>
    %get3A_1435 = arith.constant 0 : index
    %get3A_1436 = arith.constant 29 : index
    %get3A_1437 = memref.load %arg1[%get3A_1435, %get3A_1436] : memref<1x64xf32, #tpu.memory_space<smem>>
    %add3A_1438 = vector.broadcast %get3A_1437 : f32 to vector<16x200xf32>
    %add3A_1439 = arith.addf %add3A_1434, %add3A_1438 : vector<16x200xf32>
    %max3A_1440 = arith.constant 0.000000e+00 : f32
    %max3A_1441 = vector.broadcast %max3A_1440 : f32 to vector<16x200xf32>
    %max3A_1442 = arith.maximumf %add3A_1439, %max3A_1441 : vector<16x200xf32>
    %get3A_1443 = arith.constant 29 : index
    %get3A_1444 = arith.constant 0 : index
    %get3A_1445 = arith.constant 0 : index
    %get3A_1446 = vector.load %arg5[%get3A_1443, %get3A_1444, %get3A_1445] : memref<64x200x512xf32, #tpu.memory_space<vmem>>, vector<1x200x512xf32>
    %get3A_1447 = vector.shape_cast %get3A_1446 : vector<1x200x512xf32> to vector<200x512xf32>
    %dot_general3A_1448 = arith.constant dense<0.000000e+00> : vector<16x512xf32>
    %dot_general3A_1449 = tpu.matmul %max3A_1442, %get3A_1447, %dot_general3A_1448 {dimension_numbers = #tpu.dot_dimension_numbers<[1], [0], [0], [1], [0, 0, 1, 1], [], []>, transpose_lhs_hint = false} : vector<16x200xf32>, vector<200x512xf32>, vector<16x512xf32> -> vector<16x512xf32>
    %add3A_1450 = arith.addf %add3A_1402, %dot_general3A_1449 : vector<16x512xf32>
    %slice3A_1451 = vector.extract_strided_slice %concatenate3A {offsets = [0, 0], sizes = [16, 200], strides = [1, 1]} : vector<16x202xf32> to vector<16x200xf32>
    %convert_element_type3A_1452 = arith.truncf %slice3A_1451 : vector<16x200xf32> to vector<16x200xbf16>
    %convert_element_type3A_1453 = arith.extf %convert_element_type3A_1452 : vector<16x200xbf16> to vector<16x200xf32>
    %get3A_1454 = arith.constant 0 : index
    %get3A_1455 = arith.constant 30 : index
    %get3A_1456 = memref.load %arg0[%get3A_1454, %get3A_1455] : memref<3x64xf32, #tpu.memory_space<smem>>
    %convert_element_type3A_1457 = arith.truncf %get3A_1456 : f32 to bf16
    %convert_element_type3A_1458 = arith.extf %convert_element_type3A_1457 : bf16 to f32
    %mul3A_1459 = vector.broadcast %convert_element_type3A_1458 : f32 to vector<16x200xf32>
    %mul3A_1460 = arith.mulf %convert_element_type3A_1453, %mul3A_1459 : vector<16x200xf32>
    %slice3A_1461 = vector.extract_strided_slice %concatenate3A {offsets = [0, 1], sizes = [16, 200], strides = [1, 1]} : vector<16x202xf32> to vector<16x200xf32>
    %convert_element_type3A_1462 = arith.truncf %slice3A_1461 : vector<16x200xf32> to vector<16x200xbf16>
    %convert_element_type3A_1463 = arith.extf %convert_element_type3A_1462 : vector<16x200xbf16> to vector<16x200xf32>
    %get3A_1464 = arith.constant 1 : index
    %get3A_1465 = arith.constant 30 : index
    %get3A_1466 = memref.load %arg0[%get3A_1464, %get3A_1465] : memref<3x64xf32, #tpu.memory_space<smem>>
    %convert_element_type3A_1467 = arith.truncf %get3A_1466 : f32 to bf16
    %convert_element_type3A_1468 = arith.extf %convert_element_type3A_1467 : bf16 to f32
    %mul3A_1469 = vector.broadcast %convert_element_type3A_1468 : f32 to vector<16x200xf32>
    %mul3A_1470 = arith.mulf %convert_element_type3A_1463, %mul3A_1469 : vector<16x200xf32>
    %add3A_1471 = arith.addf %mul3A_1460, %mul3A_1470 : vector<16x200xf32>
    %slice3A_1472 = vector.extract_strided_slice %concatenate3A {offsets = [0, 2], sizes = [16, 200], strides = [1, 1]} : vector<16x202xf32> to vector<16x200xf32>
    %convert_element_type3A_1473 = arith.truncf %slice3A_1472 : vector<16x200xf32> to vector<16x200xbf16>
    %convert_element_type3A_1474 = arith.extf %convert_element_type3A_1473 : vector<16x200xbf16> to vector<16x200xf32>
    %get3A_1475 = arith.constant 2 : index
    %get3A_1476 = arith.constant 30 : index
    %get3A_1477 = memref.load %arg0[%get3A_1475, %get3A_1476] : memref<3x64xf32, #tpu.memory_space<smem>>
    %convert_element_type3A_1478 = arith.truncf %get3A_1477 : f32 to bf16
    %convert_element_type3A_1479 = arith.extf %convert_element_type3A_1478 : bf16 to f32
    %mul3A_1480 = vector.broadcast %convert_element_type3A_1479 : f32 to vector<16x200xf32>
    %mul3A_1481 = arith.mulf %convert_element_type3A_1474, %mul3A_1480 : vector<16x200xf32>
    %add3A_1482 = arith.addf %add3A_1471, %mul3A_1481 : vector<16x200xf32>
    %get3A_1483 = arith.constant 0 : index
    %get3A_1484 = arith.constant 30 : index
    %get3A_1485 = memref.load %arg1[%get3A_1483, %get3A_1484] : memref<1x64xf32, #tpu.memory_space<smem>>
    %add3A_1486 = vector.broadcast %get3A_1485 : f32 to vector<16x200xf32>
    %add3A_1487 = arith.addf %add3A_1482, %add3A_1486 : vector<16x200xf32>
    %max3A_1488 = arith.constant 0.000000e+00 : f32
    %max3A_1489 = vector.broadcast %max3A_1488 : f32 to vector<16x200xf32>
    %max3A_1490 = arith.maximumf %add3A_1487, %max3A_1489 : vector<16x200xf32>
    %get3A_1491 = arith.constant 30 : index
    %get3A_1492 = arith.constant 0 : index
    %get3A_1493 = arith.constant 0 : index
    %get3A_1494 = vector.load %arg5[%get3A_1491, %get3A_1492, %get3A_1493] : memref<64x200x512xf32, #tpu.memory_space<vmem>>, vector<1x200x512xf32>
    %get3A_1495 = vector.shape_cast %get3A_1494 : vector<1x200x512xf32> to vector<200x512xf32>
    %dot_general3A_1496 = arith.constant dense<0.000000e+00> : vector<16x512xf32>
    %dot_general3A_1497 = tpu.matmul %max3A_1490, %get3A_1495, %dot_general3A_1496 {dimension_numbers = #tpu.dot_dimension_numbers<[1], [0], [0], [1], [0, 0, 1, 1], [], []>, transpose_lhs_hint = false} : vector<16x200xf32>, vector<200x512xf32>, vector<16x512xf32> -> vector<16x512xf32>
    %add3A_1498 = arith.addf %add3A_1450, %dot_general3A_1497 : vector<16x512xf32>
    %slice3A_1499 = vector.extract_strided_slice %concatenate3A {offsets = [0, 0], sizes = [16, 200], strides = [1, 1]} : vector<16x202xf32> to vector<16x200xf32>
    %convert_element_type3A_1500 = arith.truncf %slice3A_1499 : vector<16x200xf32> to vector<16x200xbf16>
    %convert_element_type3A_1501 = arith.extf %convert_element_type3A_1500 : vector<16x200xbf16> to vector<16x200xf32>
    %get3A_1502 = arith.constant 0 : index
    %get3A_1503 = arith.constant 31 : index
    %get3A_1504 = memref.load %arg0[%get3A_1502, %get3A_1503] : memref<3x64xf32, #tpu.memory_space<smem>>
    %convert_element_type3A_1505 = arith.truncf %get3A_1504 : f32 to bf16
    %convert_element_type3A_1506 = arith.extf %convert_element_type3A_1505 : bf16 to f32
    %mul3A_1507 = vector.broadcast %convert_element_type3A_1506 : f32 to vector<16x200xf32>
    %mul3A_1508 = arith.mulf %convert_element_type3A_1501, %mul3A_1507 : vector<16x200xf32>
    %slice3A_1509 = vector.extract_strided_slice %concatenate3A {offsets = [0, 1], sizes = [16, 200], strides = [1, 1]} : vector<16x202xf32> to vector<16x200xf32>
    %convert_element_type3A_1510 = arith.truncf %slice3A_1509 : vector<16x200xf32> to vector<16x200xbf16>
    %convert_element_type3A_1511 = arith.extf %convert_element_type3A_1510 : vector<16x200xbf16> to vector<16x200xf32>
    %get3A_1512 = arith.constant 1 : index
    %get3A_1513 = arith.constant 31 : index
    %get3A_1514 = memref.load %arg0[%get3A_1512, %get3A_1513] : memref<3x64xf32, #tpu.memory_space<smem>>
    %convert_element_type3A_1515 = arith.truncf %get3A_1514 : f32 to bf16
    %convert_element_type3A_1516 = arith.extf %convert_element_type3A_1515 : bf16 to f32
    %mul3A_1517 = vector.broadcast %convert_element_type3A_1516 : f32 to vector<16x200xf32>
    %mul3A_1518 = arith.mulf %convert_element_type3A_1511, %mul3A_1517 : vector<16x200xf32>
    %add3A_1519 = arith.addf %mul3A_1508, %mul3A_1518 : vector<16x200xf32>
    %slice3A_1520 = vector.extract_strided_slice %concatenate3A {offsets = [0, 2], sizes = [16, 200], strides = [1, 1]} : vector<16x202xf32> to vector<16x200xf32>
    %convert_element_type3A_1521 = arith.truncf %slice3A_1520 : vector<16x200xf32> to vector<16x200xbf16>
    %convert_element_type3A_1522 = arith.extf %convert_element_type3A_1521 : vector<16x200xbf16> to vector<16x200xf32>
    %get3A_1523 = arith.constant 2 : index
    %get3A_1524 = arith.constant 31 : index
    %get3A_1525 = memref.load %arg0[%get3A_1523, %get3A_1524] : memref<3x64xf32, #tpu.memory_space<smem>>
    %convert_element_type3A_1526 = arith.truncf %get3A_1525 : f32 to bf16
    %convert_element_type3A_1527 = arith.extf %convert_element_type3A_1526 : bf16 to f32
    %mul3A_1528 = vector.broadcast %convert_element_type3A_1527 : f32 to vector<16x200xf32>
    %mul3A_1529 = arith.mulf %convert_element_type3A_1522, %mul3A_1528 : vector<16x200xf32>
    %add3A_1530 = arith.addf %add3A_1519, %mul3A_1529 : vector<16x200xf32>
    %get3A_1531 = arith.constant 0 : index
    %get3A_1532 = arith.constant 31 : index
    %get3A_1533 = memref.load %arg1[%get3A_1531, %get3A_1532] : memref<1x64xf32, #tpu.memory_space<smem>>
    %add3A_1534 = vector.broadcast %get3A_1533 : f32 to vector<16x200xf32>
    %add3A_1535 = arith.addf %add3A_1530, %add3A_1534 : vector<16x200xf32>
    %max3A_1536 = arith.constant 0.000000e+00 : f32
    %max3A_1537 = vector.broadcast %max3A_1536 : f32 to vector<16x200xf32>
    %max3A_1538 = arith.maximumf %add3A_1535, %max3A_1537 : vector<16x200xf32>
    %get3A_1539 = arith.constant 31 : index
    %get3A_1540 = arith.constant 0 : index
    %get3A_1541 = arith.constant 0 : index
    %get3A_1542 = vector.load %arg5[%get3A_1539, %get3A_1540, %get3A_1541] : memref<64x200x512xf32, #tpu.memory_space<vmem>>, vector<1x200x512xf32>
    %get3A_1543 = vector.shape_cast %get3A_1542 : vector<1x200x512xf32> to vector<200x512xf32>
    %dot_general3A_1544 = arith.constant dense<0.000000e+00> : vector<16x512xf32>
    %dot_general3A_1545 = tpu.matmul %max3A_1538, %get3A_1543, %dot_general3A_1544 {dimension_numbers = #tpu.dot_dimension_numbers<[1], [0], [0], [1], [0, 0, 1, 1], [], []>, transpose_lhs_hint = false} : vector<16x200xf32>, vector<200x512xf32>, vector<16x512xf32> -> vector<16x512xf32>
    %add3A_1546 = arith.addf %add3A_1498, %dot_general3A_1545 : vector<16x512xf32>
    %slice3A_1547 = vector.extract_strided_slice %concatenate3A {offsets = [0, 0], sizes = [16, 200], strides = [1, 1]} : vector<16x202xf32> to vector<16x200xf32>
    %convert_element_type3A_1548 = arith.truncf %slice3A_1547 : vector<16x200xf32> to vector<16x200xbf16>
    %convert_element_type3A_1549 = arith.extf %convert_element_type3A_1548 : vector<16x200xbf16> to vector<16x200xf32>
    %get3A_1550 = arith.constant 0 : index
    %get3A_1551 = arith.constant 32 : index
    %get3A_1552 = memref.load %arg0[%get3A_1550, %get3A_1551] : memref<3x64xf32, #tpu.memory_space<smem>>
    %convert_element_type3A_1553 = arith.truncf %get3A_1552 : f32 to bf16
    %convert_element_type3A_1554 = arith.extf %convert_element_type3A_1553 : bf16 to f32
    %mul3A_1555 = vector.broadcast %convert_element_type3A_1554 : f32 to vector<16x200xf32>
    %mul3A_1556 = arith.mulf %convert_element_type3A_1549, %mul3A_1555 : vector<16x200xf32>
    %slice3A_1557 = vector.extract_strided_slice %concatenate3A {offsets = [0, 1], sizes = [16, 200], strides = [1, 1]} : vector<16x202xf32> to vector<16x200xf32>
    %convert_element_type3A_1558 = arith.truncf %slice3A_1557 : vector<16x200xf32> to vector<16x200xbf16>
    %convert_element_type3A_1559 = arith.extf %convert_element_type3A_1558 : vector<16x200xbf16> to vector<16x200xf32>
    %get3A_1560 = arith.constant 1 : index
    %get3A_1561 = arith.constant 32 : index
    %get3A_1562 = memref.load %arg0[%get3A_1560, %get3A_1561] : memref<3x64xf32, #tpu.memory_space<smem>>
    %convert_element_type3A_1563 = arith.truncf %get3A_1562 : f32 to bf16
    %convert_element_type3A_1564 = arith.extf %convert_element_type3A_1563 : bf16 to f32
    %mul3A_1565 = vector.broadcast %convert_element_type3A_1564 : f32 to vector<16x200xf32>
    %mul3A_1566 = arith.mulf %convert_element_type3A_1559, %mul3A_1565 : vector<16x200xf32>
    %add3A_1567 = arith.addf %mul3A_1556, %mul3A_1566 : vector<16x200xf32>
    %slice3A_1568 = vector.extract_strided_slice %concatenate3A {offsets = [0, 2], sizes = [16, 200], strides = [1, 1]} : vector<16x202xf32> to vector<16x200xf32>
    %convert_element_type3A_1569 = arith.truncf %slice3A_1568 : vector<16x200xf32> to vector<16x200xbf16>
    %convert_element_type3A_1570 = arith.extf %convert_element_type3A_1569 : vector<16x200xbf16> to vector<16x200xf32>
    %get3A_1571 = arith.constant 2 : index
    %get3A_1572 = arith.constant 32 : index
    %get3A_1573 = memref.load %arg0[%get3A_1571, %get3A_1572] : memref<3x64xf32, #tpu.memory_space<smem>>
    %convert_element_type3A_1574 = arith.truncf %get3A_1573 : f32 to bf16
    %convert_element_type3A_1575 = arith.extf %convert_element_type3A_1574 : bf16 to f32
    %mul3A_1576 = vector.broadcast %convert_element_type3A_1575 : f32 to vector<16x200xf32>
    %mul3A_1577 = arith.mulf %convert_element_type3A_1570, %mul3A_1576 : vector<16x200xf32>
    %add3A_1578 = arith.addf %add3A_1567, %mul3A_1577 : vector<16x200xf32>
    %get3A_1579 = arith.constant 0 : index
    %get3A_1580 = arith.constant 32 : index
    %get3A_1581 = memref.load %arg1[%get3A_1579, %get3A_1580] : memref<1x64xf32, #tpu.memory_space<smem>>
    %add3A_1582 = vector.broadcast %get3A_1581 : f32 to vector<16x200xf32>
    %add3A_1583 = arith.addf %add3A_1578, %add3A_1582 : vector<16x200xf32>
    %max3A_1584 = arith.constant 0.000000e+00 : f32
    %max3A_1585 = vector.broadcast %max3A_1584 : f32 to vector<16x200xf32>
    %max3A_1586 = arith.maximumf %add3A_1583, %max3A_1585 : vector<16x200xf32>
    %get3A_1587 = arith.constant 32 : index
    %get3A_1588 = arith.constant 0 : index
    %get3A_1589 = arith.constant 0 : index
    %get3A_1590 = vector.load %arg5[%get3A_1587, %get3A_1588, %get3A_1589] : memref<64x200x512xf32, #tpu.memory_space<vmem>>, vector<1x200x512xf32>
    %get3A_1591 = vector.shape_cast %get3A_1590 : vector<1x200x512xf32> to vector<200x512xf32>
    %dot_general3A_1592 = arith.constant dense<0.000000e+00> : vector<16x512xf32>
    %dot_general3A_1593 = tpu.matmul %max3A_1586, %get3A_1591, %dot_general3A_1592 {dimension_numbers = #tpu.dot_dimension_numbers<[1], [0], [0], [1], [0, 0, 1, 1], [], []>, transpose_lhs_hint = false} : vector<16x200xf32>, vector<200x512xf32>, vector<16x512xf32> -> vector<16x512xf32>
    %add3A_1594 = arith.addf %add3A_1546, %dot_general3A_1593 : vector<16x512xf32>
    %slice3A_1595 = vector.extract_strided_slice %concatenate3A {offsets = [0, 0], sizes = [16, 200], strides = [1, 1]} : vector<16x202xf32> to vector<16x200xf32>
    %convert_element_type3A_1596 = arith.truncf %slice3A_1595 : vector<16x200xf32> to vector<16x200xbf16>
    %convert_element_type3A_1597 = arith.extf %convert_element_type3A_1596 : vector<16x200xbf16> to vector<16x200xf32>
    %get3A_1598 = arith.constant 0 : index
    %get3A_1599 = arith.constant 33 : index
    %get3A_1600 = memref.load %arg0[%get3A_1598, %get3A_1599] : memref<3x64xf32, #tpu.memory_space<smem>>
    %convert_element_type3A_1601 = arith.truncf %get3A_1600 : f32 to bf16
    %convert_element_type3A_1602 = arith.extf %convert_element_type3A_1601 : bf16 to f32
    %mul3A_1603 = vector.broadcast %convert_element_type3A_1602 : f32 to vector<16x200xf32>
    %mul3A_1604 = arith.mulf %convert_element_type3A_1597, %mul3A_1603 : vector<16x200xf32>
    %slice3A_1605 = vector.extract_strided_slice %concatenate3A {offsets = [0, 1], sizes = [16, 200], strides = [1, 1]} : vector<16x202xf32> to vector<16x200xf32>
    %convert_element_type3A_1606 = arith.truncf %slice3A_1605 : vector<16x200xf32> to vector<16x200xbf16>
    %convert_element_type3A_1607 = arith.extf %convert_element_type3A_1606 : vector<16x200xbf16> to vector<16x200xf32>
    %get3A_1608 = arith.constant 1 : index
    %get3A_1609 = arith.constant 33 : index
    %get3A_1610 = memref.load %arg0[%get3A_1608, %get3A_1609] : memref<3x64xf32, #tpu.memory_space<smem>>
    %convert_element_type3A_1611 = arith.truncf %get3A_1610 : f32 to bf16
    %convert_element_type3A_1612 = arith.extf %convert_element_type3A_1611 : bf16 to f32
    %mul3A_1613 = vector.broadcast %convert_element_type3A_1612 : f32 to vector<16x200xf32>
    %mul3A_1614 = arith.mulf %convert_element_type3A_1607, %mul3A_1613 : vector<16x200xf32>
    %add3A_1615 = arith.addf %mul3A_1604, %mul3A_1614 : vector<16x200xf32>
    %slice3A_1616 = vector.extract_strided_slice %concatenate3A {offsets = [0, 2], sizes = [16, 200], strides = [1, 1]} : vector<16x202xf32> to vector<16x200xf32>
    %convert_element_type3A_1617 = arith.truncf %slice3A_1616 : vector<16x200xf32> to vector<16x200xbf16>
    %convert_element_type3A_1618 = arith.extf %convert_element_type3A_1617 : vector<16x200xbf16> to vector<16x200xf32>
    %get3A_1619 = arith.constant 2 : index
    %get3A_1620 = arith.constant 33 : index
    %get3A_1621 = memref.load %arg0[%get3A_1619, %get3A_1620] : memref<3x64xf32, #tpu.memory_space<smem>>
    %convert_element_type3A_1622 = arith.truncf %get3A_1621 : f32 to bf16
    %convert_element_type3A_1623 = arith.extf %convert_element_type3A_1622 : bf16 to f32
    %mul3A_1624 = vector.broadcast %convert_element_type3A_1623 : f32 to vector<16x200xf32>
    %mul3A_1625 = arith.mulf %convert_element_type3A_1618, %mul3A_1624 : vector<16x200xf32>
    %add3A_1626 = arith.addf %add3A_1615, %mul3A_1625 : vector<16x200xf32>
    %get3A_1627 = arith.constant 0 : index
    %get3A_1628 = arith.constant 33 : index
    %get3A_1629 = memref.load %arg1[%get3A_1627, %get3A_1628] : memref<1x64xf32, #tpu.memory_space<smem>>
    %add3A_1630 = vector.broadcast %get3A_1629 : f32 to vector<16x200xf32>
    %add3A_1631 = arith.addf %add3A_1626, %add3A_1630 : vector<16x200xf32>
    %max3A_1632 = arith.constant 0.000000e+00 : f32
    %max3A_1633 = vector.broadcast %max3A_1632 : f32 to vector<16x200xf32>
    %max3A_1634 = arith.maximumf %add3A_1631, %max3A_1633 : vector<16x200xf32>
    %get3A_1635 = arith.constant 33 : index
    %get3A_1636 = arith.constant 0 : index
    %get3A_1637 = arith.constant 0 : index
    %get3A_1638 = vector.load %arg5[%get3A_1635, %get3A_1636, %get3A_1637] : memref<64x200x512xf32, #tpu.memory_space<vmem>>, vector<1x200x512xf32>
    %get3A_1639 = vector.shape_cast %get3A_1638 : vector<1x200x512xf32> to vector<200x512xf32>
    %dot_general3A_1640 = arith.constant dense<0.000000e+00> : vector<16x512xf32>
    %dot_general3A_1641 = tpu.matmul %max3A_1634, %get3A_1639, %dot_general3A_1640 {dimension_numbers = #tpu.dot_dimension_numbers<[1], [0], [0], [1], [0, 0, 1, 1], [], []>, transpose_lhs_hint = false} : vector<16x200xf32>, vector<200x512xf32>, vector<16x512xf32> -> vector<16x512xf32>
    %add3A_1642 = arith.addf %add3A_1594, %dot_general3A_1641 : vector<16x512xf32>
    %slice3A_1643 = vector.extract_strided_slice %concatenate3A {offsets = [0, 0], sizes = [16, 200], strides = [1, 1]} : vector<16x202xf32> to vector<16x200xf32>
    %convert_element_type3A_1644 = arith.truncf %slice3A_1643 : vector<16x200xf32> to vector<16x200xbf16>
    %convert_element_type3A_1645 = arith.extf %convert_element_type3A_1644 : vector<16x200xbf16> to vector<16x200xf32>
    %get3A_1646 = arith.constant 0 : index
    %get3A_1647 = arith.constant 34 : index
    %get3A_1648 = memref.load %arg0[%get3A_1646, %get3A_1647] : memref<3x64xf32, #tpu.memory_space<smem>>
    %convert_element_type3A_1649 = arith.truncf %get3A_1648 : f32 to bf16
    %convert_element_type3A_1650 = arith.extf %convert_element_type3A_1649 : bf16 to f32
    %mul3A_1651 = vector.broadcast %convert_element_type3A_1650 : f32 to vector<16x200xf32>
    %mul3A_1652 = arith.mulf %convert_element_type3A_1645, %mul3A_1651 : vector<16x200xf32>
    %slice3A_1653 = vector.extract_strided_slice %concatenate3A {offsets = [0, 1], sizes = [16, 200], strides = [1, 1]} : vector<16x202xf32> to vector<16x200xf32>
    %convert_element_type3A_1654 = arith.truncf %slice3A_1653 : vector<16x200xf32> to vector<16x200xbf16>
    %convert_element_type3A_1655 = arith.extf %convert_element_type3A_1654 : vector<16x200xbf16> to vector<16x200xf32>
    %get3A_1656 = arith.constant 1 : index
    %get3A_1657 = arith.constant 34 : index
    %get3A_1658 = memref.load %arg0[%get3A_1656, %get3A_1657] : memref<3x64xf32, #tpu.memory_space<smem>>
    %convert_element_type3A_1659 = arith.truncf %get3A_1658 : f32 to bf16
    %convert_element_type3A_1660 = arith.extf %convert_element_type3A_1659 : bf16 to f32
    %mul3A_1661 = vector.broadcast %convert_element_type3A_1660 : f32 to vector<16x200xf32>
    %mul3A_1662 = arith.mulf %convert_element_type3A_1655, %mul3A_1661 : vector<16x200xf32>
    %add3A_1663 = arith.addf %mul3A_1652, %mul3A_1662 : vector<16x200xf32>
    %slice3A_1664 = vector.extract_strided_slice %concatenate3A {offsets = [0, 2], sizes = [16, 200], strides = [1, 1]} : vector<16x202xf32> to vector<16x200xf32>
    %convert_element_type3A_1665 = arith.truncf %slice3A_1664 : vector<16x200xf32> to vector<16x200xbf16>
    %convert_element_type3A_1666 = arith.extf %convert_element_type3A_1665 : vector<16x200xbf16> to vector<16x200xf32>
    %get3A_1667 = arith.constant 2 : index
    %get3A_1668 = arith.constant 34 : index
    %get3A_1669 = memref.load %arg0[%get3A_1667, %get3A_1668] : memref<3x64xf32, #tpu.memory_space<smem>>
    %convert_element_type3A_1670 = arith.truncf %get3A_1669 : f32 to bf16
    %convert_element_type3A_1671 = arith.extf %convert_element_type3A_1670 : bf16 to f32
    %mul3A_1672 = vector.broadcast %convert_element_type3A_1671 : f32 to vector<16x200xf32>
    %mul3A_1673 = arith.mulf %convert_element_type3A_1666, %mul3A_1672 : vector<16x200xf32>
    %add3A_1674 = arith.addf %add3A_1663, %mul3A_1673 : vector<16x200xf32>
    %get3A_1675 = arith.constant 0 : index
    %get3A_1676 = arith.constant 34 : index
    %get3A_1677 = memref.load %arg1[%get3A_1675, %get3A_1676] : memref<1x64xf32, #tpu.memory_space<smem>>
    %add3A_1678 = vector.broadcast %get3A_1677 : f32 to vector<16x200xf32>
    %add3A_1679 = arith.addf %add3A_1674, %add3A_1678 : vector<16x200xf32>
    %max3A_1680 = arith.constant 0.000000e+00 : f32
    %max3A_1681 = vector.broadcast %max3A_1680 : f32 to vector<16x200xf32>
    %max3A_1682 = arith.maximumf %add3A_1679, %max3A_1681 : vector<16x200xf32>
    %get3A_1683 = arith.constant 34 : index
    %get3A_1684 = arith.constant 0 : index
    %get3A_1685 = arith.constant 0 : index
    %get3A_1686 = vector.load %arg5[%get3A_1683, %get3A_1684, %get3A_1685] : memref<64x200x512xf32, #tpu.memory_space<vmem>>, vector<1x200x512xf32>
    %get3A_1687 = vector.shape_cast %get3A_1686 : vector<1x200x512xf32> to vector<200x512xf32>
    %dot_general3A_1688 = arith.constant dense<0.000000e+00> : vector<16x512xf32>
    %dot_general3A_1689 = tpu.matmul %max3A_1682, %get3A_1687, %dot_general3A_1688 {dimension_numbers = #tpu.dot_dimension_numbers<[1], [0], [0], [1], [0, 0, 1, 1], [], []>, transpose_lhs_hint = false} : vector<16x200xf32>, vector<200x512xf32>, vector<16x512xf32> -> vector<16x512xf32>
    %add3A_1690 = arith.addf %add3A_1642, %dot_general3A_1689 : vector<16x512xf32>
    %slice3A_1691 = vector.extract_strided_slice %concatenate3A {offsets = [0, 0], sizes = [16, 200], strides = [1, 1]} : vector<16x202xf32> to vector<16x200xf32>
    %convert_element_type3A_1692 = arith.truncf %slice3A_1691 : vector<16x200xf32> to vector<16x200xbf16>
    %convert_element_type3A_1693 = arith.extf %convert_element_type3A_1692 : vector<16x200xbf16> to vector<16x200xf32>
    %get3A_1694 = arith.constant 0 : index
    %get3A_1695 = arith.constant 35 : index
    %get3A_1696 = memref.load %arg0[%get3A_1694, %get3A_1695] : memref<3x64xf32, #tpu.memory_space<smem>>
    %convert_element_type3A_1697 = arith.truncf %get3A_1696 : f32 to bf16
    %convert_element_type3A_1698 = arith.extf %convert_element_type3A_1697 : bf16 to f32
    %mul3A_1699 = vector.broadcast %convert_element_type3A_1698 : f32 to vector<16x200xf32>
    %mul3A_1700 = arith.mulf %convert_element_type3A_1693, %mul3A_1699 : vector<16x200xf32>
    %slice3A_1701 = vector.extract_strided_slice %concatenate3A {offsets = [0, 1], sizes = [16, 200], strides = [1, 1]} : vector<16x202xf32> to vector<16x200xf32>
    %convert_element_type3A_1702 = arith.truncf %slice3A_1701 : vector<16x200xf32> to vector<16x200xbf16>
    %convert_element_type3A_1703 = arith.extf %convert_element_type3A_1702 : vector<16x200xbf16> to vector<16x200xf32>
    %get3A_1704 = arith.constant 1 : index
    %get3A_1705 = arith.constant 35 : index
    %get3A_1706 = memref.load %arg0[%get3A_1704, %get3A_1705] : memref<3x64xf32, #tpu.memory_space<smem>>
    %convert_element_type3A_1707 = arith.truncf %get3A_1706 : f32 to bf16
    %convert_element_type3A_1708 = arith.extf %convert_element_type3A_1707 : bf16 to f32
    %mul3A_1709 = vector.broadcast %convert_element_type3A_1708 : f32 to vector<16x200xf32>
    %mul3A_1710 = arith.mulf %convert_element_type3A_1703, %mul3A_1709 : vector<16x200xf32>
    %add3A_1711 = arith.addf %mul3A_1700, %mul3A_1710 : vector<16x200xf32>
    %slice3A_1712 = vector.extract_strided_slice %concatenate3A {offsets = [0, 2], sizes = [16, 200], strides = [1, 1]} : vector<16x202xf32> to vector<16x200xf32>
    %convert_element_type3A_1713 = arith.truncf %slice3A_1712 : vector<16x200xf32> to vector<16x200xbf16>
    %convert_element_type3A_1714 = arith.extf %convert_element_type3A_1713 : vector<16x200xbf16> to vector<16x200xf32>
    %get3A_1715 = arith.constant 2 : index
    %get3A_1716 = arith.constant 35 : index
    %get3A_1717 = memref.load %arg0[%get3A_1715, %get3A_1716] : memref<3x64xf32, #tpu.memory_space<smem>>
    %convert_element_type3A_1718 = arith.truncf %get3A_1717 : f32 to bf16
    %convert_element_type3A_1719 = arith.extf %convert_element_type3A_1718 : bf16 to f32
    %mul3A_1720 = vector.broadcast %convert_element_type3A_1719 : f32 to vector<16x200xf32>
    %mul3A_1721 = arith.mulf %convert_element_type3A_1714, %mul3A_1720 : vector<16x200xf32>
    %add3A_1722 = arith.addf %add3A_1711, %mul3A_1721 : vector<16x200xf32>
    %get3A_1723 = arith.constant 0 : index
    %get3A_1724 = arith.constant 35 : index
    %get3A_1725 = memref.load %arg1[%get3A_1723, %get3A_1724] : memref<1x64xf32, #tpu.memory_space<smem>>
    %add3A_1726 = vector.broadcast %get3A_1725 : f32 to vector<16x200xf32>
    %add3A_1727 = arith.addf %add3A_1722, %add3A_1726 : vector<16x200xf32>
    %max3A_1728 = arith.constant 0.000000e+00 : f32
    %max3A_1729 = vector.broadcast %max3A_1728 : f32 to vector<16x200xf32>
    %max3A_1730 = arith.maximumf %add3A_1727, %max3A_1729 : vector<16x200xf32>
    %get3A_1731 = arith.constant 35 : index
    %get3A_1732 = arith.constant 0 : index
    %get3A_1733 = arith.constant 0 : index
    %get3A_1734 = vector.load %arg5[%get3A_1731, %get3A_1732, %get3A_1733] : memref<64x200x512xf32, #tpu.memory_space<vmem>>, vector<1x200x512xf32>
    %get3A_1735 = vector.shape_cast %get3A_1734 : vector<1x200x512xf32> to vector<200x512xf32>
    %dot_general3A_1736 = arith.constant dense<0.000000e+00> : vector<16x512xf32>
    %dot_general3A_1737 = tpu.matmul %max3A_1730, %get3A_1735, %dot_general3A_1736 {dimension_numbers = #tpu.dot_dimension_numbers<[1], [0], [0], [1], [0, 0, 1, 1], [], []>, transpose_lhs_hint = false} : vector<16x200xf32>, vector<200x512xf32>, vector<16x512xf32> -> vector<16x512xf32>
    %add3A_1738 = arith.addf %add3A_1690, %dot_general3A_1737 : vector<16x512xf32>
    %slice3A_1739 = vector.extract_strided_slice %concatenate3A {offsets = [0, 0], sizes = [16, 200], strides = [1, 1]} : vector<16x202xf32> to vector<16x200xf32>
    %convert_element_type3A_1740 = arith.truncf %slice3A_1739 : vector<16x200xf32> to vector<16x200xbf16>
    %convert_element_type3A_1741 = arith.extf %convert_element_type3A_1740 : vector<16x200xbf16> to vector<16x200xf32>
    %get3A_1742 = arith.constant 0 : index
    %get3A_1743 = arith.constant 36 : index
    %get3A_1744 = memref.load %arg0[%get3A_1742, %get3A_1743] : memref<3x64xf32, #tpu.memory_space<smem>>
    %convert_element_type3A_1745 = arith.truncf %get3A_1744 : f32 to bf16
    %convert_element_type3A_1746 = arith.extf %convert_element_type3A_1745 : bf16 to f32
    %mul3A_1747 = vector.broadcast %convert_element_type3A_1746 : f32 to vector<16x200xf32>
    %mul3A_1748 = arith.mulf %convert_element_type3A_1741, %mul3A_1747 : vector<16x200xf32>
    %slice3A_1749 = vector.extract_strided_slice %concatenate3A {offsets = [0, 1], sizes = [16, 200], strides = [1, 1]} : vector<16x202xf32> to vector<16x200xf32>
    %convert_element_type3A_1750 = arith.truncf %slice3A_1749 : vector<16x200xf32> to vector<16x200xbf16>
    %convert_element_type3A_1751 = arith.extf %convert_element_type3A_1750 : vector<16x200xbf16> to vector<16x200xf32>
    %get3A_1752 = arith.constant 1 : index
    %get3A_1753 = arith.constant 36 : index
    %get3A_1754 = memref.load %arg0[%get3A_1752, %get3A_1753] : memref<3x64xf32, #tpu.memory_space<smem>>
    %convert_element_type3A_1755 = arith.truncf %get3A_1754 : f32 to bf16
    %convert_element_type3A_1756 = arith.extf %convert_element_type3A_1755 : bf16 to f32
    %mul3A_1757 = vector.broadcast %convert_element_type3A_1756 : f32 to vector<16x200xf32>
    %mul3A_1758 = arith.mulf %convert_element_type3A_1751, %mul3A_1757 : vector<16x200xf32>
    %add3A_1759 = arith.addf %mul3A_1748, %mul3A_1758 : vector<16x200xf32>
    %slice3A_1760 = vector.extract_strided_slice %concatenate3A {offsets = [0, 2], sizes = [16, 200], strides = [1, 1]} : vector<16x202xf32> to vector<16x200xf32>
    %convert_element_type3A_1761 = arith.truncf %slice3A_1760 : vector<16x200xf32> to vector<16x200xbf16>
    %convert_element_type3A_1762 = arith.extf %convert_element_type3A_1761 : vector<16x200xbf16> to vector<16x200xf32>
    %get3A_1763 = arith.constant 2 : index
    %get3A_1764 = arith.constant 36 : index
    %get3A_1765 = memref.load %arg0[%get3A_1763, %get3A_1764] : memref<3x64xf32, #tpu.memory_space<smem>>
    %convert_element_type3A_1766 = arith.truncf %get3A_1765 : f32 to bf16
    %convert_element_type3A_1767 = arith.extf %convert_element_type3A_1766 : bf16 to f32
    %mul3A_1768 = vector.broadcast %convert_element_type3A_1767 : f32 to vector<16x200xf32>
    %mul3A_1769 = arith.mulf %convert_element_type3A_1762, %mul3A_1768 : vector<16x200xf32>
    %add3A_1770 = arith.addf %add3A_1759, %mul3A_1769 : vector<16x200xf32>
    %get3A_1771 = arith.constant 0 : index
    %get3A_1772 = arith.constant 36 : index
    %get3A_1773 = memref.load %arg1[%get3A_1771, %get3A_1772] : memref<1x64xf32, #tpu.memory_space<smem>>
    %add3A_1774 = vector.broadcast %get3A_1773 : f32 to vector<16x200xf32>
    %add3A_1775 = arith.addf %add3A_1770, %add3A_1774 : vector<16x200xf32>
    %max3A_1776 = arith.constant 0.000000e+00 : f32
    %max3A_1777 = vector.broadcast %max3A_1776 : f32 to vector<16x200xf32>
    %max3A_1778 = arith.maximumf %add3A_1775, %max3A_1777 : vector<16x200xf32>
    %get3A_1779 = arith.constant 36 : index
    %get3A_1780 = arith.constant 0 : index
    %get3A_1781 = arith.constant 0 : index
    %get3A_1782 = vector.load %arg5[%get3A_1779, %get3A_1780, %get3A_1781] : memref<64x200x512xf32, #tpu.memory_space<vmem>>, vector<1x200x512xf32>
    %get3A_1783 = vector.shape_cast %get3A_1782 : vector<1x200x512xf32> to vector<200x512xf32>
    %dot_general3A_1784 = arith.constant dense<0.000000e+00> : vector<16x512xf32>
    %dot_general3A_1785 = tpu.matmul %max3A_1778, %get3A_1783, %dot_general3A_1784 {dimension_numbers = #tpu.dot_dimension_numbers<[1], [0], [0], [1], [0, 0, 1, 1], [], []>, transpose_lhs_hint = false} : vector<16x200xf32>, vector<200x512xf32>, vector<16x512xf32> -> vector<16x512xf32>
    %add3A_1786 = arith.addf %add3A_1738, %dot_general3A_1785 : vector<16x512xf32>
    %slice3A_1787 = vector.extract_strided_slice %concatenate3A {offsets = [0, 0], sizes = [16, 200], strides = [1, 1]} : vector<16x202xf32> to vector<16x200xf32>
    %convert_element_type3A_1788 = arith.truncf %slice3A_1787 : vector<16x200xf32> to vector<16x200xbf16>
    %convert_element_type3A_1789 = arith.extf %convert_element_type3A_1788 : vector<16x200xbf16> to vector<16x200xf32>
    %get3A_1790 = arith.constant 0 : index
    %get3A_1791 = arith.constant 37 : index
    %get3A_1792 = memref.load %arg0[%get3A_1790, %get3A_1791] : memref<3x64xf32, #tpu.memory_space<smem>>
    %convert_element_type3A_1793 = arith.truncf %get3A_1792 : f32 to bf16
    %convert_element_type3A_1794 = arith.extf %convert_element_type3A_1793 : bf16 to f32
    %mul3A_1795 = vector.broadcast %convert_element_type3A_1794 : f32 to vector<16x200xf32>
    %mul3A_1796 = arith.mulf %convert_element_type3A_1789, %mul3A_1795 : vector<16x200xf32>
    %slice3A_1797 = vector.extract_strided_slice %concatenate3A {offsets = [0, 1], sizes = [16, 200], strides = [1, 1]} : vector<16x202xf32> to vector<16x200xf32>
    %convert_element_type3A_1798 = arith.truncf %slice3A_1797 : vector<16x200xf32> to vector<16x200xbf16>
    %convert_element_type3A_1799 = arith.extf %convert_element_type3A_1798 : vector<16x200xbf16> to vector<16x200xf32>
    %get3A_1800 = arith.constant 1 : index
    %get3A_1801 = arith.constant 37 : index
    %get3A_1802 = memref.load %arg0[%get3A_1800, %get3A_1801] : memref<3x64xf32, #tpu.memory_space<smem>>
    %convert_element_type3A_1803 = arith.truncf %get3A_1802 : f32 to bf16
    %convert_element_type3A_1804 = arith.extf %convert_element_type3A_1803 : bf16 to f32
    %mul3A_1805 = vector.broadcast %convert_element_type3A_1804 : f32 to vector<16x200xf32>
    %mul3A_1806 = arith.mulf %convert_element_type3A_1799, %mul3A_1805 : vector<16x200xf32>
    %add3A_1807 = arith.addf %mul3A_1796, %mul3A_1806 : vector<16x200xf32>
    %slice3A_1808 = vector.extract_strided_slice %concatenate3A {offsets = [0, 2], sizes = [16, 200], strides = [1, 1]} : vector<16x202xf32> to vector<16x200xf32>
    %convert_element_type3A_1809 = arith.truncf %slice3A_1808 : vector<16x200xf32> to vector<16x200xbf16>
    %convert_element_type3A_1810 = arith.extf %convert_element_type3A_1809 : vector<16x200xbf16> to vector<16x200xf32>
    %get3A_1811 = arith.constant 2 : index
    %get3A_1812 = arith.constant 37 : index
    %get3A_1813 = memref.load %arg0[%get3A_1811, %get3A_1812] : memref<3x64xf32, #tpu.memory_space<smem>>
    %convert_element_type3A_1814 = arith.truncf %get3A_1813 : f32 to bf16
    %convert_element_type3A_1815 = arith.extf %convert_element_type3A_1814 : bf16 to f32
    %mul3A_1816 = vector.broadcast %convert_element_type3A_1815 : f32 to vector<16x200xf32>
    %mul3A_1817 = arith.mulf %convert_element_type3A_1810, %mul3A_1816 : vector<16x200xf32>
    %add3A_1818 = arith.addf %add3A_1807, %mul3A_1817 : vector<16x200xf32>
    %get3A_1819 = arith.constant 0 : index
    %get3A_1820 = arith.constant 37 : index
    %get3A_1821 = memref.load %arg1[%get3A_1819, %get3A_1820] : memref<1x64xf32, #tpu.memory_space<smem>>
    %add3A_1822 = vector.broadcast %get3A_1821 : f32 to vector<16x200xf32>
    %add3A_1823 = arith.addf %add3A_1818, %add3A_1822 : vector<16x200xf32>
    %max3A_1824 = arith.constant 0.000000e+00 : f32
    %max3A_1825 = vector.broadcast %max3A_1824 : f32 to vector<16x200xf32>
    %max3A_1826 = arith.maximumf %add3A_1823, %max3A_1825 : vector<16x200xf32>
    %get3A_1827 = arith.constant 37 : index
    %get3A_1828 = arith.constant 0 : index
    %get3A_1829 = arith.constant 0 : index
    %get3A_1830 = vector.load %arg5[%get3A_1827, %get3A_1828, %get3A_1829] : memref<64x200x512xf32, #tpu.memory_space<vmem>>, vector<1x200x512xf32>
    %get3A_1831 = vector.shape_cast %get3A_1830 : vector<1x200x512xf32> to vector<200x512xf32>
    %dot_general3A_1832 = arith.constant dense<0.000000e+00> : vector<16x512xf32>
    %dot_general3A_1833 = tpu.matmul %max3A_1826, %get3A_1831, %dot_general3A_1832 {dimension_numbers = #tpu.dot_dimension_numbers<[1], [0], [0], [1], [0, 0, 1, 1], [], []>, transpose_lhs_hint = false} : vector<16x200xf32>, vector<200x512xf32>, vector<16x512xf32> -> vector<16x512xf32>
    %add3A_1834 = arith.addf %add3A_1786, %dot_general3A_1833 : vector<16x512xf32>
    %slice3A_1835 = vector.extract_strided_slice %concatenate3A {offsets = [0, 0], sizes = [16, 200], strides = [1, 1]} : vector<16x202xf32> to vector<16x200xf32>
    %convert_element_type3A_1836 = arith.truncf %slice3A_1835 : vector<16x200xf32> to vector<16x200xbf16>
    %convert_element_type3A_1837 = arith.extf %convert_element_type3A_1836 : vector<16x200xbf16> to vector<16x200xf32>
    %get3A_1838 = arith.constant 0 : index
    %get3A_1839 = arith.constant 38 : index
    %get3A_1840 = memref.load %arg0[%get3A_1838, %get3A_1839] : memref<3x64xf32, #tpu.memory_space<smem>>
    %convert_element_type3A_1841 = arith.truncf %get3A_1840 : f32 to bf16
    %convert_element_type3A_1842 = arith.extf %convert_element_type3A_1841 : bf16 to f32
    %mul3A_1843 = vector.broadcast %convert_element_type3A_1842 : f32 to vector<16x200xf32>
    %mul3A_1844 = arith.mulf %convert_element_type3A_1837, %mul3A_1843 : vector<16x200xf32>
    %slice3A_1845 = vector.extract_strided_slice %concatenate3A {offsets = [0, 1], sizes = [16, 200], strides = [1, 1]} : vector<16x202xf32> to vector<16x200xf32>
    %convert_element_type3A_1846 = arith.truncf %slice3A_1845 : vector<16x200xf32> to vector<16x200xbf16>
    %convert_element_type3A_1847 = arith.extf %convert_element_type3A_1846 : vector<16x200xbf16> to vector<16x200xf32>
    %get3A_1848 = arith.constant 1 : index
    %get3A_1849 = arith.constant 38 : index
    %get3A_1850 = memref.load %arg0[%get3A_1848, %get3A_1849] : memref<3x64xf32, #tpu.memory_space<smem>>
    %convert_element_type3A_1851 = arith.truncf %get3A_1850 : f32 to bf16
    %convert_element_type3A_1852 = arith.extf %convert_element_type3A_1851 : bf16 to f32
    %mul3A_1853 = vector.broadcast %convert_element_type3A_1852 : f32 to vector<16x200xf32>
    %mul3A_1854 = arith.mulf %convert_element_type3A_1847, %mul3A_1853 : vector<16x200xf32>
    %add3A_1855 = arith.addf %mul3A_1844, %mul3A_1854 : vector<16x200xf32>
    %slice3A_1856 = vector.extract_strided_slice %concatenate3A {offsets = [0, 2], sizes = [16, 200], strides = [1, 1]} : vector<16x202xf32> to vector<16x200xf32>
    %convert_element_type3A_1857 = arith.truncf %slice3A_1856 : vector<16x200xf32> to vector<16x200xbf16>
    %convert_element_type3A_1858 = arith.extf %convert_element_type3A_1857 : vector<16x200xbf16> to vector<16x200xf32>
    %get3A_1859 = arith.constant 2 : index
    %get3A_1860 = arith.constant 38 : index
    %get3A_1861 = memref.load %arg0[%get3A_1859, %get3A_1860] : memref<3x64xf32, #tpu.memory_space<smem>>
    %convert_element_type3A_1862 = arith.truncf %get3A_1861 : f32 to bf16
    %convert_element_type3A_1863 = arith.extf %convert_element_type3A_1862 : bf16 to f32
    %mul3A_1864 = vector.broadcast %convert_element_type3A_1863 : f32 to vector<16x200xf32>
    %mul3A_1865 = arith.mulf %convert_element_type3A_1858, %mul3A_1864 : vector<16x200xf32>
    %add3A_1866 = arith.addf %add3A_1855, %mul3A_1865 : vector<16x200xf32>
    %get3A_1867 = arith.constant 0 : index
    %get3A_1868 = arith.constant 38 : index
    %get3A_1869 = memref.load %arg1[%get3A_1867, %get3A_1868] : memref<1x64xf32, #tpu.memory_space<smem>>
    %add3A_1870 = vector.broadcast %get3A_1869 : f32 to vector<16x200xf32>
    %add3A_1871 = arith.addf %add3A_1866, %add3A_1870 : vector<16x200xf32>
    %max3A_1872 = arith.constant 0.000000e+00 : f32
    %max3A_1873 = vector.broadcast %max3A_1872 : f32 to vector<16x200xf32>
    %max3A_1874 = arith.maximumf %add3A_1871, %max3A_1873 : vector<16x200xf32>
    %get3A_1875 = arith.constant 38 : index
    %get3A_1876 = arith.constant 0 : index
    %get3A_1877 = arith.constant 0 : index
    %get3A_1878 = vector.load %arg5[%get3A_1875, %get3A_1876, %get3A_1877] : memref<64x200x512xf32, #tpu.memory_space<vmem>>, vector<1x200x512xf32>
    %get3A_1879 = vector.shape_cast %get3A_1878 : vector<1x200x512xf32> to vector<200x512xf32>
    %dot_general3A_1880 = arith.constant dense<0.000000e+00> : vector<16x512xf32>
    %dot_general3A_1881 = tpu.matmul %max3A_1874, %get3A_1879, %dot_general3A_1880 {dimension_numbers = #tpu.dot_dimension_numbers<[1], [0], [0], [1], [0, 0, 1, 1], [], []>, transpose_lhs_hint = false} : vector<16x200xf32>, vector<200x512xf32>, vector<16x512xf32> -> vector<16x512xf32>
    %add3A_1882 = arith.addf %add3A_1834, %dot_general3A_1881 : vector<16x512xf32>
    %slice3A_1883 = vector.extract_strided_slice %concatenate3A {offsets = [0, 0], sizes = [16, 200], strides = [1, 1]} : vector<16x202xf32> to vector<16x200xf32>
    %convert_element_type3A_1884 = arith.truncf %slice3A_1883 : vector<16x200xf32> to vector<16x200xbf16>
    %convert_element_type3A_1885 = arith.extf %convert_element_type3A_1884 : vector<16x200xbf16> to vector<16x200xf32>
    %get3A_1886 = arith.constant 0 : index
    %get3A_1887 = arith.constant 39 : index
    %get3A_1888 = memref.load %arg0[%get3A_1886, %get3A_1887] : memref<3x64xf32, #tpu.memory_space<smem>>
    %convert_element_type3A_1889 = arith.truncf %get3A_1888 : f32 to bf16
    %convert_element_type3A_1890 = arith.extf %convert_element_type3A_1889 : bf16 to f32
    %mul3A_1891 = vector.broadcast %convert_element_type3A_1890 : f32 to vector<16x200xf32>
    %mul3A_1892 = arith.mulf %convert_element_type3A_1885, %mul3A_1891 : vector<16x200xf32>
    %slice3A_1893 = vector.extract_strided_slice %concatenate3A {offsets = [0, 1], sizes = [16, 200], strides = [1, 1]} : vector<16x202xf32> to vector<16x200xf32>
    %convert_element_type3A_1894 = arith.truncf %slice3A_1893 : vector<16x200xf32> to vector<16x200xbf16>
    %convert_element_type3A_1895 = arith.extf %convert_element_type3A_1894 : vector<16x200xbf16> to vector<16x200xf32>
    %get3A_1896 = arith.constant 1 : index
    %get3A_1897 = arith.constant 39 : index
    %get3A_1898 = memref.load %arg0[%get3A_1896, %get3A_1897] : memref<3x64xf32, #tpu.memory_space<smem>>
    %convert_element_type3A_1899 = arith.truncf %get3A_1898 : f32 to bf16
    %convert_element_type3A_1900 = arith.extf %convert_element_type3A_1899 : bf16 to f32
    %mul3A_1901 = vector.broadcast %convert_element_type3A_1900 : f32 to vector<16x200xf32>
    %mul3A_1902 = arith.mulf %convert_element_type3A_1895, %mul3A_1901 : vector<16x200xf32>
    %add3A_1903 = arith.addf %mul3A_1892, %mul3A_1902 : vector<16x200xf32>
    %slice3A_1904 = vector.extract_strided_slice %concatenate3A {offsets = [0, 2], sizes = [16, 200], strides = [1, 1]} : vector<16x202xf32> to vector<16x200xf32>
    %convert_element_type3A_1905 = arith.truncf %slice3A_1904 : vector<16x200xf32> to vector<16x200xbf16>
    %convert_element_type3A_1906 = arith.extf %convert_element_type3A_1905 : vector<16x200xbf16> to vector<16x200xf32>
    %get3A_1907 = arith.constant 2 : index
    %get3A_1908 = arith.constant 39 : index
    %get3A_1909 = memref.load %arg0[%get3A_1907, %get3A_1908] : memref<3x64xf32, #tpu.memory_space<smem>>
    %convert_element_type3A_1910 = arith.truncf %get3A_1909 : f32 to bf16
    %convert_element_type3A_1911 = arith.extf %convert_element_type3A_1910 : bf16 to f32
    %mul3A_1912 = vector.broadcast %convert_element_type3A_1911 : f32 to vector<16x200xf32>
    %mul3A_1913 = arith.mulf %convert_element_type3A_1906, %mul3A_1912 : vector<16x200xf32>
    %add3A_1914 = arith.addf %add3A_1903, %mul3A_1913 : vector<16x200xf32>
    %get3A_1915 = arith.constant 0 : index
    %get3A_1916 = arith.constant 39 : index
    %get3A_1917 = memref.load %arg1[%get3A_1915, %get3A_1916] : memref<1x64xf32, #tpu.memory_space<smem>>
    %add3A_1918 = vector.broadcast %get3A_1917 : f32 to vector<16x200xf32>
    %add3A_1919 = arith.addf %add3A_1914, %add3A_1918 : vector<16x200xf32>
    %max3A_1920 = arith.constant 0.000000e+00 : f32
    %max3A_1921 = vector.broadcast %max3A_1920 : f32 to vector<16x200xf32>
    %max3A_1922 = arith.maximumf %add3A_1919, %max3A_1921 : vector<16x200xf32>
    %get3A_1923 = arith.constant 39 : index
    %get3A_1924 = arith.constant 0 : index
    %get3A_1925 = arith.constant 0 : index
    %get3A_1926 = vector.load %arg5[%get3A_1923, %get3A_1924, %get3A_1925] : memref<64x200x512xf32, #tpu.memory_space<vmem>>, vector<1x200x512xf32>
    %get3A_1927 = vector.shape_cast %get3A_1926 : vector<1x200x512xf32> to vector<200x512xf32>
    %dot_general3A_1928 = arith.constant dense<0.000000e+00> : vector<16x512xf32>
    %dot_general3A_1929 = tpu.matmul %max3A_1922, %get3A_1927, %dot_general3A_1928 {dimension_numbers = #tpu.dot_dimension_numbers<[1], [0], [0], [1], [0, 0, 1, 1], [], []>, transpose_lhs_hint = false} : vector<16x200xf32>, vector<200x512xf32>, vector<16x512xf32> -> vector<16x512xf32>
    %add3A_1930 = arith.addf %add3A_1882, %dot_general3A_1929 : vector<16x512xf32>
    %slice3A_1931 = vector.extract_strided_slice %concatenate3A {offsets = [0, 0], sizes = [16, 200], strides = [1, 1]} : vector<16x202xf32> to vector<16x200xf32>
    %convert_element_type3A_1932 = arith.truncf %slice3A_1931 : vector<16x200xf32> to vector<16x200xbf16>
    %convert_element_type3A_1933 = arith.extf %convert_element_type3A_1932 : vector<16x200xbf16> to vector<16x200xf32>
    %get3A_1934 = arith.constant 0 : index
    %get3A_1935 = arith.constant 40 : index
    %get3A_1936 = memref.load %arg0[%get3A_1934, %get3A_1935] : memref<3x64xf32, #tpu.memory_space<smem>>
    %convert_element_type3A_1937 = arith.truncf %get3A_1936 : f32 to bf16
    %convert_element_type3A_1938 = arith.extf %convert_element_type3A_1937 : bf16 to f32
    %mul3A_1939 = vector.broadcast %convert_element_type3A_1938 : f32 to vector<16x200xf32>
    %mul3A_1940 = arith.mulf %convert_element_type3A_1933, %mul3A_1939 : vector<16x200xf32>
    %slice3A_1941 = vector.extract_strided_slice %concatenate3A {offsets = [0, 1], sizes = [16, 200], strides = [1, 1]} : vector<16x202xf32> to vector<16x200xf32>
    %convert_element_type3A_1942 = arith.truncf %slice3A_1941 : vector<16x200xf32> to vector<16x200xbf16>
    %convert_element_type3A_1943 = arith.extf %convert_element_type3A_1942 : vector<16x200xbf16> to vector<16x200xf32>
    %get3A_1944 = arith.constant 1 : index
    %get3A_1945 = arith.constant 40 : index
    %get3A_1946 = memref.load %arg0[%get3A_1944, %get3A_1945] : memref<3x64xf32, #tpu.memory_space<smem>>
    %convert_element_type3A_1947 = arith.truncf %get3A_1946 : f32 to bf16
    %convert_element_type3A_1948 = arith.extf %convert_element_type3A_1947 : bf16 to f32
    %mul3A_1949 = vector.broadcast %convert_element_type3A_1948 : f32 to vector<16x200xf32>
    %mul3A_1950 = arith.mulf %convert_element_type3A_1943, %mul3A_1949 : vector<16x200xf32>
    %add3A_1951 = arith.addf %mul3A_1940, %mul3A_1950 : vector<16x200xf32>
    %slice3A_1952 = vector.extract_strided_slice %concatenate3A {offsets = [0, 2], sizes = [16, 200], strides = [1, 1]} : vector<16x202xf32> to vector<16x200xf32>
    %convert_element_type3A_1953 = arith.truncf %slice3A_1952 : vector<16x200xf32> to vector<16x200xbf16>
    %convert_element_type3A_1954 = arith.extf %convert_element_type3A_1953 : vector<16x200xbf16> to vector<16x200xf32>
    %get3A_1955 = arith.constant 2 : index
    %get3A_1956 = arith.constant 40 : index
    %get3A_1957 = memref.load %arg0[%get3A_1955, %get3A_1956] : memref<3x64xf32, #tpu.memory_space<smem>>
    %convert_element_type3A_1958 = arith.truncf %get3A_1957 : f32 to bf16
    %convert_element_type3A_1959 = arith.extf %convert_element_type3A_1958 : bf16 to f32
    %mul3A_1960 = vector.broadcast %convert_element_type3A_1959 : f32 to vector<16x200xf32>
    %mul3A_1961 = arith.mulf %convert_element_type3A_1954, %mul3A_1960 : vector<16x200xf32>
    %add3A_1962 = arith.addf %add3A_1951, %mul3A_1961 : vector<16x200xf32>
    %get3A_1963 = arith.constant 0 : index
    %get3A_1964 = arith.constant 40 : index
    %get3A_1965 = memref.load %arg1[%get3A_1963, %get3A_1964] : memref<1x64xf32, #tpu.memory_space<smem>>
    %add3A_1966 = vector.broadcast %get3A_1965 : f32 to vector<16x200xf32>
    %add3A_1967 = arith.addf %add3A_1962, %add3A_1966 : vector<16x200xf32>
    %max3A_1968 = arith.constant 0.000000e+00 : f32
    %max3A_1969 = vector.broadcast %max3A_1968 : f32 to vector<16x200xf32>
    %max3A_1970 = arith.maximumf %add3A_1967, %max3A_1969 : vector<16x200xf32>
    %get3A_1971 = arith.constant 40 : index
    %get3A_1972 = arith.constant 0 : index
    %get3A_1973 = arith.constant 0 : index
    %get3A_1974 = vector.load %arg5[%get3A_1971, %get3A_1972, %get3A_1973] : memref<64x200x512xf32, #tpu.memory_space<vmem>>, vector<1x200x512xf32>
    %get3A_1975 = vector.shape_cast %get3A_1974 : vector<1x200x512xf32> to vector<200x512xf32>
    %dot_general3A_1976 = arith.constant dense<0.000000e+00> : vector<16x512xf32>
    %dot_general3A_1977 = tpu.matmul %max3A_1970, %get3A_1975, %dot_general3A_1976 {dimension_numbers = #tpu.dot_dimension_numbers<[1], [0], [0], [1], [0, 0, 1, 1], [], []>, transpose_lhs_hint = false} : vector<16x200xf32>, vector<200x512xf32>, vector<16x512xf32> -> vector<16x512xf32>
    %add3A_1978 = arith.addf %add3A_1930, %dot_general3A_1977 : vector<16x512xf32>
    %slice3A_1979 = vector.extract_strided_slice %concatenate3A {offsets = [0, 0], sizes = [16, 200], strides = [1, 1]} : vector<16x202xf32> to vector<16x200xf32>
    %convert_element_type3A_1980 = arith.truncf %slice3A_1979 : vector<16x200xf32> to vector<16x200xbf16>
    %convert_element_type3A_1981 = arith.extf %convert_element_type3A_1980 : vector<16x200xbf16> to vector<16x200xf32>
    %get3A_1982 = arith.constant 0 : index
    %get3A_1983 = arith.constant 41 : index
    %get3A_1984 = memref.load %arg0[%get3A_1982, %get3A_1983] : memref<3x64xf32, #tpu.memory_space<smem>>
    %convert_element_type3A_1985 = arith.truncf %get3A_1984 : f32 to bf16
    %convert_element_type3A_1986 = arith.extf %convert_element_type3A_1985 : bf16 to f32
    %mul3A_1987 = vector.broadcast %convert_element_type3A_1986 : f32 to vector<16x200xf32>
    %mul3A_1988 = arith.mulf %convert_element_type3A_1981, %mul3A_1987 : vector<16x200xf32>
    %slice3A_1989 = vector.extract_strided_slice %concatenate3A {offsets = [0, 1], sizes = [16, 200], strides = [1, 1]} : vector<16x202xf32> to vector<16x200xf32>
    %convert_element_type3A_1990 = arith.truncf %slice3A_1989 : vector<16x200xf32> to vector<16x200xbf16>
    %convert_element_type3A_1991 = arith.extf %convert_element_type3A_1990 : vector<16x200xbf16> to vector<16x200xf32>
    %get3A_1992 = arith.constant 1 : index
    %get3A_1993 = arith.constant 41 : index
    %get3A_1994 = memref.load %arg0[%get3A_1992, %get3A_1993] : memref<3x64xf32, #tpu.memory_space<smem>>
    %convert_element_type3A_1995 = arith.truncf %get3A_1994 : f32 to bf16
    %convert_element_type3A_1996 = arith.extf %convert_element_type3A_1995 : bf16 to f32
    %mul3A_1997 = vector.broadcast %convert_element_type3A_1996 : f32 to vector<16x200xf32>
    %mul3A_1998 = arith.mulf %convert_element_type3A_1991, %mul3A_1997 : vector<16x200xf32>
    %add3A_1999 = arith.addf %mul3A_1988, %mul3A_1998 : vector<16x200xf32>
    %slice3A_2000 = vector.extract_strided_slice %concatenate3A {offsets = [0, 2], sizes = [16, 200], strides = [1, 1]} : vector<16x202xf32> to vector<16x200xf32>
    %convert_element_type3A_2001 = arith.truncf %slice3A_2000 : vector<16x200xf32> to vector<16x200xbf16>
    %convert_element_type3A_2002 = arith.extf %convert_element_type3A_2001 : vector<16x200xbf16> to vector<16x200xf32>
    %get3A_2003 = arith.constant 2 : index
    %get3A_2004 = arith.constant 41 : index
    %get3A_2005 = memref.load %arg0[%get3A_2003, %get3A_2004] : memref<3x64xf32, #tpu.memory_space<smem>>
    %convert_element_type3A_2006 = arith.truncf %get3A_2005 : f32 to bf16
    %convert_element_type3A_2007 = arith.extf %convert_element_type3A_2006 : bf16 to f32
    %mul3A_2008 = vector.broadcast %convert_element_type3A_2007 : f32 to vector<16x200xf32>
    %mul3A_2009 = arith.mulf %convert_element_type3A_2002, %mul3A_2008 : vector<16x200xf32>
    %add3A_2010 = arith.addf %add3A_1999, %mul3A_2009 : vector<16x200xf32>
    %get3A_2011 = arith.constant 0 : index
    %get3A_2012 = arith.constant 41 : index
    %get3A_2013 = memref.load %arg1[%get3A_2011, %get3A_2012] : memref<1x64xf32, #tpu.memory_space<smem>>
    %add3A_2014 = vector.broadcast %get3A_2013 : f32 to vector<16x200xf32>
    %add3A_2015 = arith.addf %add3A_2010, %add3A_2014 : vector<16x200xf32>
    %max3A_2016 = arith.constant 0.000000e+00 : f32
    %max3A_2017 = vector.broadcast %max3A_2016 : f32 to vector<16x200xf32>
    %max3A_2018 = arith.maximumf %add3A_2015, %max3A_2017 : vector<16x200xf32>
    %get3A_2019 = arith.constant 41 : index
    %get3A_2020 = arith.constant 0 : index
    %get3A_2021 = arith.constant 0 : index
    %get3A_2022 = vector.load %arg5[%get3A_2019, %get3A_2020, %get3A_2021] : memref<64x200x512xf32, #tpu.memory_space<vmem>>, vector<1x200x512xf32>
    %get3A_2023 = vector.shape_cast %get3A_2022 : vector<1x200x512xf32> to vector<200x512xf32>
    %dot_general3A_2024 = arith.constant dense<0.000000e+00> : vector<16x512xf32>
    %dot_general3A_2025 = tpu.matmul %max3A_2018, %get3A_2023, %dot_general3A_2024 {dimension_numbers = #tpu.dot_dimension_numbers<[1], [0], [0], [1], [0, 0, 1, 1], [], []>, transpose_lhs_hint = false} : vector<16x200xf32>, vector<200x512xf32>, vector<16x512xf32> -> vector<16x512xf32>
    %add3A_2026 = arith.addf %add3A_1978, %dot_general3A_2025 : vector<16x512xf32>
    %slice3A_2027 = vector.extract_strided_slice %concatenate3A {offsets = [0, 0], sizes = [16, 200], strides = [1, 1]} : vector<16x202xf32> to vector<16x200xf32>
    %convert_element_type3A_2028 = arith.truncf %slice3A_2027 : vector<16x200xf32> to vector<16x200xbf16>
    %convert_element_type3A_2029 = arith.extf %convert_element_type3A_2028 : vector<16x200xbf16> to vector<16x200xf32>
    %get3A_2030 = arith.constant 0 : index
    %get3A_2031 = arith.constant 42 : index
    %get3A_2032 = memref.load %arg0[%get3A_2030, %get3A_2031] : memref<3x64xf32, #tpu.memory_space<smem>>
    %convert_element_type3A_2033 = arith.truncf %get3A_2032 : f32 to bf16
    %convert_element_type3A_2034 = arith.extf %convert_element_type3A_2033 : bf16 to f32
    %mul3A_2035 = vector.broadcast %convert_element_type3A_2034 : f32 to vector<16x200xf32>
    %mul3A_2036 = arith.mulf %convert_element_type3A_2029, %mul3A_2035 : vector<16x200xf32>
    %slice3A_2037 = vector.extract_strided_slice %concatenate3A {offsets = [0, 1], sizes = [16, 200], strides = [1, 1]} : vector<16x202xf32> to vector<16x200xf32>
    %convert_element_type3A_2038 = arith.truncf %slice3A_2037 : vector<16x200xf32> to vector<16x200xbf16>
    %convert_element_type3A_2039 = arith.extf %convert_element_type3A_2038 : vector<16x200xbf16> to vector<16x200xf32>
    %get3A_2040 = arith.constant 1 : index
    %get3A_2041 = arith.constant 42 : index
    %get3A_2042 = memref.load %arg0[%get3A_2040, %get3A_2041] : memref<3x64xf32, #tpu.memory_space<smem>>
    %convert_element_type3A_2043 = arith.truncf %get3A_2042 : f32 to bf16
    %convert_element_type3A_2044 = arith.extf %convert_element_type3A_2043 : bf16 to f32
    %mul3A_2045 = vector.broadcast %convert_element_type3A_2044 : f32 to vector<16x200xf32>
    %mul3A_2046 = arith.mulf %convert_element_type3A_2039, %mul3A_2045 : vector<16x200xf32>
    %add3A_2047 = arith.addf %mul3A_2036, %mul3A_2046 : vector<16x200xf32>
    %slice3A_2048 = vector.extract_strided_slice %concatenate3A {offsets = [0, 2], sizes = [16, 200], strides = [1, 1]} : vector<16x202xf32> to vector<16x200xf32>
    %convert_element_type3A_2049 = arith.truncf %slice3A_2048 : vector<16x200xf32> to vector<16x200xbf16>
    %convert_element_type3A_2050 = arith.extf %convert_element_type3A_2049 : vector<16x200xbf16> to vector<16x200xf32>
    %get3A_2051 = arith.constant 2 : index
    %get3A_2052 = arith.constant 42 : index
    %get3A_2053 = memref.load %arg0[%get3A_2051, %get3A_2052] : memref<3x64xf32, #tpu.memory_space<smem>>
    %convert_element_type3A_2054 = arith.truncf %get3A_2053 : f32 to bf16
    %convert_element_type3A_2055 = arith.extf %convert_element_type3A_2054 : bf16 to f32
    %mul3A_2056 = vector.broadcast %convert_element_type3A_2055 : f32 to vector<16x200xf32>
    %mul3A_2057 = arith.mulf %convert_element_type3A_2050, %mul3A_2056 : vector<16x200xf32>
    %add3A_2058 = arith.addf %add3A_2047, %mul3A_2057 : vector<16x200xf32>
    %get3A_2059 = arith.constant 0 : index
    %get3A_2060 = arith.constant 42 : index
    %get3A_2061 = memref.load %arg1[%get3A_2059, %get3A_2060] : memref<1x64xf32, #tpu.memory_space<smem>>
    %add3A_2062 = vector.broadcast %get3A_2061 : f32 to vector<16x200xf32>
    %add3A_2063 = arith.addf %add3A_2058, %add3A_2062 : vector<16x200xf32>
    %max3A_2064 = arith.constant 0.000000e+00 : f32
    %max3A_2065 = vector.broadcast %max3A_2064 : f32 to vector<16x200xf32>
    %max3A_2066 = arith.maximumf %add3A_2063, %max3A_2065 : vector<16x200xf32>
    %get3A_2067 = arith.constant 42 : index
    %get3A_2068 = arith.constant 0 : index
    %get3A_2069 = arith.constant 0 : index
    %get3A_2070 = vector.load %arg5[%get3A_2067, %get3A_2068, %get3A_2069] : memref<64x200x512xf32, #tpu.memory_space<vmem>>, vector<1x200x512xf32>
    %get3A_2071 = vector.shape_cast %get3A_2070 : vector<1x200x512xf32> to vector<200x512xf32>
    %dot_general3A_2072 = arith.constant dense<0.000000e+00> : vector<16x512xf32>
    %dot_general3A_2073 = tpu.matmul %max3A_2066, %get3A_2071, %dot_general3A_2072 {dimension_numbers = #tpu.dot_dimension_numbers<[1], [0], [0], [1], [0, 0, 1, 1], [], []>, transpose_lhs_hint = false} : vector<16x200xf32>, vector<200x512xf32>, vector<16x512xf32> -> vector<16x512xf32>
    %add3A_2074 = arith.addf %add3A_2026, %dot_general3A_2073 : vector<16x512xf32>
    %slice3A_2075 = vector.extract_strided_slice %concatenate3A {offsets = [0, 0], sizes = [16, 200], strides = [1, 1]} : vector<16x202xf32> to vector<16x200xf32>
    %convert_element_type3A_2076 = arith.truncf %slice3A_2075 : vector<16x200xf32> to vector<16x200xbf16>
    %convert_element_type3A_2077 = arith.extf %convert_element_type3A_2076 : vector<16x200xbf16> to vector<16x200xf32>
    %get3A_2078 = arith.constant 0 : index
    %get3A_2079 = arith.constant 43 : index
    %get3A_2080 = memref.load %arg0[%get3A_2078, %get3A_2079] : memref<3x64xf32, #tpu.memory_space<smem>>
    %convert_element_type3A_2081 = arith.truncf %get3A_2080 : f32 to bf16
    %convert_element_type3A_2082 = arith.extf %convert_element_type3A_2081 : bf16 to f32
    %mul3A_2083 = vector.broadcast %convert_element_type3A_2082 : f32 to vector<16x200xf32>
    %mul3A_2084 = arith.mulf %convert_element_type3A_2077, %mul3A_2083 : vector<16x200xf32>
    %slice3A_2085 = vector.extract_strided_slice %concatenate3A {offsets = [0, 1], sizes = [16, 200], strides = [1, 1]} : vector<16x202xf32> to vector<16x200xf32>
    %convert_element_type3A_2086 = arith.truncf %slice3A_2085 : vector<16x200xf32> to vector<16x200xbf16>
    %convert_element_type3A_2087 = arith.extf %convert_element_type3A_2086 : vector<16x200xbf16> to vector<16x200xf32>
    %get3A_2088 = arith.constant 1 : index
    %get3A_2089 = arith.constant 43 : index
    %get3A_2090 = memref.load %arg0[%get3A_2088, %get3A_2089] : memref<3x64xf32, #tpu.memory_space<smem>>
    %convert_element_type3A_2091 = arith.truncf %get3A_2090 : f32 to bf16
    %convert_element_type3A_2092 = arith.extf %convert_element_type3A_2091 : bf16 to f32
    %mul3A_2093 = vector.broadcast %convert_element_type3A_2092 : f32 to vector<16x200xf32>
    %mul3A_2094 = arith.mulf %convert_element_type3A_2087, %mul3A_2093 : vector<16x200xf32>
    %add3A_2095 = arith.addf %mul3A_2084, %mul3A_2094 : vector<16x200xf32>
    %slice3A_2096 = vector.extract_strided_slice %concatenate3A {offsets = [0, 2], sizes = [16, 200], strides = [1, 1]} : vector<16x202xf32> to vector<16x200xf32>
    %convert_element_type3A_2097 = arith.truncf %slice3A_2096 : vector<16x200xf32> to vector<16x200xbf16>
    %convert_element_type3A_2098 = arith.extf %convert_element_type3A_2097 : vector<16x200xbf16> to vector<16x200xf32>
    %get3A_2099 = arith.constant 2 : index
    %get3A_2100 = arith.constant 43 : index
    %get3A_2101 = memref.load %arg0[%get3A_2099, %get3A_2100] : memref<3x64xf32, #tpu.memory_space<smem>>
    %convert_element_type3A_2102 = arith.truncf %get3A_2101 : f32 to bf16
    %convert_element_type3A_2103 = arith.extf %convert_element_type3A_2102 : bf16 to f32
    %mul3A_2104 = vector.broadcast %convert_element_type3A_2103 : f32 to vector<16x200xf32>
    %mul3A_2105 = arith.mulf %convert_element_type3A_2098, %mul3A_2104 : vector<16x200xf32>
    %add3A_2106 = arith.addf %add3A_2095, %mul3A_2105 : vector<16x200xf32>
    %get3A_2107 = arith.constant 0 : index
    %get3A_2108 = arith.constant 43 : index
    %get3A_2109 = memref.load %arg1[%get3A_2107, %get3A_2108] : memref<1x64xf32, #tpu.memory_space<smem>>
    %add3A_2110 = vector.broadcast %get3A_2109 : f32 to vector<16x200xf32>
    %add3A_2111 = arith.addf %add3A_2106, %add3A_2110 : vector<16x200xf32>
    %max3A_2112 = arith.constant 0.000000e+00 : f32
    %max3A_2113 = vector.broadcast %max3A_2112 : f32 to vector<16x200xf32>
    %max3A_2114 = arith.maximumf %add3A_2111, %max3A_2113 : vector<16x200xf32>
    %get3A_2115 = arith.constant 43 : index
    %get3A_2116 = arith.constant 0 : index
    %get3A_2117 = arith.constant 0 : index
    %get3A_2118 = vector.load %arg5[%get3A_2115, %get3A_2116, %get3A_2117] : memref<64x200x512xf32, #tpu.memory_space<vmem>>, vector<1x200x512xf32>
    %get3A_2119 = vector.shape_cast %get3A_2118 : vector<1x200x512xf32> to vector<200x512xf32>
    %dot_general3A_2120 = arith.constant dense<0.000000e+00> : vector<16x512xf32>
    %dot_general3A_2121 = tpu.matmul %max3A_2114, %get3A_2119, %dot_general3A_2120 {dimension_numbers = #tpu.dot_dimension_numbers<[1], [0], [0], [1], [0, 0, 1, 1], [], []>, transpose_lhs_hint = false} : vector<16x200xf32>, vector<200x512xf32>, vector<16x512xf32> -> vector<16x512xf32>
    %add3A_2122 = arith.addf %add3A_2074, %dot_general3A_2121 : vector<16x512xf32>
    %slice3A_2123 = vector.extract_strided_slice %concatenate3A {offsets = [0, 0], sizes = [16, 200], strides = [1, 1]} : vector<16x202xf32> to vector<16x200xf32>
    %convert_element_type3A_2124 = arith.truncf %slice3A_2123 : vector<16x200xf32> to vector<16x200xbf16>
    %convert_element_type3A_2125 = arith.extf %convert_element_type3A_2124 : vector<16x200xbf16> to vector<16x200xf32>
    %get3A_2126 = arith.constant 0 : index
    %get3A_2127 = arith.constant 44 : index
    %get3A_2128 = memref.load %arg0[%get3A_2126, %get3A_2127] : memref<3x64xf32, #tpu.memory_space<smem>>
    %convert_element_type3A_2129 = arith.truncf %get3A_2128 : f32 to bf16
    %convert_element_type3A_2130 = arith.extf %convert_element_type3A_2129 : bf16 to f32
    %mul3A_2131 = vector.broadcast %convert_element_type3A_2130 : f32 to vector<16x200xf32>
    %mul3A_2132 = arith.mulf %convert_element_type3A_2125, %mul3A_2131 : vector<16x200xf32>
    %slice3A_2133 = vector.extract_strided_slice %concatenate3A {offsets = [0, 1], sizes = [16, 200], strides = [1, 1]} : vector<16x202xf32> to vector<16x200xf32>
    %convert_element_type3A_2134 = arith.truncf %slice3A_2133 : vector<16x200xf32> to vector<16x200xbf16>
    %convert_element_type3A_2135 = arith.extf %convert_element_type3A_2134 : vector<16x200xbf16> to vector<16x200xf32>
    %get3A_2136 = arith.constant 1 : index
    %get3A_2137 = arith.constant 44 : index
    %get3A_2138 = memref.load %arg0[%get3A_2136, %get3A_2137] : memref<3x64xf32, #tpu.memory_space<smem>>
    %convert_element_type3A_2139 = arith.truncf %get3A_2138 : f32 to bf16
    %convert_element_type3A_2140 = arith.extf %convert_element_type3A_2139 : bf16 to f32
    %mul3A_2141 = vector.broadcast %convert_element_type3A_2140 : f32 to vector<16x200xf32>
    %mul3A_2142 = arith.mulf %convert_element_type3A_2135, %mul3A_2141 : vector<16x200xf32>
    %add3A_2143 = arith.addf %mul3A_2132, %mul3A_2142 : vector<16x200xf32>
    %slice3A_2144 = vector.extract_strided_slice %concatenate3A {offsets = [0, 2], sizes = [16, 200], strides = [1, 1]} : vector<16x202xf32> to vector<16x200xf32>
    %convert_element_type3A_2145 = arith.truncf %slice3A_2144 : vector<16x200xf32> to vector<16x200xbf16>
    %convert_element_type3A_2146 = arith.extf %convert_element_type3A_2145 : vector<16x200xbf16> to vector<16x200xf32>
    %get3A_2147 = arith.constant 2 : index
    %get3A_2148 = arith.constant 44 : index
    %get3A_2149 = memref.load %arg0[%get3A_2147, %get3A_2148] : memref<3x64xf32, #tpu.memory_space<smem>>
    %convert_element_type3A_2150 = arith.truncf %get3A_2149 : f32 to bf16
    %convert_element_type3A_2151 = arith.extf %convert_element_type3A_2150 : bf16 to f32
    %mul3A_2152 = vector.broadcast %convert_element_type3A_2151 : f32 to vector<16x200xf32>
    %mul3A_2153 = arith.mulf %convert_element_type3A_2146, %mul3A_2152 : vector<16x200xf32>
    %add3A_2154 = arith.addf %add3A_2143, %mul3A_2153 : vector<16x200xf32>
    %get3A_2155 = arith.constant 0 : index
    %get3A_2156 = arith.constant 44 : index
    %get3A_2157 = memref.load %arg1[%get3A_2155, %get3A_2156] : memref<1x64xf32, #tpu.memory_space<smem>>
    %add3A_2158 = vector.broadcast %get3A_2157 : f32 to vector<16x200xf32>
    %add3A_2159 = arith.addf %add3A_2154, %add3A_2158 : vector<16x200xf32>
    %max3A_2160 = arith.constant 0.000000e+00 : f32
    %max3A_2161 = vector.broadcast %max3A_2160 : f32 to vector<16x200xf32>
    %max3A_2162 = arith.maximumf %add3A_2159, %max3A_2161 : vector<16x200xf32>
    %get3A_2163 = arith.constant 44 : index
    %get3A_2164 = arith.constant 0 : index
    %get3A_2165 = arith.constant 0 : index
    %get3A_2166 = vector.load %arg5[%get3A_2163, %get3A_2164, %get3A_2165] : memref<64x200x512xf32, #tpu.memory_space<vmem>>, vector<1x200x512xf32>
    %get3A_2167 = vector.shape_cast %get3A_2166 : vector<1x200x512xf32> to vector<200x512xf32>
    %dot_general3A_2168 = arith.constant dense<0.000000e+00> : vector<16x512xf32>
    %dot_general3A_2169 = tpu.matmul %max3A_2162, %get3A_2167, %dot_general3A_2168 {dimension_numbers = #tpu.dot_dimension_numbers<[1], [0], [0], [1], [0, 0, 1, 1], [], []>, transpose_lhs_hint = false} : vector<16x200xf32>, vector<200x512xf32>, vector<16x512xf32> -> vector<16x512xf32>
    %add3A_2170 = arith.addf %add3A_2122, %dot_general3A_2169 : vector<16x512xf32>
    %slice3A_2171 = vector.extract_strided_slice %concatenate3A {offsets = [0, 0], sizes = [16, 200], strides = [1, 1]} : vector<16x202xf32> to vector<16x200xf32>
    %convert_element_type3A_2172 = arith.truncf %slice3A_2171 : vector<16x200xf32> to vector<16x200xbf16>
    %convert_element_type3A_2173 = arith.extf %convert_element_type3A_2172 : vector<16x200xbf16> to vector<16x200xf32>
    %get3A_2174 = arith.constant 0 : index
    %get3A_2175 = arith.constant 45 : index
    %get3A_2176 = memref.load %arg0[%get3A_2174, %get3A_2175] : memref<3x64xf32, #tpu.memory_space<smem>>
    %convert_element_type3A_2177 = arith.truncf %get3A_2176 : f32 to bf16
    %convert_element_type3A_2178 = arith.extf %convert_element_type3A_2177 : bf16 to f32
    %mul3A_2179 = vector.broadcast %convert_element_type3A_2178 : f32 to vector<16x200xf32>
    %mul3A_2180 = arith.mulf %convert_element_type3A_2173, %mul3A_2179 : vector<16x200xf32>
    %slice3A_2181 = vector.extract_strided_slice %concatenate3A {offsets = [0, 1], sizes = [16, 200], strides = [1, 1]} : vector<16x202xf32> to vector<16x200xf32>
    %convert_element_type3A_2182 = arith.truncf %slice3A_2181 : vector<16x200xf32> to vector<16x200xbf16>
    %convert_element_type3A_2183 = arith.extf %convert_element_type3A_2182 : vector<16x200xbf16> to vector<16x200xf32>
    %get3A_2184 = arith.constant 1 : index
    %get3A_2185 = arith.constant 45 : index
    %get3A_2186 = memref.load %arg0[%get3A_2184, %get3A_2185] : memref<3x64xf32, #tpu.memory_space<smem>>
    %convert_element_type3A_2187 = arith.truncf %get3A_2186 : f32 to bf16
    %convert_element_type3A_2188 = arith.extf %convert_element_type3A_2187 : bf16 to f32
    %mul3A_2189 = vector.broadcast %convert_element_type3A_2188 : f32 to vector<16x200xf32>
    %mul3A_2190 = arith.mulf %convert_element_type3A_2183, %mul3A_2189 : vector<16x200xf32>
    %add3A_2191 = arith.addf %mul3A_2180, %mul3A_2190 : vector<16x200xf32>
    %slice3A_2192 = vector.extract_strided_slice %concatenate3A {offsets = [0, 2], sizes = [16, 200], strides = [1, 1]} : vector<16x202xf32> to vector<16x200xf32>
    %convert_element_type3A_2193 = arith.truncf %slice3A_2192 : vector<16x200xf32> to vector<16x200xbf16>
    %convert_element_type3A_2194 = arith.extf %convert_element_type3A_2193 : vector<16x200xbf16> to vector<16x200xf32>
    %get3A_2195 = arith.constant 2 : index
    %get3A_2196 = arith.constant 45 : index
    %get3A_2197 = memref.load %arg0[%get3A_2195, %get3A_2196] : memref<3x64xf32, #tpu.memory_space<smem>>
    %convert_element_type3A_2198 = arith.truncf %get3A_2197 : f32 to bf16
    %convert_element_type3A_2199 = arith.extf %convert_element_type3A_2198 : bf16 to f32
    %mul3A_2200 = vector.broadcast %convert_element_type3A_2199 : f32 to vector<16x200xf32>
    %mul3A_2201 = arith.mulf %convert_element_type3A_2194, %mul3A_2200 : vector<16x200xf32>
    %add3A_2202 = arith.addf %add3A_2191, %mul3A_2201 : vector<16x200xf32>
    %get3A_2203 = arith.constant 0 : index
    %get3A_2204 = arith.constant 45 : index
    %get3A_2205 = memref.load %arg1[%get3A_2203, %get3A_2204] : memref<1x64xf32, #tpu.memory_space<smem>>
    %add3A_2206 = vector.broadcast %get3A_2205 : f32 to vector<16x200xf32>
    %add3A_2207 = arith.addf %add3A_2202, %add3A_2206 : vector<16x200xf32>
    %max3A_2208 = arith.constant 0.000000e+00 : f32
    %max3A_2209 = vector.broadcast %max3A_2208 : f32 to vector<16x200xf32>
    %max3A_2210 = arith.maximumf %add3A_2207, %max3A_2209 : vector<16x200xf32>
    %get3A_2211 = arith.constant 45 : index
    %get3A_2212 = arith.constant 0 : index
    %get3A_2213 = arith.constant 0 : index
    %get3A_2214 = vector.load %arg5[%get3A_2211, %get3A_2212, %get3A_2213] : memref<64x200x512xf32, #tpu.memory_space<vmem>>, vector<1x200x512xf32>
    %get3A_2215 = vector.shape_cast %get3A_2214 : vector<1x200x512xf32> to vector<200x512xf32>
    %dot_general3A_2216 = arith.constant dense<0.000000e+00> : vector<16x512xf32>
    %dot_general3A_2217 = tpu.matmul %max3A_2210, %get3A_2215, %dot_general3A_2216 {dimension_numbers = #tpu.dot_dimension_numbers<[1], [0], [0], [1], [0, 0, 1, 1], [], []>, transpose_lhs_hint = false} : vector<16x200xf32>, vector<200x512xf32>, vector<16x512xf32> -> vector<16x512xf32>
    %add3A_2218 = arith.addf %add3A_2170, %dot_general3A_2217 : vector<16x512xf32>
    %slice3A_2219 = vector.extract_strided_slice %concatenate3A {offsets = [0, 0], sizes = [16, 200], strides = [1, 1]} : vector<16x202xf32> to vector<16x200xf32>
    %convert_element_type3A_2220 = arith.truncf %slice3A_2219 : vector<16x200xf32> to vector<16x200xbf16>
    %convert_element_type3A_2221 = arith.extf %convert_element_type3A_2220 : vector<16x200xbf16> to vector<16x200xf32>
    %get3A_2222 = arith.constant 0 : index
    %get3A_2223 = arith.constant 46 : index
    %get3A_2224 = memref.load %arg0[%get3A_2222, %get3A_2223] : memref<3x64xf32, #tpu.memory_space<smem>>
    %convert_element_type3A_2225 = arith.truncf %get3A_2224 : f32 to bf16
    %convert_element_type3A_2226 = arith.extf %convert_element_type3A_2225 : bf16 to f32
    %mul3A_2227 = vector.broadcast %convert_element_type3A_2226 : f32 to vector<16x200xf32>
    %mul3A_2228 = arith.mulf %convert_element_type3A_2221, %mul3A_2227 : vector<16x200xf32>
    %slice3A_2229 = vector.extract_strided_slice %concatenate3A {offsets = [0, 1], sizes = [16, 200], strides = [1, 1]} : vector<16x202xf32> to vector<16x200xf32>
    %convert_element_type3A_2230 = arith.truncf %slice3A_2229 : vector<16x200xf32> to vector<16x200xbf16>
    %convert_element_type3A_2231 = arith.extf %convert_element_type3A_2230 : vector<16x200xbf16> to vector<16x200xf32>
    %get3A_2232 = arith.constant 1 : index
    %get3A_2233 = arith.constant 46 : index
    %get3A_2234 = memref.load %arg0[%get3A_2232, %get3A_2233] : memref<3x64xf32, #tpu.memory_space<smem>>
    %convert_element_type3A_2235 = arith.truncf %get3A_2234 : f32 to bf16
    %convert_element_type3A_2236 = arith.extf %convert_element_type3A_2235 : bf16 to f32
    %mul3A_2237 = vector.broadcast %convert_element_type3A_2236 : f32 to vector<16x200xf32>
    %mul3A_2238 = arith.mulf %convert_element_type3A_2231, %mul3A_2237 : vector<16x200xf32>
    %add3A_2239 = arith.addf %mul3A_2228, %mul3A_2238 : vector<16x200xf32>
    %slice3A_2240 = vector.extract_strided_slice %concatenate3A {offsets = [0, 2], sizes = [16, 200], strides = [1, 1]} : vector<16x202xf32> to vector<16x200xf32>
    %convert_element_type3A_2241 = arith.truncf %slice3A_2240 : vector<16x200xf32> to vector<16x200xbf16>
    %convert_element_type3A_2242 = arith.extf %convert_element_type3A_2241 : vector<16x200xbf16> to vector<16x200xf32>
    %get3A_2243 = arith.constant 2 : index
    %get3A_2244 = arith.constant 46 : index
    %get3A_2245 = memref.load %arg0[%get3A_2243, %get3A_2244] : memref<3x64xf32, #tpu.memory_space<smem>>
    %convert_element_type3A_2246 = arith.truncf %get3A_2245 : f32 to bf16
    %convert_element_type3A_2247 = arith.extf %convert_element_type3A_2246 : bf16 to f32
    %mul3A_2248 = vector.broadcast %convert_element_type3A_2247 : f32 to vector<16x200xf32>
    %mul3A_2249 = arith.mulf %convert_element_type3A_2242, %mul3A_2248 : vector<16x200xf32>
    %add3A_2250 = arith.addf %add3A_2239, %mul3A_2249 : vector<16x200xf32>
    %get3A_2251 = arith.constant 0 : index
    %get3A_2252 = arith.constant 46 : index
    %get3A_2253 = memref.load %arg1[%get3A_2251, %get3A_2252] : memref<1x64xf32, #tpu.memory_space<smem>>
    %add3A_2254 = vector.broadcast %get3A_2253 : f32 to vector<16x200xf32>
    %add3A_2255 = arith.addf %add3A_2250, %add3A_2254 : vector<16x200xf32>
    %max3A_2256 = arith.constant 0.000000e+00 : f32
    %max3A_2257 = vector.broadcast %max3A_2256 : f32 to vector<16x200xf32>
    %max3A_2258 = arith.maximumf %add3A_2255, %max3A_2257 : vector<16x200xf32>
    %get3A_2259 = arith.constant 46 : index
    %get3A_2260 = arith.constant 0 : index
    %get3A_2261 = arith.constant 0 : index
    %get3A_2262 = vector.load %arg5[%get3A_2259, %get3A_2260, %get3A_2261] : memref<64x200x512xf32, #tpu.memory_space<vmem>>, vector<1x200x512xf32>
    %get3A_2263 = vector.shape_cast %get3A_2262 : vector<1x200x512xf32> to vector<200x512xf32>
    %dot_general3A_2264 = arith.constant dense<0.000000e+00> : vector<16x512xf32>
    %dot_general3A_2265 = tpu.matmul %max3A_2258, %get3A_2263, %dot_general3A_2264 {dimension_numbers = #tpu.dot_dimension_numbers<[1], [0], [0], [1], [0, 0, 1, 1], [], []>, transpose_lhs_hint = false} : vector<16x200xf32>, vector<200x512xf32>, vector<16x512xf32> -> vector<16x512xf32>
    %add3A_2266 = arith.addf %add3A_2218, %dot_general3A_2265 : vector<16x512xf32>
    %slice3A_2267 = vector.extract_strided_slice %concatenate3A {offsets = [0, 0], sizes = [16, 200], strides = [1, 1]} : vector<16x202xf32> to vector<16x200xf32>
    %convert_element_type3A_2268 = arith.truncf %slice3A_2267 : vector<16x200xf32> to vector<16x200xbf16>
    %convert_element_type3A_2269 = arith.extf %convert_element_type3A_2268 : vector<16x200xbf16> to vector<16x200xf32>
    %get3A_2270 = arith.constant 0 : index
    %get3A_2271 = arith.constant 47 : index
    %get3A_2272 = memref.load %arg0[%get3A_2270, %get3A_2271] : memref<3x64xf32, #tpu.memory_space<smem>>
    %convert_element_type3A_2273 = arith.truncf %get3A_2272 : f32 to bf16
    %convert_element_type3A_2274 = arith.extf %convert_element_type3A_2273 : bf16 to f32
    %mul3A_2275 = vector.broadcast %convert_element_type3A_2274 : f32 to vector<16x200xf32>
    %mul3A_2276 = arith.mulf %convert_element_type3A_2269, %mul3A_2275 : vector<16x200xf32>
    %slice3A_2277 = vector.extract_strided_slice %concatenate3A {offsets = [0, 1], sizes = [16, 200], strides = [1, 1]} : vector<16x202xf32> to vector<16x200xf32>
    %convert_element_type3A_2278 = arith.truncf %slice3A_2277 : vector<16x200xf32> to vector<16x200xbf16>
    %convert_element_type3A_2279 = arith.extf %convert_element_type3A_2278 : vector<16x200xbf16> to vector<16x200xf32>
    %get3A_2280 = arith.constant 1 : index
    %get3A_2281 = arith.constant 47 : index
    %get3A_2282 = memref.load %arg0[%get3A_2280, %get3A_2281] : memref<3x64xf32, #tpu.memory_space<smem>>
    %convert_element_type3A_2283 = arith.truncf %get3A_2282 : f32 to bf16
    %convert_element_type3A_2284 = arith.extf %convert_element_type3A_2283 : bf16 to f32
    %mul3A_2285 = vector.broadcast %convert_element_type3A_2284 : f32 to vector<16x200xf32>
    %mul3A_2286 = arith.mulf %convert_element_type3A_2279, %mul3A_2285 : vector<16x200xf32>
    %add3A_2287 = arith.addf %mul3A_2276, %mul3A_2286 : vector<16x200xf32>
    %slice3A_2288 = vector.extract_strided_slice %concatenate3A {offsets = [0, 2], sizes = [16, 200], strides = [1, 1]} : vector<16x202xf32> to vector<16x200xf32>
    %convert_element_type3A_2289 = arith.truncf %slice3A_2288 : vector<16x200xf32> to vector<16x200xbf16>
    %convert_element_type3A_2290 = arith.extf %convert_element_type3A_2289 : vector<16x200xbf16> to vector<16x200xf32>
    %get3A_2291 = arith.constant 2 : index
    %get3A_2292 = arith.constant 47 : index
    %get3A_2293 = memref.load %arg0[%get3A_2291, %get3A_2292] : memref<3x64xf32, #tpu.memory_space<smem>>
    %convert_element_type3A_2294 = arith.truncf %get3A_2293 : f32 to bf16
    %convert_element_type3A_2295 = arith.extf %convert_element_type3A_2294 : bf16 to f32
    %mul3A_2296 = vector.broadcast %convert_element_type3A_2295 : f32 to vector<16x200xf32>
    %mul3A_2297 = arith.mulf %convert_element_type3A_2290, %mul3A_2296 : vector<16x200xf32>
    %add3A_2298 = arith.addf %add3A_2287, %mul3A_2297 : vector<16x200xf32>
    %get3A_2299 = arith.constant 0 : index
    %get3A_2300 = arith.constant 47 : index
    %get3A_2301 = memref.load %arg1[%get3A_2299, %get3A_2300] : memref<1x64xf32, #tpu.memory_space<smem>>
    %add3A_2302 = vector.broadcast %get3A_2301 : f32 to vector<16x200xf32>
    %add3A_2303 = arith.addf %add3A_2298, %add3A_2302 : vector<16x200xf32>
    %max3A_2304 = arith.constant 0.000000e+00 : f32
    %max3A_2305 = vector.broadcast %max3A_2304 : f32 to vector<16x200xf32>
    %max3A_2306 = arith.maximumf %add3A_2303, %max3A_2305 : vector<16x200xf32>
    %get3A_2307 = arith.constant 47 : index
    %get3A_2308 = arith.constant 0 : index
    %get3A_2309 = arith.constant 0 : index
    %get3A_2310 = vector.load %arg5[%get3A_2307, %get3A_2308, %get3A_2309] : memref<64x200x512xf32, #tpu.memory_space<vmem>>, vector<1x200x512xf32>
    %get3A_2311 = vector.shape_cast %get3A_2310 : vector<1x200x512xf32> to vector<200x512xf32>
    %dot_general3A_2312 = arith.constant dense<0.000000e+00> : vector<16x512xf32>
    %dot_general3A_2313 = tpu.matmul %max3A_2306, %get3A_2311, %dot_general3A_2312 {dimension_numbers = #tpu.dot_dimension_numbers<[1], [0], [0], [1], [0, 0, 1, 1], [], []>, transpose_lhs_hint = false} : vector<16x200xf32>, vector<200x512xf32>, vector<16x512xf32> -> vector<16x512xf32>
    %add3A_2314 = arith.addf %add3A_2266, %dot_general3A_2313 : vector<16x512xf32>
    %slice3A_2315 = vector.extract_strided_slice %concatenate3A {offsets = [0, 0], sizes = [16, 200], strides = [1, 1]} : vector<16x202xf32> to vector<16x200xf32>
    %convert_element_type3A_2316 = arith.truncf %slice3A_2315 : vector<16x200xf32> to vector<16x200xbf16>
    %convert_element_type3A_2317 = arith.extf %convert_element_type3A_2316 : vector<16x200xbf16> to vector<16x200xf32>
    %get3A_2318 = arith.constant 0 : index
    %get3A_2319 = arith.constant 48 : index
    %get3A_2320 = memref.load %arg0[%get3A_2318, %get3A_2319] : memref<3x64xf32, #tpu.memory_space<smem>>
    %convert_element_type3A_2321 = arith.truncf %get3A_2320 : f32 to bf16
    %convert_element_type3A_2322 = arith.extf %convert_element_type3A_2321 : bf16 to f32
    %mul3A_2323 = vector.broadcast %convert_element_type3A_2322 : f32 to vector<16x200xf32>
    %mul3A_2324 = arith.mulf %convert_element_type3A_2317, %mul3A_2323 : vector<16x200xf32>
    %slice3A_2325 = vector.extract_strided_slice %concatenate3A {offsets = [0, 1], sizes = [16, 200], strides = [1, 1]} : vector<16x202xf32> to vector<16x200xf32>
    %convert_element_type3A_2326 = arith.truncf %slice3A_2325 : vector<16x200xf32> to vector<16x200xbf16>
    %convert_element_type3A_2327 = arith.extf %convert_element_type3A_2326 : vector<16x200xbf16> to vector<16x200xf32>
    %get3A_2328 = arith.constant 1 : index
    %get3A_2329 = arith.constant 48 : index
    %get3A_2330 = memref.load %arg0[%get3A_2328, %get3A_2329] : memref<3x64xf32, #tpu.memory_space<smem>>
    %convert_element_type3A_2331 = arith.truncf %get3A_2330 : f32 to bf16
    %convert_element_type3A_2332 = arith.extf %convert_element_type3A_2331 : bf16 to f32
    %mul3A_2333 = vector.broadcast %convert_element_type3A_2332 : f32 to vector<16x200xf32>
    %mul3A_2334 = arith.mulf %convert_element_type3A_2327, %mul3A_2333 : vector<16x200xf32>
    %add3A_2335 = arith.addf %mul3A_2324, %mul3A_2334 : vector<16x200xf32>
    %slice3A_2336 = vector.extract_strided_slice %concatenate3A {offsets = [0, 2], sizes = [16, 200], strides = [1, 1]} : vector<16x202xf32> to vector<16x200xf32>
    %convert_element_type3A_2337 = arith.truncf %slice3A_2336 : vector<16x200xf32> to vector<16x200xbf16>
    %convert_element_type3A_2338 = arith.extf %convert_element_type3A_2337 : vector<16x200xbf16> to vector<16x200xf32>
    %get3A_2339 = arith.constant 2 : index
    %get3A_2340 = arith.constant 48 : index
    %get3A_2341 = memref.load %arg0[%get3A_2339, %get3A_2340] : memref<3x64xf32, #tpu.memory_space<smem>>
    %convert_element_type3A_2342 = arith.truncf %get3A_2341 : f32 to bf16
    %convert_element_type3A_2343 = arith.extf %convert_element_type3A_2342 : bf16 to f32
    %mul3A_2344 = vector.broadcast %convert_element_type3A_2343 : f32 to vector<16x200xf32>
    %mul3A_2345 = arith.mulf %convert_element_type3A_2338, %mul3A_2344 : vector<16x200xf32>
    %add3A_2346 = arith.addf %add3A_2335, %mul3A_2345 : vector<16x200xf32>
    %get3A_2347 = arith.constant 0 : index
    %get3A_2348 = arith.constant 48 : index
    %get3A_2349 = memref.load %arg1[%get3A_2347, %get3A_2348] : memref<1x64xf32, #tpu.memory_space<smem>>
    %add3A_2350 = vector.broadcast %get3A_2349 : f32 to vector<16x200xf32>
    %add3A_2351 = arith.addf %add3A_2346, %add3A_2350 : vector<16x200xf32>
    %max3A_2352 = arith.constant 0.000000e+00 : f32
    %max3A_2353 = vector.broadcast %max3A_2352 : f32 to vector<16x200xf32>
    %max3A_2354 = arith.maximumf %add3A_2351, %max3A_2353 : vector<16x200xf32>
    %get3A_2355 = arith.constant 48 : index
    %get3A_2356 = arith.constant 0 : index
    %get3A_2357 = arith.constant 0 : index
    %get3A_2358 = vector.load %arg5[%get3A_2355, %get3A_2356, %get3A_2357] : memref<64x200x512xf32, #tpu.memory_space<vmem>>, vector<1x200x512xf32>
    %get3A_2359 = vector.shape_cast %get3A_2358 : vector<1x200x512xf32> to vector<200x512xf32>
    %dot_general3A_2360 = arith.constant dense<0.000000e+00> : vector<16x512xf32>
    %dot_general3A_2361 = tpu.matmul %max3A_2354, %get3A_2359, %dot_general3A_2360 {dimension_numbers = #tpu.dot_dimension_numbers<[1], [0], [0], [1], [0, 0, 1, 1], [], []>, transpose_lhs_hint = false} : vector<16x200xf32>, vector<200x512xf32>, vector<16x512xf32> -> vector<16x512xf32>
    %add3A_2362 = arith.addf %add3A_2314, %dot_general3A_2361 : vector<16x512xf32>
    %slice3A_2363 = vector.extract_strided_slice %concatenate3A {offsets = [0, 0], sizes = [16, 200], strides = [1, 1]} : vector<16x202xf32> to vector<16x200xf32>
    %convert_element_type3A_2364 = arith.truncf %slice3A_2363 : vector<16x200xf32> to vector<16x200xbf16>
    %convert_element_type3A_2365 = arith.extf %convert_element_type3A_2364 : vector<16x200xbf16> to vector<16x200xf32>
    %get3A_2366 = arith.constant 0 : index
    %get3A_2367 = arith.constant 49 : index
    %get3A_2368 = memref.load %arg0[%get3A_2366, %get3A_2367] : memref<3x64xf32, #tpu.memory_space<smem>>
    %convert_element_type3A_2369 = arith.truncf %get3A_2368 : f32 to bf16
    %convert_element_type3A_2370 = arith.extf %convert_element_type3A_2369 : bf16 to f32
    %mul3A_2371 = vector.broadcast %convert_element_type3A_2370 : f32 to vector<16x200xf32>
    %mul3A_2372 = arith.mulf %convert_element_type3A_2365, %mul3A_2371 : vector<16x200xf32>
    %slice3A_2373 = vector.extract_strided_slice %concatenate3A {offsets = [0, 1], sizes = [16, 200], strides = [1, 1]} : vector<16x202xf32> to vector<16x200xf32>
    %convert_element_type3A_2374 = arith.truncf %slice3A_2373 : vector<16x200xf32> to vector<16x200xbf16>
    %convert_element_type3A_2375 = arith.extf %convert_element_type3A_2374 : vector<16x200xbf16> to vector<16x200xf32>
    %get3A_2376 = arith.constant 1 : index
    %get3A_2377 = arith.constant 49 : index
    %get3A_2378 = memref.load %arg0[%get3A_2376, %get3A_2377] : memref<3x64xf32, #tpu.memory_space<smem>>
    %convert_element_type3A_2379 = arith.truncf %get3A_2378 : f32 to bf16
    %convert_element_type3A_2380 = arith.extf %convert_element_type3A_2379 : bf16 to f32
    %mul3A_2381 = vector.broadcast %convert_element_type3A_2380 : f32 to vector<16x200xf32>
    %mul3A_2382 = arith.mulf %convert_element_type3A_2375, %mul3A_2381 : vector<16x200xf32>
    %add3A_2383 = arith.addf %mul3A_2372, %mul3A_2382 : vector<16x200xf32>
    %slice3A_2384 = vector.extract_strided_slice %concatenate3A {offsets = [0, 2], sizes = [16, 200], strides = [1, 1]} : vector<16x202xf32> to vector<16x200xf32>
    %convert_element_type3A_2385 = arith.truncf %slice3A_2384 : vector<16x200xf32> to vector<16x200xbf16>
    %convert_element_type3A_2386 = arith.extf %convert_element_type3A_2385 : vector<16x200xbf16> to vector<16x200xf32>
    %get3A_2387 = arith.constant 2 : index
    %get3A_2388 = arith.constant 49 : index
    %get3A_2389 = memref.load %arg0[%get3A_2387, %get3A_2388] : memref<3x64xf32, #tpu.memory_space<smem>>
    %convert_element_type3A_2390 = arith.truncf %get3A_2389 : f32 to bf16
    %convert_element_type3A_2391 = arith.extf %convert_element_type3A_2390 : bf16 to f32
    %mul3A_2392 = vector.broadcast %convert_element_type3A_2391 : f32 to vector<16x200xf32>
    %mul3A_2393 = arith.mulf %convert_element_type3A_2386, %mul3A_2392 : vector<16x200xf32>
    %add3A_2394 = arith.addf %add3A_2383, %mul3A_2393 : vector<16x200xf32>
    %get3A_2395 = arith.constant 0 : index
    %get3A_2396 = arith.constant 49 : index
    %get3A_2397 = memref.load %arg1[%get3A_2395, %get3A_2396] : memref<1x64xf32, #tpu.memory_space<smem>>
    %add3A_2398 = vector.broadcast %get3A_2397 : f32 to vector<16x200xf32>
    %add3A_2399 = arith.addf %add3A_2394, %add3A_2398 : vector<16x200xf32>
    %max3A_2400 = arith.constant 0.000000e+00 : f32
    %max3A_2401 = vector.broadcast %max3A_2400 : f32 to vector<16x200xf32>
    %max3A_2402 = arith.maximumf %add3A_2399, %max3A_2401 : vector<16x200xf32>
    %get3A_2403 = arith.constant 49 : index
    %get3A_2404 = arith.constant 0 : index
    %get3A_2405 = arith.constant 0 : index
    %get3A_2406 = vector.load %arg5[%get3A_2403, %get3A_2404, %get3A_2405] : memref<64x200x512xf32, #tpu.memory_space<vmem>>, vector<1x200x512xf32>
    %get3A_2407 = vector.shape_cast %get3A_2406 : vector<1x200x512xf32> to vector<200x512xf32>
    %dot_general3A_2408 = arith.constant dense<0.000000e+00> : vector<16x512xf32>
    %dot_general3A_2409 = tpu.matmul %max3A_2402, %get3A_2407, %dot_general3A_2408 {dimension_numbers = #tpu.dot_dimension_numbers<[1], [0], [0], [1], [0, 0, 1, 1], [], []>, transpose_lhs_hint = false} : vector<16x200xf32>, vector<200x512xf32>, vector<16x512xf32> -> vector<16x512xf32>
    %add3A_2410 = arith.addf %add3A_2362, %dot_general3A_2409 : vector<16x512xf32>
    %slice3A_2411 = vector.extract_strided_slice %concatenate3A {offsets = [0, 0], sizes = [16, 200], strides = [1, 1]} : vector<16x202xf32> to vector<16x200xf32>
    %convert_element_type3A_2412 = arith.truncf %slice3A_2411 : vector<16x200xf32> to vector<16x200xbf16>
    %convert_element_type3A_2413 = arith.extf %convert_element_type3A_2412 : vector<16x200xbf16> to vector<16x200xf32>
    %get3A_2414 = arith.constant 0 : index
    %get3A_2415 = arith.constant 50 : index
    %get3A_2416 = memref.load %arg0[%get3A_2414, %get3A_2415] : memref<3x64xf32, #tpu.memory_space<smem>>
    %convert_element_type3A_2417 = arith.truncf %get3A_2416 : f32 to bf16
    %convert_element_type3A_2418 = arith.extf %convert_element_type3A_2417 : bf16 to f32
    %mul3A_2419 = vector.broadcast %convert_element_type3A_2418 : f32 to vector<16x200xf32>
    %mul3A_2420 = arith.mulf %convert_element_type3A_2413, %mul3A_2419 : vector<16x200xf32>
    %slice3A_2421 = vector.extract_strided_slice %concatenate3A {offsets = [0, 1], sizes = [16, 200], strides = [1, 1]} : vector<16x202xf32> to vector<16x200xf32>
    %convert_element_type3A_2422 = arith.truncf %slice3A_2421 : vector<16x200xf32> to vector<16x200xbf16>
    %convert_element_type3A_2423 = arith.extf %convert_element_type3A_2422 : vector<16x200xbf16> to vector<16x200xf32>
    %get3A_2424 = arith.constant 1 : index
    %get3A_2425 = arith.constant 50 : index
    %get3A_2426 = memref.load %arg0[%get3A_2424, %get3A_2425] : memref<3x64xf32, #tpu.memory_space<smem>>
    %convert_element_type3A_2427 = arith.truncf %get3A_2426 : f32 to bf16
    %convert_element_type3A_2428 = arith.extf %convert_element_type3A_2427 : bf16 to f32
    %mul3A_2429 = vector.broadcast %convert_element_type3A_2428 : f32 to vector<16x200xf32>
    %mul3A_2430 = arith.mulf %convert_element_type3A_2423, %mul3A_2429 : vector<16x200xf32>
    %add3A_2431 = arith.addf %mul3A_2420, %mul3A_2430 : vector<16x200xf32>
    %slice3A_2432 = vector.extract_strided_slice %concatenate3A {offsets = [0, 2], sizes = [16, 200], strides = [1, 1]} : vector<16x202xf32> to vector<16x200xf32>
    %convert_element_type3A_2433 = arith.truncf %slice3A_2432 : vector<16x200xf32> to vector<16x200xbf16>
    %convert_element_type3A_2434 = arith.extf %convert_element_type3A_2433 : vector<16x200xbf16> to vector<16x200xf32>
    %get3A_2435 = arith.constant 2 : index
    %get3A_2436 = arith.constant 50 : index
    %get3A_2437 = memref.load %arg0[%get3A_2435, %get3A_2436] : memref<3x64xf32, #tpu.memory_space<smem>>
    %convert_element_type3A_2438 = arith.truncf %get3A_2437 : f32 to bf16
    %convert_element_type3A_2439 = arith.extf %convert_element_type3A_2438 : bf16 to f32
    %mul3A_2440 = vector.broadcast %convert_element_type3A_2439 : f32 to vector<16x200xf32>
    %mul3A_2441 = arith.mulf %convert_element_type3A_2434, %mul3A_2440 : vector<16x200xf32>
    %add3A_2442 = arith.addf %add3A_2431, %mul3A_2441 : vector<16x200xf32>
    %get3A_2443 = arith.constant 0 : index
    %get3A_2444 = arith.constant 50 : index
    %get3A_2445 = memref.load %arg1[%get3A_2443, %get3A_2444] : memref<1x64xf32, #tpu.memory_space<smem>>
    %add3A_2446 = vector.broadcast %get3A_2445 : f32 to vector<16x200xf32>
    %add3A_2447 = arith.addf %add3A_2442, %add3A_2446 : vector<16x200xf32>
    %max3A_2448 = arith.constant 0.000000e+00 : f32
    %max3A_2449 = vector.broadcast %max3A_2448 : f32 to vector<16x200xf32>
    %max3A_2450 = arith.maximumf %add3A_2447, %max3A_2449 : vector<16x200xf32>
    %get3A_2451 = arith.constant 50 : index
    %get3A_2452 = arith.constant 0 : index
    %get3A_2453 = arith.constant 0 : index
    %get3A_2454 = vector.load %arg5[%get3A_2451, %get3A_2452, %get3A_2453] : memref<64x200x512xf32, #tpu.memory_space<vmem>>, vector<1x200x512xf32>
    %get3A_2455 = vector.shape_cast %get3A_2454 : vector<1x200x512xf32> to vector<200x512xf32>
    %dot_general3A_2456 = arith.constant dense<0.000000e+00> : vector<16x512xf32>
    %dot_general3A_2457 = tpu.matmul %max3A_2450, %get3A_2455, %dot_general3A_2456 {dimension_numbers = #tpu.dot_dimension_numbers<[1], [0], [0], [1], [0, 0, 1, 1], [], []>, transpose_lhs_hint = false} : vector<16x200xf32>, vector<200x512xf32>, vector<16x512xf32> -> vector<16x512xf32>
    %add3A_2458 = arith.addf %add3A_2410, %dot_general3A_2457 : vector<16x512xf32>
    %slice3A_2459 = vector.extract_strided_slice %concatenate3A {offsets = [0, 0], sizes = [16, 200], strides = [1, 1]} : vector<16x202xf32> to vector<16x200xf32>
    %convert_element_type3A_2460 = arith.truncf %slice3A_2459 : vector<16x200xf32> to vector<16x200xbf16>
    %convert_element_type3A_2461 = arith.extf %convert_element_type3A_2460 : vector<16x200xbf16> to vector<16x200xf32>
    %get3A_2462 = arith.constant 0 : index
    %get3A_2463 = arith.constant 51 : index
    %get3A_2464 = memref.load %arg0[%get3A_2462, %get3A_2463] : memref<3x64xf32, #tpu.memory_space<smem>>
    %convert_element_type3A_2465 = arith.truncf %get3A_2464 : f32 to bf16
    %convert_element_type3A_2466 = arith.extf %convert_element_type3A_2465 : bf16 to f32
    %mul3A_2467 = vector.broadcast %convert_element_type3A_2466 : f32 to vector<16x200xf32>
    %mul3A_2468 = arith.mulf %convert_element_type3A_2461, %mul3A_2467 : vector<16x200xf32>
    %slice3A_2469 = vector.extract_strided_slice %concatenate3A {offsets = [0, 1], sizes = [16, 200], strides = [1, 1]} : vector<16x202xf32> to vector<16x200xf32>
    %convert_element_type3A_2470 = arith.truncf %slice3A_2469 : vector<16x200xf32> to vector<16x200xbf16>
    %convert_element_type3A_2471 = arith.extf %convert_element_type3A_2470 : vector<16x200xbf16> to vector<16x200xf32>
    %get3A_2472 = arith.constant 1 : index
    %get3A_2473 = arith.constant 51 : index
    %get3A_2474 = memref.load %arg0[%get3A_2472, %get3A_2473] : memref<3x64xf32, #tpu.memory_space<smem>>
    %convert_element_type3A_2475 = arith.truncf %get3A_2474 : f32 to bf16
    %convert_element_type3A_2476 = arith.extf %convert_element_type3A_2475 : bf16 to f32
    %mul3A_2477 = vector.broadcast %convert_element_type3A_2476 : f32 to vector<16x200xf32>
    %mul3A_2478 = arith.mulf %convert_element_type3A_2471, %mul3A_2477 : vector<16x200xf32>
    %add3A_2479 = arith.addf %mul3A_2468, %mul3A_2478 : vector<16x200xf32>
    %slice3A_2480 = vector.extract_strided_slice %concatenate3A {offsets = [0, 2], sizes = [16, 200], strides = [1, 1]} : vector<16x202xf32> to vector<16x200xf32>
    %convert_element_type3A_2481 = arith.truncf %slice3A_2480 : vector<16x200xf32> to vector<16x200xbf16>
    %convert_element_type3A_2482 = arith.extf %convert_element_type3A_2481 : vector<16x200xbf16> to vector<16x200xf32>
    %get3A_2483 = arith.constant 2 : index
    %get3A_2484 = arith.constant 51 : index
    %get3A_2485 = memref.load %arg0[%get3A_2483, %get3A_2484] : memref<3x64xf32, #tpu.memory_space<smem>>
    %convert_element_type3A_2486 = arith.truncf %get3A_2485 : f32 to bf16
    %convert_element_type3A_2487 = arith.extf %convert_element_type3A_2486 : bf16 to f32
    %mul3A_2488 = vector.broadcast %convert_element_type3A_2487 : f32 to vector<16x200xf32>
    %mul3A_2489 = arith.mulf %convert_element_type3A_2482, %mul3A_2488 : vector<16x200xf32>
    %add3A_2490 = arith.addf %add3A_2479, %mul3A_2489 : vector<16x200xf32>
    %get3A_2491 = arith.constant 0 : index
    %get3A_2492 = arith.constant 51 : index
    %get3A_2493 = memref.load %arg1[%get3A_2491, %get3A_2492] : memref<1x64xf32, #tpu.memory_space<smem>>
    %add3A_2494 = vector.broadcast %get3A_2493 : f32 to vector<16x200xf32>
    %add3A_2495 = arith.addf %add3A_2490, %add3A_2494 : vector<16x200xf32>
    %max3A_2496 = arith.constant 0.000000e+00 : f32
    %max3A_2497 = vector.broadcast %max3A_2496 : f32 to vector<16x200xf32>
    %max3A_2498 = arith.maximumf %add3A_2495, %max3A_2497 : vector<16x200xf32>
    %get3A_2499 = arith.constant 51 : index
    %get3A_2500 = arith.constant 0 : index
    %get3A_2501 = arith.constant 0 : index
    %get3A_2502 = vector.load %arg5[%get3A_2499, %get3A_2500, %get3A_2501] : memref<64x200x512xf32, #tpu.memory_space<vmem>>, vector<1x200x512xf32>
    %get3A_2503 = vector.shape_cast %get3A_2502 : vector<1x200x512xf32> to vector<200x512xf32>
    %dot_general3A_2504 = arith.constant dense<0.000000e+00> : vector<16x512xf32>
    %dot_general3A_2505 = tpu.matmul %max3A_2498, %get3A_2503, %dot_general3A_2504 {dimension_numbers = #tpu.dot_dimension_numbers<[1], [0], [0], [1], [0, 0, 1, 1], [], []>, transpose_lhs_hint = false} : vector<16x200xf32>, vector<200x512xf32>, vector<16x512xf32> -> vector<16x512xf32>
    %add3A_2506 = arith.addf %add3A_2458, %dot_general3A_2505 : vector<16x512xf32>
    %slice3A_2507 = vector.extract_strided_slice %concatenate3A {offsets = [0, 0], sizes = [16, 200], strides = [1, 1]} : vector<16x202xf32> to vector<16x200xf32>
    %convert_element_type3A_2508 = arith.truncf %slice3A_2507 : vector<16x200xf32> to vector<16x200xbf16>
    %convert_element_type3A_2509 = arith.extf %convert_element_type3A_2508 : vector<16x200xbf16> to vector<16x200xf32>
    %get3A_2510 = arith.constant 0 : index
    %get3A_2511 = arith.constant 52 : index
    %get3A_2512 = memref.load %arg0[%get3A_2510, %get3A_2511] : memref<3x64xf32, #tpu.memory_space<smem>>
    %convert_element_type3A_2513 = arith.truncf %get3A_2512 : f32 to bf16
    %convert_element_type3A_2514 = arith.extf %convert_element_type3A_2513 : bf16 to f32
    %mul3A_2515 = vector.broadcast %convert_element_type3A_2514 : f32 to vector<16x200xf32>
    %mul3A_2516 = arith.mulf %convert_element_type3A_2509, %mul3A_2515 : vector<16x200xf32>
    %slice3A_2517 = vector.extract_strided_slice %concatenate3A {offsets = [0, 1], sizes = [16, 200], strides = [1, 1]} : vector<16x202xf32> to vector<16x200xf32>
    %convert_element_type3A_2518 = arith.truncf %slice3A_2517 : vector<16x200xf32> to vector<16x200xbf16>
    %convert_element_type3A_2519 = arith.extf %convert_element_type3A_2518 : vector<16x200xbf16> to vector<16x200xf32>
    %get3A_2520 = arith.constant 1 : index
    %get3A_2521 = arith.constant 52 : index
    %get3A_2522 = memref.load %arg0[%get3A_2520, %get3A_2521] : memref<3x64xf32, #tpu.memory_space<smem>>
    %convert_element_type3A_2523 = arith.truncf %get3A_2522 : f32 to bf16
    %convert_element_type3A_2524 = arith.extf %convert_element_type3A_2523 : bf16 to f32
    %mul3A_2525 = vector.broadcast %convert_element_type3A_2524 : f32 to vector<16x200xf32>
    %mul3A_2526 = arith.mulf %convert_element_type3A_2519, %mul3A_2525 : vector<16x200xf32>
    %add3A_2527 = arith.addf %mul3A_2516, %mul3A_2526 : vector<16x200xf32>
    %slice3A_2528 = vector.extract_strided_slice %concatenate3A {offsets = [0, 2], sizes = [16, 200], strides = [1, 1]} : vector<16x202xf32> to vector<16x200xf32>
    %convert_element_type3A_2529 = arith.truncf %slice3A_2528 : vector<16x200xf32> to vector<16x200xbf16>
    %convert_element_type3A_2530 = arith.extf %convert_element_type3A_2529 : vector<16x200xbf16> to vector<16x200xf32>
    %get3A_2531 = arith.constant 2 : index
    %get3A_2532 = arith.constant 52 : index
    %get3A_2533 = memref.load %arg0[%get3A_2531, %get3A_2532] : memref<3x64xf32, #tpu.memory_space<smem>>
    %convert_element_type3A_2534 = arith.truncf %get3A_2533 : f32 to bf16
    %convert_element_type3A_2535 = arith.extf %convert_element_type3A_2534 : bf16 to f32
    %mul3A_2536 = vector.broadcast %convert_element_type3A_2535 : f32 to vector<16x200xf32>
    %mul3A_2537 = arith.mulf %convert_element_type3A_2530, %mul3A_2536 : vector<16x200xf32>
    %add3A_2538 = arith.addf %add3A_2527, %mul3A_2537 : vector<16x200xf32>
    %get3A_2539 = arith.constant 0 : index
    %get3A_2540 = arith.constant 52 : index
    %get3A_2541 = memref.load %arg1[%get3A_2539, %get3A_2540] : memref<1x64xf32, #tpu.memory_space<smem>>
    %add3A_2542 = vector.broadcast %get3A_2541 : f32 to vector<16x200xf32>
    %add3A_2543 = arith.addf %add3A_2538, %add3A_2542 : vector<16x200xf32>
    %max3A_2544 = arith.constant 0.000000e+00 : f32
    %max3A_2545 = vector.broadcast %max3A_2544 : f32 to vector<16x200xf32>
    %max3A_2546 = arith.maximumf %add3A_2543, %max3A_2545 : vector<16x200xf32>
    %get3A_2547 = arith.constant 52 : index
    %get3A_2548 = arith.constant 0 : index
    %get3A_2549 = arith.constant 0 : index
    %get3A_2550 = vector.load %arg5[%get3A_2547, %get3A_2548, %get3A_2549] : memref<64x200x512xf32, #tpu.memory_space<vmem>>, vector<1x200x512xf32>
    %get3A_2551 = vector.shape_cast %get3A_2550 : vector<1x200x512xf32> to vector<200x512xf32>
    %dot_general3A_2552 = arith.constant dense<0.000000e+00> : vector<16x512xf32>
    %dot_general3A_2553 = tpu.matmul %max3A_2546, %get3A_2551, %dot_general3A_2552 {dimension_numbers = #tpu.dot_dimension_numbers<[1], [0], [0], [1], [0, 0, 1, 1], [], []>, transpose_lhs_hint = false} : vector<16x200xf32>, vector<200x512xf32>, vector<16x512xf32> -> vector<16x512xf32>
    %add3A_2554 = arith.addf %add3A_2506, %dot_general3A_2553 : vector<16x512xf32>
    %slice3A_2555 = vector.extract_strided_slice %concatenate3A {offsets = [0, 0], sizes = [16, 200], strides = [1, 1]} : vector<16x202xf32> to vector<16x200xf32>
    %convert_element_type3A_2556 = arith.truncf %slice3A_2555 : vector<16x200xf32> to vector<16x200xbf16>
    %convert_element_type3A_2557 = arith.extf %convert_element_type3A_2556 : vector<16x200xbf16> to vector<16x200xf32>
    %get3A_2558 = arith.constant 0 : index
    %get3A_2559 = arith.constant 53 : index
    %get3A_2560 = memref.load %arg0[%get3A_2558, %get3A_2559] : memref<3x64xf32, #tpu.memory_space<smem>>
    %convert_element_type3A_2561 = arith.truncf %get3A_2560 : f32 to bf16
    %convert_element_type3A_2562 = arith.extf %convert_element_type3A_2561 : bf16 to f32
    %mul3A_2563 = vector.broadcast %convert_element_type3A_2562 : f32 to vector<16x200xf32>
    %mul3A_2564 = arith.mulf %convert_element_type3A_2557, %mul3A_2563 : vector<16x200xf32>
    %slice3A_2565 = vector.extract_strided_slice %concatenate3A {offsets = [0, 1], sizes = [16, 200], strides = [1, 1]} : vector<16x202xf32> to vector<16x200xf32>
    %convert_element_type3A_2566 = arith.truncf %slice3A_2565 : vector<16x200xf32> to vector<16x200xbf16>
    %convert_element_type3A_2567 = arith.extf %convert_element_type3A_2566 : vector<16x200xbf16> to vector<16x200xf32>
    %get3A_2568 = arith.constant 1 : index
    %get3A_2569 = arith.constant 53 : index
    %get3A_2570 = memref.load %arg0[%get3A_2568, %get3A_2569] : memref<3x64xf32, #tpu.memory_space<smem>>
    %convert_element_type3A_2571 = arith.truncf %get3A_2570 : f32 to bf16
    %convert_element_type3A_2572 = arith.extf %convert_element_type3A_2571 : bf16 to f32
    %mul3A_2573 = vector.broadcast %convert_element_type3A_2572 : f32 to vector<16x200xf32>
    %mul3A_2574 = arith.mulf %convert_element_type3A_2567, %mul3A_2573 : vector<16x200xf32>
    %add3A_2575 = arith.addf %mul3A_2564, %mul3A_2574 : vector<16x200xf32>
    %slice3A_2576 = vector.extract_strided_slice %concatenate3A {offsets = [0, 2], sizes = [16, 200], strides = [1, 1]} : vector<16x202xf32> to vector<16x200xf32>
    %convert_element_type3A_2577 = arith.truncf %slice3A_2576 : vector<16x200xf32> to vector<16x200xbf16>
    %convert_element_type3A_2578 = arith.extf %convert_element_type3A_2577 : vector<16x200xbf16> to vector<16x200xf32>
    %get3A_2579 = arith.constant 2 : index
    %get3A_2580 = arith.constant 53 : index
    %get3A_2581 = memref.load %arg0[%get3A_2579, %get3A_2580] : memref<3x64xf32, #tpu.memory_space<smem>>
    %convert_element_type3A_2582 = arith.truncf %get3A_2581 : f32 to bf16
    %convert_element_type3A_2583 = arith.extf %convert_element_type3A_2582 : bf16 to f32
    %mul3A_2584 = vector.broadcast %convert_element_type3A_2583 : f32 to vector<16x200xf32>
    %mul3A_2585 = arith.mulf %convert_element_type3A_2578, %mul3A_2584 : vector<16x200xf32>
    %add3A_2586 = arith.addf %add3A_2575, %mul3A_2585 : vector<16x200xf32>
    %get3A_2587 = arith.constant 0 : index
    %get3A_2588 = arith.constant 53 : index
    %get3A_2589 = memref.load %arg1[%get3A_2587, %get3A_2588] : memref<1x64xf32, #tpu.memory_space<smem>>
    %add3A_2590 = vector.broadcast %get3A_2589 : f32 to vector<16x200xf32>
    %add3A_2591 = arith.addf %add3A_2586, %add3A_2590 : vector<16x200xf32>
    %max3A_2592 = arith.constant 0.000000e+00 : f32
    %max3A_2593 = vector.broadcast %max3A_2592 : f32 to vector<16x200xf32>
    %max3A_2594 = arith.maximumf %add3A_2591, %max3A_2593 : vector<16x200xf32>
    %get3A_2595 = arith.constant 53 : index
    %get3A_2596 = arith.constant 0 : index
    %get3A_2597 = arith.constant 0 : index
    %get3A_2598 = vector.load %arg5[%get3A_2595, %get3A_2596, %get3A_2597] : memref<64x200x512xf32, #tpu.memory_space<vmem>>, vector<1x200x512xf32>
    %get3A_2599 = vector.shape_cast %get3A_2598 : vector<1x200x512xf32> to vector<200x512xf32>
    %dot_general3A_2600 = arith.constant dense<0.000000e+00> : vector<16x512xf32>
    %dot_general3A_2601 = tpu.matmul %max3A_2594, %get3A_2599, %dot_general3A_2600 {dimension_numbers = #tpu.dot_dimension_numbers<[1], [0], [0], [1], [0, 0, 1, 1], [], []>, transpose_lhs_hint = false} : vector<16x200xf32>, vector<200x512xf32>, vector<16x512xf32> -> vector<16x512xf32>
    %add3A_2602 = arith.addf %add3A_2554, %dot_general3A_2601 : vector<16x512xf32>
    %slice3A_2603 = vector.extract_strided_slice %concatenate3A {offsets = [0, 0], sizes = [16, 200], strides = [1, 1]} : vector<16x202xf32> to vector<16x200xf32>
    %convert_element_type3A_2604 = arith.truncf %slice3A_2603 : vector<16x200xf32> to vector<16x200xbf16>
    %convert_element_type3A_2605 = arith.extf %convert_element_type3A_2604 : vector<16x200xbf16> to vector<16x200xf32>
    %get3A_2606 = arith.constant 0 : index
    %get3A_2607 = arith.constant 54 : index
    %get3A_2608 = memref.load %arg0[%get3A_2606, %get3A_2607] : memref<3x64xf32, #tpu.memory_space<smem>>
    %convert_element_type3A_2609 = arith.truncf %get3A_2608 : f32 to bf16
    %convert_element_type3A_2610 = arith.extf %convert_element_type3A_2609 : bf16 to f32
    %mul3A_2611 = vector.broadcast %convert_element_type3A_2610 : f32 to vector<16x200xf32>
    %mul3A_2612 = arith.mulf %convert_element_type3A_2605, %mul3A_2611 : vector<16x200xf32>
    %slice3A_2613 = vector.extract_strided_slice %concatenate3A {offsets = [0, 1], sizes = [16, 200], strides = [1, 1]} : vector<16x202xf32> to vector<16x200xf32>
    %convert_element_type3A_2614 = arith.truncf %slice3A_2613 : vector<16x200xf32> to vector<16x200xbf16>
    %convert_element_type3A_2615 = arith.extf %convert_element_type3A_2614 : vector<16x200xbf16> to vector<16x200xf32>
    %get3A_2616 = arith.constant 1 : index
    %get3A_2617 = arith.constant 54 : index
    %get3A_2618 = memref.load %arg0[%get3A_2616, %get3A_2617] : memref<3x64xf32, #tpu.memory_space<smem>>
    %convert_element_type3A_2619 = arith.truncf %get3A_2618 : f32 to bf16
    %convert_element_type3A_2620 = arith.extf %convert_element_type3A_2619 : bf16 to f32
    %mul3A_2621 = vector.broadcast %convert_element_type3A_2620 : f32 to vector<16x200xf32>
    %mul3A_2622 = arith.mulf %convert_element_type3A_2615, %mul3A_2621 : vector<16x200xf32>
    %add3A_2623 = arith.addf %mul3A_2612, %mul3A_2622 : vector<16x200xf32>
    %slice3A_2624 = vector.extract_strided_slice %concatenate3A {offsets = [0, 2], sizes = [16, 200], strides = [1, 1]} : vector<16x202xf32> to vector<16x200xf32>
    %convert_element_type3A_2625 = arith.truncf %slice3A_2624 : vector<16x200xf32> to vector<16x200xbf16>
    %convert_element_type3A_2626 = arith.extf %convert_element_type3A_2625 : vector<16x200xbf16> to vector<16x200xf32>
    %get3A_2627 = arith.constant 2 : index
    %get3A_2628 = arith.constant 54 : index
    %get3A_2629 = memref.load %arg0[%get3A_2627, %get3A_2628] : memref<3x64xf32, #tpu.memory_space<smem>>
    %convert_element_type3A_2630 = arith.truncf %get3A_2629 : f32 to bf16
    %convert_element_type3A_2631 = arith.extf %convert_element_type3A_2630 : bf16 to f32
    %mul3A_2632 = vector.broadcast %convert_element_type3A_2631 : f32 to vector<16x200xf32>
    %mul3A_2633 = arith.mulf %convert_element_type3A_2626, %mul3A_2632 : vector<16x200xf32>
    %add3A_2634 = arith.addf %add3A_2623, %mul3A_2633 : vector<16x200xf32>
    %get3A_2635 = arith.constant 0 : index
    %get3A_2636 = arith.constant 54 : index
    %get3A_2637 = memref.load %arg1[%get3A_2635, %get3A_2636] : memref<1x64xf32, #tpu.memory_space<smem>>
    %add3A_2638 = vector.broadcast %get3A_2637 : f32 to vector<16x200xf32>
    %add3A_2639 = arith.addf %add3A_2634, %add3A_2638 : vector<16x200xf32>
    %max3A_2640 = arith.constant 0.000000e+00 : f32
    %max3A_2641 = vector.broadcast %max3A_2640 : f32 to vector<16x200xf32>
    %max3A_2642 = arith.maximumf %add3A_2639, %max3A_2641 : vector<16x200xf32>
    %get3A_2643 = arith.constant 54 : index
    %get3A_2644 = arith.constant 0 : index
    %get3A_2645 = arith.constant 0 : index
    %get3A_2646 = vector.load %arg5[%get3A_2643, %get3A_2644, %get3A_2645] : memref<64x200x512xf32, #tpu.memory_space<vmem>>, vector<1x200x512xf32>
    %get3A_2647 = vector.shape_cast %get3A_2646 : vector<1x200x512xf32> to vector<200x512xf32>
    %dot_general3A_2648 = arith.constant dense<0.000000e+00> : vector<16x512xf32>
    %dot_general3A_2649 = tpu.matmul %max3A_2642, %get3A_2647, %dot_general3A_2648 {dimension_numbers = #tpu.dot_dimension_numbers<[1], [0], [0], [1], [0, 0, 1, 1], [], []>, transpose_lhs_hint = false} : vector<16x200xf32>, vector<200x512xf32>, vector<16x512xf32> -> vector<16x512xf32>
    %add3A_2650 = arith.addf %add3A_2602, %dot_general3A_2649 : vector<16x512xf32>
    %slice3A_2651 = vector.extract_strided_slice %concatenate3A {offsets = [0, 0], sizes = [16, 200], strides = [1, 1]} : vector<16x202xf32> to vector<16x200xf32>
    %convert_element_type3A_2652 = arith.truncf %slice3A_2651 : vector<16x200xf32> to vector<16x200xbf16>
    %convert_element_type3A_2653 = arith.extf %convert_element_type3A_2652 : vector<16x200xbf16> to vector<16x200xf32>
    %get3A_2654 = arith.constant 0 : index
    %get3A_2655 = arith.constant 55 : index
    %get3A_2656 = memref.load %arg0[%get3A_2654, %get3A_2655] : memref<3x64xf32, #tpu.memory_space<smem>>
    %convert_element_type3A_2657 = arith.truncf %get3A_2656 : f32 to bf16
    %convert_element_type3A_2658 = arith.extf %convert_element_type3A_2657 : bf16 to f32
    %mul3A_2659 = vector.broadcast %convert_element_type3A_2658 : f32 to vector<16x200xf32>
    %mul3A_2660 = arith.mulf %convert_element_type3A_2653, %mul3A_2659 : vector<16x200xf32>
    %slice3A_2661 = vector.extract_strided_slice %concatenate3A {offsets = [0, 1], sizes = [16, 200], strides = [1, 1]} : vector<16x202xf32> to vector<16x200xf32>
    %convert_element_type3A_2662 = arith.truncf %slice3A_2661 : vector<16x200xf32> to vector<16x200xbf16>
    %convert_element_type3A_2663 = arith.extf %convert_element_type3A_2662 : vector<16x200xbf16> to vector<16x200xf32>
    %get3A_2664 = arith.constant 1 : index
    %get3A_2665 = arith.constant 55 : index
    %get3A_2666 = memref.load %arg0[%get3A_2664, %get3A_2665] : memref<3x64xf32, #tpu.memory_space<smem>>
    %convert_element_type3A_2667 = arith.truncf %get3A_2666 : f32 to bf16
    %convert_element_type3A_2668 = arith.extf %convert_element_type3A_2667 : bf16 to f32
    %mul3A_2669 = vector.broadcast %convert_element_type3A_2668 : f32 to vector<16x200xf32>
    %mul3A_2670 = arith.mulf %convert_element_type3A_2663, %mul3A_2669 : vector<16x200xf32>
    %add3A_2671 = arith.addf %mul3A_2660, %mul3A_2670 : vector<16x200xf32>
    %slice3A_2672 = vector.extract_strided_slice %concatenate3A {offsets = [0, 2], sizes = [16, 200], strides = [1, 1]} : vector<16x202xf32> to vector<16x200xf32>
    %convert_element_type3A_2673 = arith.truncf %slice3A_2672 : vector<16x200xf32> to vector<16x200xbf16>
    %convert_element_type3A_2674 = arith.extf %convert_element_type3A_2673 : vector<16x200xbf16> to vector<16x200xf32>
    %get3A_2675 = arith.constant 2 : index
    %get3A_2676 = arith.constant 55 : index
    %get3A_2677 = memref.load %arg0[%get3A_2675, %get3A_2676] : memref<3x64xf32, #tpu.memory_space<smem>>
    %convert_element_type3A_2678 = arith.truncf %get3A_2677 : f32 to bf16
    %convert_element_type3A_2679 = arith.extf %convert_element_type3A_2678 : bf16 to f32
    %mul3A_2680 = vector.broadcast %convert_element_type3A_2679 : f32 to vector<16x200xf32>
    %mul3A_2681 = arith.mulf %convert_element_type3A_2674, %mul3A_2680 : vector<16x200xf32>
    %add3A_2682 = arith.addf %add3A_2671, %mul3A_2681 : vector<16x200xf32>
    %get3A_2683 = arith.constant 0 : index
    %get3A_2684 = arith.constant 55 : index
    %get3A_2685 = memref.load %arg1[%get3A_2683, %get3A_2684] : memref<1x64xf32, #tpu.memory_space<smem>>
    %add3A_2686 = vector.broadcast %get3A_2685 : f32 to vector<16x200xf32>
    %add3A_2687 = arith.addf %add3A_2682, %add3A_2686 : vector<16x200xf32>
    %max3A_2688 = arith.constant 0.000000e+00 : f32
    %max3A_2689 = vector.broadcast %max3A_2688 : f32 to vector<16x200xf32>
    %max3A_2690 = arith.maximumf %add3A_2687, %max3A_2689 : vector<16x200xf32>
    %get3A_2691 = arith.constant 55 : index
    %get3A_2692 = arith.constant 0 : index
    %get3A_2693 = arith.constant 0 : index
    %get3A_2694 = vector.load %arg5[%get3A_2691, %get3A_2692, %get3A_2693] : memref<64x200x512xf32, #tpu.memory_space<vmem>>, vector<1x200x512xf32>
    %get3A_2695 = vector.shape_cast %get3A_2694 : vector<1x200x512xf32> to vector<200x512xf32>
    %dot_general3A_2696 = arith.constant dense<0.000000e+00> : vector<16x512xf32>
    %dot_general3A_2697 = tpu.matmul %max3A_2690, %get3A_2695, %dot_general3A_2696 {dimension_numbers = #tpu.dot_dimension_numbers<[1], [0], [0], [1], [0, 0, 1, 1], [], []>, transpose_lhs_hint = false} : vector<16x200xf32>, vector<200x512xf32>, vector<16x512xf32> -> vector<16x512xf32>
    %add3A_2698 = arith.addf %add3A_2650, %dot_general3A_2697 : vector<16x512xf32>
    %slice3A_2699 = vector.extract_strided_slice %concatenate3A {offsets = [0, 0], sizes = [16, 200], strides = [1, 1]} : vector<16x202xf32> to vector<16x200xf32>
    %convert_element_type3A_2700 = arith.truncf %slice3A_2699 : vector<16x200xf32> to vector<16x200xbf16>
    %convert_element_type3A_2701 = arith.extf %convert_element_type3A_2700 : vector<16x200xbf16> to vector<16x200xf32>
    %get3A_2702 = arith.constant 0 : index
    %get3A_2703 = arith.constant 56 : index
    %get3A_2704 = memref.load %arg0[%get3A_2702, %get3A_2703] : memref<3x64xf32, #tpu.memory_space<smem>>
    %convert_element_type3A_2705 = arith.truncf %get3A_2704 : f32 to bf16
    %convert_element_type3A_2706 = arith.extf %convert_element_type3A_2705 : bf16 to f32
    %mul3A_2707 = vector.broadcast %convert_element_type3A_2706 : f32 to vector<16x200xf32>
    %mul3A_2708 = arith.mulf %convert_element_type3A_2701, %mul3A_2707 : vector<16x200xf32>
    %slice3A_2709 = vector.extract_strided_slice %concatenate3A {offsets = [0, 1], sizes = [16, 200], strides = [1, 1]} : vector<16x202xf32> to vector<16x200xf32>
    %convert_element_type3A_2710 = arith.truncf %slice3A_2709 : vector<16x200xf32> to vector<16x200xbf16>
    %convert_element_type3A_2711 = arith.extf %convert_element_type3A_2710 : vector<16x200xbf16> to vector<16x200xf32>
    %get3A_2712 = arith.constant 1 : index
    %get3A_2713 = arith.constant 56 : index
    %get3A_2714 = memref.load %arg0[%get3A_2712, %get3A_2713] : memref<3x64xf32, #tpu.memory_space<smem>>
    %convert_element_type3A_2715 = arith.truncf %get3A_2714 : f32 to bf16
    %convert_element_type3A_2716 = arith.extf %convert_element_type3A_2715 : bf16 to f32
    %mul3A_2717 = vector.broadcast %convert_element_type3A_2716 : f32 to vector<16x200xf32>
    %mul3A_2718 = arith.mulf %convert_element_type3A_2711, %mul3A_2717 : vector<16x200xf32>
    %add3A_2719 = arith.addf %mul3A_2708, %mul3A_2718 : vector<16x200xf32>
    %slice3A_2720 = vector.extract_strided_slice %concatenate3A {offsets = [0, 2], sizes = [16, 200], strides = [1, 1]} : vector<16x202xf32> to vector<16x200xf32>
    %convert_element_type3A_2721 = arith.truncf %slice3A_2720 : vector<16x200xf32> to vector<16x200xbf16>
    %convert_element_type3A_2722 = arith.extf %convert_element_type3A_2721 : vector<16x200xbf16> to vector<16x200xf32>
    %get3A_2723 = arith.constant 2 : index
    %get3A_2724 = arith.constant 56 : index
    %get3A_2725 = memref.load %arg0[%get3A_2723, %get3A_2724] : memref<3x64xf32, #tpu.memory_space<smem>>
    %convert_element_type3A_2726 = arith.truncf %get3A_2725 : f32 to bf16
    %convert_element_type3A_2727 = arith.extf %convert_element_type3A_2726 : bf16 to f32
    %mul3A_2728 = vector.broadcast %convert_element_type3A_2727 : f32 to vector<16x200xf32>
    %mul3A_2729 = arith.mulf %convert_element_type3A_2722, %mul3A_2728 : vector<16x200xf32>
    %add3A_2730 = arith.addf %add3A_2719, %mul3A_2729 : vector<16x200xf32>
    %get3A_2731 = arith.constant 0 : index
    %get3A_2732 = arith.constant 56 : index
    %get3A_2733 = memref.load %arg1[%get3A_2731, %get3A_2732] : memref<1x64xf32, #tpu.memory_space<smem>>
    %add3A_2734 = vector.broadcast %get3A_2733 : f32 to vector<16x200xf32>
    %add3A_2735 = arith.addf %add3A_2730, %add3A_2734 : vector<16x200xf32>
    %max3A_2736 = arith.constant 0.000000e+00 : f32
    %max3A_2737 = vector.broadcast %max3A_2736 : f32 to vector<16x200xf32>
    %max3A_2738 = arith.maximumf %add3A_2735, %max3A_2737 : vector<16x200xf32>
    %get3A_2739 = arith.constant 56 : index
    %get3A_2740 = arith.constant 0 : index
    %get3A_2741 = arith.constant 0 : index
    %get3A_2742 = vector.load %arg5[%get3A_2739, %get3A_2740, %get3A_2741] : memref<64x200x512xf32, #tpu.memory_space<vmem>>, vector<1x200x512xf32>
    %get3A_2743 = vector.shape_cast %get3A_2742 : vector<1x200x512xf32> to vector<200x512xf32>
    %dot_general3A_2744 = arith.constant dense<0.000000e+00> : vector<16x512xf32>
    %dot_general3A_2745 = tpu.matmul %max3A_2738, %get3A_2743, %dot_general3A_2744 {dimension_numbers = #tpu.dot_dimension_numbers<[1], [0], [0], [1], [0, 0, 1, 1], [], []>, transpose_lhs_hint = false} : vector<16x200xf32>, vector<200x512xf32>, vector<16x512xf32> -> vector<16x512xf32>
    %add3A_2746 = arith.addf %add3A_2698, %dot_general3A_2745 : vector<16x512xf32>
    %slice3A_2747 = vector.extract_strided_slice %concatenate3A {offsets = [0, 0], sizes = [16, 200], strides = [1, 1]} : vector<16x202xf32> to vector<16x200xf32>
    %convert_element_type3A_2748 = arith.truncf %slice3A_2747 : vector<16x200xf32> to vector<16x200xbf16>
    %convert_element_type3A_2749 = arith.extf %convert_element_type3A_2748 : vector<16x200xbf16> to vector<16x200xf32>
    %get3A_2750 = arith.constant 0 : index
    %get3A_2751 = arith.constant 57 : index
    %get3A_2752 = memref.load %arg0[%get3A_2750, %get3A_2751] : memref<3x64xf32, #tpu.memory_space<smem>>
    %convert_element_type3A_2753 = arith.truncf %get3A_2752 : f32 to bf16
    %convert_element_type3A_2754 = arith.extf %convert_element_type3A_2753 : bf16 to f32
    %mul3A_2755 = vector.broadcast %convert_element_type3A_2754 : f32 to vector<16x200xf32>
    %mul3A_2756 = arith.mulf %convert_element_type3A_2749, %mul3A_2755 : vector<16x200xf32>
    %slice3A_2757 = vector.extract_strided_slice %concatenate3A {offsets = [0, 1], sizes = [16, 200], strides = [1, 1]} : vector<16x202xf32> to vector<16x200xf32>
    %convert_element_type3A_2758 = arith.truncf %slice3A_2757 : vector<16x200xf32> to vector<16x200xbf16>
    %convert_element_type3A_2759 = arith.extf %convert_element_type3A_2758 : vector<16x200xbf16> to vector<16x200xf32>
    %get3A_2760 = arith.constant 1 : index
    %get3A_2761 = arith.constant 57 : index
    %get3A_2762 = memref.load %arg0[%get3A_2760, %get3A_2761] : memref<3x64xf32, #tpu.memory_space<smem>>
    %convert_element_type3A_2763 = arith.truncf %get3A_2762 : f32 to bf16
    %convert_element_type3A_2764 = arith.extf %convert_element_type3A_2763 : bf16 to f32
    %mul3A_2765 = vector.broadcast %convert_element_type3A_2764 : f32 to vector<16x200xf32>
    %mul3A_2766 = arith.mulf %convert_element_type3A_2759, %mul3A_2765 : vector<16x200xf32>
    %add3A_2767 = arith.addf %mul3A_2756, %mul3A_2766 : vector<16x200xf32>
    %slice3A_2768 = vector.extract_strided_slice %concatenate3A {offsets = [0, 2], sizes = [16, 200], strides = [1, 1]} : vector<16x202xf32> to vector<16x200xf32>
    %convert_element_type3A_2769 = arith.truncf %slice3A_2768 : vector<16x200xf32> to vector<16x200xbf16>
    %convert_element_type3A_2770 = arith.extf %convert_element_type3A_2769 : vector<16x200xbf16> to vector<16x200xf32>
    %get3A_2771 = arith.constant 2 : index
    %get3A_2772 = arith.constant 57 : index
    %get3A_2773 = memref.load %arg0[%get3A_2771, %get3A_2772] : memref<3x64xf32, #tpu.memory_space<smem>>
    %convert_element_type3A_2774 = arith.truncf %get3A_2773 : f32 to bf16
    %convert_element_type3A_2775 = arith.extf %convert_element_type3A_2774 : bf16 to f32
    %mul3A_2776 = vector.broadcast %convert_element_type3A_2775 : f32 to vector<16x200xf32>
    %mul3A_2777 = arith.mulf %convert_element_type3A_2770, %mul3A_2776 : vector<16x200xf32>
    %add3A_2778 = arith.addf %add3A_2767, %mul3A_2777 : vector<16x200xf32>
    %get3A_2779 = arith.constant 0 : index
    %get3A_2780 = arith.constant 57 : index
    %get3A_2781 = memref.load %arg1[%get3A_2779, %get3A_2780] : memref<1x64xf32, #tpu.memory_space<smem>>
    %add3A_2782 = vector.broadcast %get3A_2781 : f32 to vector<16x200xf32>
    %add3A_2783 = arith.addf %add3A_2778, %add3A_2782 : vector<16x200xf32>
    %max3A_2784 = arith.constant 0.000000e+00 : f32
    %max3A_2785 = vector.broadcast %max3A_2784 : f32 to vector<16x200xf32>
    %max3A_2786 = arith.maximumf %add3A_2783, %max3A_2785 : vector<16x200xf32>
    %get3A_2787 = arith.constant 57 : index
    %get3A_2788 = arith.constant 0 : index
    %get3A_2789 = arith.constant 0 : index
    %get3A_2790 = vector.load %arg5[%get3A_2787, %get3A_2788, %get3A_2789] : memref<64x200x512xf32, #tpu.memory_space<vmem>>, vector<1x200x512xf32>
    %get3A_2791 = vector.shape_cast %get3A_2790 : vector<1x200x512xf32> to vector<200x512xf32>
    %dot_general3A_2792 = arith.constant dense<0.000000e+00> : vector<16x512xf32>
    %dot_general3A_2793 = tpu.matmul %max3A_2786, %get3A_2791, %dot_general3A_2792 {dimension_numbers = #tpu.dot_dimension_numbers<[1], [0], [0], [1], [0, 0, 1, 1], [], []>, transpose_lhs_hint = false} : vector<16x200xf32>, vector<200x512xf32>, vector<16x512xf32> -> vector<16x512xf32>
    %add3A_2794 = arith.addf %add3A_2746, %dot_general3A_2793 : vector<16x512xf32>
    %slice3A_2795 = vector.extract_strided_slice %concatenate3A {offsets = [0, 0], sizes = [16, 200], strides = [1, 1]} : vector<16x202xf32> to vector<16x200xf32>
    %convert_element_type3A_2796 = arith.truncf %slice3A_2795 : vector<16x200xf32> to vector<16x200xbf16>
    %convert_element_type3A_2797 = arith.extf %convert_element_type3A_2796 : vector<16x200xbf16> to vector<16x200xf32>
    %get3A_2798 = arith.constant 0 : index
    %get3A_2799 = arith.constant 58 : index
    %get3A_2800 = memref.load %arg0[%get3A_2798, %get3A_2799] : memref<3x64xf32, #tpu.memory_space<smem>>
    %convert_element_type3A_2801 = arith.truncf %get3A_2800 : f32 to bf16
    %convert_element_type3A_2802 = arith.extf %convert_element_type3A_2801 : bf16 to f32
    %mul3A_2803 = vector.broadcast %convert_element_type3A_2802 : f32 to vector<16x200xf32>
    %mul3A_2804 = arith.mulf %convert_element_type3A_2797, %mul3A_2803 : vector<16x200xf32>
    %slice3A_2805 = vector.extract_strided_slice %concatenate3A {offsets = [0, 1], sizes = [16, 200], strides = [1, 1]} : vector<16x202xf32> to vector<16x200xf32>
    %convert_element_type3A_2806 = arith.truncf %slice3A_2805 : vector<16x200xf32> to vector<16x200xbf16>
    %convert_element_type3A_2807 = arith.extf %convert_element_type3A_2806 : vector<16x200xbf16> to vector<16x200xf32>
    %get3A_2808 = arith.constant 1 : index
    %get3A_2809 = arith.constant 58 : index
    %get3A_2810 = memref.load %arg0[%get3A_2808, %get3A_2809] : memref<3x64xf32, #tpu.memory_space<smem>>
    %convert_element_type3A_2811 = arith.truncf %get3A_2810 : f32 to bf16
    %convert_element_type3A_2812 = arith.extf %convert_element_type3A_2811 : bf16 to f32
    %mul3A_2813 = vector.broadcast %convert_element_type3A_2812 : f32 to vector<16x200xf32>
    %mul3A_2814 = arith.mulf %convert_element_type3A_2807, %mul3A_2813 : vector<16x200xf32>
    %add3A_2815 = arith.addf %mul3A_2804, %mul3A_2814 : vector<16x200xf32>
    %slice3A_2816 = vector.extract_strided_slice %concatenate3A {offsets = [0, 2], sizes = [16, 200], strides = [1, 1]} : vector<16x202xf32> to vector<16x200xf32>
    %convert_element_type3A_2817 = arith.truncf %slice3A_2816 : vector<16x200xf32> to vector<16x200xbf16>
    %convert_element_type3A_2818 = arith.extf %convert_element_type3A_2817 : vector<16x200xbf16> to vector<16x200xf32>
    %get3A_2819 = arith.constant 2 : index
    %get3A_2820 = arith.constant 58 : index
    %get3A_2821 = memref.load %arg0[%get3A_2819, %get3A_2820] : memref<3x64xf32, #tpu.memory_space<smem>>
    %convert_element_type3A_2822 = arith.truncf %get3A_2821 : f32 to bf16
    %convert_element_type3A_2823 = arith.extf %convert_element_type3A_2822 : bf16 to f32
    %mul3A_2824 = vector.broadcast %convert_element_type3A_2823 : f32 to vector<16x200xf32>
    %mul3A_2825 = arith.mulf %convert_element_type3A_2818, %mul3A_2824 : vector<16x200xf32>
    %add3A_2826 = arith.addf %add3A_2815, %mul3A_2825 : vector<16x200xf32>
    %get3A_2827 = arith.constant 0 : index
    %get3A_2828 = arith.constant 58 : index
    %get3A_2829 = memref.load %arg1[%get3A_2827, %get3A_2828] : memref<1x64xf32, #tpu.memory_space<smem>>
    %add3A_2830 = vector.broadcast %get3A_2829 : f32 to vector<16x200xf32>
    %add3A_2831 = arith.addf %add3A_2826, %add3A_2830 : vector<16x200xf32>
    %max3A_2832 = arith.constant 0.000000e+00 : f32
    %max3A_2833 = vector.broadcast %max3A_2832 : f32 to vector<16x200xf32>
    %max3A_2834 = arith.maximumf %add3A_2831, %max3A_2833 : vector<16x200xf32>
    %get3A_2835 = arith.constant 58 : index
    %get3A_2836 = arith.constant 0 : index
    %get3A_2837 = arith.constant 0 : index
    %get3A_2838 = vector.load %arg5[%get3A_2835, %get3A_2836, %get3A_2837] : memref<64x200x512xf32, #tpu.memory_space<vmem>>, vector<1x200x512xf32>
    %get3A_2839 = vector.shape_cast %get3A_2838 : vector<1x200x512xf32> to vector<200x512xf32>
    %dot_general3A_2840 = arith.constant dense<0.000000e+00> : vector<16x512xf32>
    %dot_general3A_2841 = tpu.matmul %max3A_2834, %get3A_2839, %dot_general3A_2840 {dimension_numbers = #tpu.dot_dimension_numbers<[1], [0], [0], [1], [0, 0, 1, 1], [], []>, transpose_lhs_hint = false} : vector<16x200xf32>, vector<200x512xf32>, vector<16x512xf32> -> vector<16x512xf32>
    %add3A_2842 = arith.addf %add3A_2794, %dot_general3A_2841 : vector<16x512xf32>
    %slice3A_2843 = vector.extract_strided_slice %concatenate3A {offsets = [0, 0], sizes = [16, 200], strides = [1, 1]} : vector<16x202xf32> to vector<16x200xf32>
    %convert_element_type3A_2844 = arith.truncf %slice3A_2843 : vector<16x200xf32> to vector<16x200xbf16>
    %convert_element_type3A_2845 = arith.extf %convert_element_type3A_2844 : vector<16x200xbf16> to vector<16x200xf32>
    %get3A_2846 = arith.constant 0 : index
    %get3A_2847 = arith.constant 59 : index
    %get3A_2848 = memref.load %arg0[%get3A_2846, %get3A_2847] : memref<3x64xf32, #tpu.memory_space<smem>>
    %convert_element_type3A_2849 = arith.truncf %get3A_2848 : f32 to bf16
    %convert_element_type3A_2850 = arith.extf %convert_element_type3A_2849 : bf16 to f32
    %mul3A_2851 = vector.broadcast %convert_element_type3A_2850 : f32 to vector<16x200xf32>
    %mul3A_2852 = arith.mulf %convert_element_type3A_2845, %mul3A_2851 : vector<16x200xf32>
    %slice3A_2853 = vector.extract_strided_slice %concatenate3A {offsets = [0, 1], sizes = [16, 200], strides = [1, 1]} : vector<16x202xf32> to vector<16x200xf32>
    %convert_element_type3A_2854 = arith.truncf %slice3A_2853 : vector<16x200xf32> to vector<16x200xbf16>
    %convert_element_type3A_2855 = arith.extf %convert_element_type3A_2854 : vector<16x200xbf16> to vector<16x200xf32>
    %get3A_2856 = arith.constant 1 : index
    %get3A_2857 = arith.constant 59 : index
    %get3A_2858 = memref.load %arg0[%get3A_2856, %get3A_2857] : memref<3x64xf32, #tpu.memory_space<smem>>
    %convert_element_type3A_2859 = arith.truncf %get3A_2858 : f32 to bf16
    %convert_element_type3A_2860 = arith.extf %convert_element_type3A_2859 : bf16 to f32
    %mul3A_2861 = vector.broadcast %convert_element_type3A_2860 : f32 to vector<16x200xf32>
    %mul3A_2862 = arith.mulf %convert_element_type3A_2855, %mul3A_2861 : vector<16x200xf32>
    %add3A_2863 = arith.addf %mul3A_2852, %mul3A_2862 : vector<16x200xf32>
    %slice3A_2864 = vector.extract_strided_slice %concatenate3A {offsets = [0, 2], sizes = [16, 200], strides = [1, 1]} : vector<16x202xf32> to vector<16x200xf32>
    %convert_element_type3A_2865 = arith.truncf %slice3A_2864 : vector<16x200xf32> to vector<16x200xbf16>
    %convert_element_type3A_2866 = arith.extf %convert_element_type3A_2865 : vector<16x200xbf16> to vector<16x200xf32>
    %get3A_2867 = arith.constant 2 : index
    %get3A_2868 = arith.constant 59 : index
    %get3A_2869 = memref.load %arg0[%get3A_2867, %get3A_2868] : memref<3x64xf32, #tpu.memory_space<smem>>
    %convert_element_type3A_2870 = arith.truncf %get3A_2869 : f32 to bf16
    %convert_element_type3A_2871 = arith.extf %convert_element_type3A_2870 : bf16 to f32
    %mul3A_2872 = vector.broadcast %convert_element_type3A_2871 : f32 to vector<16x200xf32>
    %mul3A_2873 = arith.mulf %convert_element_type3A_2866, %mul3A_2872 : vector<16x200xf32>
    %add3A_2874 = arith.addf %add3A_2863, %mul3A_2873 : vector<16x200xf32>
    %get3A_2875 = arith.constant 0 : index
    %get3A_2876 = arith.constant 59 : index
    %get3A_2877 = memref.load %arg1[%get3A_2875, %get3A_2876] : memref<1x64xf32, #tpu.memory_space<smem>>
    %add3A_2878 = vector.broadcast %get3A_2877 : f32 to vector<16x200xf32>
    %add3A_2879 = arith.addf %add3A_2874, %add3A_2878 : vector<16x200xf32>
    %max3A_2880 = arith.constant 0.000000e+00 : f32
    %max3A_2881 = vector.broadcast %max3A_2880 : f32 to vector<16x200xf32>
    %max3A_2882 = arith.maximumf %add3A_2879, %max3A_2881 : vector<16x200xf32>
    %get3A_2883 = arith.constant 59 : index
    %get3A_2884 = arith.constant 0 : index
    %get3A_2885 = arith.constant 0 : index
    %get3A_2886 = vector.load %arg5[%get3A_2883, %get3A_2884, %get3A_2885] : memref<64x200x512xf32, #tpu.memory_space<vmem>>, vector<1x200x512xf32>
    %get3A_2887 = vector.shape_cast %get3A_2886 : vector<1x200x512xf32> to vector<200x512xf32>
    %dot_general3A_2888 = arith.constant dense<0.000000e+00> : vector<16x512xf32>
    %dot_general3A_2889 = tpu.matmul %max3A_2882, %get3A_2887, %dot_general3A_2888 {dimension_numbers = #tpu.dot_dimension_numbers<[1], [0], [0], [1], [0, 0, 1, 1], [], []>, transpose_lhs_hint = false} : vector<16x200xf32>, vector<200x512xf32>, vector<16x512xf32> -> vector<16x512xf32>
    %add3A_2890 = arith.addf %add3A_2842, %dot_general3A_2889 : vector<16x512xf32>
    %slice3A_2891 = vector.extract_strided_slice %concatenate3A {offsets = [0, 0], sizes = [16, 200], strides = [1, 1]} : vector<16x202xf32> to vector<16x200xf32>
    %convert_element_type3A_2892 = arith.truncf %slice3A_2891 : vector<16x200xf32> to vector<16x200xbf16>
    %convert_element_type3A_2893 = arith.extf %convert_element_type3A_2892 : vector<16x200xbf16> to vector<16x200xf32>
    %get3A_2894 = arith.constant 0 : index
    %get3A_2895 = arith.constant 60 : index
    %get3A_2896 = memref.load %arg0[%get3A_2894, %get3A_2895] : memref<3x64xf32, #tpu.memory_space<smem>>
    %convert_element_type3A_2897 = arith.truncf %get3A_2896 : f32 to bf16
    %convert_element_type3A_2898 = arith.extf %convert_element_type3A_2897 : bf16 to f32
    %mul3A_2899 = vector.broadcast %convert_element_type3A_2898 : f32 to vector<16x200xf32>
    %mul3A_2900 = arith.mulf %convert_element_type3A_2893, %mul3A_2899 : vector<16x200xf32>
    %slice3A_2901 = vector.extract_strided_slice %concatenate3A {offsets = [0, 1], sizes = [16, 200], strides = [1, 1]} : vector<16x202xf32> to vector<16x200xf32>
    %convert_element_type3A_2902 = arith.truncf %slice3A_2901 : vector<16x200xf32> to vector<16x200xbf16>
    %convert_element_type3A_2903 = arith.extf %convert_element_type3A_2902 : vector<16x200xbf16> to vector<16x200xf32>
    %get3A_2904 = arith.constant 1 : index
    %get3A_2905 = arith.constant 60 : index
    %get3A_2906 = memref.load %arg0[%get3A_2904, %get3A_2905] : memref<3x64xf32, #tpu.memory_space<smem>>
    %convert_element_type3A_2907 = arith.truncf %get3A_2906 : f32 to bf16
    %convert_element_type3A_2908 = arith.extf %convert_element_type3A_2907 : bf16 to f32
    %mul3A_2909 = vector.broadcast %convert_element_type3A_2908 : f32 to vector<16x200xf32>
    %mul3A_2910 = arith.mulf %convert_element_type3A_2903, %mul3A_2909 : vector<16x200xf32>
    %add3A_2911 = arith.addf %mul3A_2900, %mul3A_2910 : vector<16x200xf32>
    %slice3A_2912 = vector.extract_strided_slice %concatenate3A {offsets = [0, 2], sizes = [16, 200], strides = [1, 1]} : vector<16x202xf32> to vector<16x200xf32>
    %convert_element_type3A_2913 = arith.truncf %slice3A_2912 : vector<16x200xf32> to vector<16x200xbf16>
    %convert_element_type3A_2914 = arith.extf %convert_element_type3A_2913 : vector<16x200xbf16> to vector<16x200xf32>
    %get3A_2915 = arith.constant 2 : index
    %get3A_2916 = arith.constant 60 : index
    %get3A_2917 = memref.load %arg0[%get3A_2915, %get3A_2916] : memref<3x64xf32, #tpu.memory_space<smem>>
    %convert_element_type3A_2918 = arith.truncf %get3A_2917 : f32 to bf16
    %convert_element_type3A_2919 = arith.extf %convert_element_type3A_2918 : bf16 to f32
    %mul3A_2920 = vector.broadcast %convert_element_type3A_2919 : f32 to vector<16x200xf32>
    %mul3A_2921 = arith.mulf %convert_element_type3A_2914, %mul3A_2920 : vector<16x200xf32>
    %add3A_2922 = arith.addf %add3A_2911, %mul3A_2921 : vector<16x200xf32>
    %get3A_2923 = arith.constant 0 : index
    %get3A_2924 = arith.constant 60 : index
    %get3A_2925 = memref.load %arg1[%get3A_2923, %get3A_2924] : memref<1x64xf32, #tpu.memory_space<smem>>
    %add3A_2926 = vector.broadcast %get3A_2925 : f32 to vector<16x200xf32>
    %add3A_2927 = arith.addf %add3A_2922, %add3A_2926 : vector<16x200xf32>
    %max3A_2928 = arith.constant 0.000000e+00 : f32
    %max3A_2929 = vector.broadcast %max3A_2928 : f32 to vector<16x200xf32>
    %max3A_2930 = arith.maximumf %add3A_2927, %max3A_2929 : vector<16x200xf32>
    %get3A_2931 = arith.constant 60 : index
    %get3A_2932 = arith.constant 0 : index
    %get3A_2933 = arith.constant 0 : index
    %get3A_2934 = vector.load %arg5[%get3A_2931, %get3A_2932, %get3A_2933] : memref<64x200x512xf32, #tpu.memory_space<vmem>>, vector<1x200x512xf32>
    %get3A_2935 = vector.shape_cast %get3A_2934 : vector<1x200x512xf32> to vector<200x512xf32>
    %dot_general3A_2936 = arith.constant dense<0.000000e+00> : vector<16x512xf32>
    %dot_general3A_2937 = tpu.matmul %max3A_2930, %get3A_2935, %dot_general3A_2936 {dimension_numbers = #tpu.dot_dimension_numbers<[1], [0], [0], [1], [0, 0, 1, 1], [], []>, transpose_lhs_hint = false} : vector<16x200xf32>, vector<200x512xf32>, vector<16x512xf32> -> vector<16x512xf32>
    %add3A_2938 = arith.addf %add3A_2890, %dot_general3A_2937 : vector<16x512xf32>
    %slice3A_2939 = vector.extract_strided_slice %concatenate3A {offsets = [0, 0], sizes = [16, 200], strides = [1, 1]} : vector<16x202xf32> to vector<16x200xf32>
    %convert_element_type3A_2940 = arith.truncf %slice3A_2939 : vector<16x200xf32> to vector<16x200xbf16>
    %convert_element_type3A_2941 = arith.extf %convert_element_type3A_2940 : vector<16x200xbf16> to vector<16x200xf32>
    %get3A_2942 = arith.constant 0 : index
    %get3A_2943 = arith.constant 61 : index
    %get3A_2944 = memref.load %arg0[%get3A_2942, %get3A_2943] : memref<3x64xf32, #tpu.memory_space<smem>>
    %convert_element_type3A_2945 = arith.truncf %get3A_2944 : f32 to bf16
    %convert_element_type3A_2946 = arith.extf %convert_element_type3A_2945 : bf16 to f32
    %mul3A_2947 = vector.broadcast %convert_element_type3A_2946 : f32 to vector<16x200xf32>
    %mul3A_2948 = arith.mulf %convert_element_type3A_2941, %mul3A_2947 : vector<16x200xf32>
    %slice3A_2949 = vector.extract_strided_slice %concatenate3A {offsets = [0, 1], sizes = [16, 200], strides = [1, 1]} : vector<16x202xf32> to vector<16x200xf32>
    %convert_element_type3A_2950 = arith.truncf %slice3A_2949 : vector<16x200xf32> to vector<16x200xbf16>
    %convert_element_type3A_2951 = arith.extf %convert_element_type3A_2950 : vector<16x200xbf16> to vector<16x200xf32>
    %get3A_2952 = arith.constant 1 : index
    %get3A_2953 = arith.constant 61 : index
    %get3A_2954 = memref.load %arg0[%get3A_2952, %get3A_2953] : memref<3x64xf32, #tpu.memory_space<smem>>
    %convert_element_type3A_2955 = arith.truncf %get3A_2954 : f32 to bf16
    %convert_element_type3A_2956 = arith.extf %convert_element_type3A_2955 : bf16 to f32
    %mul3A_2957 = vector.broadcast %convert_element_type3A_2956 : f32 to vector<16x200xf32>
    %mul3A_2958 = arith.mulf %convert_element_type3A_2951, %mul3A_2957 : vector<16x200xf32>
    %add3A_2959 = arith.addf %mul3A_2948, %mul3A_2958 : vector<16x200xf32>
    %slice3A_2960 = vector.extract_strided_slice %concatenate3A {offsets = [0, 2], sizes = [16, 200], strides = [1, 1]} : vector<16x202xf32> to vector<16x200xf32>
    %convert_element_type3A_2961 = arith.truncf %slice3A_2960 : vector<16x200xf32> to vector<16x200xbf16>
    %convert_element_type3A_2962 = arith.extf %convert_element_type3A_2961 : vector<16x200xbf16> to vector<16x200xf32>
    %get3A_2963 = arith.constant 2 : index
    %get3A_2964 = arith.constant 61 : index
    %get3A_2965 = memref.load %arg0[%get3A_2963, %get3A_2964] : memref<3x64xf32, #tpu.memory_space<smem>>
    %convert_element_type3A_2966 = arith.truncf %get3A_2965 : f32 to bf16
    %convert_element_type3A_2967 = arith.extf %convert_element_type3A_2966 : bf16 to f32
    %mul3A_2968 = vector.broadcast %convert_element_type3A_2967 : f32 to vector<16x200xf32>
    %mul3A_2969 = arith.mulf %convert_element_type3A_2962, %mul3A_2968 : vector<16x200xf32>
    %add3A_2970 = arith.addf %add3A_2959, %mul3A_2969 : vector<16x200xf32>
    %get3A_2971 = arith.constant 0 : index
    %get3A_2972 = arith.constant 61 : index
    %get3A_2973 = memref.load %arg1[%get3A_2971, %get3A_2972] : memref<1x64xf32, #tpu.memory_space<smem>>
    %add3A_2974 = vector.broadcast %get3A_2973 : f32 to vector<16x200xf32>
    %add3A_2975 = arith.addf %add3A_2970, %add3A_2974 : vector<16x200xf32>
    %max3A_2976 = arith.constant 0.000000e+00 : f32
    %max3A_2977 = vector.broadcast %max3A_2976 : f32 to vector<16x200xf32>
    %max3A_2978 = arith.maximumf %add3A_2975, %max3A_2977 : vector<16x200xf32>
    %get3A_2979 = arith.constant 61 : index
    %get3A_2980 = arith.constant 0 : index
    %get3A_2981 = arith.constant 0 : index
    %get3A_2982 = vector.load %arg5[%get3A_2979, %get3A_2980, %get3A_2981] : memref<64x200x512xf32, #tpu.memory_space<vmem>>, vector<1x200x512xf32>
    %get3A_2983 = vector.shape_cast %get3A_2982 : vector<1x200x512xf32> to vector<200x512xf32>
    %dot_general3A_2984 = arith.constant dense<0.000000e+00> : vector<16x512xf32>
    %dot_general3A_2985 = tpu.matmul %max3A_2978, %get3A_2983, %dot_general3A_2984 {dimension_numbers = #tpu.dot_dimension_numbers<[1], [0], [0], [1], [0, 0, 1, 1], [], []>, transpose_lhs_hint = false} : vector<16x200xf32>, vector<200x512xf32>, vector<16x512xf32> -> vector<16x512xf32>
    %add3A_2986 = arith.addf %add3A_2938, %dot_general3A_2985 : vector<16x512xf32>
    %slice3A_2987 = vector.extract_strided_slice %concatenate3A {offsets = [0, 0], sizes = [16, 200], strides = [1, 1]} : vector<16x202xf32> to vector<16x200xf32>
    %convert_element_type3A_2988 = arith.truncf %slice3A_2987 : vector<16x200xf32> to vector<16x200xbf16>
    %convert_element_type3A_2989 = arith.extf %convert_element_type3A_2988 : vector<16x200xbf16> to vector<16x200xf32>
    %get3A_2990 = arith.constant 0 : index
    %get3A_2991 = arith.constant 62 : index
    %get3A_2992 = memref.load %arg0[%get3A_2990, %get3A_2991] : memref<3x64xf32, #tpu.memory_space<smem>>
    %convert_element_type3A_2993 = arith.truncf %get3A_2992 : f32 to bf16
    %convert_element_type3A_2994 = arith.extf %convert_element_type3A_2993 : bf16 to f32
    %mul3A_2995 = vector.broadcast %convert_element_type3A_2994 : f32 to vector<16x200xf32>
    %mul3A_2996 = arith.mulf %convert_element_type3A_2989, %mul3A_2995 : vector<16x200xf32>
    %slice3A_2997 = vector.extract_strided_slice %concatenate3A {offsets = [0, 1], sizes = [16, 200], strides = [1, 1]} : vector<16x202xf32> to vector<16x200xf32>
    %convert_element_type3A_2998 = arith.truncf %slice3A_2997 : vector<16x200xf32> to vector<16x200xbf16>
    %convert_element_type3A_2999 = arith.extf %convert_element_type3A_2998 : vector<16x200xbf16> to vector<16x200xf32>
    %get3A_3000 = arith.constant 1 : index
    %get3A_3001 = arith.constant 62 : index
    %get3A_3002 = memref.load %arg0[%get3A_3000, %get3A_3001] : memref<3x64xf32, #tpu.memory_space<smem>>
    %convert_element_type3A_3003 = arith.truncf %get3A_3002 : f32 to bf16
    %convert_element_type3A_3004 = arith.extf %convert_element_type3A_3003 : bf16 to f32
    %mul3A_3005 = vector.broadcast %convert_element_type3A_3004 : f32 to vector<16x200xf32>
    %mul3A_3006 = arith.mulf %convert_element_type3A_2999, %mul3A_3005 : vector<16x200xf32>
    %add3A_3007 = arith.addf %mul3A_2996, %mul3A_3006 : vector<16x200xf32>
    %slice3A_3008 = vector.extract_strided_slice %concatenate3A {offsets = [0, 2], sizes = [16, 200], strides = [1, 1]} : vector<16x202xf32> to vector<16x200xf32>
    %convert_element_type3A_3009 = arith.truncf %slice3A_3008 : vector<16x200xf32> to vector<16x200xbf16>
    %convert_element_type3A_3010 = arith.extf %convert_element_type3A_3009 : vector<16x200xbf16> to vector<16x200xf32>
    %get3A_3011 = arith.constant 2 : index
    %get3A_3012 = arith.constant 62 : index
    %get3A_3013 = memref.load %arg0[%get3A_3011, %get3A_3012] : memref<3x64xf32, #tpu.memory_space<smem>>
    %convert_element_type3A_3014 = arith.truncf %get3A_3013 : f32 to bf16
    %convert_element_type3A_3015 = arith.extf %convert_element_type3A_3014 : bf16 to f32
    %mul3A_3016 = vector.broadcast %convert_element_type3A_3015 : f32 to vector<16x200xf32>
    %mul3A_3017 = arith.mulf %convert_element_type3A_3010, %mul3A_3016 : vector<16x200xf32>
    %add3A_3018 = arith.addf %add3A_3007, %mul3A_3017 : vector<16x200xf32>
    %get3A_3019 = arith.constant 0 : index
    %get3A_3020 = arith.constant 62 : index
    %get3A_3021 = memref.load %arg1[%get3A_3019, %get3A_3020] : memref<1x64xf32, #tpu.memory_space<smem>>
    %add3A_3022 = vector.broadcast %get3A_3021 : f32 to vector<16x200xf32>
    %add3A_3023 = arith.addf %add3A_3018, %add3A_3022 : vector<16x200xf32>
    %max3A_3024 = arith.constant 0.000000e+00 : f32
    %max3A_3025 = vector.broadcast %max3A_3024 : f32 to vector<16x200xf32>
    %max3A_3026 = arith.maximumf %add3A_3023, %max3A_3025 : vector<16x200xf32>
    %get3A_3027 = arith.constant 62 : index
    %get3A_3028 = arith.constant 0 : index
    %get3A_3029 = arith.constant 0 : index
    %get3A_3030 = vector.load %arg5[%get3A_3027, %get3A_3028, %get3A_3029] : memref<64x200x512xf32, #tpu.memory_space<vmem>>, vector<1x200x512xf32>
    %get3A_3031 = vector.shape_cast %get3A_3030 : vector<1x200x512xf32> to vector<200x512xf32>
    %dot_general3A_3032 = arith.constant dense<0.000000e+00> : vector<16x512xf32>
    %dot_general3A_3033 = tpu.matmul %max3A_3026, %get3A_3031, %dot_general3A_3032 {dimension_numbers = #tpu.dot_dimension_numbers<[1], [0], [0], [1], [0, 0, 1, 1], [], []>, transpose_lhs_hint = false} : vector<16x200xf32>, vector<200x512xf32>, vector<16x512xf32> -> vector<16x512xf32>
    %add3A_3034 = arith.addf %add3A_2986, %dot_general3A_3033 : vector<16x512xf32>
    %slice3A_3035 = vector.extract_strided_slice %concatenate3A {offsets = [0, 0], sizes = [16, 200], strides = [1, 1]} : vector<16x202xf32> to vector<16x200xf32>
    %convert_element_type3A_3036 = arith.truncf %slice3A_3035 : vector<16x200xf32> to vector<16x200xbf16>
    %convert_element_type3A_3037 = arith.extf %convert_element_type3A_3036 : vector<16x200xbf16> to vector<16x200xf32>
    %get3A_3038 = arith.constant 0 : index
    %get3A_3039 = arith.constant 63 : index
    %get3A_3040 = memref.load %arg0[%get3A_3038, %get3A_3039] : memref<3x64xf32, #tpu.memory_space<smem>>
    %convert_element_type3A_3041 = arith.truncf %get3A_3040 : f32 to bf16
    %convert_element_type3A_3042 = arith.extf %convert_element_type3A_3041 : bf16 to f32
    %mul3A_3043 = vector.broadcast %convert_element_type3A_3042 : f32 to vector<16x200xf32>
    %mul3A_3044 = arith.mulf %convert_element_type3A_3037, %mul3A_3043 : vector<16x200xf32>
    %slice3A_3045 = vector.extract_strided_slice %concatenate3A {offsets = [0, 1], sizes = [16, 200], strides = [1, 1]} : vector<16x202xf32> to vector<16x200xf32>
    %convert_element_type3A_3046 = arith.truncf %slice3A_3045 : vector<16x200xf32> to vector<16x200xbf16>
    %convert_element_type3A_3047 = arith.extf %convert_element_type3A_3046 : vector<16x200xbf16> to vector<16x200xf32>
    %get3A_3048 = arith.constant 1 : index
    %get3A_3049 = arith.constant 63 : index
    %get3A_3050 = memref.load %arg0[%get3A_3048, %get3A_3049] : memref<3x64xf32, #tpu.memory_space<smem>>
    %convert_element_type3A_3051 = arith.truncf %get3A_3050 : f32 to bf16
    %convert_element_type3A_3052 = arith.extf %convert_element_type3A_3051 : bf16 to f32
    %mul3A_3053 = vector.broadcast %convert_element_type3A_3052 : f32 to vector<16x200xf32>
    %mul3A_3054 = arith.mulf %convert_element_type3A_3047, %mul3A_3053 : vector<16x200xf32>
    %add3A_3055 = arith.addf %mul3A_3044, %mul3A_3054 : vector<16x200xf32>
    %slice3A_3056 = vector.extract_strided_slice %concatenate3A {offsets = [0, 2], sizes = [16, 200], strides = [1, 1]} : vector<16x202xf32> to vector<16x200xf32>
    %convert_element_type3A_3057 = arith.truncf %slice3A_3056 : vector<16x200xf32> to vector<16x200xbf16>
    %convert_element_type3A_3058 = arith.extf %convert_element_type3A_3057 : vector<16x200xbf16> to vector<16x200xf32>
    %get3A_3059 = arith.constant 2 : index
    %get3A_3060 = arith.constant 63 : index
    %get3A_3061 = memref.load %arg0[%get3A_3059, %get3A_3060] : memref<3x64xf32, #tpu.memory_space<smem>>
    %convert_element_type3A_3062 = arith.truncf %get3A_3061 : f32 to bf16
    %convert_element_type3A_3063 = arith.extf %convert_element_type3A_3062 : bf16 to f32
    %mul3A_3064 = vector.broadcast %convert_element_type3A_3063 : f32 to vector<16x200xf32>
    %mul3A_3065 = arith.mulf %convert_element_type3A_3058, %mul3A_3064 : vector<16x200xf32>
    %add3A_3066 = arith.addf %add3A_3055, %mul3A_3065 : vector<16x200xf32>
    %get3A_3067 = arith.constant 0 : index
    %get3A_3068 = arith.constant 63 : index
    %get3A_3069 = memref.load %arg1[%get3A_3067, %get3A_3068] : memref<1x64xf32, #tpu.memory_space<smem>>
    %add3A_3070 = vector.broadcast %get3A_3069 : f32 to vector<16x200xf32>
    %add3A_3071 = arith.addf %add3A_3066, %add3A_3070 : vector<16x200xf32>
    %max3A_3072 = arith.constant 0.000000e+00 : f32
    %max3A_3073 = vector.broadcast %max3A_3072 : f32 to vector<16x200xf32>
    %max3A_3074 = arith.maximumf %add3A_3071, %max3A_3073 : vector<16x200xf32>
    %get3A_3075 = arith.constant 63 : index
    %get3A_3076 = arith.constant 0 : index
    %get3A_3077 = arith.constant 0 : index
    %get3A_3078 = vector.load %arg5[%get3A_3075, %get3A_3076, %get3A_3077] : memref<64x200x512xf32, #tpu.memory_space<vmem>>, vector<1x200x512xf32>
    %get3A_3079 = vector.shape_cast %get3A_3078 : vector<1x200x512xf32> to vector<200x512xf32>
    %dot_general3A_3080 = arith.constant dense<0.000000e+00> : vector<16x512xf32>
    %dot_general3A_3081 = tpu.matmul %max3A_3074, %get3A_3079, %dot_general3A_3080 {dimension_numbers = #tpu.dot_dimension_numbers<[1], [0], [0], [1], [0, 0, 1, 1], [], []>, transpose_lhs_hint = false} : vector<16x200xf32>, vector<200x512xf32>, vector<16x512xf32> -> vector<16x512xf32>
    %add3A_3082 = arith.addf %add3A_3034, %dot_general3A_3081 : vector<16x512xf32>
    %get3A_3083 = arith.constant 0 : index
    %get3A_3084 = arith.constant 0 : index
    %get3A_3085 = vector.load %arg6[%get3A_3083, %get3A_3084] : memref<1x512xf32, #tpu.memory_space<vmem>>, vector<1x512xf32>
    %add3A_3086 = vector.broadcast %get3A_3085 : vector<1x512xf32> to vector<16x512xf32>
    %add3A_3087 = arith.addf %add3A_3082, %add3A_3086 : vector<16x512xf32>
    %max3A_3088 = arith.constant 0.000000e+00 : f32
    %max3A_3089 = vector.broadcast %max3A_3088 : f32 to vector<16x512xf32>
    %max3A_3090 = arith.maximumf %add3A_3087, %max3A_3089 : vector<16x512xf32>
    %get3A_3091 = arith.constant 0 : index
    %get3A_3092 = arith.constant 0 : index
    %get3A_3093 = vector.load %arg7[%get3A_3091, %get3A_3092] : memref<512x1024xf32, #tpu.memory_space<vmem>>, vector<512x1024xf32>
    %dot_general3A_3094 = arith.constant dense<0.000000e+00> : vector<16x1024xf32>
    %dot_general3A_3095 = tpu.matmul %max3A_3090, %get3A_3093, %dot_general3A_3094 {dimension_numbers = #tpu.dot_dimension_numbers<[1], [0], [0], [1], [0, 0, 1, 1], [], []>, transpose_lhs_hint = false} : vector<16x512xf32>, vector<512x1024xf32>, vector<16x1024xf32> -> vector<16x1024xf32>
    %get3A_3096 = arith.constant 0 : index
    %get3A_3097 = arith.constant 0 : index
    %get3A_3098 = vector.load %arg8[%get3A_3096, %get3A_3097] : memref<200x1024xf32, #tpu.memory_space<vmem>>, vector<200x1024xf32>
    %dot_general3A_3099 = arith.constant dense<0.000000e+00> : vector<16x1024xf32>
    %dot_general3A_3100 = tpu.matmul %div3A_7, %get3A_3098, %dot_general3A_3099 {dimension_numbers = #tpu.dot_dimension_numbers<[1], [0], [0], [1], [0, 0, 1, 1], [], []>, transpose_lhs_hint = false} : vector<16x200xf32>, vector<200x1024xf32>, vector<16x1024xf32> -> vector<16x1024xf32>
    %add3A_3101 = arith.addf %dot_general3A_3095, %dot_general3A_3100 : vector<16x1024xf32>
    %get3A_3102 = arith.constant 0 : index
    %get3A_3103 = arith.constant 0 : index
    %get3A_3104 = vector.load %arg9[%get3A_3102, %get3A_3103] : memref<1x1024xf32, #tpu.memory_space<vmem>>, vector<1x1024xf32>
    %add3A_3105 = vector.broadcast %get3A_3104 : vector<1x1024xf32> to vector<16x1024xf32>
    %add3A_3106 = arith.addf %add3A_3101, %add3A_3105 : vector<16x1024xf32>
    %max3A_3107 = arith.constant 0.000000e+00 : f32
    %max3A_3108 = vector.broadcast %max3A_3107 : f32 to vector<16x1024xf32>
    %max3A_3109 = arith.maximumf %add3A_3106, %max3A_3108 : vector<16x1024xf32>
    %get3A_3110 = arith.constant 0 : index
    %get3A_3111 = arith.constant 0 : index
    %get3A_3112 = vector.load %arg10[%get3A_3110, %get3A_3111] : memref<1024x1024xf32, #tpu.memory_space<vmem>>, vector<1024x1024xf32>
    %dot_general3A_3113 = arith.constant dense<0.000000e+00> : vector<16x1024xf32>
    %dot_general3A_3114 = tpu.matmul %max3A_3109, %get3A_3112, %dot_general3A_3113 {dimension_numbers = #tpu.dot_dimension_numbers<[1], [0], [0], [1], [0, 0, 1, 1], [], []>, transpose_lhs_hint = false} : vector<16x1024xf32>, vector<1024x1024xf32>, vector<16x1024xf32> -> vector<16x1024xf32>
    %get3A_3115 = arith.constant 0 : index
    %get3A_3116 = arith.constant 0 : index
    %get3A_3117 = vector.load %arg11[%get3A_3115, %get3A_3116] : memref<200x1024xf32, #tpu.memory_space<vmem>>, vector<200x1024xf32>
    %dot_general3A_3118 = arith.constant dense<0.000000e+00> : vector<16x1024xf32>
    %dot_general3A_3119 = tpu.matmul %div3A_12, %get3A_3117, %dot_general3A_3118 {dimension_numbers = #tpu.dot_dimension_numbers<[1], [0], [0], [1], [0, 0, 1, 1], [], []>, transpose_lhs_hint = false} : vector<16x200xf32>, vector<200x1024xf32>, vector<16x1024xf32> -> vector<16x1024xf32>
    %add3A_3120 = arith.addf %dot_general3A_3114, %dot_general3A_3119 : vector<16x1024xf32>
    %get3A_3121 = arith.constant 0 : index
    %get3A_3122 = arith.constant 0 : index
    %get3A_3123 = vector.load %arg12[%get3A_3121, %get3A_3122] : memref<1x1024xf32, #tpu.memory_space<vmem>>, vector<1x1024xf32>
    %add3A_3124 = vector.broadcast %get3A_3123 : vector<1x1024xf32> to vector<16x1024xf32>
    %add3A_3125 = arith.addf %add3A_3120, %add3A_3124 : vector<16x1024xf32>
    %max3A_3126 = arith.constant 0.000000e+00 : f32
    %max3A_3127 = vector.broadcast %max3A_3126 : f32 to vector<16x1024xf32>
    %max3A_3128 = arith.maximumf %add3A_3125, %max3A_3127 : vector<16x1024xf32>
    %get3A_3129 = arith.constant 0 : index
    %get3A_3130 = arith.constant 0 : index
    %get3A_3131 = vector.load %arg13[%get3A_3129, %get3A_3130] : memref<1024x256xf32, #tpu.memory_space<vmem>>, vector<1024x256xf32>
    %dot_general3A_3132 = arith.constant dense<0.000000e+00> : vector<16x256xf32>
    %dot_general3A_3133 = tpu.matmul %max3A_3128, %get3A_3131, %dot_general3A_3132 {dimension_numbers = #tpu.dot_dimension_numbers<[1], [0], [0], [1], [0, 0, 1, 1], [], []>, transpose_lhs_hint = false} : vector<16x1024xf32>, vector<1024x256xf32>, vector<16x256xf32> -> vector<16x256xf32>
    %get3A_3134 = arith.constant 0 : index
    %get3A_3135 = arith.constant 0 : index
    %get3A_3136 = arith.constant 0 : index
    %get3A_3137 = vector.load %arg14[%get3A_3134, %get3A_3135, %get3A_3136] : memref<64x200x256xf32, #tpu.memory_space<vmem>>, vector<1x200x256xf32>
    %get3A_3138 = vector.shape_cast %get3A_3137 : vector<1x200x256xf32> to vector<200x256xf32>
    %dot_general3A_3139 = arith.constant dense<0.000000e+00> : vector<16x256xf32>
    %dot_general3A_3140 = tpu.matmul %max3A_51, %get3A_3138, %dot_general3A_3139 {dimension_numbers = #tpu.dot_dimension_numbers<[1], [0], [0], [1], [0, 0, 1, 1], [], []>, transpose_lhs_hint = false} : vector<16x200xf32>, vector<200x256xf32>, vector<16x256xf32> -> vector<16x256xf32>
    %add3A_3141 = arith.addf %dot_general3A_3133, %dot_general3A_3140 : vector<16x256xf32>
    %get3A_3142 = arith.constant 1 : index
    %get3A_3143 = arith.constant 0 : index
    %get3A_3144 = arith.constant 0 : index
    %get3A_3145 = vector.load %arg14[%get3A_3142, %get3A_3143, %get3A_3144] : memref<64x200x256xf32, #tpu.memory_space<vmem>>, vector<1x200x256xf32>
    %get3A_3146 = vector.shape_cast %get3A_3145 : vector<1x200x256xf32> to vector<200x256xf32>
    %dot_general3A_3147 = arith.constant dense<0.000000e+00> : vector<16x256xf32>
    %dot_general3A_3148 = tpu.matmul %max3A_98, %get3A_3146, %dot_general3A_3147 {dimension_numbers = #tpu.dot_dimension_numbers<[1], [0], [0], [1], [0, 0, 1, 1], [], []>, transpose_lhs_hint = false} : vector<16x200xf32>, vector<200x256xf32>, vector<16x256xf32> -> vector<16x256xf32>
    %add3A_3149 = arith.addf %add3A_3141, %dot_general3A_3148 : vector<16x256xf32>
    %get3A_3150 = arith.constant 2 : index
    %get3A_3151 = arith.constant 0 : index
    %get3A_3152 = arith.constant 0 : index
    %get3A_3153 = vector.load %arg14[%get3A_3150, %get3A_3151, %get3A_3152] : memref<64x200x256xf32, #tpu.memory_space<vmem>>, vector<1x200x256xf32>
    %get3A_3154 = vector.shape_cast %get3A_3153 : vector<1x200x256xf32> to vector<200x256xf32>
    %dot_general3A_3155 = arith.constant dense<0.000000e+00> : vector<16x256xf32>
    %dot_general3A_3156 = tpu.matmul %max3A_146, %get3A_3154, %dot_general3A_3155 {dimension_numbers = #tpu.dot_dimension_numbers<[1], [0], [0], [1], [0, 0, 1, 1], [], []>, transpose_lhs_hint = false} : vector<16x200xf32>, vector<200x256xf32>, vector<16x256xf32> -> vector<16x256xf32>
    %add3A_3157 = arith.addf %add3A_3149, %dot_general3A_3156 : vector<16x256xf32>
    %get3A_3158 = arith.constant 3 : index
    %get3A_3159 = arith.constant 0 : index
    %get3A_3160 = arith.constant 0 : index
    %get3A_3161 = vector.load %arg14[%get3A_3158, %get3A_3159, %get3A_3160] : memref<64x200x256xf32, #tpu.memory_space<vmem>>, vector<1x200x256xf32>
    %get3A_3162 = vector.shape_cast %get3A_3161 : vector<1x200x256xf32> to vector<200x256xf32>
    %dot_general3A_3163 = arith.constant dense<0.000000e+00> : vector<16x256xf32>
    %dot_general3A_3164 = tpu.matmul %max3A_194, %get3A_3162, %dot_general3A_3163 {dimension_numbers = #tpu.dot_dimension_numbers<[1], [0], [0], [1], [0, 0, 1, 1], [], []>, transpose_lhs_hint = false} : vector<16x200xf32>, vector<200x256xf32>, vector<16x256xf32> -> vector<16x256xf32>
    %add3A_3165 = arith.addf %add3A_3157, %dot_general3A_3164 : vector<16x256xf32>
    %get3A_3166 = arith.constant 4 : index
    %get3A_3167 = arith.constant 0 : index
    %get3A_3168 = arith.constant 0 : index
    %get3A_3169 = vector.load %arg14[%get3A_3166, %get3A_3167, %get3A_3168] : memref<64x200x256xf32, #tpu.memory_space<vmem>>, vector<1x200x256xf32>
    %get3A_3170 = vector.shape_cast %get3A_3169 : vector<1x200x256xf32> to vector<200x256xf32>
    %dot_general3A_3171 = arith.constant dense<0.000000e+00> : vector<16x256xf32>
    %dot_general3A_3172 = tpu.matmul %max3A_242, %get3A_3170, %dot_general3A_3171 {dimension_numbers = #tpu.dot_dimension_numbers<[1], [0], [0], [1], [0, 0, 1, 1], [], []>, transpose_lhs_hint = false} : vector<16x200xf32>, vector<200x256xf32>, vector<16x256xf32> -> vector<16x256xf32>
    %add3A_3173 = arith.addf %add3A_3165, %dot_general3A_3172 : vector<16x256xf32>
    %get3A_3174 = arith.constant 5 : index
    %get3A_3175 = arith.constant 0 : index
    %get3A_3176 = arith.constant 0 : index
    %get3A_3177 = vector.load %arg14[%get3A_3174, %get3A_3175, %get3A_3176] : memref<64x200x256xf32, #tpu.memory_space<vmem>>, vector<1x200x256xf32>
    %get3A_3178 = vector.shape_cast %get3A_3177 : vector<1x200x256xf32> to vector<200x256xf32>
    %dot_general3A_3179 = arith.constant dense<0.000000e+00> : vector<16x256xf32>
    %dot_general3A_3180 = tpu.matmul %max3A_290, %get3A_3178, %dot_general3A_3179 {dimension_numbers = #tpu.dot_dimension_numbers<[1], [0], [0], [1], [0, 0, 1, 1], [], []>, transpose_lhs_hint = false} : vector<16x200xf32>, vector<200x256xf32>, vector<16x256xf32> -> vector<16x256xf32>
    %add3A_3181 = arith.addf %add3A_3173, %dot_general3A_3180 : vector<16x256xf32>
    %get3A_3182 = arith.constant 6 : index
    %get3A_3183 = arith.constant 0 : index
    %get3A_3184 = arith.constant 0 : index
    %get3A_3185 = vector.load %arg14[%get3A_3182, %get3A_3183, %get3A_3184] : memref<64x200x256xf32, #tpu.memory_space<vmem>>, vector<1x200x256xf32>
    %get3A_3186 = vector.shape_cast %get3A_3185 : vector<1x200x256xf32> to vector<200x256xf32>
    %dot_general3A_3187 = arith.constant dense<0.000000e+00> : vector<16x256xf32>
    %dot_general3A_3188 = tpu.matmul %max3A_338, %get3A_3186, %dot_general3A_3187 {dimension_numbers = #tpu.dot_dimension_numbers<[1], [0], [0], [1], [0, 0, 1, 1], [], []>, transpose_lhs_hint = false} : vector<16x200xf32>, vector<200x256xf32>, vector<16x256xf32> -> vector<16x256xf32>
    %add3A_3189 = arith.addf %add3A_3181, %dot_general3A_3188 : vector<16x256xf32>
    %get3A_3190 = arith.constant 7 : index
    %get3A_3191 = arith.constant 0 : index
    %get3A_3192 = arith.constant 0 : index
    %get3A_3193 = vector.load %arg14[%get3A_3190, %get3A_3191, %get3A_3192] : memref<64x200x256xf32, #tpu.memory_space<vmem>>, vector<1x200x256xf32>
    %get3A_3194 = vector.shape_cast %get3A_3193 : vector<1x200x256xf32> to vector<200x256xf32>
    %dot_general3A_3195 = arith.constant dense<0.000000e+00> : vector<16x256xf32>
    %dot_general3A_3196 = tpu.matmul %max3A_386, %get3A_3194, %dot_general3A_3195 {dimension_numbers = #tpu.dot_dimension_numbers<[1], [0], [0], [1], [0, 0, 1, 1], [], []>, transpose_lhs_hint = false} : vector<16x200xf32>, vector<200x256xf32>, vector<16x256xf32> -> vector<16x256xf32>
    %add3A_3197 = arith.addf %add3A_3189, %dot_general3A_3196 : vector<16x256xf32>
    %get3A_3198 = arith.constant 8 : index
    %get3A_3199 = arith.constant 0 : index
    %get3A_3200 = arith.constant 0 : index
    %get3A_3201 = vector.load %arg14[%get3A_3198, %get3A_3199, %get3A_3200] : memref<64x200x256xf32, #tpu.memory_space<vmem>>, vector<1x200x256xf32>
    %get3A_3202 = vector.shape_cast %get3A_3201 : vector<1x200x256xf32> to vector<200x256xf32>
    %dot_general3A_3203 = arith.constant dense<0.000000e+00> : vector<16x256xf32>
    %dot_general3A_3204 = tpu.matmul %max3A_434, %get3A_3202, %dot_general3A_3203 {dimension_numbers = #tpu.dot_dimension_numbers<[1], [0], [0], [1], [0, 0, 1, 1], [], []>, transpose_lhs_hint = false} : vector<16x200xf32>, vector<200x256xf32>, vector<16x256xf32> -> vector<16x256xf32>
    %add3A_3205 = arith.addf %add3A_3197, %dot_general3A_3204 : vector<16x256xf32>
    %get3A_3206 = arith.constant 9 : index
    %get3A_3207 = arith.constant 0 : index
    %get3A_3208 = arith.constant 0 : index
    %get3A_3209 = vector.load %arg14[%get3A_3206, %get3A_3207, %get3A_3208] : memref<64x200x256xf32, #tpu.memory_space<vmem>>, vector<1x200x256xf32>
    %get3A_3210 = vector.shape_cast %get3A_3209 : vector<1x200x256xf32> to vector<200x256xf32>
    %dot_general3A_3211 = arith.constant dense<0.000000e+00> : vector<16x256xf32>
    %dot_general3A_3212 = tpu.matmul %max3A_482, %get3A_3210, %dot_general3A_3211 {dimension_numbers = #tpu.dot_dimension_numbers<[1], [0], [0], [1], [0, 0, 1, 1], [], []>, transpose_lhs_hint = false} : vector<16x200xf32>, vector<200x256xf32>, vector<16x256xf32> -> vector<16x256xf32>
    %add3A_3213 = arith.addf %add3A_3205, %dot_general3A_3212 : vector<16x256xf32>
    %get3A_3214 = arith.constant 10 : index
    %get3A_3215 = arith.constant 0 : index
    %get3A_3216 = arith.constant 0 : index
    %get3A_3217 = vector.load %arg14[%get3A_3214, %get3A_3215, %get3A_3216] : memref<64x200x256xf32, #tpu.memory_space<vmem>>, vector<1x200x256xf32>
    %get3A_3218 = vector.shape_cast %get3A_3217 : vector<1x200x256xf32> to vector<200x256xf32>
    %dot_general3A_3219 = arith.constant dense<0.000000e+00> : vector<16x256xf32>
    %dot_general3A_3220 = tpu.matmul %max3A_530, %get3A_3218, %dot_general3A_3219 {dimension_numbers = #tpu.dot_dimension_numbers<[1], [0], [0], [1], [0, 0, 1, 1], [], []>, transpose_lhs_hint = false} : vector<16x200xf32>, vector<200x256xf32>, vector<16x256xf32> -> vector<16x256xf32>
    %add3A_3221 = arith.addf %add3A_3213, %dot_general3A_3220 : vector<16x256xf32>
    %get3A_3222 = arith.constant 11 : index
    %get3A_3223 = arith.constant 0 : index
    %get3A_3224 = arith.constant 0 : index
    %get3A_3225 = vector.load %arg14[%get3A_3222, %get3A_3223, %get3A_3224] : memref<64x200x256xf32, #tpu.memory_space<vmem>>, vector<1x200x256xf32>
    %get3A_3226 = vector.shape_cast %get3A_3225 : vector<1x200x256xf32> to vector<200x256xf32>
    %dot_general3A_3227 = arith.constant dense<0.000000e+00> : vector<16x256xf32>
    %dot_general3A_3228 = tpu.matmul %max3A_578, %get3A_3226, %dot_general3A_3227 {dimension_numbers = #tpu.dot_dimension_numbers<[1], [0], [0], [1], [0, 0, 1, 1], [], []>, transpose_lhs_hint = false} : vector<16x200xf32>, vector<200x256xf32>, vector<16x256xf32> -> vector<16x256xf32>
    %add3A_3229 = arith.addf %add3A_3221, %dot_general3A_3228 : vector<16x256xf32>
    %get3A_3230 = arith.constant 12 : index
    %get3A_3231 = arith.constant 0 : index
    %get3A_3232 = arith.constant 0 : index
    %get3A_3233 = vector.load %arg14[%get3A_3230, %get3A_3231, %get3A_3232] : memref<64x200x256xf32, #tpu.memory_space<vmem>>, vector<1x200x256xf32>
    %get3A_3234 = vector.shape_cast %get3A_3233 : vector<1x200x256xf32> to vector<200x256xf32>
    %dot_general3A_3235 = arith.constant dense<0.000000e+00> : vector<16x256xf32>
    %dot_general3A_3236 = tpu.matmul %max3A_626, %get3A_3234, %dot_general3A_3235 {dimension_numbers = #tpu.dot_dimension_numbers<[1], [0], [0], [1], [0, 0, 1, 1], [], []>, transpose_lhs_hint = false} : vector<16x200xf32>, vector<200x256xf32>, vector<16x256xf32> -> vector<16x256xf32>
    %add3A_3237 = arith.addf %add3A_3229, %dot_general3A_3236 : vector<16x256xf32>
    %get3A_3238 = arith.constant 13 : index
    %get3A_3239 = arith.constant 0 : index
    %get3A_3240 = arith.constant 0 : index
    %get3A_3241 = vector.load %arg14[%get3A_3238, %get3A_3239, %get3A_3240] : memref<64x200x256xf32, #tpu.memory_space<vmem>>, vector<1x200x256xf32>
    %get3A_3242 = vector.shape_cast %get3A_3241 : vector<1x200x256xf32> to vector<200x256xf32>
    %dot_general3A_3243 = arith.constant dense<0.000000e+00> : vector<16x256xf32>
    %dot_general3A_3244 = tpu.matmul %max3A_674, %get3A_3242, %dot_general3A_3243 {dimension_numbers = #tpu.dot_dimension_numbers<[1], [0], [0], [1], [0, 0, 1, 1], [], []>, transpose_lhs_hint = false} : vector<16x200xf32>, vector<200x256xf32>, vector<16x256xf32> -> vector<16x256xf32>
    %add3A_3245 = arith.addf %add3A_3237, %dot_general3A_3244 : vector<16x256xf32>
    %get3A_3246 = arith.constant 14 : index
    %get3A_3247 = arith.constant 0 : index
    %get3A_3248 = arith.constant 0 : index
    %get3A_3249 = vector.load %arg14[%get3A_3246, %get3A_3247, %get3A_3248] : memref<64x200x256xf32, #tpu.memory_space<vmem>>, vector<1x200x256xf32>
    %get3A_3250 = vector.shape_cast %get3A_3249 : vector<1x200x256xf32> to vector<200x256xf32>
    %dot_general3A_3251 = arith.constant dense<0.000000e+00> : vector<16x256xf32>
    %dot_general3A_3252 = tpu.matmul %max3A_722, %get3A_3250, %dot_general3A_3251 {dimension_numbers = #tpu.dot_dimension_numbers<[1], [0], [0], [1], [0, 0, 1, 1], [], []>, transpose_lhs_hint = false} : vector<16x200xf32>, vector<200x256xf32>, vector<16x256xf32> -> vector<16x256xf32>
    %add3A_3253 = arith.addf %add3A_3245, %dot_general3A_3252 : vector<16x256xf32>
    %get3A_3254 = arith.constant 15 : index
    %get3A_3255 = arith.constant 0 : index
    %get3A_3256 = arith.constant 0 : index
    %get3A_3257 = vector.load %arg14[%get3A_3254, %get3A_3255, %get3A_3256] : memref<64x200x256xf32, #tpu.memory_space<vmem>>, vector<1x200x256xf32>
    %get3A_3258 = vector.shape_cast %get3A_3257 : vector<1x200x256xf32> to vector<200x256xf32>
    %dot_general3A_3259 = arith.constant dense<0.000000e+00> : vector<16x256xf32>
    %dot_general3A_3260 = tpu.matmul %max3A_770, %get3A_3258, %dot_general3A_3259 {dimension_numbers = #tpu.dot_dimension_numbers<[1], [0], [0], [1], [0, 0, 1, 1], [], []>, transpose_lhs_hint = false} : vector<16x200xf32>, vector<200x256xf32>, vector<16x256xf32> -> vector<16x256xf32>
    %add3A_3261 = arith.addf %add3A_3253, %dot_general3A_3260 : vector<16x256xf32>
    %get3A_3262 = arith.constant 16 : index
    %get3A_3263 = arith.constant 0 : index
    %get3A_3264 = arith.constant 0 : index
    %get3A_3265 = vector.load %arg14[%get3A_3262, %get3A_3263, %get3A_3264] : memref<64x200x256xf32, #tpu.memory_space<vmem>>, vector<1x200x256xf32>
    %get3A_3266 = vector.shape_cast %get3A_3265 : vector<1x200x256xf32> to vector<200x256xf32>
    %dot_general3A_3267 = arith.constant dense<0.000000e+00> : vector<16x256xf32>
    %dot_general3A_3268 = tpu.matmul %max3A_818, %get3A_3266, %dot_general3A_3267 {dimension_numbers = #tpu.dot_dimension_numbers<[1], [0], [0], [1], [0, 0, 1, 1], [], []>, transpose_lhs_hint = false} : vector<16x200xf32>, vector<200x256xf32>, vector<16x256xf32> -> vector<16x256xf32>
    %add3A_3269 = arith.addf %add3A_3261, %dot_general3A_3268 : vector<16x256xf32>
    %get3A_3270 = arith.constant 17 : index
    %get3A_3271 = arith.constant 0 : index
    %get3A_3272 = arith.constant 0 : index
    %get3A_3273 = vector.load %arg14[%get3A_3270, %get3A_3271, %get3A_3272] : memref<64x200x256xf32, #tpu.memory_space<vmem>>, vector<1x200x256xf32>
    %get3A_3274 = vector.shape_cast %get3A_3273 : vector<1x200x256xf32> to vector<200x256xf32>
    %dot_general3A_3275 = arith.constant dense<0.000000e+00> : vector<16x256xf32>
    %dot_general3A_3276 = tpu.matmul %max3A_866, %get3A_3274, %dot_general3A_3275 {dimension_numbers = #tpu.dot_dimension_numbers<[1], [0], [0], [1], [0, 0, 1, 1], [], []>, transpose_lhs_hint = false} : vector<16x200xf32>, vector<200x256xf32>, vector<16x256xf32> -> vector<16x256xf32>
    %add3A_3277 = arith.addf %add3A_3269, %dot_general3A_3276 : vector<16x256xf32>
    %get3A_3278 = arith.constant 18 : index
    %get3A_3279 = arith.constant 0 : index
    %get3A_3280 = arith.constant 0 : index
    %get3A_3281 = vector.load %arg14[%get3A_3278, %get3A_3279, %get3A_3280] : memref<64x200x256xf32, #tpu.memory_space<vmem>>, vector<1x200x256xf32>
    %get3A_3282 = vector.shape_cast %get3A_3281 : vector<1x200x256xf32> to vector<200x256xf32>
    %dot_general3A_3283 = arith.constant dense<0.000000e+00> : vector<16x256xf32>
    %dot_general3A_3284 = tpu.matmul %max3A_914, %get3A_3282, %dot_general3A_3283 {dimension_numbers = #tpu.dot_dimension_numbers<[1], [0], [0], [1], [0, 0, 1, 1], [], []>, transpose_lhs_hint = false} : vector<16x200xf32>, vector<200x256xf32>, vector<16x256xf32> -> vector<16x256xf32>
    %add3A_3285 = arith.addf %add3A_3277, %dot_general3A_3284 : vector<16x256xf32>
    %get3A_3286 = arith.constant 19 : index
    %get3A_3287 = arith.constant 0 : index
    %get3A_3288 = arith.constant 0 : index
    %get3A_3289 = vector.load %arg14[%get3A_3286, %get3A_3287, %get3A_3288] : memref<64x200x256xf32, #tpu.memory_space<vmem>>, vector<1x200x256xf32>
    %get3A_3290 = vector.shape_cast %get3A_3289 : vector<1x200x256xf32> to vector<200x256xf32>
    %dot_general3A_3291 = arith.constant dense<0.000000e+00> : vector<16x256xf32>
    %dot_general3A_3292 = tpu.matmul %max3A_962, %get3A_3290, %dot_general3A_3291 {dimension_numbers = #tpu.dot_dimension_numbers<[1], [0], [0], [1], [0, 0, 1, 1], [], []>, transpose_lhs_hint = false} : vector<16x200xf32>, vector<200x256xf32>, vector<16x256xf32> -> vector<16x256xf32>
    %add3A_3293 = arith.addf %add3A_3285, %dot_general3A_3292 : vector<16x256xf32>
    %get3A_3294 = arith.constant 20 : index
    %get3A_3295 = arith.constant 0 : index
    %get3A_3296 = arith.constant 0 : index
    %get3A_3297 = vector.load %arg14[%get3A_3294, %get3A_3295, %get3A_3296] : memref<64x200x256xf32, #tpu.memory_space<vmem>>, vector<1x200x256xf32>
    %get3A_3298 = vector.shape_cast %get3A_3297 : vector<1x200x256xf32> to vector<200x256xf32>
    %dot_general3A_3299 = arith.constant dense<0.000000e+00> : vector<16x256xf32>
    %dot_general3A_3300 = tpu.matmul %max3A_1010, %get3A_3298, %dot_general3A_3299 {dimension_numbers = #tpu.dot_dimension_numbers<[1], [0], [0], [1], [0, 0, 1, 1], [], []>, transpose_lhs_hint = false} : vector<16x200xf32>, vector<200x256xf32>, vector<16x256xf32> -> vector<16x256xf32>
    %add3A_3301 = arith.addf %add3A_3293, %dot_general3A_3300 : vector<16x256xf32>
    %get3A_3302 = arith.constant 21 : index
    %get3A_3303 = arith.constant 0 : index
    %get3A_3304 = arith.constant 0 : index
    %get3A_3305 = vector.load %arg14[%get3A_3302, %get3A_3303, %get3A_3304] : memref<64x200x256xf32, #tpu.memory_space<vmem>>, vector<1x200x256xf32>
    %get3A_3306 = vector.shape_cast %get3A_3305 : vector<1x200x256xf32> to vector<200x256xf32>
    %dot_general3A_3307 = arith.constant dense<0.000000e+00> : vector<16x256xf32>
    %dot_general3A_3308 = tpu.matmul %max3A_1058, %get3A_3306, %dot_general3A_3307 {dimension_numbers = #tpu.dot_dimension_numbers<[1], [0], [0], [1], [0, 0, 1, 1], [], []>, transpose_lhs_hint = false} : vector<16x200xf32>, vector<200x256xf32>, vector<16x256xf32> -> vector<16x256xf32>
    %add3A_3309 = arith.addf %add3A_3301, %dot_general3A_3308 : vector<16x256xf32>
    %get3A_3310 = arith.constant 22 : index
    %get3A_3311 = arith.constant 0 : index
    %get3A_3312 = arith.constant 0 : index
    %get3A_3313 = vector.load %arg14[%get3A_3310, %get3A_3311, %get3A_3312] : memref<64x200x256xf32, #tpu.memory_space<vmem>>, vector<1x200x256xf32>
    %get3A_3314 = vector.shape_cast %get3A_3313 : vector<1x200x256xf32> to vector<200x256xf32>
    %dot_general3A_3315 = arith.constant dense<0.000000e+00> : vector<16x256xf32>
    %dot_general3A_3316 = tpu.matmul %max3A_1106, %get3A_3314, %dot_general3A_3315 {dimension_numbers = #tpu.dot_dimension_numbers<[1], [0], [0], [1], [0, 0, 1, 1], [], []>, transpose_lhs_hint = false} : vector<16x200xf32>, vector<200x256xf32>, vector<16x256xf32> -> vector<16x256xf32>
    %add3A_3317 = arith.addf %add3A_3309, %dot_general3A_3316 : vector<16x256xf32>
    %get3A_3318 = arith.constant 23 : index
    %get3A_3319 = arith.constant 0 : index
    %get3A_3320 = arith.constant 0 : index
    %get3A_3321 = vector.load %arg14[%get3A_3318, %get3A_3319, %get3A_3320] : memref<64x200x256xf32, #tpu.memory_space<vmem>>, vector<1x200x256xf32>
    %get3A_3322 = vector.shape_cast %get3A_3321 : vector<1x200x256xf32> to vector<200x256xf32>
    %dot_general3A_3323 = arith.constant dense<0.000000e+00> : vector<16x256xf32>
    %dot_general3A_3324 = tpu.matmul %max3A_1154, %get3A_3322, %dot_general3A_3323 {dimension_numbers = #tpu.dot_dimension_numbers<[1], [0], [0], [1], [0, 0, 1, 1], [], []>, transpose_lhs_hint = false} : vector<16x200xf32>, vector<200x256xf32>, vector<16x256xf32> -> vector<16x256xf32>
    %add3A_3325 = arith.addf %add3A_3317, %dot_general3A_3324 : vector<16x256xf32>
    %get3A_3326 = arith.constant 24 : index
    %get3A_3327 = arith.constant 0 : index
    %get3A_3328 = arith.constant 0 : index
    %get3A_3329 = vector.load %arg14[%get3A_3326, %get3A_3327, %get3A_3328] : memref<64x200x256xf32, #tpu.memory_space<vmem>>, vector<1x200x256xf32>
    %get3A_3330 = vector.shape_cast %get3A_3329 : vector<1x200x256xf32> to vector<200x256xf32>
    %dot_general3A_3331 = arith.constant dense<0.000000e+00> : vector<16x256xf32>
    %dot_general3A_3332 = tpu.matmul %max3A_1202, %get3A_3330, %dot_general3A_3331 {dimension_numbers = #tpu.dot_dimension_numbers<[1], [0], [0], [1], [0, 0, 1, 1], [], []>, transpose_lhs_hint = false} : vector<16x200xf32>, vector<200x256xf32>, vector<16x256xf32> -> vector<16x256xf32>
    %add3A_3333 = arith.addf %add3A_3325, %dot_general3A_3332 : vector<16x256xf32>
    %get3A_3334 = arith.constant 25 : index
    %get3A_3335 = arith.constant 0 : index
    %get3A_3336 = arith.constant 0 : index
    %get3A_3337 = vector.load %arg14[%get3A_3334, %get3A_3335, %get3A_3336] : memref<64x200x256xf32, #tpu.memory_space<vmem>>, vector<1x200x256xf32>
    %get3A_3338 = vector.shape_cast %get3A_3337 : vector<1x200x256xf32> to vector<200x256xf32>
    %dot_general3A_3339 = arith.constant dense<0.000000e+00> : vector<16x256xf32>
    %dot_general3A_3340 = tpu.matmul %max3A_1250, %get3A_3338, %dot_general3A_3339 {dimension_numbers = #tpu.dot_dimension_numbers<[1], [0], [0], [1], [0, 0, 1, 1], [], []>, transpose_lhs_hint = false} : vector<16x200xf32>, vector<200x256xf32>, vector<16x256xf32> -> vector<16x256xf32>
    %add3A_3341 = arith.addf %add3A_3333, %dot_general3A_3340 : vector<16x256xf32>
    %get3A_3342 = arith.constant 26 : index
    %get3A_3343 = arith.constant 0 : index
    %get3A_3344 = arith.constant 0 : index
    %get3A_3345 = vector.load %arg14[%get3A_3342, %get3A_3343, %get3A_3344] : memref<64x200x256xf32, #tpu.memory_space<vmem>>, vector<1x200x256xf32>
    %get3A_3346 = vector.shape_cast %get3A_3345 : vector<1x200x256xf32> to vector<200x256xf32>
    %dot_general3A_3347 = arith.constant dense<0.000000e+00> : vector<16x256xf32>
    %dot_general3A_3348 = tpu.matmul %max3A_1298, %get3A_3346, %dot_general3A_3347 {dimension_numbers = #tpu.dot_dimension_numbers<[1], [0], [0], [1], [0, 0, 1, 1], [], []>, transpose_lhs_hint = false} : vector<16x200xf32>, vector<200x256xf32>, vector<16x256xf32> -> vector<16x256xf32>
    %add3A_3349 = arith.addf %add3A_3341, %dot_general3A_3348 : vector<16x256xf32>
    %get3A_3350 = arith.constant 27 : index
    %get3A_3351 = arith.constant 0 : index
    %get3A_3352 = arith.constant 0 : index
    %get3A_3353 = vector.load %arg14[%get3A_3350, %get3A_3351, %get3A_3352] : memref<64x200x256xf32, #tpu.memory_space<vmem>>, vector<1x200x256xf32>
    %get3A_3354 = vector.shape_cast %get3A_3353 : vector<1x200x256xf32> to vector<200x256xf32>
    %dot_general3A_3355 = arith.constant dense<0.000000e+00> : vector<16x256xf32>
    %dot_general3A_3356 = tpu.matmul %max3A_1346, %get3A_3354, %dot_general3A_3355 {dimension_numbers = #tpu.dot_dimension_numbers<[1], [0], [0], [1], [0, 0, 1, 1], [], []>, transpose_lhs_hint = false} : vector<16x200xf32>, vector<200x256xf32>, vector<16x256xf32> -> vector<16x256xf32>
    %add3A_3357 = arith.addf %add3A_3349, %dot_general3A_3356 : vector<16x256xf32>
    %get3A_3358 = arith.constant 28 : index
    %get3A_3359 = arith.constant 0 : index
    %get3A_3360 = arith.constant 0 : index
    %get3A_3361 = vector.load %arg14[%get3A_3358, %get3A_3359, %get3A_3360] : memref<64x200x256xf32, #tpu.memory_space<vmem>>, vector<1x200x256xf32>
    %get3A_3362 = vector.shape_cast %get3A_3361 : vector<1x200x256xf32> to vector<200x256xf32>
    %dot_general3A_3363 = arith.constant dense<0.000000e+00> : vector<16x256xf32>
    %dot_general3A_3364 = tpu.matmul %max3A_1394, %get3A_3362, %dot_general3A_3363 {dimension_numbers = #tpu.dot_dimension_numbers<[1], [0], [0], [1], [0, 0, 1, 1], [], []>, transpose_lhs_hint = false} : vector<16x200xf32>, vector<200x256xf32>, vector<16x256xf32> -> vector<16x256xf32>
    %add3A_3365 = arith.addf %add3A_3357, %dot_general3A_3364 : vector<16x256xf32>
    %get3A_3366 = arith.constant 29 : index
    %get3A_3367 = arith.constant 0 : index
    %get3A_3368 = arith.constant 0 : index
    %get3A_3369 = vector.load %arg14[%get3A_3366, %get3A_3367, %get3A_3368] : memref<64x200x256xf32, #tpu.memory_space<vmem>>, vector<1x200x256xf32>
    %get3A_3370 = vector.shape_cast %get3A_3369 : vector<1x200x256xf32> to vector<200x256xf32>
    %dot_general3A_3371 = arith.constant dense<0.000000e+00> : vector<16x256xf32>
    %dot_general3A_3372 = tpu.matmul %max3A_1442, %get3A_3370, %dot_general3A_3371 {dimension_numbers = #tpu.dot_dimension_numbers<[1], [0], [0], [1], [0, 0, 1, 1], [], []>, transpose_lhs_hint = false} : vector<16x200xf32>, vector<200x256xf32>, vector<16x256xf32> -> vector<16x256xf32>
    %add3A_3373 = arith.addf %add3A_3365, %dot_general3A_3372 : vector<16x256xf32>
    %get3A_3374 = arith.constant 30 : index
    %get3A_3375 = arith.constant 0 : index
    %get3A_3376 = arith.constant 0 : index
    %get3A_3377 = vector.load %arg14[%get3A_3374, %get3A_3375, %get3A_3376] : memref<64x200x256xf32, #tpu.memory_space<vmem>>, vector<1x200x256xf32>
    %get3A_3378 = vector.shape_cast %get3A_3377 : vector<1x200x256xf32> to vector<200x256xf32>
    %dot_general3A_3379 = arith.constant dense<0.000000e+00> : vector<16x256xf32>
    %dot_general3A_3380 = tpu.matmul %max3A_1490, %get3A_3378, %dot_general3A_3379 {dimension_numbers = #tpu.dot_dimension_numbers<[1], [0], [0], [1], [0, 0, 1, 1], [], []>, transpose_lhs_hint = false} : vector<16x200xf32>, vector<200x256xf32>, vector<16x256xf32> -> vector<16x256xf32>
    %add3A_3381 = arith.addf %add3A_3373, %dot_general3A_3380 : vector<16x256xf32>
    %get3A_3382 = arith.constant 31 : index
    %get3A_3383 = arith.constant 0 : index
    %get3A_3384 = arith.constant 0 : index
    %get3A_3385 = vector.load %arg14[%get3A_3382, %get3A_3383, %get3A_3384] : memref<64x200x256xf32, #tpu.memory_space<vmem>>, vector<1x200x256xf32>
    %get3A_3386 = vector.shape_cast %get3A_3385 : vector<1x200x256xf32> to vector<200x256xf32>
    %dot_general3A_3387 = arith.constant dense<0.000000e+00> : vector<16x256xf32>
    %dot_general3A_3388 = tpu.matmul %max3A_1538, %get3A_3386, %dot_general3A_3387 {dimension_numbers = #tpu.dot_dimension_numbers<[1], [0], [0], [1], [0, 0, 1, 1], [], []>, transpose_lhs_hint = false} : vector<16x200xf32>, vector<200x256xf32>, vector<16x256xf32> -> vector<16x256xf32>
    %add3A_3389 = arith.addf %add3A_3381, %dot_general3A_3388 : vector<16x256xf32>
    %get3A_3390 = arith.constant 32 : index
    %get3A_3391 = arith.constant 0 : index
    %get3A_3392 = arith.constant 0 : index
    %get3A_3393 = vector.load %arg14[%get3A_3390, %get3A_3391, %get3A_3392] : memref<64x200x256xf32, #tpu.memory_space<vmem>>, vector<1x200x256xf32>
    %get3A_3394 = vector.shape_cast %get3A_3393 : vector<1x200x256xf32> to vector<200x256xf32>
    %dot_general3A_3395 = arith.constant dense<0.000000e+00> : vector<16x256xf32>
    %dot_general3A_3396 = tpu.matmul %max3A_1586, %get3A_3394, %dot_general3A_3395 {dimension_numbers = #tpu.dot_dimension_numbers<[1], [0], [0], [1], [0, 0, 1, 1], [], []>, transpose_lhs_hint = false} : vector<16x200xf32>, vector<200x256xf32>, vector<16x256xf32> -> vector<16x256xf32>
    %add3A_3397 = arith.addf %add3A_3389, %dot_general3A_3396 : vector<16x256xf32>
    %get3A_3398 = arith.constant 33 : index
    %get3A_3399 = arith.constant 0 : index
    %get3A_3400 = arith.constant 0 : index
    %get3A_3401 = vector.load %arg14[%get3A_3398, %get3A_3399, %get3A_3400] : memref<64x200x256xf32, #tpu.memory_space<vmem>>, vector<1x200x256xf32>
    %get3A_3402 = vector.shape_cast %get3A_3401 : vector<1x200x256xf32> to vector<200x256xf32>
    %dot_general3A_3403 = arith.constant dense<0.000000e+00> : vector<16x256xf32>
    %dot_general3A_3404 = tpu.matmul %max3A_1634, %get3A_3402, %dot_general3A_3403 {dimension_numbers = #tpu.dot_dimension_numbers<[1], [0], [0], [1], [0, 0, 1, 1], [], []>, transpose_lhs_hint = false} : vector<16x200xf32>, vector<200x256xf32>, vector<16x256xf32> -> vector<16x256xf32>
    %add3A_3405 = arith.addf %add3A_3397, %dot_general3A_3404 : vector<16x256xf32>
    %get3A_3406 = arith.constant 34 : index
    %get3A_3407 = arith.constant 0 : index
    %get3A_3408 = arith.constant 0 : index
    %get3A_3409 = vector.load %arg14[%get3A_3406, %get3A_3407, %get3A_3408] : memref<64x200x256xf32, #tpu.memory_space<vmem>>, vector<1x200x256xf32>
    %get3A_3410 = vector.shape_cast %get3A_3409 : vector<1x200x256xf32> to vector<200x256xf32>
    %dot_general3A_3411 = arith.constant dense<0.000000e+00> : vector<16x256xf32>
    %dot_general3A_3412 = tpu.matmul %max3A_1682, %get3A_3410, %dot_general3A_3411 {dimension_numbers = #tpu.dot_dimension_numbers<[1], [0], [0], [1], [0, 0, 1, 1], [], []>, transpose_lhs_hint = false} : vector<16x200xf32>, vector<200x256xf32>, vector<16x256xf32> -> vector<16x256xf32>
    %add3A_3413 = arith.addf %add3A_3405, %dot_general3A_3412 : vector<16x256xf32>
    %get3A_3414 = arith.constant 35 : index
    %get3A_3415 = arith.constant 0 : index
    %get3A_3416 = arith.constant 0 : index
    %get3A_3417 = vector.load %arg14[%get3A_3414, %get3A_3415, %get3A_3416] : memref<64x200x256xf32, #tpu.memory_space<vmem>>, vector<1x200x256xf32>
    %get3A_3418 = vector.shape_cast %get3A_3417 : vector<1x200x256xf32> to vector<200x256xf32>
    %dot_general3A_3419 = arith.constant dense<0.000000e+00> : vector<16x256xf32>
    %dot_general3A_3420 = tpu.matmul %max3A_1730, %get3A_3418, %dot_general3A_3419 {dimension_numbers = #tpu.dot_dimension_numbers<[1], [0], [0], [1], [0, 0, 1, 1], [], []>, transpose_lhs_hint = false} : vector<16x200xf32>, vector<200x256xf32>, vector<16x256xf32> -> vector<16x256xf32>
    %add3A_3421 = arith.addf %add3A_3413, %dot_general3A_3420 : vector<16x256xf32>
    %get3A_3422 = arith.constant 36 : index
    %get3A_3423 = arith.constant 0 : index
    %get3A_3424 = arith.constant 0 : index
    %get3A_3425 = vector.load %arg14[%get3A_3422, %get3A_3423, %get3A_3424] : memref<64x200x256xf32, #tpu.memory_space<vmem>>, vector<1x200x256xf32>
    %get3A_3426 = vector.shape_cast %get3A_3425 : vector<1x200x256xf32> to vector<200x256xf32>
    %dot_general3A_3427 = arith.constant dense<0.000000e+00> : vector<16x256xf32>
    %dot_general3A_3428 = tpu.matmul %max3A_1778, %get3A_3426, %dot_general3A_3427 {dimension_numbers = #tpu.dot_dimension_numbers<[1], [0], [0], [1], [0, 0, 1, 1], [], []>, transpose_lhs_hint = false} : vector<16x200xf32>, vector<200x256xf32>, vector<16x256xf32> -> vector<16x256xf32>
    %add3A_3429 = arith.addf %add3A_3421, %dot_general3A_3428 : vector<16x256xf32>
    %get3A_3430 = arith.constant 37 : index
    %get3A_3431 = arith.constant 0 : index
    %get3A_3432 = arith.constant 0 : index
    %get3A_3433 = vector.load %arg14[%get3A_3430, %get3A_3431, %get3A_3432] : memref<64x200x256xf32, #tpu.memory_space<vmem>>, vector<1x200x256xf32>
    %get3A_3434 = vector.shape_cast %get3A_3433 : vector<1x200x256xf32> to vector<200x256xf32>
    %dot_general3A_3435 = arith.constant dense<0.000000e+00> : vector<16x256xf32>
    %dot_general3A_3436 = tpu.matmul %max3A_1826, %get3A_3434, %dot_general3A_3435 {dimension_numbers = #tpu.dot_dimension_numbers<[1], [0], [0], [1], [0, 0, 1, 1], [], []>, transpose_lhs_hint = false} : vector<16x200xf32>, vector<200x256xf32>, vector<16x256xf32> -> vector<16x256xf32>
    %add3A_3437 = arith.addf %add3A_3429, %dot_general3A_3436 : vector<16x256xf32>
    %get3A_3438 = arith.constant 38 : index
    %get3A_3439 = arith.constant 0 : index
    %get3A_3440 = arith.constant 0 : index
    %get3A_3441 = vector.load %arg14[%get3A_3438, %get3A_3439, %get3A_3440] : memref<64x200x256xf32, #tpu.memory_space<vmem>>, vector<1x200x256xf32>
    %get3A_3442 = vector.shape_cast %get3A_3441 : vector<1x200x256xf32> to vector<200x256xf32>
    %dot_general3A_3443 = arith.constant dense<0.000000e+00> : vector<16x256xf32>
    %dot_general3A_3444 = tpu.matmul %max3A_1874, %get3A_3442, %dot_general3A_3443 {dimension_numbers = #tpu.dot_dimension_numbers<[1], [0], [0], [1], [0, 0, 1, 1], [], []>, transpose_lhs_hint = false} : vector<16x200xf32>, vector<200x256xf32>, vector<16x256xf32> -> vector<16x256xf32>
    %add3A_3445 = arith.addf %add3A_3437, %dot_general3A_3444 : vector<16x256xf32>
    %get3A_3446 = arith.constant 39 : index
    %get3A_3447 = arith.constant 0 : index
    %get3A_3448 = arith.constant 0 : index
    %get3A_3449 = vector.load %arg14[%get3A_3446, %get3A_3447, %get3A_3448] : memref<64x200x256xf32, #tpu.memory_space<vmem>>, vector<1x200x256xf32>
    %get3A_3450 = vector.shape_cast %get3A_3449 : vector<1x200x256xf32> to vector<200x256xf32>
    %dot_general3A_3451 = arith.constant dense<0.000000e+00> : vector<16x256xf32>
    %dot_general3A_3452 = tpu.matmul %max3A_1922, %get3A_3450, %dot_general3A_3451 {dimension_numbers = #tpu.dot_dimension_numbers<[1], [0], [0], [1], [0, 0, 1, 1], [], []>, transpose_lhs_hint = false} : vector<16x200xf32>, vector<200x256xf32>, vector<16x256xf32> -> vector<16x256xf32>
    %add3A_3453 = arith.addf %add3A_3445, %dot_general3A_3452 : vector<16x256xf32>
    %get3A_3454 = arith.constant 40 : index
    %get3A_3455 = arith.constant 0 : index
    %get3A_3456 = arith.constant 0 : index
    %get3A_3457 = vector.load %arg14[%get3A_3454, %get3A_3455, %get3A_3456] : memref<64x200x256xf32, #tpu.memory_space<vmem>>, vector<1x200x256xf32>
    %get3A_3458 = vector.shape_cast %get3A_3457 : vector<1x200x256xf32> to vector<200x256xf32>
    %dot_general3A_3459 = arith.constant dense<0.000000e+00> : vector<16x256xf32>
    %dot_general3A_3460 = tpu.matmul %max3A_1970, %get3A_3458, %dot_general3A_3459 {dimension_numbers = #tpu.dot_dimension_numbers<[1], [0], [0], [1], [0, 0, 1, 1], [], []>, transpose_lhs_hint = false} : vector<16x200xf32>, vector<200x256xf32>, vector<16x256xf32> -> vector<16x256xf32>
    %add3A_3461 = arith.addf %add3A_3453, %dot_general3A_3460 : vector<16x256xf32>
    %get3A_3462 = arith.constant 41 : index
    %get3A_3463 = arith.constant 0 : index
    %get3A_3464 = arith.constant 0 : index
    %get3A_3465 = vector.load %arg14[%get3A_3462, %get3A_3463, %get3A_3464] : memref<64x200x256xf32, #tpu.memory_space<vmem>>, vector<1x200x256xf32>
    %get3A_3466 = vector.shape_cast %get3A_3465 : vector<1x200x256xf32> to vector<200x256xf32>
    %dot_general3A_3467 = arith.constant dense<0.000000e+00> : vector<16x256xf32>
    %dot_general3A_3468 = tpu.matmul %max3A_2018, %get3A_3466, %dot_general3A_3467 {dimension_numbers = #tpu.dot_dimension_numbers<[1], [0], [0], [1], [0, 0, 1, 1], [], []>, transpose_lhs_hint = false} : vector<16x200xf32>, vector<200x256xf32>, vector<16x256xf32> -> vector<16x256xf32>
    %add3A_3469 = arith.addf %add3A_3461, %dot_general3A_3468 : vector<16x256xf32>
    %get3A_3470 = arith.constant 42 : index
    %get3A_3471 = arith.constant 0 : index
    %get3A_3472 = arith.constant 0 : index
    %get3A_3473 = vector.load %arg14[%get3A_3470, %get3A_3471, %get3A_3472] : memref<64x200x256xf32, #tpu.memory_space<vmem>>, vector<1x200x256xf32>
    %get3A_3474 = vector.shape_cast %get3A_3473 : vector<1x200x256xf32> to vector<200x256xf32>
    %dot_general3A_3475 = arith.constant dense<0.000000e+00> : vector<16x256xf32>
    %dot_general3A_3476 = tpu.matmul %max3A_2066, %get3A_3474, %dot_general3A_3475 {dimension_numbers = #tpu.dot_dimension_numbers<[1], [0], [0], [1], [0, 0, 1, 1], [], []>, transpose_lhs_hint = false} : vector<16x200xf32>, vector<200x256xf32>, vector<16x256xf32> -> vector<16x256xf32>
    %add3A_3477 = arith.addf %add3A_3469, %dot_general3A_3476 : vector<16x256xf32>
    %get3A_3478 = arith.constant 43 : index
    %get3A_3479 = arith.constant 0 : index
    %get3A_3480 = arith.constant 0 : index
    %get3A_3481 = vector.load %arg14[%get3A_3478, %get3A_3479, %get3A_3480] : memref<64x200x256xf32, #tpu.memory_space<vmem>>, vector<1x200x256xf32>
    %get3A_3482 = vector.shape_cast %get3A_3481 : vector<1x200x256xf32> to vector<200x256xf32>
    %dot_general3A_3483 = arith.constant dense<0.000000e+00> : vector<16x256xf32>
    %dot_general3A_3484 = tpu.matmul %max3A_2114, %get3A_3482, %dot_general3A_3483 {dimension_numbers = #tpu.dot_dimension_numbers<[1], [0], [0], [1], [0, 0, 1, 1], [], []>, transpose_lhs_hint = false} : vector<16x200xf32>, vector<200x256xf32>, vector<16x256xf32> -> vector<16x256xf32>
    %add3A_3485 = arith.addf %add3A_3477, %dot_general3A_3484 : vector<16x256xf32>
    %get3A_3486 = arith.constant 44 : index
    %get3A_3487 = arith.constant 0 : index
    %get3A_3488 = arith.constant 0 : index
    %get3A_3489 = vector.load %arg14[%get3A_3486, %get3A_3487, %get3A_3488] : memref<64x200x256xf32, #tpu.memory_space<vmem>>, vector<1x200x256xf32>
    %get3A_3490 = vector.shape_cast %get3A_3489 : vector<1x200x256xf32> to vector<200x256xf32>
    %dot_general3A_3491 = arith.constant dense<0.000000e+00> : vector<16x256xf32>
    %dot_general3A_3492 = tpu.matmul %max3A_2162, %get3A_3490, %dot_general3A_3491 {dimension_numbers = #tpu.dot_dimension_numbers<[1], [0], [0], [1], [0, 0, 1, 1], [], []>, transpose_lhs_hint = false} : vector<16x200xf32>, vector<200x256xf32>, vector<16x256xf32> -> vector<16x256xf32>
    %add3A_3493 = arith.addf %add3A_3485, %dot_general3A_3492 : vector<16x256xf32>
    %get3A_3494 = arith.constant 45 : index
    %get3A_3495 = arith.constant 0 : index
    %get3A_3496 = arith.constant 0 : index
    %get3A_3497 = vector.load %arg14[%get3A_3494, %get3A_3495, %get3A_3496] : memref<64x200x256xf32, #tpu.memory_space<vmem>>, vector<1x200x256xf32>
    %get3A_3498 = vector.shape_cast %get3A_3497 : vector<1x200x256xf32> to vector<200x256xf32>
    %dot_general3A_3499 = arith.constant dense<0.000000e+00> : vector<16x256xf32>
    %dot_general3A_3500 = tpu.matmul %max3A_2210, %get3A_3498, %dot_general3A_3499 {dimension_numbers = #tpu.dot_dimension_numbers<[1], [0], [0], [1], [0, 0, 1, 1], [], []>, transpose_lhs_hint = false} : vector<16x200xf32>, vector<200x256xf32>, vector<16x256xf32> -> vector<16x256xf32>
    %add3A_3501 = arith.addf %add3A_3493, %dot_general3A_3500 : vector<16x256xf32>
    %get3A_3502 = arith.constant 46 : index
    %get3A_3503 = arith.constant 0 : index
    %get3A_3504 = arith.constant 0 : index
    %get3A_3505 = vector.load %arg14[%get3A_3502, %get3A_3503, %get3A_3504] : memref<64x200x256xf32, #tpu.memory_space<vmem>>, vector<1x200x256xf32>
    %get3A_3506 = vector.shape_cast %get3A_3505 : vector<1x200x256xf32> to vector<200x256xf32>
    %dot_general3A_3507 = arith.constant dense<0.000000e+00> : vector<16x256xf32>
    %dot_general3A_3508 = tpu.matmul %max3A_2258, %get3A_3506, %dot_general3A_3507 {dimension_numbers = #tpu.dot_dimension_numbers<[1], [0], [0], [1], [0, 0, 1, 1], [], []>, transpose_lhs_hint = false} : vector<16x200xf32>, vector<200x256xf32>, vector<16x256xf32> -> vector<16x256xf32>
    %add3A_3509 = arith.addf %add3A_3501, %dot_general3A_3508 : vector<16x256xf32>
    %get3A_3510 = arith.constant 47 : index
    %get3A_3511 = arith.constant 0 : index
    %get3A_3512 = arith.constant 0 : index
    %get3A_3513 = vector.load %arg14[%get3A_3510, %get3A_3511, %get3A_3512] : memref<64x200x256xf32, #tpu.memory_space<vmem>>, vector<1x200x256xf32>
    %get3A_3514 = vector.shape_cast %get3A_3513 : vector<1x200x256xf32> to vector<200x256xf32>
    %dot_general3A_3515 = arith.constant dense<0.000000e+00> : vector<16x256xf32>
    %dot_general3A_3516 = tpu.matmul %max3A_2306, %get3A_3514, %dot_general3A_3515 {dimension_numbers = #tpu.dot_dimension_numbers<[1], [0], [0], [1], [0, 0, 1, 1], [], []>, transpose_lhs_hint = false} : vector<16x200xf32>, vector<200x256xf32>, vector<16x256xf32> -> vector<16x256xf32>
    %add3A_3517 = arith.addf %add3A_3509, %dot_general3A_3516 : vector<16x256xf32>
    %get3A_3518 = arith.constant 48 : index
    %get3A_3519 = arith.constant 0 : index
    %get3A_3520 = arith.constant 0 : index
    %get3A_3521 = vector.load %arg14[%get3A_3518, %get3A_3519, %get3A_3520] : memref<64x200x256xf32, #tpu.memory_space<vmem>>, vector<1x200x256xf32>
    %get3A_3522 = vector.shape_cast %get3A_3521 : vector<1x200x256xf32> to vector<200x256xf32>
    %dot_general3A_3523 = arith.constant dense<0.000000e+00> : vector<16x256xf32>
    %dot_general3A_3524 = tpu.matmul %max3A_2354, %get3A_3522, %dot_general3A_3523 {dimension_numbers = #tpu.dot_dimension_numbers<[1], [0], [0], [1], [0, 0, 1, 1], [], []>, transpose_lhs_hint = false} : vector<16x200xf32>, vector<200x256xf32>, vector<16x256xf32> -> vector<16x256xf32>
    %add3A_3525 = arith.addf %add3A_3517, %dot_general3A_3524 : vector<16x256xf32>
    %get3A_3526 = arith.constant 49 : index
    %get3A_3527 = arith.constant 0 : index
    %get3A_3528 = arith.constant 0 : index
    %get3A_3529 = vector.load %arg14[%get3A_3526, %get3A_3527, %get3A_3528] : memref<64x200x256xf32, #tpu.memory_space<vmem>>, vector<1x200x256xf32>
    %get3A_3530 = vector.shape_cast %get3A_3529 : vector<1x200x256xf32> to vector<200x256xf32>
    %dot_general3A_3531 = arith.constant dense<0.000000e+00> : vector<16x256xf32>
    %dot_general3A_3532 = tpu.matmul %max3A_2402, %get3A_3530, %dot_general3A_3531 {dimension_numbers = #tpu.dot_dimension_numbers<[1], [0], [0], [1], [0, 0, 1, 1], [], []>, transpose_lhs_hint = false} : vector<16x200xf32>, vector<200x256xf32>, vector<16x256xf32> -> vector<16x256xf32>
    %add3A_3533 = arith.addf %add3A_3525, %dot_general3A_3532 : vector<16x256xf32>
    %get3A_3534 = arith.constant 50 : index
    %get3A_3535 = arith.constant 0 : index
    %get3A_3536 = arith.constant 0 : index
    %get3A_3537 = vector.load %arg14[%get3A_3534, %get3A_3535, %get3A_3536] : memref<64x200x256xf32, #tpu.memory_space<vmem>>, vector<1x200x256xf32>
    %get3A_3538 = vector.shape_cast %get3A_3537 : vector<1x200x256xf32> to vector<200x256xf32>
    %dot_general3A_3539 = arith.constant dense<0.000000e+00> : vector<16x256xf32>
    %dot_general3A_3540 = tpu.matmul %max3A_2450, %get3A_3538, %dot_general3A_3539 {dimension_numbers = #tpu.dot_dimension_numbers<[1], [0], [0], [1], [0, 0, 1, 1], [], []>, transpose_lhs_hint = false} : vector<16x200xf32>, vector<200x256xf32>, vector<16x256xf32> -> vector<16x256xf32>
    %add3A_3541 = arith.addf %add3A_3533, %dot_general3A_3540 : vector<16x256xf32>
    %get3A_3542 = arith.constant 51 : index
    %get3A_3543 = arith.constant 0 : index
    %get3A_3544 = arith.constant 0 : index
    %get3A_3545 = vector.load %arg14[%get3A_3542, %get3A_3543, %get3A_3544] : memref<64x200x256xf32, #tpu.memory_space<vmem>>, vector<1x200x256xf32>
    %get3A_3546 = vector.shape_cast %get3A_3545 : vector<1x200x256xf32> to vector<200x256xf32>
    %dot_general3A_3547 = arith.constant dense<0.000000e+00> : vector<16x256xf32>
    %dot_general3A_3548 = tpu.matmul %max3A_2498, %get3A_3546, %dot_general3A_3547 {dimension_numbers = #tpu.dot_dimension_numbers<[1], [0], [0], [1], [0, 0, 1, 1], [], []>, transpose_lhs_hint = false} : vector<16x200xf32>, vector<200x256xf32>, vector<16x256xf32> -> vector<16x256xf32>
    %add3A_3549 = arith.addf %add3A_3541, %dot_general3A_3548 : vector<16x256xf32>
    %get3A_3550 = arith.constant 52 : index
    %get3A_3551 = arith.constant 0 : index
    %get3A_3552 = arith.constant 0 : index
    %get3A_3553 = vector.load %arg14[%get3A_3550, %get3A_3551, %get3A_3552] : memref<64x200x256xf32, #tpu.memory_space<vmem>>, vector<1x200x256xf32>
    %get3A_3554 = vector.shape_cast %get3A_3553 : vector<1x200x256xf32> to vector<200x256xf32>
    %dot_general3A_3555 = arith.constant dense<0.000000e+00> : vector<16x256xf32>
    %dot_general3A_3556 = tpu.matmul %max3A_2546, %get3A_3554, %dot_general3A_3555 {dimension_numbers = #tpu.dot_dimension_numbers<[1], [0], [0], [1], [0, 0, 1, 1], [], []>, transpose_lhs_hint = false} : vector<16x200xf32>, vector<200x256xf32>, vector<16x256xf32> -> vector<16x256xf32>
    %add3A_3557 = arith.addf %add3A_3549, %dot_general3A_3556 : vector<16x256xf32>
    %get3A_3558 = arith.constant 53 : index
    %get3A_3559 = arith.constant 0 : index
    %get3A_3560 = arith.constant 0 : index
    %get3A_3561 = vector.load %arg14[%get3A_3558, %get3A_3559, %get3A_3560] : memref<64x200x256xf32, #tpu.memory_space<vmem>>, vector<1x200x256xf32>
    %get3A_3562 = vector.shape_cast %get3A_3561 : vector<1x200x256xf32> to vector<200x256xf32>
    %dot_general3A_3563 = arith.constant dense<0.000000e+00> : vector<16x256xf32>
    %dot_general3A_3564 = tpu.matmul %max3A_2594, %get3A_3562, %dot_general3A_3563 {dimension_numbers = #tpu.dot_dimension_numbers<[1], [0], [0], [1], [0, 0, 1, 1], [], []>, transpose_lhs_hint = false} : vector<16x200xf32>, vector<200x256xf32>, vector<16x256xf32> -> vector<16x256xf32>
    %add3A_3565 = arith.addf %add3A_3557, %dot_general3A_3564 : vector<16x256xf32>
    %get3A_3566 = arith.constant 54 : index
    %get3A_3567 = arith.constant 0 : index
    %get3A_3568 = arith.constant 0 : index
    %get3A_3569 = vector.load %arg14[%get3A_3566, %get3A_3567, %get3A_3568] : memref<64x200x256xf32, #tpu.memory_space<vmem>>, vector<1x200x256xf32>
    %get3A_3570 = vector.shape_cast %get3A_3569 : vector<1x200x256xf32> to vector<200x256xf32>
    %dot_general3A_3571 = arith.constant dense<0.000000e+00> : vector<16x256xf32>
    %dot_general3A_3572 = tpu.matmul %max3A_2642, %get3A_3570, %dot_general3A_3571 {dimension_numbers = #tpu.dot_dimension_numbers<[1], [0], [0], [1], [0, 0, 1, 1], [], []>, transpose_lhs_hint = false} : vector<16x200xf32>, vector<200x256xf32>, vector<16x256xf32> -> vector<16x256xf32>
    %add3A_3573 = arith.addf %add3A_3565, %dot_general3A_3572 : vector<16x256xf32>
    %get3A_3574 = arith.constant 55 : index
    %get3A_3575 = arith.constant 0 : index
    %get3A_3576 = arith.constant 0 : index
    %get3A_3577 = vector.load %arg14[%get3A_3574, %get3A_3575, %get3A_3576] : memref<64x200x256xf32, #tpu.memory_space<vmem>>, vector<1x200x256xf32>
    %get3A_3578 = vector.shape_cast %get3A_3577 : vector<1x200x256xf32> to vector<200x256xf32>
    %dot_general3A_3579 = arith.constant dense<0.000000e+00> : vector<16x256xf32>
    %dot_general3A_3580 = tpu.matmul %max3A_2690, %get3A_3578, %dot_general3A_3579 {dimension_numbers = #tpu.dot_dimension_numbers<[1], [0], [0], [1], [0, 0, 1, 1], [], []>, transpose_lhs_hint = false} : vector<16x200xf32>, vector<200x256xf32>, vector<16x256xf32> -> vector<16x256xf32>
    %add3A_3581 = arith.addf %add3A_3573, %dot_general3A_3580 : vector<16x256xf32>
    %get3A_3582 = arith.constant 56 : index
    %get3A_3583 = arith.constant 0 : index
    %get3A_3584 = arith.constant 0 : index
    %get3A_3585 = vector.load %arg14[%get3A_3582, %get3A_3583, %get3A_3584] : memref<64x200x256xf32, #tpu.memory_space<vmem>>, vector<1x200x256xf32>
    %get3A_3586 = vector.shape_cast %get3A_3585 : vector<1x200x256xf32> to vector<200x256xf32>
    %dot_general3A_3587 = arith.constant dense<0.000000e+00> : vector<16x256xf32>
    %dot_general3A_3588 = tpu.matmul %max3A_2738, %get3A_3586, %dot_general3A_3587 {dimension_numbers = #tpu.dot_dimension_numbers<[1], [0], [0], [1], [0, 0, 1, 1], [], []>, transpose_lhs_hint = false} : vector<16x200xf32>, vector<200x256xf32>, vector<16x256xf32> -> vector<16x256xf32>
    %add3A_3589 = arith.addf %add3A_3581, %dot_general3A_3588 : vector<16x256xf32>
    %get3A_3590 = arith.constant 57 : index
    %get3A_3591 = arith.constant 0 : index
    %get3A_3592 = arith.constant 0 : index
    %get3A_3593 = vector.load %arg14[%get3A_3590, %get3A_3591, %get3A_3592] : memref<64x200x256xf32, #tpu.memory_space<vmem>>, vector<1x200x256xf32>
    %get3A_3594 = vector.shape_cast %get3A_3593 : vector<1x200x256xf32> to vector<200x256xf32>
    %dot_general3A_3595 = arith.constant dense<0.000000e+00> : vector<16x256xf32>
    %dot_general3A_3596 = tpu.matmul %max3A_2786, %get3A_3594, %dot_general3A_3595 {dimension_numbers = #tpu.dot_dimension_numbers<[1], [0], [0], [1], [0, 0, 1, 1], [], []>, transpose_lhs_hint = false} : vector<16x200xf32>, vector<200x256xf32>, vector<16x256xf32> -> vector<16x256xf32>
    %add3A_3597 = arith.addf %add3A_3589, %dot_general3A_3596 : vector<16x256xf32>
    %get3A_3598 = arith.constant 58 : index
    %get3A_3599 = arith.constant 0 : index
    %get3A_3600 = arith.constant 0 : index
    %get3A_3601 = vector.load %arg14[%get3A_3598, %get3A_3599, %get3A_3600] : memref<64x200x256xf32, #tpu.memory_space<vmem>>, vector<1x200x256xf32>
    %get3A_3602 = vector.shape_cast %get3A_3601 : vector<1x200x256xf32> to vector<200x256xf32>
    %dot_general3A_3603 = arith.constant dense<0.000000e+00> : vector<16x256xf32>
    %dot_general3A_3604 = tpu.matmul %max3A_2834, %get3A_3602, %dot_general3A_3603 {dimension_numbers = #tpu.dot_dimension_numbers<[1], [0], [0], [1], [0, 0, 1, 1], [], []>, transpose_lhs_hint = false} : vector<16x200xf32>, vector<200x256xf32>, vector<16x256xf32> -> vector<16x256xf32>
    %add3A_3605 = arith.addf %add3A_3597, %dot_general3A_3604 : vector<16x256xf32>
    %get3A_3606 = arith.constant 59 : index
    %get3A_3607 = arith.constant 0 : index
    %get3A_3608 = arith.constant 0 : index
    %get3A_3609 = vector.load %arg14[%get3A_3606, %get3A_3607, %get3A_3608] : memref<64x200x256xf32, #tpu.memory_space<vmem>>, vector<1x200x256xf32>
    %get3A_3610 = vector.shape_cast %get3A_3609 : vector<1x200x256xf32> to vector<200x256xf32>
    %dot_general3A_3611 = arith.constant dense<0.000000e+00> : vector<16x256xf32>
    %dot_general3A_3612 = tpu.matmul %max3A_2882, %get3A_3610, %dot_general3A_3611 {dimension_numbers = #tpu.dot_dimension_numbers<[1], [0], [0], [1], [0, 0, 1, 1], [], []>, transpose_lhs_hint = false} : vector<16x200xf32>, vector<200x256xf32>, vector<16x256xf32> -> vector<16x256xf32>
    %add3A_3613 = arith.addf %add3A_3605, %dot_general3A_3612 : vector<16x256xf32>
    %get3A_3614 = arith.constant 60 : index
    %get3A_3615 = arith.constant 0 : index
    %get3A_3616 = arith.constant 0 : index
    %get3A_3617 = vector.load %arg14[%get3A_3614, %get3A_3615, %get3A_3616] : memref<64x200x256xf32, #tpu.memory_space<vmem>>, vector<1x200x256xf32>
    %get3A_3618 = vector.shape_cast %get3A_3617 : vector<1x200x256xf32> to vector<200x256xf32>
    %dot_general3A_3619 = arith.constant dense<0.000000e+00> : vector<16x256xf32>
    %dot_general3A_3620 = tpu.matmul %max3A_2930, %get3A_3618, %dot_general3A_3619 {dimension_numbers = #tpu.dot_dimension_numbers<[1], [0], [0], [1], [0, 0, 1, 1], [], []>, transpose_lhs_hint = false} : vector<16x200xf32>, vector<200x256xf32>, vector<16x256xf32> -> vector<16x256xf32>
    %add3A_3621 = arith.addf %add3A_3613, %dot_general3A_3620 : vector<16x256xf32>
    %get3A_3622 = arith.constant 61 : index
    %get3A_3623 = arith.constant 0 : index
    %get3A_3624 = arith.constant 0 : index
    %get3A_3625 = vector.load %arg14[%get3A_3622, %get3A_3623, %get3A_3624] : memref<64x200x256xf32, #tpu.memory_space<vmem>>, vector<1x200x256xf32>
    %get3A_3626 = vector.shape_cast %get3A_3625 : vector<1x200x256xf32> to vector<200x256xf32>
    %dot_general3A_3627 = arith.constant dense<0.000000e+00> : vector<16x256xf32>
    %dot_general3A_3628 = tpu.matmul %max3A_2978, %get3A_3626, %dot_general3A_3627 {dimension_numbers = #tpu.dot_dimension_numbers<[1], [0], [0], [1], [0, 0, 1, 1], [], []>, transpose_lhs_hint = false} : vector<16x200xf32>, vector<200x256xf32>, vector<16x256xf32> -> vector<16x256xf32>
    %add3A_3629 = arith.addf %add3A_3621, %dot_general3A_3628 : vector<16x256xf32>
    %get3A_3630 = arith.constant 62 : index
    %get3A_3631 = arith.constant 0 : index
    %get3A_3632 = arith.constant 0 : index
    %get3A_3633 = vector.load %arg14[%get3A_3630, %get3A_3631, %get3A_3632] : memref<64x200x256xf32, #tpu.memory_space<vmem>>, vector<1x200x256xf32>
    %get3A_3634 = vector.shape_cast %get3A_3633 : vector<1x200x256xf32> to vector<200x256xf32>
    %dot_general3A_3635 = arith.constant dense<0.000000e+00> : vector<16x256xf32>
    %dot_general3A_3636 = tpu.matmul %max3A_3026, %get3A_3634, %dot_general3A_3635 {dimension_numbers = #tpu.dot_dimension_numbers<[1], [0], [0], [1], [0, 0, 1, 1], [], []>, transpose_lhs_hint = false} : vector<16x200xf32>, vector<200x256xf32>, vector<16x256xf32> -> vector<16x256xf32>
    %add3A_3637 = arith.addf %add3A_3629, %dot_general3A_3636 : vector<16x256xf32>
    %get3A_3638 = arith.constant 63 : index
    %get3A_3639 = arith.constant 0 : index
    %get3A_3640 = arith.constant 0 : index
    %get3A_3641 = vector.load %arg14[%get3A_3638, %get3A_3639, %get3A_3640] : memref<64x200x256xf32, #tpu.memory_space<vmem>>, vector<1x200x256xf32>
    %get3A_3642 = vector.shape_cast %get3A_3641 : vector<1x200x256xf32> to vector<200x256xf32>
    %dot_general3A_3643 = arith.constant dense<0.000000e+00> : vector<16x256xf32>
    %dot_general3A_3644 = tpu.matmul %max3A_3074, %get3A_3642, %dot_general3A_3643 {dimension_numbers = #tpu.dot_dimension_numbers<[1], [0], [0], [1], [0, 0, 1, 1], [], []>, transpose_lhs_hint = false} : vector<16x200xf32>, vector<200x256xf32>, vector<16x256xf32> -> vector<16x256xf32>
    %add3A_3645 = arith.addf %add3A_3637, %dot_general3A_3644 : vector<16x256xf32>
    %get3A_3646 = arith.constant 0 : index
    %get3A_3647 = arith.constant 0 : index
    %get3A_3648 = vector.load %arg15[%get3A_3646, %get3A_3647] : memref<1x256xf32, #tpu.memory_space<vmem>>, vector<1x256xf32>
    %add3A_3649 = vector.broadcast %get3A_3648 : vector<1x256xf32> to vector<16x256xf32>
    %add3A_3650 = arith.addf %add3A_3645, %add3A_3649 : vector<16x256xf32>
    %max3A_3651 = arith.constant 0.000000e+00 : f32
    %max3A_3652 = vector.broadcast %max3A_3651 : f32 to vector<16x256xf32>
    %max3A_3653 = arith.maximumf %add3A_3650, %max3A_3652 : vector<16x256xf32>
    %get3A_3654 = arith.constant 0 : index
    %get3A_3655 = arith.constant 0 : index
    %get3A_3656 = vector.load %arg16[%get3A_3654, %get3A_3655] : memref<256x1xf32, #tpu.memory_space<vmem>>, vector<256x1xf32>
    %dot_general3A_3657 = arith.constant dense<0.000000e+00> : vector<16x1xf32>
    %dot_general3A_3658 = tpu.matmul %max3A_3653, %get3A_3656, %dot_general3A_3657 {dimension_numbers = #tpu.dot_dimension_numbers<[1], [0], [0], [1], [0, 0, 1, 1], [], []>, transpose_lhs_hint = false} : vector<16x256xf32>, vector<256x1xf32>, vector<16x1xf32> -> vector<16x1xf32>
    %get3A_3659 = arith.constant 0 : index
    %get3A_3660 = arith.constant 0 : index
    %get3A_3661 = vector.load %arg17[%get3A_3659, %get3A_3660] : memref<1x1xf32, #tpu.memory_space<vmem>>, vector<1x1xf32>
    %add3A_3662 = vector.broadcast %get3A_3661 : vector<1x1xf32> to vector<16x1xf32>
    %add3A_3663 = arith.addf %dot_general3A_3658, %add3A_3662 : vector<16x1xf32>
    %swap3A = arith.constant 0 : index
    %swap3A_3664 = arith.constant 0 : index
    %swap3A_3665 = vector.load %arg18[%swap3A, %swap3A_3664] : memref<16x1xf32, #tpu.memory_space<vmem>>, vector<16x1xf32>
    tpu.vector_store %arg18[%swap3A, %swap3A_3664], %add3A_3663 {strides = array<i32>} : memref<16x1xf32, #tpu.memory_space<vmem>>, vector<16x1xf32>,
    return
  }
}

</mosaic_0001>

<sc_bundles>
// kernel: kernel.11.cloned.1.call-start
scs
__scs_entry_jumppad:
0x0: {  	(pc) =	sbr.rel $0x88, $3  }
0x1: {  	(tag) =	ssettag $0x0;
	lr =	simm.s32 $0x1  }
0x2: {  	[smem:$0x3F7A] =	sst lr;
	_ =	strace $0xD0000000  }
0x3: {  	_ = 	snop  }
0x4: {  	_ = 	snop  }
0x5: {  	_ = 	snop  }
0x6: {  	_ = 	snop  }
0x7: {  	_ = 	snop  }
__scs_overlays_trampoline_lowered:
0x8: {  	[smem:$0x3F89] =	sst s0  }
0x9: {  	[smem:$0x3F8A] =	sst s1  }
0xa: {  	[smem:$0x3F8B] =	sst s2  }
0xb: {  	[smem:$0x3F8C] =	sst s3  }
0xc: {  	[smem:$0x3F8D] =	sst s4  }
0xd: {  	[smem:$0x3F8E] =	sst s5  }
0xe: {  	[smem:$0x3F8F] =	sst s6  }
0xf: {  	[smem:$0x3F90] =	sst s7  }
0x10: {  	[smem:$0x3F91] =	sst s8  }
0x11: {  	[smem:$0x3F92] =	sst s9;
	s0 =	simm.s32 @!p0 $0x0  }
0x12: {  	s1 =	sld [smem:$0x3F78];
	s0 =	simm.s32 @p0 $0x1  }
0x13: {  	[smem:$0x3F93] =	sst s0;
	s0 =	simm.s32 @!p1 $0x0  }
0x14: {  	s2 =	sld [smem:$0x3F77];
	s0 =	simm.s32 @p1 $0x1  }
0x15: {  	[smem:$0x3F94] =	sst s0;
	s0 =	simm.s32 @!p2 $0x0  }
0x16: {  	s3 =	sld [smem:$0x3FDB];
	s0 =	simm.s32 @p2 $0x1  }
0x17: {  	s4 =	simm.s32 $0x1BF5;
	[smem:$0x3F96] =	sst s0  }
0x18: {  	s0 =	sld [smem:$0x3F79];
	_ =	swait.ge [sflag:s4], $0x0  }
0x19: {  	s7 =	sld [smem:$0x3F7A]  }
0x1a: {  	s8 =	sadd.s32 $0xFFFFE003, lr  }
0x1b: {  	s9 =	sadd.s32 $0xFFFFFEF7, lr;
	s5 =	simm.s32 $0xFFFFFFFF;
	p2 =	slt.u32 s8, $0xFFFFF086  }
0x1c: {  	p1 =	slt.u32 s9, $0xF7A;
	s5 =	simm.s32 @!p2 $0x0  }
0x1d: {  	s5 =	simm.s32 @p1 $0x1;
	p0 =	seq.s32 s7, s2  }
0x1e: {  	s7 =	smul.u32 @!p0 $0xF7A, s2;
	p2 =	seq.s32 @!p0 s5, $0x0  }
0x1f: {  	s9 =	smul.u32 $0xF7A, s1;
	s8 =	simm.s32 @!p0 $0x1BF5;
	p2 =	por !p2, p0  }
0x20: {  	[sflag:s8] =	ssyncset.s32 @!p0 $0xFFFFF086;
	s6 =	sadd.s32 @!p0 s3, s7;
	s7 =	simm.s32 @!p0 $0x108  }
0x21: {  	s3 =	sadd.s32 s3, s9;
	s6 =	sadd.s32 @!p0 $0x88, s6;
	s7 =	simm.s32 @p2 $0x1082  }
0x22: {  	[simem:s7], [sflag:s8] =	dma.local @!p0 [hbm:s6], $0xF7A  }
0x23: {  	s9 =	sor.u32 $0xD0000000, s2;
	s6 =	simm.s32 $0x108;
	_ =	swait.ge @!p0 [sflag:s8], $0x0  }
0x24: {  	s3 =	sadd.s32 $0x88, s3;
	s6 =	simm.s32 @!p1 $0x1082;
	[sflag:s4] =	ssyncset.s32 $0xFFFFF086  }
0x25: {  	[simem:s6], [sflag:s4] =	dma.local [hbm:s3], $0xF7A  }
0x26: {  	[smem:$0x3F7A] =	sst s1;
	(tag) =	ssettag s2;
	_ =	strace s9  }
0x27: {  	s1 =	sld [smem:$0x3F8A]  }
0x28: {  	s2 =	sld [smem:$0x3F8B]  }
0x29: {  	s4 =	sld [smem:$0x3F8D]  }
0x2a: {  	p0 =	seq.s32 s5, $0x0;
	s5 =	sld [smem:$0x3F8E]  }
0x2b: {  	s6 =	sld [smem:$0x3F8F]  }
0x2c: {  	s7 =	sld [smem:$0x3F90]  }
0x2d: {  	s3 =	simm.s32 $0x108;
	s8 =	sld [smem:$0x3F91]  }
0x2e: {  	s3 =	simm.s32 @!p0 $0x1082;
	s9 =	sld [smem:$0x3F92]  }
0x2f: {  	lr =	sadd.s32 s0, s3;
	s0 =	sld [smem:$0x3F89]  }
0x30: {  	s3 =	sld [smem:$0x3F8C]  }
0x31: {  	[smem:$0x3F95] =	sst s10  }
0x32: {  	s10 =	sld [smem:$0x3F93];
	_ =	sdelay $0x3  }
0x33: {  	p0 =	seq.s32 s10, $0x1;
	s10 =	sld [smem:$0x3F95];
	_ =	sdelay $0x3  }
0x34: {  	[smem:$0x3F95] =	sst s10  }
0x35: {  	s10 =	sld [smem:$0x3F94];
	_ =	sdelay $0x3  }
0x36: {  	p1 =	seq.s32 s10, $0x1;
	s10 =	sld [smem:$0x3F95];
	_ =	sdelay $0x3  }
0x37: {  	[smem:$0x3F95] =	sst s10  }
0x38: {  	s10 =	sld [smem:$0x3F96]  }
0x39: {  	_ = 	snop;
	(pc) =	sbr.ind lr, $3  }
0x3a: {  	_ = 	snop  }
0x3b: {  	_ = 	snop  }
0x3c: {  	p2 =	seq.s32 s10, $0x1;
	s10 =	sld [smem:$0x3F95]  }
0x3d: {  	_ =	shalt  }
0x3e: {  	_ =	shalt  }
0x3f: {  	_ =	shalt  }
0x40: {  	_ =	shalt  }
0x41: {  	_ =	shalt  }
0x42: {  	_ =	shalt  }
0x43: {  	_ =	shalt  }
0x44: {  	_ =	shalt  }
0x45: {  	_ =	shalt  }
0x46: {  	_ =	shalt  }
0x47: {  	_ =	shalt  }
0x48: {  	_ =	shalt  }
0x49: {  	_ =	shalt  }
0x4a: {  	_ =	shalt  }
0x4b: {  	_ =	shalt  }
0x4c: {  	_ =	shalt  }
0x4d: {  	_ =	shalt  }
0x4e: {  	_ =	shalt  }
0x4f: {  	_ =	shalt  }
0x50: {  	_ =	shalt  }
0x51: {  	_ =	shalt  }
0x52: {  	_ =	shalt  }
0x53: {  	_ =	shalt  }
0x54: {  	_ =	shalt  }
0x55: {  	_ =	shalt  }
0x56: {  	_ =	shalt  }
0x57: {  	_ =	shalt  }
0x58: {  	_ =	shalt  }
0x59: {  	_ =	shalt  }
0x5a: {  	_ =	shalt  }
0x5b: {  	_ =	shalt  }
0x5c: {  	_ =	shalt  }
0x5d: {  	_ =	shalt  }
0x5e: {  	_ =	shalt  }
0x5f: {  	_ =	shalt  }
0x60: {  	_ =	shalt  }
0x61: {  	_ =	shalt  }
0x62: {  	_ =	shalt  }
0x63: {  	_ =	shalt  }
0x64: {  	_ =	shalt  }
0x65: {  	_ =	shalt  }
0x66: {  	_ =	shalt  }
0x67: {  	_ =	shalt  }
0x68: {  	_ =	shalt  }
0x69: {  	_ =	shalt  }
0x6a: {  	_ =	shalt  }
0x6b: {  	_ =	shalt  }
0x6c: {  	_ =	shalt  }
0x6d: {  	_ =	shalt  }
0x6e: {  	_ =	shalt  }
0x6f: {  	_ =	shalt  }
0x70: {  	_ =	shalt  }
0x71: {  	_ =	shalt  }
0x72: {  	_ =	shalt  }
0x73: {  	_ =	shalt  }
0x74: {  	_ =	shalt  }
0x75: {  	_ =	shalt  }
0x76: {  	_ =	shalt  }
0x77: {  	_ =	shalt  }
0x78: {  	_ =	shalt  }
0x79: {  	_ =	shalt  }
0x7a: {  	_ =	shalt  }
0x7b: {  	_ =	shalt  }
0x7c: {  	_ =	shalt  }
0x7d: {  	_ =	shalt  }
0x7e: {  	_ =	shalt  }
0x7f: {  	_ =	shalt  }
0x80: {  	_ =	shalt  }
0x81: {  	_ =	shalt  }
0x82: {  	_ =	shalt  }
0x83: {  	_ =	shalt  }
0x84: {  	_ =	shalt  }
0x85: {  	_ =	shalt  }
0x86: {  	_ =	shalt  }
0x87: {  	_ =	shalt  }
.Lfunc_end0:
.L_simem_size_0:
called_computation_lowered:
.L_overlay_start_0:
0x88: {  	s2 =	sld [smem:$0x3FD9]  }
0x89: {  	s3 =	sld [smem:$0x3FFE];
	_ =	sdelay $0x1  }
0x8a: {  	s1 =	srdreg.scid  }
0x8b: {  	s0 =	sand.u32 $0x1, s1  }
0x8c: {  	s16 =	sshll.u32 s0, $0xA;
	s2 =	sadd.s32 s3, s2  }
0x8d: {  	s2 =	sadd.s32 s2, s16  }
0x8e: {  	[smem:$0x3FA1] =	sst s2  }
0x8f: {  	_ = 	snop  }
0x90: {  	(tm) =	ssettm $0x1  }
0x91: {  	s17 =	sld [smem:$0x3FFB];
	_ =	sdelay $0x3  }
0x92: {  	_ =	strace s17  }
0x93: {  	s2 =	sld [smem:$0x3FFC];
	_ =	sdelay $0x3  }
0x94: {  	_ =	strace s2  }
0x95: {  	s2 =	sld [smem:$0x3FFD];
	_ =	sdelay $0x3  }
0x96: {  	_ =	strace s2  }
0x97: {  	_ =	strace $0x8FFFFFFF  }
0x98: {  	s18 =	sld [smem:$0x3FDB];
	_ =	sdelay $0x1  }
0x99: {  	s19 =	simm.s32 $_scs_section_size  }
0x9a: {  	s4 =	simm.s32 $_size__tile_overlayer_lowered;
	s5 =	simm.s32 $_tile_overlayer_lowered  }
0x9b: {  	s22 =	simm.s32 $0x1BFF;
	s21 =	sshll.u32 s5, $0x1;
	s2 =	sadd.s32 s19, s18  }
0x9c: {  	s6 =	simm.s32 $0x0;
	s20 =	sshll.u32 s4, $0x1;
	s4 =	sadd.s32 s21, s2  }
0x9d: {  	[timem:s6], [sflag:s22] =	dma.local [hbm:s4], s20  }
0x9e: {  	_ =	swait.ge [sflag:s22], s20  }
0x9f: {  	s3 =	ssub.s32 $0x0, s20;
	[sflag:s22] =	ssyncset.done $0x0  }
0xa0: {  	[sflag:s22] =	ssyncadd.s32 s3;
	_ =	sdelay $0x1  }
0xa1: {  	s23 =	simm.s32 $0x1B8B  }
0xa2: {  	_ =	swait.ge [sflag:s23], $0x1  }
0xa3: {  	[sflag:s23] =	ssyncset.done $0x0  }
0xa4: {  	s25 =	simm.s32 $0x1B8E;
	s24 =	sld [smem:$0x3FFE];
	[sflag:s23] =	ssyncadd.s32 $0xFFFFFFFF  }
0xa5: {  	s26 =	simm.s32 $execute0_lowered;
	[smem:$0x3FD2] =	sst s25  }
0xa6: {  	s4 =	sshll.u32 s26, $0x1;
	_ =	strace $0x80000046;
	[dreg:$0x1] =	wrdreg $0xFFFFFFFF  }
0xa7: {  	s28 =	simm.s32 $_size_execute0_lowered;
	s2 =	sadd.s32 s2, s4;
	[dreg:$0x0] =	wrdreg $0x0  }
0xa8: {  	s4 =	sshll.u32 s28, $0x1;
	[dreg:$0x2] =	wrdreg s2  }
0xa9: {  	[dreg:$0x3] =	wrdreg s4  }
0xaa: {  	[dreg:$0x4] =	wrdreg $0xC0  }
0xab: {  	_ =	task [dreg:s6], $0x5FFFF  }
0xac: {  	[dreg:$0x1] =	wrdreg $0xFFFFFFFF  }
0xad: {  	[dreg:$0x0] =	wrdreg $0x60  }
0xae: {  	[dreg:$0x2] =	wrdreg s24  }
0xaf: {  	[dreg:$0x3] =	wrdreg $0x9  }
0xb0: {  	_ =	task.clear_ibuf [dreg:s6], $0x4FFFF;
	_ =	strace $0x90000046  }
0xb1: {  	s29 =	simm.s32 $0x9;
	_ =	strace $0x80000048  }
0xb2: {  	_ =	swait.ge [sflag:s29], $0x1  }
0xb3: {  	[sflag:s29] =	ssyncadd.s32 $0xFFFFFFFF  }
0xb4: {  	_ =	strace $0x90000048  }
0xb5: {  	_ =	sfence  }
0xb6: {  	s30 =	sld [smem:$0x0];
	_ =	sdelay $0x2  }
0xb7: {  	s31 =	sshll.u32 s1, $0xD;
	s1 =	sshrl.u32 s1, $0x2  }
0xb8: {  	s3 =	sand.u32 $0x4000, s31;
	s1 =	sadd.s32 s1, s30  }
0xb9: {  	s0 =	sor.u32 s3, s0;
	s1 =	sshll.u32 s1, $0x11  }
0xba: {  	s0 =	sor.u32 s1, s0  }
0xbb: {  	s0 =	sadd.s32 $0x8F2B, s0  }
0xbc: {  	[sflag:s0] =	ssyncadd.remote.s32 $0x1  }
0xbd: {  	_ =	sfence.sel $0xFFFF  }
0xbe: {  	[dreg:$0x0] =	wrdreg $0xFFFFFFFF;
	(pc) =	sbr.abs _section_cstart, $3  }
0xbf: {  	[dreg:$0x1] =	wrdreg $0xFFFFFFFF  }
0xc0: {  	_ =	task.clear_ibuf [dreg:s6], $0x2FFFF;
	_ =	strace $0x9FFFFFFF  }
0xc1: {  	(tm) =	ssettm $0x7FFFFFFF  }
tec
execute0_lowered:
.L_overlay_start_1:
0x0: {  	(tag) =	ssettag $0x1  }
0x1: {  	s4 =	rddreg [dreg:$0x0]  }
0x2: {  	s0 =	rddreg [dreg:$0x1];
	s2 =	simm.s32 $0x0;
	s1 =	stileid.u32  }
0x3: {  	s3 =	srdreg.scid;
	s10 =	simm.s32 $0x0;
	s6 =	smul.u32 $0x4E20, s1  }
0x4: {  	[smem:$0x7FF] =	sst s2;
	s5 =	sand.u32 $0x1, s3;
	s8 =	smul.u32 $0x7EF40, s1  }
0x5: {  	s3 =	sadd.s32 $0x58600, s4;
	s7 =	smul.u32 $0x2710, s5;
	s9 =	ssub.s32 $0x2, s5  }
0x6: {  	_ =	strace $0x80000047;
	s5 =	smul.u32 $0x3F7A0, s5;
	s31 =	sshrl.u32 s9, $0x1  }
0x7: {  	s8 =	sadd.s32 s8, s4;
	s6 =	sadd.s32 s7, s6;
	s7 =	ssub.s32 s9, s31  }
0x8: {  	s5 =	sadd.s32 s5, s8;
	s8 =	simm.s32 $0x50;
	s6 =	sshrl.u32 s6, $0x3  }
0x9: {  	s9 =	simm.s32 $0x1;
	s5 =	sadd.s32 $0xABA00, s5;
	s6 =	sadd.s32 s6, s4  }
0xa: {  	s4 =	smax.u32 s7, $0x1;
	s7 =	simm.s32 $0x2;
	s6 =	sadd.s32 $0xA1C00, s6  }
.LBB2_1:
0xb: {  	s11 =	sadd.s32 $0x0, s6  }
0xc: {  	[tilespmem:s2], [sflag:$0x2] =	stream.linear.gather [hbm4b:s11+s2], $0x50, $0x38;
	[tilespmem:$0x4150] =	vst v63  }
0xd: {  	_ =	swait.ge [sflag:s7], $0x50  }
0xe: {  	[sflag:s7] =	ssyncset.done $0x0  }
0xf: {  	[sflag:s7] =	ssyncadd.s32 $0xFFFFFFB0  }
0x10: {  	[tilespmem:s8], [sflag:$0x1] =	stream.indirect.gather [hbm4b:s3+s8], $0xD0, s2, s8, $0xb8;
	[tilespmem:$0x4150] =	vst v63  }
0x11: {  	_ =	swait.ge [sflag:s9], $0x4100  }
0x12: {  	[sflag:s9] =	ssyncset.done $0x0  }
0x13: {  	[sflag:s9] =	ssyncadd.s32 $0xFFFFBF00  }
0x14: {  	[hbm4b:s5+s2] =	stream.linear.scatter [tilespmem:s8], [sflag:$0x2], $0x4100, $0x38;
	[tilespmem:$0x4150] =	vst v63  }
0x15: {  	s12 =	simm.s32 $0xA;
	_ =	swait.ge [sflag:s7], $0x4100  }
0x16: {  	s13 =	simm.s32 $0x14;
	s11 =	sadd.s32 $0x820, s5;
	[sflag:s7] =	ssyncset.done $0x0  }
.LBB2_2:
0x17: {  	s14 =	sadd.s32 s12, s6  }
0x18: {  	[sflag:s7] =	ssyncadd.s32 $0xFFFFBF00;
	s12 =	smov.u32 s13;
	s15 =	sadd.s32 $0xA, s13  }
0x19: {  	[tilespmem:s2], [sflag:$0x2] =	stream.linear.gather [hbm4b:s14+s2], $0x50, $0x38;
	[tilespmem:$0x4150] =	vst v63  }
0x1a: {  	p0 =	sne.s32 s13, $0x4D8;
	_ =	swait.ge [sflag:s7], $0x50  }
0x1b: {  	[sflag:s7] =	ssyncset.done $0x0  }
0x1c: {  	[sflag:s7] =	ssyncadd.s32 $0xFFFFFFB0  }
0x1d: {  	[tilespmem:s8], [sflag:$0x1] =	stream.indirect.gather [hbm4b:s3+s8], $0xD0, s2, s8, $0xb8;
	[tilespmem:$0x4150] =	vst v63  }
0x1e: {  	_ =	swait.ge [sflag:s9], $0x4100  }
.Ltmp0:
0x1f: {  	[sflag:s9] =	ssyncset.done $0x0;
	(pc) =	sbr.rel @p0 .LBB2_2-.Ltmp0, $4  }
0x20: {  	[sflag:s9] =	ssyncadd.s32 $0xFFFFBF00  }
0x21: {  	[hbm4b:s11+s2] =	stream.linear.scatter [tilespmem:s8], [sflag:$0x2], $0x4100, $0x38;
	[tilespmem:$0x4150] =	vst v63  }
0x22: {  	_ =	swait.ge [sflag:s7], $0x4100  }
0x23: {  	s13 =	smov.u32 s15;
	s11 =	sadd.s32 $0x820, s11;
	[sflag:s7] =	ssyncset.done $0x0  }
0x24: {  	s12 =	sadd.s32 s12, s6;
	[sflag:s7] =	ssyncadd.s32 $0xFFFFBF00  }
0x25: {  	[tilespmem:s2], [sflag:$0x2] =	stream.linear.gather [hbm4b:s12+s2], $0x50, $0x38;
	[tilespmem:$0x4150] =	vst v63  }
0x26: {  	_ =	swait.ge [sflag:s7], $0x50  }
0x27: {  	[sflag:s7] =	ssyncset.done $0x0  }
0x28: {  	[sflag:s7] =	ssyncadd.s32 $0xFFFFFFB0  }
0x29: {  	[tilespmem:s8], [sflag:$0x1] =	stream.indirect.gather [hbm4b:s3+s8], $0xD0, s2, s8, $0xb8;
	[tilespmem:$0x4150] =	vst v63  }
0x2a: {  	s10 =	sadd.s32 $0x1, s10;
	_ =	swait.ge [sflag:s9], $0x4100  }
0x2b: {  	p0 =	sne.s32 s10, s4;
	[sflag:s9] =	ssyncset.done $0x0  }
.Ltmp1:
0x2c: {  	[sflag:s9] =	ssyncadd.s32 $0xFFFFBF00;
	(pc) =	sbr.rel @p0 .LBB2_1-.Ltmp1, $4  }
0x2d: {  	[hbm4b:s11+s2] =	stream.linear.scatter [tilespmem:s8], [sflag:$0x2], $0x4100, $0x38;
	[tilespmem:$0x4150] =	vst v63  }
0x2e: {  	_ =	swait.ge [sflag:s7], $0x4100  }
0x2f: {  	[sflag:s7] =	ssyncset.done $0x0  }
0x30: {  	[sflag:s7] =	ssyncadd.s32 $0xFFFFBF00  }
0x31: {  	_ =	sfence.sel $0x180000  }
0x32: {  	[bflag:$0x0] =	sbarrier.arrive $0xFFFF  }
0x33: {  	p0 =	sne.s32 s1, $0x0;
	_ =	strace $0x90000047  }
0x34: {  	s0 =	sadd.s32 @!p0 $0x100000, s0;
	[bflag:$0x2] =	sbarrier.arrive $0xFFFF  }
0x35: {  	[sflag:s0] =	ssyncadd.tile.s32 @!p0 $0x1;
	_ =	shalt  }
.Lfunc_end2:
_tile_overlayer_lowered:
.L_overlay_start_2:
0x36: {  	(tag) =	ssettag $0x2  }
0x37: {  	s0 =	rddreg [dreg:$0x0];
	s2 =	stileid.u32  }
0x38: {  	s1 =	rddreg [dreg:$0x1];
	p0 =	sne.s32 s2, $0x0  }
0x39: {  	s3 =	rddreg [dreg:$0x2];
	[bflag:$0x3] =	sbarrier.arrive $0xFFFF;
	s2 =	simm.s32 @!p0 $0x1C02  }
0x3a: {  	[timem:s3], [sflag:s2] =	dma.local @!p0 [hbm:s0], s1  }
0x3b: {  	s0 =	simm.s32 @!p0 $0x2  }
0x3c: {  	_ =	swait.ge @!p0 [sflag:s0], s1  }
0x3d: {  	s1 =	ssub.s32 @!p0 $0x0, s1;
	[sflag:s0] =	ssyncset.done @!p0 $0x0  }
0x3e: {  	[sflag:s0] =	ssyncadd.s32 @!p0 s1  }
0x3f: {  	[bflag:$0x3] =	sbarrier.arrive $0xFFFF  }
0x40: {  	_ =	shalt  }

// kernel: kernel.14.cloned.1.call-start
scs
__scs_entry_jumppad:
0x0: {  	(pc) =	sbr.rel $0x88, $3  }
0x1: {  	(tag) =	ssettag $0x0;
	lr =	simm.s32 $0x1  }
0x2: {  	[smem:$0x3F7A] =	sst lr;
	_ =	strace $0xD0000000  }
0x3: {  	_ = 	snop  }
0x4: {  	_ = 	snop  }
0x5: {  	_ = 	snop  }
0x6: {  	_ = 	snop  }
0x7: {  	_ = 	snop  }
__scs_overlays_trampoline_lowered:
0x8: {  	[smem:$0x3F89] =	sst s0  }
0x9: {  	[smem:$0x3F8A] =	sst s1  }
0xa: {  	[smem:$0x3F8B] =	sst s2  }
0xb: {  	[smem:$0x3F8C] =	sst s3  }
0xc: {  	[smem:$0x3F8D] =	sst s4  }
0xd: {  	[smem:$0x3F8E] =	sst s5  }
0xe: {  	[smem:$0x3F8F] =	sst s6  }
0xf: {  	[smem:$0x3F90] =	sst s7  }
0x10: {  	[smem:$0x3F91] =	sst s8  }
0x11: {  	[smem:$0x3F92] =	sst s9;
	s0 =	simm.s32 @!p0 $0x0  }
0x12: {  	s1 =	sld [smem:$0x3F78];
	s0 =	simm.s32 @p0 $0x1  }
0x13: {  	[smem:$0x3F93] =	sst s0;
	s0 =	simm.s32 @!p1 $0x0  }
0x14: {  	s2 =	sld [smem:$0x3F77];
	s0 =	simm.s32 @p1 $0x1  }
0x15: {  	[smem:$0x3F94] =	sst s0;
	s0 =	simm.s32 @!p2 $0x0  }
0x16: {  	s3 =	sld [smem:$0x3FDB];
	s0 =	simm.s32 @p2 $0x1  }
0x17: {  	s4 =	simm.s32 $0x1BF5;
	[smem:$0x3F96] =	sst s0  }
0x18: {  	s0 =	sld [smem:$0x3F79];
	_ =	swait.ge [sflag:s4], $0x0  }
0x19: {  	s7 =	sld [smem:$0x3F7A]  }
0x1a: {  	s8 =	sadd.s32 $0xFFFFE003, lr  }
0x1b: {  	s9 =	sadd.s32 $0xFFFFFEF7, lr;
	s5 =	simm.s32 $0xFFFFFFFF;
	p2 =	slt.u32 s8, $0xFFFFF086  }
0x1c: {  	p1 =	slt.u32 s9, $0xF7A;
	s5 =	simm.s32 @!p2 $0x0  }
0x1d: {  	s5 =	simm.s32 @p1 $0x1;
	p0 =	seq.s32 s7, s2  }
0x1e: {  	s7 =	smul.u32 @!p0 $0xF7A, s2;
	p2 =	seq.s32 @!p0 s5, $0x0  }
0x1f: {  	s9 =	smul.u32 $0xF7A, s1;
	s8 =	simm.s32 @!p0 $0x1BF5;
	p2 =	por !p2, p0  }
0x20: {  	[sflag:s8] =	ssyncset.s32 @!p0 $0xFFFFF086;
	s6 =	sadd.s32 @!p0 s3, s7;
	s7 =	simm.s32 @!p0 $0x108  }
0x21: {  	s3 =	sadd.s32 s3, s9;
	s6 =	sadd.s32 @!p0 $0x88, s6;
	s7 =	simm.s32 @p2 $0x1082  }
0x22: {  	[simem:s7], [sflag:s8] =	dma.local @!p0 [hbm:s6], $0xF7A  }
0x23: {  	s9 =	sor.u32 $0xD0000000, s2;
	s6 =	simm.s32 $0x108;
	_ =	swait.ge @!p0 [sflag:s8], $0x0  }
0x24: {  	s3 =	sadd.s32 $0x88, s3;
	s6 =	simm.s32 @!p1 $0x1082;
	[sflag:s4] =	ssyncset.s32 $0xFFFFF086  }
0x25: {  	[simem:s6], [sflag:s4] =	dma.local [hbm:s3], $0xF7A  }
0x26: {  	[smem:$0x3F7A] =	sst s1;
	(tag) =	ssettag s2;
	_ =	strace s9  }
0x27: {  	s1 =	sld [smem:$0x3F8A]  }
0x28: {  	s2 =	sld [smem:$0x3F8B]  }
0x29: {  	s4 =	sld [smem:$0x3F8D]  }
0x2a: {  	p0 =	seq.s32 s5, $0x0;
	s5 =	sld [smem:$0x3F8E]  }
0x2b: {  	s6 =	sld [smem:$0x3F8F]  }
0x2c: {  	s7 =	sld [smem:$0x3F90]  }
0x2d: {  	s3 =	simm.s32 $0x108;
	s8 =	sld [smem:$0x3F91]  }
0x2e: {  	s3 =	simm.s32 @!p0 $0x1082;
	s9 =	sld [smem:$0x3F92]  }
0x2f: {  	lr =	sadd.s32 s0, s3;
	s0 =	sld [smem:$0x3F89]  }
0x30: {  	s3 =	sld [smem:$0x3F8C]  }
0x31: {  	[smem:$0x3F95] =	sst s10  }
0x32: {  	s10 =	sld [smem:$0x3F93];
	_ =	sdelay $0x3  }
0x33: {  	p0 =	seq.s32 s10, $0x1;
	s10 =	sld [smem:$0x3F95];
	_ =	sdelay $0x3  }
0x34: {  	[smem:$0x3F95] =	sst s10  }
0x35: {  	s10 =	sld [smem:$0x3F94];
	_ =	sdelay $0x3  }
0x36: {  	p1 =	seq.s32 s10, $0x1;
	s10 =	sld [smem:$0x3F95];
	_ =	sdelay $0x3  }
0x37: {  	[smem:$0x3F95] =	sst s10  }
0x38: {  	s10 =	sld [smem:$0x3F96]  }
0x39: {  	_ = 	snop;
	(pc) =	sbr.ind lr, $3  }
0x3a: {  	_ = 	snop  }
0x3b: {  	_ = 	snop  }
0x3c: {  	p2 =	seq.s32 s10, $0x1;
	s10 =	sld [smem:$0x3F95]  }
0x3d: {  	_ =	shalt  }
0x3e: {  	_ =	shalt  }
0x3f: {  	_ =	shalt  }
0x40: {  	_ =	shalt  }
0x41: {  	_ =	shalt  }
0x42: {  	_ =	shalt  }
0x43: {  	_ =	shalt  }
0x44: {  	_ =	shalt  }
0x45: {  	_ =	shalt  }
0x46: {  	_ =	shalt  }
0x47: {  	_ =	shalt  }
0x48: {  	_ =	shalt  }
0x49: {  	_ =	shalt  }
0x4a: {  	_ =	shalt  }
0x4b: {  	_ =	shalt  }
0x4c: {  	_ =	shalt  }
0x4d: {  	_ =	shalt  }
0x4e: {  	_ =	shalt  }
0x4f: {  	_ =	shalt  }
0x50: {  	_ =	shalt  }
0x51: {  	_ =	shalt  }
0x52: {  	_ =	shalt  }
0x53: {  	_ =	shalt  }
0x54: {  	_ =	shalt  }
0x55: {  	_ =	shalt  }
0x56: {  	_ =	shalt  }
0x57: {  	_ =	shalt  }
0x58: {  	_ =	shalt  }
0x59: {  	_ =	shalt  }
0x5a: {  	_ =	shalt  }
0x5b: {  	_ =	shalt  }
0x5c: {  	_ =	shalt  }
0x5d: {  	_ =	shalt  }
0x5e: {  	_ =	shalt  }
0x5f: {  	_ =	shalt  }
0x60: {  	_ =	shalt  }
0x61: {  	_ =	shalt  }
0x62: {  	_ =	shalt  }
0x63: {  	_ =	shalt  }
0x64: {  	_ =	shalt  }
0x65: {  	_ =	shalt  }
0x66: {  	_ =	shalt  }
0x67: {  	_ =	shalt  }
0x68: {  	_ =	shalt  }
0x69: {  	_ =	shalt  }
0x6a: {  	_ =	shalt  }
0x6b: {  	_ =	shalt  }
0x6c: {  	_ =	shalt  }
0x6d: {  	_ =	shalt  }
0x6e: {  	_ =	shalt  }
0x6f: {  	_ =	shalt  }
0x70: {  	_ =	shalt  }
0x71: {  	_ =	shalt  }
0x72: {  	_ =	shalt  }
0x73: {  	_ =	shalt  }
0x74: {  	_ =	shalt  }
0x75: {  	_ =	shalt  }
0x76: {  	_ =	shalt  }
0x77: {  	_ =	shalt  }
0x78: {  	_ =	shalt  }
0x79: {  	_ =	shalt  }
0x7a: {  	_ =	shalt  }
0x7b: {  	_ =	shalt  }
0x7c: {  	_ =	shalt  }
0x7d: {  	_ =	shalt  }
0x7e: {  	_ =	shalt  }
0x7f: {  	_ =	shalt  }
0x80: {  	_ =	shalt  }
0x81: {  	_ =	shalt  }
0x82: {  	_ =	shalt  }
0x83: {  	_ =	shalt  }
0x84: {  	_ =	shalt  }
0x85: {  	_ =	shalt  }
0x86: {  	_ =	shalt  }
0x87: {  	_ =	shalt  }
.Lfunc_end0:
.L_simem_size_0:
called_computation.1_lowered:
.L_overlay_start_0:
0x88: {  	s2 =	sld [smem:$0x3FD9]  }
0x89: {  	s3 =	sld [smem:$0x3FFE];
	_ =	sdelay $0x1  }
0x8a: {  	s1 =	srdreg.scid  }
0x8b: {  	s0 =	sand.u32 $0x1, s1  }
0x8c: {  	s16 =	sshll.u32 s0, $0xA;
	s2 =	sadd.s32 s3, s2  }
0x8d: {  	s2 =	sadd.s32 s2, s16  }
0x8e: {  	[smem:$0x3FA1] =	sst s2  }
0x8f: {  	_ = 	snop  }
0x90: {  	(tm) =	ssettm $0x1  }
0x91: {  	s17 =	sld [smem:$0x3FFB];
	_ =	sdelay $0x3  }
0x92: {  	_ =	strace s17  }
0x93: {  	s2 =	sld [smem:$0x3FFC];
	_ =	sdelay $0x3  }
0x94: {  	_ =	strace s2  }
0x95: {  	s2 =	sld [smem:$0x3FFD];
	_ =	sdelay $0x3  }
0x96: {  	_ =	strace s2  }
0x97: {  	_ =	strace $0x8FFFFFFF  }
0x98: {  	s18 =	sld [smem:$0x3FDB];
	_ =	sdelay $0x1  }
0x99: {  	s19 =	simm.s32 $_scs_section_size  }
0x9a: {  	s4 =	simm.s32 $_size__tile_overlayer_lowered;
	s5 =	simm.s32 $_tile_overlayer_lowered  }
0x9b: {  	s22 =	simm.s32 $0x1BFF;
	s21 =	sshll.u32 s5, $0x1;
	s2 =	sadd.s32 s19, s18  }
0x9c: {  	s6 =	simm.s32 $0x0;
	s20 =	sshll.u32 s4, $0x1;
	s4 =	sadd.s32 s21, s2  }
0x9d: {  	[timem:s6], [sflag:s22] =	dma.local [hbm:s4], s20  }
0x9e: {  	_ =	swait.ge [sflag:s22], s20  }
0x9f: {  	s3 =	ssub.s32 $0x0, s20;
	[sflag:s22] =	ssyncset.done $0x0  }
0xa0: {  	[sflag:s22] =	ssyncadd.s32 s3;
	_ =	sdelay $0x1  }
0xa1: {  	s23 =	simm.s32 $0x1B8B  }
0xa2: {  	_ =	swait.ge [sflag:s23], $0x1  }
0xa3: {  	[sflag:s23] =	ssyncset.done $0x0  }
0xa4: {  	s25 =	simm.s32 $0x1B8E;
	s24 =	sld [smem:$0x3FFE];
	[sflag:s23] =	ssyncadd.s32 $0xFFFFFFFF  }
0xa5: {  	s26 =	simm.s32 $execute0_lowered;
	[smem:$0x3FD2] =	sst s25  }
0xa6: {  	s4 =	sshll.u32 s26, $0x1;
	_ =	strace $0x80000049;
	[dreg:$0x1] =	wrdreg $0xFFFFFFFF  }
0xa7: {  	s28 =	simm.s32 $_size_execute0_lowered;
	s2 =	sadd.s32 s2, s4;
	[dreg:$0x0] =	wrdreg $0x0  }
0xa8: {  	s4 =	sshll.u32 s28, $0x1;
	[dreg:$0x2] =	wrdreg s2  }
0xa9: {  	[dreg:$0x3] =	wrdreg s4  }
0xaa: {  	[dreg:$0x4] =	wrdreg $0xC0  }
0xab: {  	_ =	task [dreg:s6], $0x5FFFF  }
0xac: {  	[dreg:$0x1] =	wrdreg $0xFFFFFFFF  }
0xad: {  	[dreg:$0x0] =	wrdreg $0x60  }
0xae: {  	[dreg:$0x2] =	wrdreg s24  }
0xaf: {  	[dreg:$0x3] =	wrdreg $0x9  }
0xb0: {  	_ =	task.clear_ibuf [dreg:s6], $0x4FFFF;
	_ =	strace $0x90000049  }
0xb1: {  	s29 =	simm.s32 $0x9;
	_ =	strace $0x8000004B  }
0xb2: {  	_ =	swait.ge [sflag:s29], $0x1  }
0xb3: {  	[sflag:s29] =	ssyncadd.s32 $0xFFFFFFFF  }
0xb4: {  	_ =	strace $0x9000004B  }
0xb5: {  	_ =	sfence  }
0xb6: {  	s30 =	sld [smem:$0x0];
	_ =	sdelay $0x2  }
0xb7: {  	s31 =	sshll.u32 s1, $0xD;
	s1 =	sshrl.u32 s1, $0x2  }
0xb8: {  	s3 =	sand.u32 $0x4000, s31;
	s1 =	sadd.s32 s1, s30  }
0xb9: {  	s0 =	sor.u32 s3, s0;
	s1 =	sshll.u32 s1, $0x11  }
0xba: {  	s0 =	sor.u32 s1, s0  }
0xbb: {  	s0 =	sadd.s32 $0x8F2B, s0  }
0xbc: {  	[sflag:s0] =	ssyncadd.remote.s32 $0x1  }
0xbd: {  	_ =	sfence.sel $0xFFFF  }
0xbe: {  	[dreg:$0x0] =	wrdreg $0xFFFFFFFF;
	(pc) =	sbr.abs _section_cstart, $3  }
0xbf: {  	[dreg:$0x1] =	wrdreg $0xFFFFFFFF  }
0xc0: {  	_ =	task.clear_ibuf [dreg:s6], $0x2FFFF;
	_ =	strace $0x9FFFFFFF  }
0xc1: {  	(tm) =	ssettm $0x7FFFFFFF  }
tec
execute0_lowered:
.L_overlay_start_1:
0x0: {  	(tag) =	ssettag $0x1  }
0x1: {  	s4 =	rddreg [dreg:$0x0]  }
0x2: {  	s0 =	rddreg [dreg:$0x1];
	s2 =	simm.s32 $0x0;
	s1 =	stileid.u32  }
0x3: {  	s3 =	srdreg.scid;
	s10 =	simm.s32 $0x0;
	s6 =	smul.u32 $0x4E20, s1  }
0x4: {  	[smem:$0x7FF] =	sst s2;
	s5 =	sand.u32 $0x1, s3;
	s8 =	smul.u32 $0x7EF40, s1  }
0x5: {  	s3 =	sadd.s32 $0xABA00, s4;
	s7 =	smul.u32 $0x2710, s5;
	s9 =	ssub.s32 $0x2, s5  }
0x6: {  	_ =	strace $0x8000004A;
	s5 =	smul.u32 $0x3F7A0, s5;
	s31 =	sshrl.u32 s9, $0x1  }
0x7: {  	s8 =	sadd.s32 s8, s4;
	s6 =	sadd.s32 s7, s6;
	s7 =	ssub.s32 s9, s31  }
0x8: {  	s5 =	sadd.s32 s5, s8;
	s8 =	simm.s32 $0x50;
	s6 =	sshrl.u32 s6, $0x3  }
0x9: {  	s9 =	simm.s32 $0x1;
	s5 =	sadd.s32 $0xDA4000, s5;
	s6 =	sadd.s32 s6, s4  }
0xa: {  	s4 =	smax.u32 s7, $0x1;
	s7 =	simm.s32 $0x2;
	s6 =	sadd.s32 $0xA1C00, s6  }
.LBB2_1:
0xb: {  	s11 =	sadd.s32 $0x0, s6  }
0xc: {  	[tilespmem:s2], [sflag:$0x2] =	stream.linear.gather [hbm4b:s11+s2], $0x50, $0x38;
	[tilespmem:$0x4150] =	vst v63  }
0xd: {  	_ =	swait.ge [sflag:s7], $0x50  }
0xe: {  	[sflag:s7] =	ssyncset.done $0x0  }
0xf: {  	[sflag:s7] =	ssyncadd.s32 $0xFFFFFFB0  }
0x10: {  	[tilespmem:s8], [sflag:$0x1] =	stream.indirect.gather [hbm4b:s3+s8], $0xD0, s2, s8, $0xb8;
	[tilespmem:$0x4150] =	vst v63  }
0x11: {  	_ =	swait.ge [sflag:s9], $0x4100  }
0x12: {  	[sflag:s9] =	ssyncset.done $0x0  }
0x13: {  	[sflag:s9] =	ssyncadd.s32 $0xFFFFBF00  }
0x14: {  	[hbm4b:s5+s2] =	stream.linear.scatter [tilespmem:s8], [sflag:$0x2], $0x4100, $0x38;
	[tilespmem:$0x4150] =	vst v63  }
0x15: {  	s12 =	simm.s32 $0xA;
	_ =	swait.ge [sflag:s7], $0x4100  }
0x16: {  	s13 =	simm.s32 $0x14;
	s11 =	sadd.s32 $0x820, s5;
	[sflag:s7] =	ssyncset.done $0x0  }
.LBB2_2:
0x17: {  	s14 =	sadd.s32 s12, s6  }
0x18: {  	[sflag:s7] =	ssyncadd.s32 $0xFFFFBF00;
	s12 =	smov.u32 s13;
	s15 =	sadd.s32 $0xA, s13  }
0x19: {  	[tilespmem:s2], [sflag:$0x2] =	stream.linear.gather [hbm4b:s14+s2], $0x50, $0x38;
	[tilespmem:$0x4150] =	vst v63  }
0x1a: {  	p0 =	sne.s32 s13, $0x4D8;
	_ =	swait.ge [sflag:s7], $0x50  }
0x1b: {  	[sflag:s7] =	ssyncset.done $0x0  }
0x1c: {  	[sflag:s7] =	ssyncadd.s32 $0xFFFFFFB0  }
0x1d: {  	[tilespmem:s8], [sflag:$0x1] =	stream.indirect.gather [hbm4b:s3+s8], $0xD0, s2, s8, $0xb8;
	[tilespmem:$0x4150] =	vst v63  }
0x1e: {  	_ =	swait.ge [sflag:s9], $0x4100  }
.Ltmp0:
0x1f: {  	[sflag:s9] =	ssyncset.done $0x0;
	(pc) =	sbr.rel @p0 .LBB2_2-.Ltmp0, $4  }
0x20: {  	[sflag:s9] =	ssyncadd.s32 $0xFFFFBF00  }
0x21: {  	[hbm4b:s11+s2] =	stream.linear.scatter [tilespmem:s8], [sflag:$0x2], $0x4100, $0x38;
	[tilespmem:$0x4150] =	vst v63  }
0x22: {  	_ =	swait.ge [sflag:s7], $0x4100  }
0x23: {  	s13 =	smov.u32 s15;
	s11 =	sadd.s32 $0x820, s11;
	[sflag:s7] =	ssyncset.done $0x0  }
0x24: {  	s12 =	sadd.s32 s12, s6;
	[sflag:s7] =	ssyncadd.s32 $0xFFFFBF00  }
0x25: {  	[tilespmem:s2], [sflag:$0x2] =	stream.linear.gather [hbm4b:s12+s2], $0x50, $0x38;
	[tilespmem:$0x4150] =	vst v63  }
0x26: {  	_ =	swait.ge [sflag:s7], $0x50  }
0x27: {  	[sflag:s7] =	ssyncset.done $0x0  }
0x28: {  	[sflag:s7] =	ssyncadd.s32 $0xFFFFFFB0  }
0x29: {  	[tilespmem:s8], [sflag:$0x1] =	stream.indirect.gather [hbm4b:s3+s8], $0xD0, s2, s8, $0xb8;
	[tilespmem:$0x4150] =	vst v63  }
0x2a: {  	s10 =	sadd.s32 $0x1, s10;
	_ =	swait.ge [sflag:s9], $0x4100  }
0x2b: {  	p0 =	sne.s32 s10, s4;
	[sflag:s9] =	ssyncset.done $0x0  }
.Ltmp1:
0x2c: {  	[sflag:s9] =	ssyncadd.s32 $0xFFFFBF00;
	(pc) =	sbr.rel @p0 .LBB2_1-.Ltmp1, $4  }
0x2d: {  	[hbm4b:s11+s2] =	stream.linear.scatter [tilespmem:s8], [sflag:$0x2], $0x4100, $0x38;
	[tilespmem:$0x4150] =	vst v63  }
0x2e: {  	_ =	swait.ge [sflag:s7], $0x4100  }
0x2f: {  	[sflag:s7] =	ssyncset.done $0x0  }
0x30: {  	[sflag:s7] =	ssyncadd.s32 $0xFFFFBF00  }
0x31: {  	_ =	sfence.sel $0x180000  }
0x32: {  	[bflag:$0x0] =	sbarrier.arrive $0xFFFF  }
0x33: {  	p0 =	sne.s32 s1, $0x0;
	_ =	strace $0x9000004A  }
0x34: {  	s0 =	sadd.s32 @!p0 $0x100000, s0;
	[bflag:$0x2] =	sbarrier.arrive $0xFFFF  }
0x35: {  	[sflag:s0] =	ssyncadd.tile.s32 @!p0 $0x1;
	_ =	shalt  }
.Lfunc_end2:
_tile_overlayer_lowered:
.L_overlay_start_2:
0x36: {  	(tag) =	ssettag $0x2  }
0x37: {  	s0 =	rddreg [dreg:$0x0];
	s2 =	stileid.u32  }
0x38: {  	s1 =	rddreg [dreg:$0x1];
	p0 =	sne.s32 s2, $0x0  }
0x39: {  	s3 =	rddreg [dreg:$0x2];
	[bflag:$0x3] =	sbarrier.arrive $0xFFFF;
	s2 =	simm.s32 @!p0 $0x1C02  }
0x3a: {  	[timem:s3], [sflag:s2] =	dma.local @!p0 [hbm:s0], s1  }
0x3b: {  	s0 =	simm.s32 @!p0 $0x2  }
0x3c: {  	_ =	swait.ge @!p0 [sflag:s0], s1  }
0x3d: {  	s1 =	ssub.s32 @!p0 $0x0, s1;
	[sflag:s0] =	ssyncset.done @!p0 $0x0  }
0x3e: {  	[sflag:s0] =	ssyncadd.s32 @!p0 s1  }
0x3f: {  	[bflag:$0x3] =	sbarrier.arrive $0xFFFF  }
0x40: {  	_ =	shalt  }

</sc_bundles>
